<compile_context>
chip_gen: v7x
topology: tpu7x:2x2x1
jax: 0.10.2.dev20260603
libtpu: 0.0.44.dev20260713+nightly
codegen_flags: <defaults>
</compile_context>

<pallas_src>
import functools

import jax
import jax.numpy as jnp
from jax import lax
from jax.experimental import pallas as pl
from jax.experimental.pallas import tpu as pltpu
from jax.experimental.pallas import tpu_sc as plsc

_X_MIN = -5.0
_X_MAX = 5.0
_NBINS = 256

_NC = 2
_NS = 16
_NW = _NC * _NS
_LANES = 16

_ROWS = 4096
_COLS = 8192
_ROWS_W = _ROWS // _NW
_BR = 8
_BC = 2048
_NCHUNKS = (_ROWS_W // _BR) * (_COLS // _BC)
_CPW = _COLS // _BC
_NBUF = 4
_UNROLL = 32


def _hist_body(x_hbm, part_hbm, xout_hbm,
               buf0, buf1, buf2, buf3, hist, lhist,
               si0, si1, si2, si3, so0, so1, so2, so3):
    cid = lax.axis_index("c")
    sid = lax.axis_index("s")
    wid = sid * _NC + cid
    row0 = wid * _ROWS_W

    bufs = (buf0, buf1, buf2, buf3)
    sins = (si0, si1, si2, si3)
    souts = (so0, so1, so2, so3)

    zeros16 = jnp.zeros((_LANES,), jnp.int32)

    def zero_seg(t, _):
        hist[pl.ds(t * _LANES, _LANES)] = zeros16
        return 0

    lax.fori_loop(0, _NS * _NBINS // _LANES, zero_seg, 0)

    lane_base = (lax.iota(jnp.int32, _LANES) * _NBINS).astype(jnp.float32)
    ones = jnp.ones((_LANES,), jnp.int32)
    scale = jnp.float32(_NBINS / (_X_MAX - _X_MIN))
    shiftv = lane_base + jnp.float32(-_X_MIN * _NBINS / (_X_MAX - _X_MIN))
    lov = lane_base
    hiv = lane_base + jnp.float32(_NBINS - 1)

    def blk_slice(ref, ci):
        rb = ci // _CPW
        cb = ci % _CPW
        return ref.at[pl.ds(row0 + rb * _BR, _BR), pl.ds(cb * _BC, _BC)]

    def copy_in(ci, s):
        return pltpu.make_async_copy(blk_slice(x_hbm, ci), bufs[s], sins[s])

    def copy_out(ci, s):
        return pltpu.make_async_copy(
            bufs[s], blk_slice(xout_hbm, ci), souts[s])

    def compute(bref):
        def row_body(r, _):
            def vec_body(j, _):
                b = j * (_LANES * _UNROLL)
                vs = [bref[r, pl.ds(b + u * _LANES, _LANES)]
                      for u in range(_UNROLL)]
                idxs = []
                for v in vs:
                    t = v * scale + shiftv
                    t = jnp.minimum(jnp.maximum(t, lov), hiv)
                    idxs.append(t.astype(jnp.int32))
                for ix in idxs:
                    plsc.addupdate_scatter(hist, [ix], ones)
                return 0

            lax.fori_loop(0, _BC // (_LANES * _UNROLL), vec_body, 0)
            return 0

        lax.fori_loop(0, _BR, row_body, 0)

    copy_in(0, 0).start()
    copy_in(1, 1).start()

    def quad_body(q, _):
        k0 = _NBUF * q
        for s in range(_NBUF):
            k = k0 + s
            t = (s + 2) % _NBUF
            copy_in(k, s).wait()

            @pl.when(k >= 2)
            def _():
                copy_out(k - 2, t).wait()

            @pl.when(k + 2 < _NCHUNKS)
            def _():
                copy_in(k + 2, t).start()

            compute(bufs[s])
            copy_out(k, s).start()
        return 0

    lax.fori_loop(0, _NCHUNKS // _NBUF, quad_body, 0)
    copy_out(_NCHUNKS - 2, (_NCHUNKS - 2) % _NBUF).wait()
    copy_out(_NCHUNKS - 1, (_NCHUNKS - 1) % _NBUF).wait()

    def red_seg(t, _):
        acc = hist[pl.ds(t * _LANES, _LANES)]
        for r in range(1, _NS):
            acc = acc + hist[pl.ds(r * _NBINS + t * _LANES, _LANES)]
        lhist[pl.ds(t * _LANES, _LANES)] = acc
        return 0

    lax.fori_loop(0, _NBINS // _LANES, red_seg, 0)
    pltpu.sync_copy(lhist, part_hbm.at[wid])


@functools.partial(jax.jit)
def _hist_and_copy(x):
    mesh = plsc.VectorSubcoreMesh(
        core_axis_name="c", subcore_axis_name="s",
        num_cores=_NC, num_subcores=_NS)
    partials, xout = pl.kernel(
        _hist_body,
        out_type=(
            jax.ShapeDtypeStruct((_NW, _NBINS), jnp.int32),
            jax.ShapeDtypeStruct((_ROWS, _COLS), jnp.float32),
        ),
        mesh=mesh,
        compiler_params=pltpu.CompilerParams(
            needs_layout_passes=False, use_tc_tiling_on_sc=True),
        scratch_types=[
            pltpu.VMEM((_BR, _BC), jnp.float32),
            pltpu.VMEM((_BR, _BC), jnp.float32),
            pltpu.VMEM((_BR, _BC), jnp.float32),
            pltpu.VMEM((_BR, _BC), jnp.float32),
            pltpu.VMEM((_NS * _NBINS,), jnp.int32),
            pltpu.VMEM((_NBINS,), jnp.int32),
            pltpu.SemaphoreType.DMA,
            pltpu.SemaphoreType.DMA,
            pltpu.SemaphoreType.DMA,
            pltpu.SemaphoreType.DMA,
            pltpu.SemaphoreType.DMA,
            pltpu.SemaphoreType.DMA,
            pltpu.SemaphoreType.DMA,
            pltpu.SemaphoreType.DMA,
        ],
    )(x)
    return jnp.sum(partials, axis=0), xout


def kernel(x):
    hist, xout = _hist_and_copy(x)
    return (xout, hist.astype(jnp.int64))

# --- scband reference (transcript-rebuilt; emitter-appended) ---
"""Pipeline reference for scband-histogram-layer-25563645346324 (READ-ONLY COPY).

The authoritative reference and input builder live on the scoring server;
editing this copy changes nothing except your own understanding.
"""

import jax, jax.numpy as jnp
import numpy as np

# Params set via setForwardParams in the original layer (not __init__ args)
X_MIN = -5.0
X_MAX = 5.0
X_N_BINS = 256


def _fixed_width_histogram(v, vmin, vmax, nbins):
    # Faithful to tf.histogram_fixed_width: values below vmin go to bin 0,
    # values >= vmax go to the last bin.
    v = v.reshape(-1)
    scaled = (v - vmin) / (vmax - vmin) * nbins
    idx = jnp.clip(jnp.floor(scaled).astype(jnp.int32), 0, nbins - 1)
    return jnp.bincount(idx, length=nbins).astype(jnp.int64)


def setup_inputs(seed: int = 0) -> dict:
    key = jax.random.key(seed)
    x = jax.random.normal(key, (4096, 8192), dtype=jnp.float32)
    return {"x": x}


def reference(x):
    # keep_axis_list=[] -> keept_shape=[], the per-row TensorArray loop followed by
    # reduce_sum over rows is mathematically a single histogram over all elements.
    x_histogram = _fixed_width_histogram(x, X_MIN, X_MAX, X_N_BINS)
    # output_layer=None is treated as identity; the custom_gradient wrapper is
    # identity in the forward pass. The histogram is the accumulated statistic
    # (state Variable in TF); we return it as an output for faithfulness.
    out = x
    return (out, x_histogram)

if __name__ == "__main__":
    import jax
    _d = setup_inputs()
    print(jax.jit(kernel)(*tuple(_d.values())))

</pallas_src>

<mosaic_0001>
#map = affine_map<(d0, d1) -> (0, 0)>
module attributes {stable_mosaic.version = 14 : i64} {
  func.func @_hist_body(%arg0: i32, %arg1: i32, %arg2: memref<4096x8192xf32, #tpu.memory_space<hbm>>, %arg3: memref<32x256xi32, #tpu.memory_space<hbm>>, %arg4: memref<4096x8192xf32, #tpu.memory_space<hbm>>, %arg5: memref<8x2048xf32, #tpu.memory_space<vmem>>, %arg6: memref<8x2048xf32, #tpu.memory_space<vmem>>, %arg7: memref<8x2048xf32, #tpu.memory_space<vmem>>, %arg8: memref<8x2048xf32, #tpu.memory_space<vmem>>, %arg9: memref<4096xi32, #tpu.memory_space<vmem>>, %arg10: memref<256xi32, #tpu.memory_space<vmem>>, %arg11: memref<!tpu.dma_semaphore, #tpu.memory_space<semaphore_mem>>, %arg12: memref<!tpu.dma_semaphore, #tpu.memory_space<semaphore_mem>>, %arg13: memref<!tpu.dma_semaphore, #tpu.memory_space<semaphore_mem>>, %arg14: memref<!tpu.dma_semaphore, #tpu.memory_space<semaphore_mem>>, %arg15: memref<!tpu.dma_semaphore, #tpu.memory_space<semaphore_mem>>, %arg16: memref<!tpu.dma_semaphore, #tpu.memory_space<semaphore_mem>>, %arg17: memref<!tpu.dma_semaphore, #tpu.memory_space<semaphore_mem>>, %arg18: memref<!tpu.dma_semaphore, #tpu.memory_space<semaphore_mem>>) attributes {dimension_semantics = [#tpu.dimension_semantics<core_parallel>, #tpu.dimension_semantics<subcore_parallel>], iteration_bounds = array<i64: 2, 16>, scalar_prefetch = 0 : i64, scratch_operands = 14 : i64, tpu.core_type = #tpu.core_type<sc_vector_subcore>, window_params = [{transform_indices = #map}, {transform_indices = #map}, {transform_indices = #map}]} {
    %mul3A = arith.constant 2 : i32
    %mul3A_0 = arith.muli %arg1, %mul3A : i32
    %add3A = arith.addi %mul3A_0, %arg0 : i32
    %mul3A_1 = arith.constant 128 : i32
    %mul3A_2 = arith.muli %add3A, %mul3A_1 : i32
    %broadcast_in_dim3A = arith.constant 0 : i32
    %broadcast_in_dim3A_3 = vector.broadcast %broadcast_in_dim3A : i32 to vector<16xi32>
    %scan3A = arith.constant 0 : i32
    %scan3A_4 = arith.constant 0 : i32
    %scan3A_5 = arith.constant 256 : i32
    %scan3A_6 = arith.addi %scan3A_4, %scan3A_5 : i32
    %scan3A_7 = arith.constant 1 : i32
    %scan3A_8 = scf.for %scan3A_58 = %scan3A_4 to %scan3A_6 step %scan3A_7 iter_args(%scan3A_59 = %scan3A) -> (i32)  : i32 {
      %mul3A_60 = arith.constant 16 : i32
      %mul3A_61 = arith.muli %scan3A_58, %mul3A_60 : i32
      %swap3A = arith.index_cast %mul3A_61 : i32 to index
      %swap3A_62 = tpu.vector_load %arg9[%swap3A] {strides = array<i32>} : memref<4096xi32, #tpu.memory_space<vmem>>, vector<16xi32>,
      tpu.vector_store %arg9[%swap3A], %broadcast_in_dim3A_3 {strides = array<i32>} : memref<4096xi32, #tpu.memory_space<vmem>>, vector<16xi32>,
      %scan3A_63 = arith.constant 0 : i32
      scf.yield %scan3A_63 : i32
    }
    %scan3A_9 = arith.constant 256 : i32
    %iota3A = tpu.iota {dimensions = array<i32: 0>} : vector<16xi32>
    %mul3A_10 = arith.constant 256 : i32
    %mul3A_11 = vector.broadcast %mul3A_10 : i32 to vector<16xi32>
    %mul3A_12 = arith.muli %iota3A, %mul3A_11 : vector<16xi32>
    %convert_element_type3A = arith.sitofp %mul3A_12 : vector<16xi32> to vector<16xf32>
    %broadcast_in_dim3A_13 = arith.constant 1 : i32
    %broadcast_in_dim3A_14 = vector.broadcast %broadcast_in_dim3A_13 : i32 to vector<16xi32>
    %add3A_15 = arith.constant 1.280000e+02 : f32
    %add3A_16 = vector.broadcast %add3A_15 : f32 to vector<16xf32>
    %add3A_17 = arith.addf %convert_element_type3A, %add3A_16 : vector<16xf32>
    %add3A_18 = arith.constant 2.550000e+02 : f32
    %add3A_19 = vector.broadcast %add3A_18 : f32 to vector<16xf32>
    %add3A_20 = arith.addf %convert_element_type3A, %add3A_19 : vector<16xf32>
    %add3A_21 = arith.constant 0 : i32
    %add3A_22 = arith.addi %mul3A_2, %add3A_21 : i32
    %dma_start3A = arith.constant 0 : i32
    %dma_start3A_23 = tpu.memref_slice %arg2[%add3A_22, %dma_start3A] : memref<4096x8192xf32, #tpu.memory_space<hbm>> -> memref<8x2048xf32, #tpu.memory_space<hbm>>
    %dma_start3A_24 = arith.constant 0 : i32
    %dma_start3A_25 = tpu.memref_slice %arg2[%add3A_22, %dma_start3A_24] : memref<4096x8192xf32, #tpu.memory_space<hbm>> -> memref<8x2048xf32, #tpu.memory_space<hbm>>
    tpu.enqueue_dma source(%dma_start3A_25 : memref<8x2048xf32, #tpu.memory_space<hbm>>) target(%arg5 : memref<8x2048xf32, #tpu.memory_space<vmem>>) target_semaphore(%arg11 : memref<!tpu.dma_semaphore, #tpu.memory_space<semaphore_mem>>)
    %add3A_26 = arith.constant 0 : i32
    %add3A_27 = arith.addi %mul3A_2, %add3A_26 : i32
    %dma_start3A_28 = arith.constant 2048 : i32
    %dma_start3A_29 = tpu.memref_slice %arg2[%add3A_27, %dma_start3A_28] : memref<4096x8192xf32, #tpu.memory_space<hbm>> -> memref<8x2048xf32, #tpu.memory_space<hbm>>
    %dma_start3A_30 = arith.constant 2048 : i32
    %dma_start3A_31 = tpu.memref_slice %arg2[%add3A_27, %dma_start3A_30] : memref<4096x8192xf32, #tpu.memory_space<hbm>> -> memref<8x2048xf32, #tpu.memory_space<hbm>>
    tpu.enqueue_dma source(%dma_start3A_31 : memref<8x2048xf32, #tpu.memory_space<hbm>>) target(%arg6 : memref<8x2048xf32, #tpu.memory_space<vmem>>) target_semaphore(%arg12 : memref<!tpu.dma_semaphore, #tpu.memory_space<semaphore_mem>>)
    %scan3A_32 = arith.constant 2.560000e+01 : f32
    %scan3A_33 = arith.constant 0 : i32
    %scan3A_34 = arith.constant 0 : i32
    %scan3A_35 = arith.constant 16 : i32
    %scan3A_36 = arith.addi %scan3A_34, %scan3A_35 : i32
    %scan3A_37 = arith.constant 1 : i32
    %scan3A_38 = scf.for %scan3A_58 = %scan3A_34 to %scan3A_36 step %scan3A_37 iter_args(%scan3A_59 = %scan3A_33) -> (i32)  : i32 {
      %mul3A_60 = arith.constant 4 : i32
      %mul3A_61 = arith.muli %mul3A_60, %scan3A_58 : i32
      %add3A_62 = arith.constant 0 : i32
      %add3A_63 = arith.addi %mul3A_61, %add3A_62 : i32
      %jit3A = arith.constant 4 : i32
      %div3A = arith.divsi %add3A_63, %jit3A : i32
      %sign3A = arith.constant 0 : i32
      %sign3A_64 = arith.cmpi sgt, %add3A_63, %sign3A : i32
      %sign3A_65 = arith.extui %sign3A_64 : i1 to i32
      %sign3A_66 = arith.constant 0 : i32
      %sign3A_67 = arith.cmpi slt, %add3A_63, %sign3A_66 : i32
      %sign3A_68 = arith.extui %sign3A_67 : i1 to i32
      %sign3A_69 = arith.subi %sign3A_65, %sign3A_68 : i32
      %sign3A_70 = arith.constant 0 : i32
      %sign3A_71 = arith.cmpi sgt, %jit3A, %sign3A_70 : i32
      %sign3A_72 = arith.extui %sign3A_71 : i1 to i32
      %sign3A_73 = arith.constant 0 : i32
      %sign3A_74 = arith.cmpi slt, %jit3A, %sign3A_73 : i32
      %sign3A_75 = arith.extui %sign3A_74 : i1 to i32
      %sign3A_76 = arith.subi %sign3A_72, %sign3A_75 : i32
      %ne3A = arith.cmpi ne, %sign3A_69, %sign3A_76 : i32
      %rem3A = arith.remsi %add3A_63, %jit3A : i32
      %ne3A_77 = arith.constant 0 : i32
      %ne3A_78 = arith.cmpi ne, %rem3A, %ne3A_77 : i32
      %and3A = arith.andi %ne3A, %ne3A_78 : i1
      %sub3A = arith.constant 1 : i32
      %sub3A_79 = arith.subi %div3A, %sub3A : i32
      %select_n3A = arith.select %and3A, %sub3A_79, %div3A : i32
      %jit3A_80 = arith.constant 4 : i32
      %eq3A = arith.constant 0 : i32
      %eq3A_81 = arith.cmpi eq, %jit3A_80, %eq3A : i32
      %jit3A_82 = arith.constant 1 : i32
      %select_n3A_83 = arith.select %eq3A_81, %jit3A_82, %jit3A_80 : i32
      %rem3A_84 = arith.remsi %add3A_63, %select_n3A_83 : i32
      %ne3A_85 = arith.constant 0 : i32
      %ne3A_86 = arith.cmpi ne, %rem3A_84, %ne3A_85 : i32
      %lt3A = arith.constant 0 : i32
      %lt3A_87 = arith.cmpi slt, %rem3A_84, %lt3A : i32
      %lt3A_88 = arith.constant 0 : i32
      %lt3A_89 = arith.cmpi slt, %select_n3A_83, %lt3A_88 : i32
      %ne3A_90 = arith.xori %lt3A_87, %lt3A_89 : i1
      %and3A_91 = arith.andi %ne3A_90, %ne3A_86 : i1
      %add3A_92 = arith.addi %rem3A_84, %select_n3A_83 : i32
      %select_n3A_93 = arith.select %and3A_91, %add3A_92, %rem3A_84 : i32
      %mul3A_94 = arith.constant 8 : i32
      %mul3A_95 = arith.muli %select_n3A, %mul3A_94 : i32
      %add3A_96 = arith.addi %mul3A_2, %mul3A_95 : i32
      %mul3A_97 = arith.constant 2048 : i32
      %mul3A_98 = arith.muli %select_n3A_93, %mul3A_97 : i32
      %dma_wait3A_99 = tpu.memref_slice %arg2[%add3A_96, %mul3A_98] : memref<4096x8192xf32, #tpu.memory_space<hbm>> -> memref<8x2048xf32, #tpu.memory_space<hbm>>
      %dma_wait3A_100 = tpu.memref_slice %arg2[%add3A_96, %mul3A_98] : memref<4096x8192xf32, #tpu.memory_space<hbm>> -> memref<8x2048xf32, #tpu.memory_space<hbm>>
      tpu.wait_dma2 semaphore(%arg11 : memref<!tpu.dma_semaphore, #tpu.memory_space<semaphore_mem>>) src(%dma_wait3A_100 : memref<8x2048xf32, #tpu.memory_space<hbm>>) dst(%arg5 : memref<8x2048xf32, #tpu.memory_space<vmem>>)
      %ge3A = arith.constant 2 : i32
      %ge3A_101 = arith.cmpi sge, %add3A_63, %ge3A : i32
      %convert_element_type3A_102 = arith.extui %ge3A_101 : i1 to i32
      %cond3A = arith.constant 0 : i32
      %cond3A_103 = arith.cmpi ne, %convert_element_type3A_102, %cond3A : i32
      scf.if %cond3A_103 {
        %sub3A_511 = arith.constant 2 : i32
        %sub3A_512 = arith.subi %add3A_63, %sub3A_511 : i32
        %jit3A_513 = arith.constant 4 : i32
        %div3A_514 = arith.divsi %sub3A_512, %jit3A_513 : i32
        %sign3A_515 = arith.constant 0 : i32
        %sign3A_516 = arith.cmpi sgt, %sub3A_512, %sign3A_515 : i32
        %sign3A_517 = arith.extui %sign3A_516 : i1 to i32
        %sign3A_518 = arith.constant 0 : i32
        %sign3A_519 = arith.cmpi slt, %sub3A_512, %sign3A_518 : i32
        %sign3A_520 = arith.extui %sign3A_519 : i1 to i32
        %sign3A_521 = arith.subi %sign3A_517, %sign3A_520 : i32
        %sign3A_522 = arith.constant 0 : i32
        %sign3A_523 = arith.cmpi sgt, %jit3A_513, %sign3A_522 : i32
        %sign3A_524 = arith.extui %sign3A_523 : i1 to i32
        %sign3A_525 = arith.constant 0 : i32
        %sign3A_526 = arith.cmpi slt, %jit3A_513, %sign3A_525 : i32
        %sign3A_527 = arith.extui %sign3A_526 : i1 to i32
        %sign3A_528 = arith.subi %sign3A_524, %sign3A_527 : i32
        %ne3A_529 = arith.cmpi ne, %sign3A_521, %sign3A_528 : i32
        %rem3A_530 = arith.remsi %sub3A_512, %jit3A_513 : i32
        %ne3A_531 = arith.constant 0 : i32
        %ne3A_532 = arith.cmpi ne, %rem3A_530, %ne3A_531 : i32
        %and3A_533 = arith.andi %ne3A_529, %ne3A_532 : i1
        %sub3A_534 = arith.constant 1 : i32
        %sub3A_535 = arith.subi %div3A_514, %sub3A_534 : i32
        %select_n3A_536 = arith.select %and3A_533, %sub3A_535, %div3A_514 : i32
        %jit3A_537 = arith.constant 4 : i32
        %eq3A_538 = arith.constant 0 : i32
        %eq3A_539 = arith.cmpi eq, %jit3A_537, %eq3A_538 : i32
        %jit3A_540 = arith.constant 1 : i32
        %select_n3A_541 = arith.select %eq3A_539, %jit3A_540, %jit3A_537 : i32
        %rem3A_542 = arith.remsi %sub3A_512, %select_n3A_541 : i32
        %ne3A_543 = arith.constant 0 : i32
        %ne3A_544 = arith.cmpi ne, %rem3A_542, %ne3A_543 : i32
        %lt3A_545 = arith.constant 0 : i32
        %lt3A_546 = arith.cmpi slt, %rem3A_542, %lt3A_545 : i32
        %lt3A_547 = arith.constant 0 : i32
        %lt3A_548 = arith.cmpi slt, %select_n3A_541, %lt3A_547 : i32
        %ne3A_549 = arith.xori %lt3A_546, %lt3A_548 : i1
        %and3A_550 = arith.andi %ne3A_549, %ne3A_544 : i1
        %add3A_551 = arith.addi %rem3A_542, %select_n3A_541 : i32
        %select_n3A_552 = arith.select %and3A_550, %add3A_551, %rem3A_542 : i32
        %mul3A_553 = arith.constant 8 : i32
        %mul3A_554 = arith.muli %select_n3A_536, %mul3A_553 : i32
        %add3A_555 = arith.addi %mul3A_2, %mul3A_554 : i32
        %mul3A_556 = arith.constant 2048 : i32
        %mul3A_557 = arith.muli %select_n3A_552, %mul3A_556 : i32
        %dma_wait3A_558 = tpu.memref_slice %arg4[%add3A_555, %mul3A_557] : memref<4096x8192xf32, #tpu.memory_space<hbm>> -> memref<8x2048xf32, #tpu.memory_space<hbm>>
        %dma_wait3A_559 = tpu.memref_slice %arg4[%add3A_555, %mul3A_557] : memref<4096x8192xf32, #tpu.memory_space<hbm>> -> memref<8x2048xf32, #tpu.memory_space<hbm>>
        tpu.wait_dma2 semaphore(%arg17 : memref<!tpu.dma_semaphore, #tpu.memory_space<semaphore_mem>>) src(%arg7 : memref<8x2048xf32, #tpu.memory_space<vmem>>) dst(%dma_wait3A_559 : memref<8x2048xf32, #tpu.memory_space<hbm>>)
      } else {
      }
      %add3A_104 = arith.constant 2 : i32
      %add3A_105 = arith.addi %add3A_63, %add3A_104 : i32
      %lt3A_106 = arith.constant 64 : i32
      %lt3A_107 = arith.cmpi slt, %add3A_105, %lt3A_106 : i32
      %convert_element_type3A_108 = arith.extui %lt3A_107 : i1 to i32
      %cond3A_109 = arith.constant 0 : i32
      %cond3A_110 = arith.cmpi ne, %convert_element_type3A_108, %cond3A_109 : i32
      scf.if %cond3A_110 {
        %add3A_511 = arith.constant 2 : i32
        %add3A_512 = arith.addi %add3A_63, %add3A_511 : i32
        %jit3A_513 = arith.constant 4 : i32
        %div3A_514 = arith.divsi %add3A_512, %jit3A_513 : i32
        %sign3A_515 = arith.constant 0 : i32
        %sign3A_516 = arith.cmpi sgt, %add3A_512, %sign3A_515 : i32
        %sign3A_517 = arith.extui %sign3A_516 : i1 to i32
        %sign3A_518 = arith.constant 0 : i32
        %sign3A_519 = arith.cmpi slt, %add3A_512, %sign3A_518 : i32
        %sign3A_520 = arith.extui %sign3A_519 : i1 to i32
        %sign3A_521 = arith.subi %sign3A_517, %sign3A_520 : i32
        %sign3A_522 = arith.constant 0 : i32
        %sign3A_523 = arith.cmpi sgt, %jit3A_513, %sign3A_522 : i32
        %sign3A_524 = arith.extui %sign3A_523 : i1 to i32
        %sign3A_525 = arith.constant 0 : i32
        %sign3A_526 = arith.cmpi slt, %jit3A_513, %sign3A_525 : i32
        %sign3A_527 = arith.extui %sign3A_526 : i1 to i32
        %sign3A_528 = arith.subi %sign3A_524, %sign3A_527 : i32
        %ne3A_529 = arith.cmpi ne, %sign3A_521, %sign3A_528 : i32
        %rem3A_530 = arith.remsi %add3A_512, %jit3A_513 : i32
        %ne3A_531 = arith.constant 0 : i32
        %ne3A_532 = arith.cmpi ne, %rem3A_530, %ne3A_531 : i32
        %and3A_533 = arith.andi %ne3A_529, %ne3A_532 : i1
        %sub3A_534 = arith.constant 1 : i32
        %sub3A_535 = arith.subi %div3A_514, %sub3A_534 : i32
        %select_n3A_536 = arith.select %and3A_533, %sub3A_535, %div3A_514 : i32
        %jit3A_537 = arith.constant 4 : i32
        %eq3A_538 = arith.constant 0 : i32
        %eq3A_539 = arith.cmpi eq, %jit3A_537, %eq3A_538 : i32
        %jit3A_540 = arith.constant 1 : i32
        %select_n3A_541 = arith.select %eq3A_539, %jit3A_540, %jit3A_537 : i32
        %rem3A_542 = arith.remsi %add3A_512, %select_n3A_541 : i32
        %ne3A_543 = arith.constant 0 : i32
        %ne3A_544 = arith.cmpi ne, %rem3A_542, %ne3A_543 : i32
        %lt3A_545 = arith.constant 0 : i32
        %lt3A_546 = arith.cmpi slt, %rem3A_542, %lt3A_545 : i32
        %lt3A_547 = arith.constant 0 : i32
        %lt3A_548 = arith.cmpi slt, %select_n3A_541, %lt3A_547 : i32
        %ne3A_549 = arith.xori %lt3A_546, %lt3A_548 : i1
        %and3A_550 = arith.andi %ne3A_549, %ne3A_544 : i1
        %add3A_551 = arith.addi %rem3A_542, %select_n3A_541 : i32
        %select_n3A_552 = arith.select %and3A_550, %add3A_551, %rem3A_542 : i32
        %mul3A_553 = arith.constant 8 : i32
        %mul3A_554 = arith.muli %select_n3A_536, %mul3A_553 : i32
        %add3A_555 = arith.addi %mul3A_2, %mul3A_554 : i32
        %mul3A_556 = arith.constant 2048 : i32
        %mul3A_557 = arith.muli %select_n3A_552, %mul3A_556 : i32
        %dma_start3A_558 = tpu.memref_slice %arg2[%add3A_555, %mul3A_557] : memref<4096x8192xf32, #tpu.memory_space<hbm>> -> memref<8x2048xf32, #tpu.memory_space<hbm>>
        %dma_start3A_559 = tpu.memref_slice %arg2[%add3A_555, %mul3A_557] : memref<4096x8192xf32, #tpu.memory_space<hbm>> -> memref<8x2048xf32, #tpu.memory_space<hbm>>
        tpu.enqueue_dma source(%dma_start3A_559 : memref<8x2048xf32, #tpu.memory_space<hbm>>) target(%arg7 : memref<8x2048xf32, #tpu.memory_space<vmem>>) target_semaphore(%arg13 : memref<!tpu.dma_semaphore, #tpu.memory_space<semaphore_mem>>)
      } else {
      }
      %scan3A_111 = arith.constant 0 : i32
      %scan3A_112 = arith.constant 0 : i32
      %scan3A_113 = arith.constant 8 : i32
      %scan3A_114 = arith.addi %scan3A_112, %scan3A_113 : i32
      %scan3A_115 = arith.constant 1 : i32
      %scan3A_116 = scf.for %scan3A_511 = %scan3A_112 to %scan3A_114 step %scan3A_115 iter_args(%scan3A_512 = %scan3A_111) -> (i32)  : i32 {
        %scan3A_513 = arith.constant 0 : i32
        %scan3A_514 = arith.constant 0 : i32
        %scan3A_515 = arith.constant 4 : i32
        %scan3A_516 = arith.addi %scan3A_514, %scan3A_515 : i32
        %scan3A_517 = arith.constant 1 : i32
        %scan3A_518 = scf.for %scan3A_521 = %scan3A_514 to %scan3A_516 step %scan3A_517 iter_args(%scan3A_522 = %scan3A_513) -> (i32)  : i32 {
          %mul3A_523 = arith.constant 512 : i32
          %mul3A_524 = arith.muli %scan3A_521, %mul3A_523 : i32
          %add3A_525 = arith.constant 0 : i32
          %add3A_526 = arith.addi %mul3A_524, %add3A_525 : i32
          %get3A = arith.index_cast %scan3A_511 : i32 to index
          %get3A_527 = arith.index_cast %add3A_526 : i32 to index
          %get3A_528 = tpu.vector_load %arg5[%get3A, %get3A_527] {strides = array<i32>} : memref<8x2048xf32, #tpu.memory_space<vmem>>, vector<16xf32>,
          %add3A_529 = arith.constant 16 : i32
          %add3A_530 = arith.addi %mul3A_524, %add3A_529 : i32
          %get3A_531 = arith.index_cast %scan3A_511 : i32 to index
          %get3A_532 = arith.index_cast %add3A_530 : i32 to index
          %get3A_533 = tpu.vector_load %arg5[%get3A_531, %get3A_532] {strides = array<i32>} : memref<8x2048xf32, #tpu.memory_space<vmem>>, vector<16xf32>,
          %add3A_534 = arith.constant 32 : i32
          %add3A_535 = arith.addi %mul3A_524, %add3A_534 : i32
          %get3A_536 = arith.index_cast %scan3A_511 : i32 to index
          %get3A_537 = arith.index_cast %add3A_535 : i32 to index
          %get3A_538 = tpu.vector_load %arg5[%get3A_536, %get3A_537] {strides = array<i32>} : memref<8x2048xf32, #tpu.memory_space<vmem>>, vector<16xf32>,
          %add3A_539 = arith.constant 48 : i32
          %add3A_540 = arith.addi %mul3A_524, %add3A_539 : i32
          %get3A_541 = arith.index_cast %scan3A_511 : i32 to index
          %get3A_542 = arith.index_cast %add3A_540 : i32 to index
          %get3A_543 = tpu.vector_load %arg5[%get3A_541, %get3A_542] {strides = array<i32>} : memref<8x2048xf32, #tpu.memory_space<vmem>>, vector<16xf32>,
          %add3A_544 = arith.constant 64 : i32
          %add3A_545 = arith.addi %mul3A_524, %add3A_544 : i32
          %get3A_546 = arith.index_cast %scan3A_511 : i32 to index
          %get3A_547 = arith.index_cast %add3A_545 : i32 to index
          %get3A_548 = tpu.vector_load %arg5[%get3A_546, %get3A_547] {strides = array<i32>} : memref<8x2048xf32, #tpu.memory_space<vmem>>, vector<16xf32>,
          %add3A_549 = arith.constant 80 : i32
          %add3A_550 = arith.addi %mul3A_524, %add3A_549 : i32
          %get3A_551 = arith.index_cast %scan3A_511 : i32 to index
          %get3A_552 = arith.index_cast %add3A_550 : i32 to index
          %get3A_553 = tpu.vector_load %arg5[%get3A_551, %get3A_552] {strides = array<i32>} : memref<8x2048xf32, #tpu.memory_space<vmem>>, vector<16xf32>,
          %add3A_554 = arith.constant 96 : i32
          %add3A_555 = arith.addi %mul3A_524, %add3A_554 : i32
          %get3A_556 = arith.index_cast %scan3A_511 : i32 to index
          %get3A_557 = arith.index_cast %add3A_555 : i32 to index
          %get3A_558 = tpu.vector_load %arg5[%get3A_556, %get3A_557] {strides = array<i32>} : memref<8x2048xf32, #tpu.memory_space<vmem>>, vector<16xf32>,
          %add3A_559 = arith.constant 112 : i32
          %add3A_560 = arith.addi %mul3A_524, %add3A_559 : i32
          %get3A_561 = arith.index_cast %scan3A_511 : i32 to index
          %get3A_562 = arith.index_cast %add3A_560 : i32 to index
          %get3A_563 = tpu.vector_load %arg5[%get3A_561, %get3A_562] {strides = array<i32>} : memref<8x2048xf32, #tpu.memory_space<vmem>>, vector<16xf32>,
          %add3A_564 = arith.constant 128 : i32
          %add3A_565 = arith.addi %mul3A_524, %add3A_564 : i32
          %get3A_566 = arith.index_cast %scan3A_511 : i32 to index
          %get3A_567 = arith.index_cast %add3A_565 : i32 to index
          %get3A_568 = tpu.vector_load %arg5[%get3A_566, %get3A_567] {strides = array<i32>} : memref<8x2048xf32, #tpu.memory_space<vmem>>, vector<16xf32>,
          %add3A_569 = arith.constant 144 : i32
          %add3A_570 = arith.addi %mul3A_524, %add3A_569 : i32
          %get3A_571 = arith.index_cast %scan3A_511 : i32 to index
          %get3A_572 = arith.index_cast %add3A_570 : i32 to index
          %get3A_573 = tpu.vector_load %arg5[%get3A_571, %get3A_572] {strides = array<i32>} : memref<8x2048xf32, #tpu.memory_space<vmem>>, vector<16xf32>,
          %add3A_574 = arith.constant 160 : i32
          %add3A_575 = arith.addi %mul3A_524, %add3A_574 : i32
          %get3A_576 = arith.index_cast %scan3A_511 : i32 to index
          %get3A_577 = arith.index_cast %add3A_575 : i32 to index
          %get3A_578 = tpu.vector_load %arg5[%get3A_576, %get3A_577] {strides = array<i32>} : memref<8x2048xf32, #tpu.memory_space<vmem>>, vector<16xf32>,
          %add3A_579 = arith.constant 176 : i32
          %add3A_580 = arith.addi %mul3A_524, %add3A_579 : i32
          %get3A_581 = arith.index_cast %scan3A_511 : i32 to index
          %get3A_582 = arith.index_cast %add3A_580 : i32 to index
          %get3A_583 = tpu.vector_load %arg5[%get3A_581, %get3A_582] {strides = array<i32>} : memref<8x2048xf32, #tpu.memory_space<vmem>>, vector<16xf32>,
          %add3A_584 = arith.constant 192 : i32
          %add3A_585 = arith.addi %mul3A_524, %add3A_584 : i32
          %get3A_586 = arith.index_cast %scan3A_511 : i32 to index
          %get3A_587 = arith.index_cast %add3A_585 : i32 to index
          %get3A_588 = tpu.vector_load %arg5[%get3A_586, %get3A_587] {strides = array<i32>} : memref<8x2048xf32, #tpu.memory_space<vmem>>, vector<16xf32>,
          %add3A_589 = arith.constant 208 : i32
          %add3A_590 = arith.addi %mul3A_524, %add3A_589 : i32
          %get3A_591 = arith.index_cast %scan3A_511 : i32 to index
          %get3A_592 = arith.index_cast %add3A_590 : i32 to index
          %get3A_593 = tpu.vector_load %arg5[%get3A_591, %get3A_592] {strides = array<i32>} : memref<8x2048xf32, #tpu.memory_space<vmem>>, vector<16xf32>,
          %add3A_594 = arith.constant 224 : i32
          %add3A_595 = arith.addi %mul3A_524, %add3A_594 : i32
          %get3A_596 = arith.index_cast %scan3A_511 : i32 to index
          %get3A_597 = arith.index_cast %add3A_595 : i32 to index
          %get3A_598 = tpu.vector_load %arg5[%get3A_596, %get3A_597] {strides = array<i32>} : memref<8x2048xf32, #tpu.memory_space<vmem>>, vector<16xf32>,
          %add3A_599 = arith.constant 240 : i32
          %add3A_600 = arith.addi %mul3A_524, %add3A_599 : i32
          %get3A_601 = arith.index_cast %scan3A_511 : i32 to index
          %get3A_602 = arith.index_cast %add3A_600 : i32 to index
          %get3A_603 = tpu.vector_load %arg5[%get3A_601, %get3A_602] {strides = array<i32>} : memref<8x2048xf32, #tpu.memory_space<vmem>>, vector<16xf32>,
          %add3A_604 = arith.constant 256 : i32
          %add3A_605 = arith.addi %mul3A_524, %add3A_604 : i32
          %get3A_606 = arith.index_cast %scan3A_511 : i32 to index
          %get3A_607 = arith.index_cast %add3A_605 : i32 to index
          %get3A_608 = tpu.vector_load %arg5[%get3A_606, %get3A_607] {strides = array<i32>} : memref<8x2048xf32, #tpu.memory_space<vmem>>, vector<16xf32>,
          %add3A_609 = arith.constant 272 : i32
          %add3A_610 = arith.addi %mul3A_524, %add3A_609 : i32
          %get3A_611 = arith.index_cast %scan3A_511 : i32 to index
          %get3A_612 = arith.index_cast %add3A_610 : i32 to index
          %get3A_613 = tpu.vector_load %arg5[%get3A_611, %get3A_612] {strides = array<i32>} : memref<8x2048xf32, #tpu.memory_space<vmem>>, vector<16xf32>,
          %add3A_614 = arith.constant 288 : i32
          %add3A_615 = arith.addi %mul3A_524, %add3A_614 : i32
          %get3A_616 = arith.index_cast %scan3A_511 : i32 to index
          %get3A_617 = arith.index_cast %add3A_615 : i32 to index
          %get3A_618 = tpu.vector_load %arg5[%get3A_616, %get3A_617] {strides = array<i32>} : memref<8x2048xf32, #tpu.memory_space<vmem>>, vector<16xf32>,
          %add3A_619 = arith.constant 304 : i32
          %add3A_620 = arith.addi %mul3A_524, %add3A_619 : i32
          %get3A_621 = arith.index_cast %scan3A_511 : i32 to index
          %get3A_622 = arith.index_cast %add3A_620 : i32 to index
          %get3A_623 = tpu.vector_load %arg5[%get3A_621, %get3A_622] {strides = array<i32>} : memref<8x2048xf32, #tpu.memory_space<vmem>>, vector<16xf32>,
          %add3A_624 = arith.constant 320 : i32
          %add3A_625 = arith.addi %mul3A_524, %add3A_624 : i32
          %get3A_626 = arith.index_cast %scan3A_511 : i32 to index
          %get3A_627 = arith.index_cast %add3A_625 : i32 to index
          %get3A_628 = tpu.vector_load %arg5[%get3A_626, %get3A_627] {strides = array<i32>} : memref<8x2048xf32, #tpu.memory_space<vmem>>, vector<16xf32>,
          %add3A_629 = arith.constant 336 : i32
          %add3A_630 = arith.addi %mul3A_524, %add3A_629 : i32
          %get3A_631 = arith.index_cast %scan3A_511 : i32 to index
          %get3A_632 = arith.index_cast %add3A_630 : i32 to index
          %get3A_633 = tpu.vector_load %arg5[%get3A_631, %get3A_632] {strides = array<i32>} : memref<8x2048xf32, #tpu.memory_space<vmem>>, vector<16xf32>,
          %add3A_634 = arith.constant 352 : i32
          %add3A_635 = arith.addi %mul3A_524, %add3A_634 : i32
          %get3A_636 = arith.index_cast %scan3A_511 : i32 to index
          %get3A_637 = arith.index_cast %add3A_635 : i32 to index
          %get3A_638 = tpu.vector_load %arg5[%get3A_636, %get3A_637] {strides = array<i32>} : memref<8x2048xf32, #tpu.memory_space<vmem>>, vector<16xf32>,
          %add3A_639 = arith.constant 368 : i32
          %add3A_640 = arith.addi %mul3A_524, %add3A_639 : i32
          %get3A_641 = arith.index_cast %scan3A_511 : i32 to index
          %get3A_642 = arith.index_cast %add3A_640 : i32 to index
          %get3A_643 = tpu.vector_load %arg5[%get3A_641, %get3A_642] {strides = array<i32>} : memref<8x2048xf32, #tpu.memory_space<vmem>>, vector<16xf32>,
          %add3A_644 = arith.constant 384 : i32
          %add3A_645 = arith.addi %mul3A_524, %add3A_644 : i32
          %get3A_646 = arith.index_cast %scan3A_511 : i32 to index
          %get3A_647 = arith.index_cast %add3A_645 : i32 to index
          %get3A_648 = tpu.vector_load %arg5[%get3A_646, %get3A_647] {strides = array<i32>} : memref<8x2048xf32, #tpu.memory_space<vmem>>, vector<16xf32>,
          %add3A_649 = arith.constant 400 : i32
          %add3A_650 = arith.addi %mul3A_524, %add3A_649 : i32
          %get3A_651 = arith.index_cast %scan3A_511 : i32 to index
          %get3A_652 = arith.index_cast %add3A_650 : i32 to index
          %get3A_653 = tpu.vector_load %arg5[%get3A_651, %get3A_652] {strides = array<i32>} : memref<8x2048xf32, #tpu.memory_space<vmem>>, vector<16xf32>,
          %add3A_654 = arith.constant 416 : i32
          %add3A_655 = arith.addi %mul3A_524, %add3A_654 : i32
          %get3A_656 = arith.index_cast %scan3A_511 : i32 to index
          %get3A_657 = arith.index_cast %add3A_655 : i32 to index
          %get3A_658 = tpu.vector_load %arg5[%get3A_656, %get3A_657] {strides = array<i32>} : memref<8x2048xf32, #tpu.memory_space<vmem>>, vector<16xf32>,
          %add3A_659 = arith.constant 432 : i32
          %add3A_660 = arith.addi %mul3A_524, %add3A_659 : i32
          %get3A_661 = arith.index_cast %scan3A_511 : i32 to index
          %get3A_662 = arith.index_cast %add3A_660 : i32 to index
          %get3A_663 = tpu.vector_load %arg5[%get3A_661, %get3A_662] {strides = array<i32>} : memref<8x2048xf32, #tpu.memory_space<vmem>>, vector<16xf32>,
          %add3A_664 = arith.constant 448 : i32
          %add3A_665 = arith.addi %mul3A_524, %add3A_664 : i32
          %get3A_666 = arith.index_cast %scan3A_511 : i32 to index
          %get3A_667 = arith.index_cast %add3A_665 : i32 to index
          %get3A_668 = tpu.vector_load %arg5[%get3A_666, %get3A_667] {strides = array<i32>} : memref<8x2048xf32, #tpu.memory_space<vmem>>, vector<16xf32>,
          %add3A_669 = arith.constant 464 : i32
          %add3A_670 = arith.addi %mul3A_524, %add3A_669 : i32
          %get3A_671 = arith.index_cast %scan3A_511 : i32 to index
          %get3A_672 = arith.index_cast %add3A_670 : i32 to index
          %get3A_673 = tpu.vector_load %arg5[%get3A_671, %get3A_672] {strides = array<i32>} : memref<8x2048xf32, #tpu.memory_space<vmem>>, vector<16xf32>,
          %add3A_674 = arith.constant 480 : i32
          %add3A_675 = arith.addi %mul3A_524, %add3A_674 : i32
          %get3A_676 = arith.index_cast %scan3A_511 : i32 to index
          %get3A_677 = arith.index_cast %add3A_675 : i32 to index
          %get3A_678 = tpu.vector_load %arg5[%get3A_676, %get3A_677] {strides = array<i32>} : memref<8x2048xf32, #tpu.memory_space<vmem>>, vector<16xf32>,
          %add3A_679 = arith.constant 496 : i32
          %add3A_680 = arith.addi %mul3A_524, %add3A_679 : i32
          %get3A_681 = arith.index_cast %scan3A_511 : i32 to index
          %get3A_682 = arith.index_cast %add3A_680 : i32 to index
          %get3A_683 = tpu.vector_load %arg5[%get3A_681, %get3A_682] {strides = array<i32>} : memref<8x2048xf32, #tpu.memory_space<vmem>>, vector<16xf32>,
          %mul3A_684 = vector.broadcast %scan3A_32 : f32 to vector<16xf32>
          %mul3A_685 = arith.mulf %get3A_528, %mul3A_684 : vector<16xf32>
          %add3A_686 = arith.addf %mul3A_685, %add3A_17 : vector<16xf32>
          %max3A = arith.maximumf %add3A_686, %convert_element_type3A : vector<16xf32>
          %min3A = arith.minimumf %max3A, %add3A_20 : vector<16xf32>
          %convert_element_type3A_687 = arith.fptosi %min3A : vector<16xf32> to vector<16xi32>
          %mul3A_688 = vector.broadcast %scan3A_32 : f32 to vector<16xf32>
          %mul3A_689 = arith.mulf %get3A_533, %mul3A_688 : vector<16xf32>
          %add3A_690 = arith.addf %mul3A_689, %add3A_17 : vector<16xf32>
          %max3A_691 = arith.maximumf %add3A_690, %convert_element_type3A : vector<16xf32>
          %min3A_692 = arith.minimumf %max3A_691, %add3A_20 : vector<16xf32>
          %convert_element_type3A_693 = arith.fptosi %min3A_692 : vector<16xf32> to vector<16xi32>
          %mul3A_694 = vector.broadcast %scan3A_32 : f32 to vector<16xf32>
          %mul3A_695 = arith.mulf %get3A_538, %mul3A_694 : vector<16xf32>
          %add3A_696 = arith.addf %mul3A_695, %add3A_17 : vector<16xf32>
          %max3A_697 = arith.maximumf %add3A_696, %convert_element_type3A : vector<16xf32>
          %min3A_698 = arith.minimumf %max3A_697, %add3A_20 : vector<16xf32>
          %convert_element_type3A_699 = arith.fptosi %min3A_698 : vector<16xf32> to vector<16xi32>
          %mul3A_700 = vector.broadcast %scan3A_32 : f32 to vector<16xf32>
          %mul3A_701 = arith.mulf %get3A_543, %mul3A_700 : vector<16xf32>
          %add3A_702 = arith.addf %mul3A_701, %add3A_17 : vector<16xf32>
          %max3A_703 = arith.maximumf %add3A_702, %convert_element_type3A : vector<16xf32>
          %min3A_704 = arith.minimumf %max3A_703, %add3A_20 : vector<16xf32>
          %convert_element_type3A_705 = arith.fptosi %min3A_704 : vector<16xf32> to vector<16xi32>
          %mul3A_706 = vector.broadcast %scan3A_32 : f32 to vector<16xf32>
          %mul3A_707 = arith.mulf %get3A_548, %mul3A_706 : vector<16xf32>
          %add3A_708 = arith.addf %mul3A_707, %add3A_17 : vector<16xf32>
          %max3A_709 = arith.maximumf %add3A_708, %convert_element_type3A : vector<16xf32>
          %min3A_710 = arith.minimumf %max3A_709, %add3A_20 : vector<16xf32>
          %convert_element_type3A_711 = arith.fptosi %min3A_710 : vector<16xf32> to vector<16xi32>
          %mul3A_712 = vector.broadcast %scan3A_32 : f32 to vector<16xf32>
          %mul3A_713 = arith.mulf %get3A_553, %mul3A_712 : vector<16xf32>
          %add3A_714 = arith.addf %mul3A_713, %add3A_17 : vector<16xf32>
          %max3A_715 = arith.maximumf %add3A_714, %convert_element_type3A : vector<16xf32>
          %min3A_716 = arith.minimumf %max3A_715, %add3A_20 : vector<16xf32>
          %convert_element_type3A_717 = arith.fptosi %min3A_716 : vector<16xf32> to vector<16xi32>
          %mul3A_718 = vector.broadcast %scan3A_32 : f32 to vector<16xf32>
          %mul3A_719 = arith.mulf %get3A_558, %mul3A_718 : vector<16xf32>
          %add3A_720 = arith.addf %mul3A_719, %add3A_17 : vector<16xf32>
          %max3A_721 = arith.maximumf %add3A_720, %convert_element_type3A : vector<16xf32>
          %min3A_722 = arith.minimumf %max3A_721, %add3A_20 : vector<16xf32>
          %convert_element_type3A_723 = arith.fptosi %min3A_722 : vector<16xf32> to vector<16xi32>
          %mul3A_724 = vector.broadcast %scan3A_32 : f32 to vector<16xf32>
          %mul3A_725 = arith.mulf %get3A_563, %mul3A_724 : vector<16xf32>
          %add3A_726 = arith.addf %mul3A_725, %add3A_17 : vector<16xf32>
          %max3A_727 = arith.maximumf %add3A_726, %convert_element_type3A : vector<16xf32>
          %min3A_728 = arith.minimumf %max3A_727, %add3A_20 : vector<16xf32>
          %convert_element_type3A_729 = arith.fptosi %min3A_728 : vector<16xf32> to vector<16xi32>
          %mul3A_730 = vector.broadcast %scan3A_32 : f32 to vector<16xf32>
          %mul3A_731 = arith.mulf %get3A_568, %mul3A_730 : vector<16xf32>
          %add3A_732 = arith.addf %mul3A_731, %add3A_17 : vector<16xf32>
          %max3A_733 = arith.maximumf %add3A_732, %convert_element_type3A : vector<16xf32>
          %min3A_734 = arith.minimumf %max3A_733, %add3A_20 : vector<16xf32>
          %convert_element_type3A_735 = arith.fptosi %min3A_734 : vector<16xf32> to vector<16xi32>
          %mul3A_736 = vector.broadcast %scan3A_32 : f32 to vector<16xf32>
          %mul3A_737 = arith.mulf %get3A_573, %mul3A_736 : vector<16xf32>
          %add3A_738 = arith.addf %mul3A_737, %add3A_17 : vector<16xf32>
          %max3A_739 = arith.maximumf %add3A_738, %convert_element_type3A : vector<16xf32>
          %min3A_740 = arith.minimumf %max3A_739, %add3A_20 : vector<16xf32>
          %convert_element_type3A_741 = arith.fptosi %min3A_740 : vector<16xf32> to vector<16xi32>
          %mul3A_742 = vector.broadcast %scan3A_32 : f32 to vector<16xf32>
          %mul3A_743 = arith.mulf %get3A_578, %mul3A_742 : vector<16xf32>
          %add3A_744 = arith.addf %mul3A_743, %add3A_17 : vector<16xf32>
          %max3A_745 = arith.maximumf %add3A_744, %convert_element_type3A : vector<16xf32>
          %min3A_746 = arith.minimumf %max3A_745, %add3A_20 : vector<16xf32>
          %convert_element_type3A_747 = arith.fptosi %min3A_746 : vector<16xf32> to vector<16xi32>
          %mul3A_748 = vector.broadcast %scan3A_32 : f32 to vector<16xf32>
          %mul3A_749 = arith.mulf %get3A_583, %mul3A_748 : vector<16xf32>
          %add3A_750 = arith.addf %mul3A_749, %add3A_17 : vector<16xf32>
          %max3A_751 = arith.maximumf %add3A_750, %convert_element_type3A : vector<16xf32>
          %min3A_752 = arith.minimumf %max3A_751, %add3A_20 : vector<16xf32>
          %convert_element_type3A_753 = arith.fptosi %min3A_752 : vector<16xf32> to vector<16xi32>
          %mul3A_754 = vector.broadcast %scan3A_32 : f32 to vector<16xf32>
          %mul3A_755 = arith.mulf %get3A_588, %mul3A_754 : vector<16xf32>
          %add3A_756 = arith.addf %mul3A_755, %add3A_17 : vector<16xf32>
          %max3A_757 = arith.maximumf %add3A_756, %convert_element_type3A : vector<16xf32>
          %min3A_758 = arith.minimumf %max3A_757, %add3A_20 : vector<16xf32>
          %convert_element_type3A_759 = arith.fptosi %min3A_758 : vector<16xf32> to vector<16xi32>
          %mul3A_760 = vector.broadcast %scan3A_32 : f32 to vector<16xf32>
          %mul3A_761 = arith.mulf %get3A_593, %mul3A_760 : vector<16xf32>
          %add3A_762 = arith.addf %mul3A_761, %add3A_17 : vector<16xf32>
          %max3A_763 = arith.maximumf %add3A_762, %convert_element_type3A : vector<16xf32>
          %min3A_764 = arith.minimumf %max3A_763, %add3A_20 : vector<16xf32>
          %convert_element_type3A_765 = arith.fptosi %min3A_764 : vector<16xf32> to vector<16xi32>
          %mul3A_766 = vector.broadcast %scan3A_32 : f32 to vector<16xf32>
          %mul3A_767 = arith.mulf %get3A_598, %mul3A_766 : vector<16xf32>
          %add3A_768 = arith.addf %mul3A_767, %add3A_17 : vector<16xf32>
          %max3A_769 = arith.maximumf %add3A_768, %convert_element_type3A : vector<16xf32>
          %min3A_770 = arith.minimumf %max3A_769, %add3A_20 : vector<16xf32>
          %convert_element_type3A_771 = arith.fptosi %min3A_770 : vector<16xf32> to vector<16xi32>
          %mul3A_772 = vector.broadcast %scan3A_32 : f32 to vector<16xf32>
          %mul3A_773 = arith.mulf %get3A_603, %mul3A_772 : vector<16xf32>
          %add3A_774 = arith.addf %mul3A_773, %add3A_17 : vector<16xf32>
          %max3A_775 = arith.maximumf %add3A_774, %convert_element_type3A : vector<16xf32>
          %min3A_776 = arith.minimumf %max3A_775, %add3A_20 : vector<16xf32>
          %convert_element_type3A_777 = arith.fptosi %min3A_776 : vector<16xf32> to vector<16xi32>
          %mul3A_778 = vector.broadcast %scan3A_32 : f32 to vector<16xf32>
          %mul3A_779 = arith.mulf %get3A_608, %mul3A_778 : vector<16xf32>
          %add3A_780 = arith.addf %mul3A_779, %add3A_17 : vector<16xf32>
          %max3A_781 = arith.maximumf %add3A_780, %convert_element_type3A : vector<16xf32>
          %min3A_782 = arith.minimumf %max3A_781, %add3A_20 : vector<16xf32>
          %convert_element_type3A_783 = arith.fptosi %min3A_782 : vector<16xf32> to vector<16xi32>
          %mul3A_784 = vector.broadcast %scan3A_32 : f32 to vector<16xf32>
          %mul3A_785 = arith.mulf %get3A_613, %mul3A_784 : vector<16xf32>
          %add3A_786 = arith.addf %mul3A_785, %add3A_17 : vector<16xf32>
          %max3A_787 = arith.maximumf %add3A_786, %convert_element_type3A : vector<16xf32>
          %min3A_788 = arith.minimumf %max3A_787, %add3A_20 : vector<16xf32>
          %convert_element_type3A_789 = arith.fptosi %min3A_788 : vector<16xf32> to vector<16xi32>
          %mul3A_790 = vector.broadcast %scan3A_32 : f32 to vector<16xf32>
          %mul3A_791 = arith.mulf %get3A_618, %mul3A_790 : vector<16xf32>
          %add3A_792 = arith.addf %mul3A_791, %add3A_17 : vector<16xf32>
          %max3A_793 = arith.maximumf %add3A_792, %convert_element_type3A : vector<16xf32>
          %min3A_794 = arith.minimumf %max3A_793, %add3A_20 : vector<16xf32>
          %convert_element_type3A_795 = arith.fptosi %min3A_794 : vector<16xf32> to vector<16xi32>
          %mul3A_796 = vector.broadcast %scan3A_32 : f32 to vector<16xf32>
          %mul3A_797 = arith.mulf %get3A_623, %mul3A_796 : vector<16xf32>
          %add3A_798 = arith.addf %mul3A_797, %add3A_17 : vector<16xf32>
          %max3A_799 = arith.maximumf %add3A_798, %convert_element_type3A : vector<16xf32>
          %min3A_800 = arith.minimumf %max3A_799, %add3A_20 : vector<16xf32>
          %convert_element_type3A_801 = arith.fptosi %min3A_800 : vector<16xf32> to vector<16xi32>
          %mul3A_802 = vector.broadcast %scan3A_32 : f32 to vector<16xf32>
          %mul3A_803 = arith.mulf %get3A_628, %mul3A_802 : vector<16xf32>
          %add3A_804 = arith.addf %mul3A_803, %add3A_17 : vector<16xf32>
          %max3A_805 = arith.maximumf %add3A_804, %convert_element_type3A : vector<16xf32>
          %min3A_806 = arith.minimumf %max3A_805, %add3A_20 : vector<16xf32>
          %convert_element_type3A_807 = arith.fptosi %min3A_806 : vector<16xf32> to vector<16xi32>
          %mul3A_808 = vector.broadcast %scan3A_32 : f32 to vector<16xf32>
          %mul3A_809 = arith.mulf %get3A_633, %mul3A_808 : vector<16xf32>
          %add3A_810 = arith.addf %mul3A_809, %add3A_17 : vector<16xf32>
          %max3A_811 = arith.maximumf %add3A_810, %convert_element_type3A : vector<16xf32>
          %min3A_812 = arith.minimumf %max3A_811, %add3A_20 : vector<16xf32>
          %convert_element_type3A_813 = arith.fptosi %min3A_812 : vector<16xf32> to vector<16xi32>
          %mul3A_814 = vector.broadcast %scan3A_32 : f32 to vector<16xf32>
          %mul3A_815 = arith.mulf %get3A_638, %mul3A_814 : vector<16xf32>
          %add3A_816 = arith.addf %mul3A_815, %add3A_17 : vector<16xf32>
          %max3A_817 = arith.maximumf %add3A_816, %convert_element_type3A : vector<16xf32>
          %min3A_818 = arith.minimumf %max3A_817, %add3A_20 : vector<16xf32>
          %convert_element_type3A_819 = arith.fptosi %min3A_818 : vector<16xf32> to vector<16xi32>
          %mul3A_820 = vector.broadcast %scan3A_32 : f32 to vector<16xf32>
          %mul3A_821 = arith.mulf %get3A_643, %mul3A_820 : vector<16xf32>
          %add3A_822 = arith.addf %mul3A_821, %add3A_17 : vector<16xf32>
          %max3A_823 = arith.maximumf %add3A_822, %convert_element_type3A : vector<16xf32>
          %min3A_824 = arith.minimumf %max3A_823, %add3A_20 : vector<16xf32>
          %convert_element_type3A_825 = arith.fptosi %min3A_824 : vector<16xf32> to vector<16xi32>
          %mul3A_826 = vector.broadcast %scan3A_32 : f32 to vector<16xf32>
          %mul3A_827 = arith.mulf %get3A_648, %mul3A_826 : vector<16xf32>
          %add3A_828 = arith.addf %mul3A_827, %add3A_17 : vector<16xf32>
          %max3A_829 = arith.maximumf %add3A_828, %convert_element_type3A : vector<16xf32>
          %min3A_830 = arith.minimumf %max3A_829, %add3A_20 : vector<16xf32>
          %convert_element_type3A_831 = arith.fptosi %min3A_830 : vector<16xf32> to vector<16xi32>
          %mul3A_832 = vector.broadcast %scan3A_32 : f32 to vector<16xf32>
          %mul3A_833 = arith.mulf %get3A_653, %mul3A_832 : vector<16xf32>
          %add3A_834 = arith.addf %mul3A_833, %add3A_17 : vector<16xf32>
          %max3A_835 = arith.maximumf %add3A_834, %convert_element_type3A : vector<16xf32>
          %min3A_836 = arith.minimumf %max3A_835, %add3A_20 : vector<16xf32>
          %convert_element_type3A_837 = arith.fptosi %min3A_836 : vector<16xf32> to vector<16xi32>
          %mul3A_838 = vector.broadcast %scan3A_32 : f32 to vector<16xf32>
          %mul3A_839 = arith.mulf %get3A_658, %mul3A_838 : vector<16xf32>
          %add3A_840 = arith.addf %mul3A_839, %add3A_17 : vector<16xf32>
          %max3A_841 = arith.maximumf %add3A_840, %convert_element_type3A : vector<16xf32>
          %min3A_842 = arith.minimumf %max3A_841, %add3A_20 : vector<16xf32>
          %convert_element_type3A_843 = arith.fptosi %min3A_842 : vector<16xf32> to vector<16xi32>
          %mul3A_844 = vector.broadcast %scan3A_32 : f32 to vector<16xf32>
          %mul3A_845 = arith.mulf %get3A_663, %mul3A_844 : vector<16xf32>
          %add3A_846 = arith.addf %mul3A_845, %add3A_17 : vector<16xf32>
          %max3A_847 = arith.maximumf %add3A_846, %convert_element_type3A : vector<16xf32>
          %min3A_848 = arith.minimumf %max3A_847, %add3A_20 : vector<16xf32>
          %convert_element_type3A_849 = arith.fptosi %min3A_848 : vector<16xf32> to vector<16xi32>
          %mul3A_850 = vector.broadcast %scan3A_32 : f32 to vector<16xf32>
          %mul3A_851 = arith.mulf %get3A_668, %mul3A_850 : vector<16xf32>
          %add3A_852 = arith.addf %mul3A_851, %add3A_17 : vector<16xf32>
          %max3A_853 = arith.maximumf %add3A_852, %convert_element_type3A : vector<16xf32>
          %min3A_854 = arith.minimumf %max3A_853, %add3A_20 : vector<16xf32>
          %convert_element_type3A_855 = arith.fptosi %min3A_854 : vector<16xf32> to vector<16xi32>
          %mul3A_856 = vector.broadcast %scan3A_32 : f32 to vector<16xf32>
          %mul3A_857 = arith.mulf %get3A_673, %mul3A_856 : vector<16xf32>
          %add3A_858 = arith.addf %mul3A_857, %add3A_17 : vector<16xf32>
          %max3A_859 = arith.maximumf %add3A_858, %convert_element_type3A : vector<16xf32>
          %min3A_860 = arith.minimumf %max3A_859, %add3A_20 : vector<16xf32>
          %convert_element_type3A_861 = arith.fptosi %min3A_860 : vector<16xf32> to vector<16xi32>
          %mul3A_862 = vector.broadcast %scan3A_32 : f32 to vector<16xf32>
          %mul3A_863 = arith.mulf %get3A_678, %mul3A_862 : vector<16xf32>
          %add3A_864 = arith.addf %mul3A_863, %add3A_17 : vector<16xf32>
          %max3A_865 = arith.maximumf %add3A_864, %convert_element_type3A : vector<16xf32>
          %min3A_866 = arith.minimumf %max3A_865, %add3A_20 : vector<16xf32>
          %convert_element_type3A_867 = arith.fptosi %min3A_866 : vector<16xf32> to vector<16xi32>
          %mul3A_868 = vector.broadcast %scan3A_32 : f32 to vector<16xf32>
          %mul3A_869 = arith.mulf %get3A_683, %mul3A_868 : vector<16xf32>
          %add3A_870 = arith.addf %mul3A_869, %add3A_17 : vector<16xf32>
          %max3A_871 = arith.maximumf %add3A_870, %convert_element_type3A : vector<16xf32>
          %min3A_872 = arith.minimumf %max3A_871, %add3A_20 : vector<16xf32>
          %convert_element_type3A_873 = arith.fptosi %min3A_872 : vector<16xf32> to vector<16xi32>
          tpu.vector_store_idx %arg9[%convert_element_type3A_687], %broadcast_in_dim3A_14 {add = true} : memref<4096xi32, #tpu.memory_space<vmem>>[vector<16xi32>], vector<16xi32>,
          tpu.vector_store_idx %arg9[%convert_element_type3A_693], %broadcast_in_dim3A_14 {add = true} : memref<4096xi32, #tpu.memory_space<vmem>>[vector<16xi32>], vector<16xi32>,
          tpu.vector_store_idx %arg9[%convert_element_type3A_699], %broadcast_in_dim3A_14 {add = true} : memref<4096xi32, #tpu.memory_space<vmem>>[vector<16xi32>], vector<16xi32>,
          tpu.vector_store_idx %arg9[%convert_element_type3A_705], %broadcast_in_dim3A_14 {add = true} : memref<4096xi32, #tpu.memory_space<vmem>>[vector<16xi32>], vector<16xi32>,
          tpu.vector_store_idx %arg9[%convert_element_type3A_711], %broadcast_in_dim3A_14 {add = true} : memref<4096xi32, #tpu.memory_space<vmem>>[vector<16xi32>], vector<16xi32>,
          tpu.vector_store_idx %arg9[%convert_element_type3A_717], %broadcast_in_dim3A_14 {add = true} : memref<4096xi32, #tpu.memory_space<vmem>>[vector<16xi32>], vector<16xi32>,
          tpu.vector_store_idx %arg9[%convert_element_type3A_723], %broadcast_in_dim3A_14 {add = true} : memref<4096xi32, #tpu.memory_space<vmem>>[vector<16xi32>], vector<16xi32>,
          tpu.vector_store_idx %arg9[%convert_element_type3A_729], %broadcast_in_dim3A_14 {add = true} : memref<4096xi32, #tpu.memory_space<vmem>>[vector<16xi32>], vector<16xi32>,
          tpu.vector_store_idx %arg9[%convert_element_type3A_735], %broadcast_in_dim3A_14 {add = true} : memref<4096xi32, #tpu.memory_space<vmem>>[vector<16xi32>], vector<16xi32>,
          tpu.vector_store_idx %arg9[%convert_element_type3A_741], %broadcast_in_dim3A_14 {add = true} : memref<4096xi32, #tpu.memory_space<vmem>>[vector<16xi32>], vector<16xi32>,
          tpu.vector_store_idx %arg9[%convert_element_type3A_747], %broadcast_in_dim3A_14 {add = true} : memref<4096xi32, #tpu.memory_space<vmem>>[vector<16xi32>], vector<16xi32>,
          tpu.vector_store_idx %arg9[%convert_element_type3A_753], %broadcast_in_dim3A_14 {add = true} : memref<4096xi32, #tpu.memory_space<vmem>>[vector<16xi32>], vector<16xi32>,
          tpu.vector_store_idx %arg9[%convert_element_type3A_759], %broadcast_in_dim3A_14 {add = true} : memref<4096xi32, #tpu.memory_space<vmem>>[vector<16xi32>], vector<16xi32>,
          tpu.vector_store_idx %arg9[%convert_element_type3A_765], %broadcast_in_dim3A_14 {add = true} : memref<4096xi32, #tpu.memory_space<vmem>>[vector<16xi32>], vector<16xi32>,
          tpu.vector_store_idx %arg9[%convert_element_type3A_771], %broadcast_in_dim3A_14 {add = true} : memref<4096xi32, #tpu.memory_space<vmem>>[vector<16xi32>], vector<16xi32>,
          tpu.vector_store_idx %arg9[%convert_element_type3A_777], %broadcast_in_dim3A_14 {add = true} : memref<4096xi32, #tpu.memory_space<vmem>>[vector<16xi32>], vector<16xi32>,
          tpu.vector_store_idx %arg9[%convert_element_type3A_783], %broadcast_in_dim3A_14 {add = true} : memref<4096xi32, #tpu.memory_space<vmem>>[vector<16xi32>], vector<16xi32>,
          tpu.vector_store_idx %arg9[%convert_element_type3A_789], %broadcast_in_dim3A_14 {add = true} : memref<4096xi32, #tpu.memory_space<vmem>>[vector<16xi32>], vector<16xi32>,
          tpu.vector_store_idx %arg9[%convert_element_type3A_795], %broadcast_in_dim3A_14 {add = true} : memref<4096xi32, #tpu.memory_space<vmem>>[vector<16xi32>], vector<16xi32>,
          tpu.vector_store_idx %arg9[%convert_element_type3A_801], %broadcast_in_dim3A_14 {add = true} : memref<4096xi32, #tpu.memory_space<vmem>>[vector<16xi32>], vector<16xi32>,
          tpu.vector_store_idx %arg9[%convert_element_type3A_807], %broadcast_in_dim3A_14 {add = true} : memref<4096xi32, #tpu.memory_space<vmem>>[vector<16xi32>], vector<16xi32>,
          tpu.vector_store_idx %arg9[%convert_element_type3A_813], %broadcast_in_dim3A_14 {add = true} : memref<4096xi32, #tpu.memory_space<vmem>>[vector<16xi32>], vector<16xi32>,
          tpu.vector_store_idx %arg9[%convert_element_type3A_819], %broadcast_in_dim3A_14 {add = true} : memref<4096xi32, #tpu.memory_space<vmem>>[vector<16xi32>], vector<16xi32>,
          tpu.vector_store_idx %arg9[%convert_element_type3A_825], %broadcast_in_dim3A_14 {add = true} : memref<4096xi32, #tpu.memory_space<vmem>>[vector<16xi32>], vector<16xi32>,
          tpu.vector_store_idx %arg9[%convert_element_type3A_831], %broadcast_in_dim3A_14 {add = true} : memref<4096xi32, #tpu.memory_space<vmem>>[vector<16xi32>], vector<16xi32>,
          tpu.vector_store_idx %arg9[%convert_element_type3A_837], %broadcast_in_dim3A_14 {add = true} : memref<4096xi32, #tpu.memory_space<vmem>>[vector<16xi32>], vector<16xi32>,
          tpu.vector_store_idx %arg9[%convert_element_type3A_843], %broadcast_in_dim3A_14 {add = true} : memref<4096xi32, #tpu.memory_space<vmem>>[vector<16xi32>], vector<16xi32>,
          tpu.vector_store_idx %arg9[%convert_element_type3A_849], %broadcast_in_dim3A_14 {add = true} : memref<4096xi32, #tpu.memory_space<vmem>>[vector<16xi32>], vector<16xi32>,
          tpu.vector_store_idx %arg9[%convert_element_type3A_855], %broadcast_in_dim3A_14 {add = true} : memref<4096xi32, #tpu.memory_space<vmem>>[vector<16xi32>], vector<16xi32>,
          tpu.vector_store_idx %arg9[%convert_element_type3A_861], %broadcast_in_dim3A_14 {add = true} : memref<4096xi32, #tpu.memory_space<vmem>>[vector<16xi32>], vector<16xi32>,
          tpu.vector_store_idx %arg9[%convert_element_type3A_867], %broadcast_in_dim3A_14 {add = true} : memref<4096xi32, #tpu.memory_space<vmem>>[vector<16xi32>], vector<16xi32>,
          tpu.vector_store_idx %arg9[%convert_element_type3A_873], %broadcast_in_dim3A_14 {add = true} : memref<4096xi32, #tpu.memory_space<vmem>>[vector<16xi32>], vector<16xi32>,
          %scan3A_874 = arith.constant 0 : i32
          scf.yield %scan3A_874 : i32
        }
        %scan3A_519 = arith.constant 4 : i32
        %scan3A_520 = arith.constant 0 : i32
        scf.yield %scan3A_520 : i32
      }
      %scan3A_117 = arith.constant 8 : i32
      %jit3A_118 = arith.constant 4 : i32
      %div3A_119 = arith.divsi %add3A_63, %jit3A_118 : i32
      %sign3A_120 = arith.constant 0 : i32
      %sign3A_121 = arith.cmpi sgt, %add3A_63, %sign3A_120 : i32
      %sign3A_122 = arith.extui %sign3A_121 : i1 to i32
      %sign3A_123 = arith.constant 0 : i32
      %sign3A_124 = arith.cmpi slt, %add3A_63, %sign3A_123 : i32
      %sign3A_125 = arith.extui %sign3A_124 : i1 to i32
      %sign3A_126 = arith.subi %sign3A_122, %sign3A_125 : i32
      %sign3A_127 = arith.constant 0 : i32
      %sign3A_128 = arith.cmpi sgt, %jit3A_118, %sign3A_127 : i32
      %sign3A_129 = arith.extui %sign3A_128 : i1 to i32
      %sign3A_130 = arith.constant 0 : i32
      %sign3A_131 = arith.cmpi slt, %jit3A_118, %sign3A_130 : i32
      %sign3A_132 = arith.extui %sign3A_131 : i1 to i32
      %sign3A_133 = arith.subi %sign3A_129, %sign3A_132 : i32
      %ne3A_134 = arith.cmpi ne, %sign3A_126, %sign3A_133 : i32
      %rem3A_135 = arith.remsi %add3A_63, %jit3A_118 : i32
      %ne3A_136 = arith.constant 0 : i32
      %ne3A_137 = arith.cmpi ne, %rem3A_135, %ne3A_136 : i32
      %and3A_138 = arith.andi %ne3A_134, %ne3A_137 : i1
      %sub3A_139 = arith.constant 1 : i32
      %sub3A_140 = arith.subi %div3A_119, %sub3A_139 : i32
      %select_n3A_141 = arith.select %and3A_138, %sub3A_140, %div3A_119 : i32
      %jit3A_142 = arith.constant 4 : i32
      %eq3A_143 = arith.constant 0 : i32
      %eq3A_144 = arith.cmpi eq, %jit3A_142, %eq3A_143 : i32
      %jit3A_145 = arith.constant 1 : i32
      %select_n3A_146 = arith.select %eq3A_144, %jit3A_145, %jit3A_142 : i32
      %rem3A_147 = arith.remsi %add3A_63, %select_n3A_146 : i32
      %ne3A_148 = arith.constant 0 : i32
      %ne3A_149 = arith.cmpi ne, %rem3A_147, %ne3A_148 : i32
      %lt3A_150 = arith.constant 0 : i32
      %lt3A_151 = arith.cmpi slt, %rem3A_147, %lt3A_150 : i32
      %lt3A_152 = arith.constant 0 : i32
      %lt3A_153 = arith.cmpi slt, %select_n3A_146, %lt3A_152 : i32
      %ne3A_154 = arith.xori %lt3A_151, %lt3A_153 : i1
      %and3A_155 = arith.andi %ne3A_154, %ne3A_149 : i1
      %add3A_156 = arith.addi %rem3A_147, %select_n3A_146 : i32
      %select_n3A_157 = arith.select %and3A_155, %add3A_156, %rem3A_147 : i32
      %mul3A_158 = arith.constant 8 : i32
      %mul3A_159 = arith.muli %select_n3A_141, %mul3A_158 : i32
      %add3A_160 = arith.addi %mul3A_2, %mul3A_159 : i32
      %mul3A_161 = arith.constant 2048 : i32
      %mul3A_162 = arith.muli %select_n3A_157, %mul3A_161 : i32
      %dma_start3A_163 = tpu.memref_slice %arg4[%add3A_160, %mul3A_162] : memref<4096x8192xf32, #tpu.memory_space<hbm>> -> memref<8x2048xf32, #tpu.memory_space<hbm>>
      %dma_start3A_164 = tpu.memref_slice %arg4[%add3A_160, %mul3A_162] : memref<4096x8192xf32, #tpu.memory_space<hbm>> -> memref<8x2048xf32, #tpu.memory_space<hbm>>
      tpu.enqueue_dma source(%arg5 : memref<8x2048xf32, #tpu.memory_space<vmem>>) target(%dma_start3A_164 : memref<8x2048xf32, #tpu.memory_space<hbm>>) target_semaphore(%arg15 : memref<!tpu.dma_semaphore, #tpu.memory_space<semaphore_mem>>)
      %add3A_165 = arith.constant 1 : i32
      %add3A_166 = arith.addi %mul3A_61, %add3A_165 : i32
      %jit3A_167 = arith.constant 4 : i32
      %div3A_168 = arith.divsi %add3A_166, %jit3A_167 : i32
      %sign3A_169 = arith.constant 0 : i32
      %sign3A_170 = arith.cmpi sgt, %add3A_166, %sign3A_169 : i32
      %sign3A_171 = arith.extui %sign3A_170 : i1 to i32
      %sign3A_172 = arith.constant 0 : i32
      %sign3A_173 = arith.cmpi slt, %add3A_166, %sign3A_172 : i32
      %sign3A_174 = arith.extui %sign3A_173 : i1 to i32
      %sign3A_175 = arith.subi %sign3A_171, %sign3A_174 : i32
      %sign3A_176 = arith.constant 0 : i32
      %sign3A_177 = arith.cmpi sgt, %jit3A_167, %sign3A_176 : i32
      %sign3A_178 = arith.extui %sign3A_177 : i1 to i32
      %sign3A_179 = arith.constant 0 : i32
      %sign3A_180 = arith.cmpi slt, %jit3A_167, %sign3A_179 : i32
      %sign3A_181 = arith.extui %sign3A_180 : i1 to i32
      %sign3A_182 = arith.subi %sign3A_178, %sign3A_181 : i32
      %ne3A_183 = arith.cmpi ne, %sign3A_175, %sign3A_182 : i32
      %rem3A_184 = arith.remsi %add3A_166, %jit3A_167 : i32
      %ne3A_185 = arith.constant 0 : i32
      %ne3A_186 = arith.cmpi ne, %rem3A_184, %ne3A_185 : i32
      %and3A_187 = arith.andi %ne3A_183, %ne3A_186 : i1
      %sub3A_188 = arith.constant 1 : i32
      %sub3A_189 = arith.subi %div3A_168, %sub3A_188 : i32
      %select_n3A_190 = arith.select %and3A_187, %sub3A_189, %div3A_168 : i32
      %jit3A_191 = arith.constant 4 : i32
      %eq3A_192 = arith.constant 0 : i32
      %eq3A_193 = arith.cmpi eq, %jit3A_191, %eq3A_192 : i32
      %jit3A_194 = arith.constant 1 : i32
      %select_n3A_195 = arith.select %eq3A_193, %jit3A_194, %jit3A_191 : i32
      %rem3A_196 = arith.remsi %add3A_166, %select_n3A_195 : i32
      %ne3A_197 = arith.constant 0 : i32
      %ne3A_198 = arith.cmpi ne, %rem3A_196, %ne3A_197 : i32
      %lt3A_199 = arith.constant 0 : i32
      %lt3A_200 = arith.cmpi slt, %rem3A_196, %lt3A_199 : i32
      %lt3A_201 = arith.constant 0 : i32
      %lt3A_202 = arith.cmpi slt, %select_n3A_195, %lt3A_201 : i32
      %ne3A_203 = arith.xori %lt3A_200, %lt3A_202 : i1
      %and3A_204 = arith.andi %ne3A_203, %ne3A_198 : i1
      %add3A_205 = arith.addi %rem3A_196, %select_n3A_195 : i32
      %select_n3A_206 = arith.select %and3A_204, %add3A_205, %rem3A_196 : i32
      %mul3A_207 = arith.constant 8 : i32
      %mul3A_208 = arith.muli %select_n3A_190, %mul3A_207 : i32
      %add3A_209 = arith.addi %mul3A_2, %mul3A_208 : i32
      %mul3A_210 = arith.constant 2048 : i32
      %mul3A_211 = arith.muli %select_n3A_206, %mul3A_210 : i32
      %dma_wait3A_212 = tpu.memref_slice %arg2[%add3A_209, %mul3A_211] : memref<4096x8192xf32, #tpu.memory_space<hbm>> -> memref<8x2048xf32, #tpu.memory_space<hbm>>
      %dma_wait3A_213 = tpu.memref_slice %arg2[%add3A_209, %mul3A_211] : memref<4096x8192xf32, #tpu.memory_space<hbm>> -> memref<8x2048xf32, #tpu.memory_space<hbm>>
      tpu.wait_dma2 semaphore(%arg12 : memref<!tpu.dma_semaphore, #tpu.memory_space<semaphore_mem>>) src(%dma_wait3A_213 : memref<8x2048xf32, #tpu.memory_space<hbm>>) dst(%arg6 : memref<8x2048xf32, #tpu.memory_space<vmem>>)
      %ge3A_214 = arith.constant 2 : i32
      %ge3A_215 = arith.cmpi sge, %add3A_166, %ge3A_214 : i32
      %convert_element_type3A_216 = arith.extui %ge3A_215 : i1 to i32
      %cond3A_217 = arith.constant 0 : i32
      %cond3A_218 = arith.cmpi ne, %convert_element_type3A_216, %cond3A_217 : i32
      scf.if %cond3A_218 {
        %sub3A_511 = arith.constant 2 : i32
        %sub3A_512 = arith.subi %add3A_166, %sub3A_511 : i32
        %jit3A_513 = arith.constant 4 : i32
        %div3A_514 = arith.divsi %sub3A_512, %jit3A_513 : i32
        %sign3A_515 = arith.constant 0 : i32
        %sign3A_516 = arith.cmpi sgt, %sub3A_512, %sign3A_515 : i32
        %sign3A_517 = arith.extui %sign3A_516 : i1 to i32
        %sign3A_518 = arith.constant 0 : i32
        %sign3A_519 = arith.cmpi slt, %sub3A_512, %sign3A_518 : i32
        %sign3A_520 = arith.extui %sign3A_519 : i1 to i32
        %sign3A_521 = arith.subi %sign3A_517, %sign3A_520 : i32
        %sign3A_522 = arith.constant 0 : i32
        %sign3A_523 = arith.cmpi sgt, %jit3A_513, %sign3A_522 : i32
        %sign3A_524 = arith.extui %sign3A_523 : i1 to i32
        %sign3A_525 = arith.constant 0 : i32
        %sign3A_526 = arith.cmpi slt, %jit3A_513, %sign3A_525 : i32
        %sign3A_527 = arith.extui %sign3A_526 : i1 to i32
        %sign3A_528 = arith.subi %sign3A_524, %sign3A_527 : i32
        %ne3A_529 = arith.cmpi ne, %sign3A_521, %sign3A_528 : i32
        %rem3A_530 = arith.remsi %sub3A_512, %jit3A_513 : i32
        %ne3A_531 = arith.constant 0 : i32
        %ne3A_532 = arith.cmpi ne, %rem3A_530, %ne3A_531 : i32
        %and3A_533 = arith.andi %ne3A_529, %ne3A_532 : i1
        %sub3A_534 = arith.constant 1 : i32
        %sub3A_535 = arith.subi %div3A_514, %sub3A_534 : i32
        %select_n3A_536 = arith.select %and3A_533, %sub3A_535, %div3A_514 : i32
        %jit3A_537 = arith.constant 4 : i32
        %eq3A_538 = arith.constant 0 : i32
        %eq3A_539 = arith.cmpi eq, %jit3A_537, %eq3A_538 : i32
        %jit3A_540 = arith.constant 1 : i32
        %select_n3A_541 = arith.select %eq3A_539, %jit3A_540, %jit3A_537 : i32
        %rem3A_542 = arith.remsi %sub3A_512, %select_n3A_541 : i32
        %ne3A_543 = arith.constant 0 : i32
        %ne3A_544 = arith.cmpi ne, %rem3A_542, %ne3A_543 : i32
        %lt3A_545 = arith.constant 0 : i32
        %lt3A_546 = arith.cmpi slt, %rem3A_542, %lt3A_545 : i32
        %lt3A_547 = arith.constant 0 : i32
        %lt3A_548 = arith.cmpi slt, %select_n3A_541, %lt3A_547 : i32
        %ne3A_549 = arith.xori %lt3A_546, %lt3A_548 : i1
        %and3A_550 = arith.andi %ne3A_549, %ne3A_544 : i1
        %add3A_551 = arith.addi %rem3A_542, %select_n3A_541 : i32
        %select_n3A_552 = arith.select %and3A_550, %add3A_551, %rem3A_542 : i32
        %mul3A_553 = arith.constant 8 : i32
        %mul3A_554 = arith.muli %select_n3A_536, %mul3A_553 : i32
        %add3A_555 = arith.addi %mul3A_2, %mul3A_554 : i32
        %mul3A_556 = arith.constant 2048 : i32
        %mul3A_557 = arith.muli %select_n3A_552, %mul3A_556 : i32
        %dma_wait3A_558 = tpu.memref_slice %arg4[%add3A_555, %mul3A_557] : memref<4096x8192xf32, #tpu.memory_space<hbm>> -> memref<8x2048xf32, #tpu.memory_space<hbm>>
        %dma_wait3A_559 = tpu.memref_slice %arg4[%add3A_555, %mul3A_557] : memref<4096x8192xf32, #tpu.memory_space<hbm>> -> memref<8x2048xf32, #tpu.memory_space<hbm>>
        tpu.wait_dma2 semaphore(%arg18 : memref<!tpu.dma_semaphore, #tpu.memory_space<semaphore_mem>>) src(%arg8 : memref<8x2048xf32, #tpu.memory_space<vmem>>) dst(%dma_wait3A_559 : memref<8x2048xf32, #tpu.memory_space<hbm>>)
      } else {
      }
      %add3A_219 = arith.constant 2 : i32
      %add3A_220 = arith.addi %add3A_166, %add3A_219 : i32
      %lt3A_221 = arith.constant 64 : i32
      %lt3A_222 = arith.cmpi slt, %add3A_220, %lt3A_221 : i32
      %convert_element_type3A_223 = arith.extui %lt3A_222 : i1 to i32
      %cond3A_224 = arith.constant 0 : i32
      %cond3A_225 = arith.cmpi ne, %convert_element_type3A_223, %cond3A_224 : i32
      scf.if %cond3A_225 {
        %add3A_511 = arith.constant 2 : i32
        %add3A_512 = arith.addi %add3A_166, %add3A_511 : i32
        %jit3A_513 = arith.constant 4 : i32
        %div3A_514 = arith.divsi %add3A_512, %jit3A_513 : i32
        %sign3A_515 = arith.constant 0 : i32
        %sign3A_516 = arith.cmpi sgt, %add3A_512, %sign3A_515 : i32
        %sign3A_517 = arith.extui %sign3A_516 : i1 to i32
        %sign3A_518 = arith.constant 0 : i32
        %sign3A_519 = arith.cmpi slt, %add3A_512, %sign3A_518 : i32
        %sign3A_520 = arith.extui %sign3A_519 : i1 to i32
        %sign3A_521 = arith.subi %sign3A_517, %sign3A_520 : i32
        %sign3A_522 = arith.constant 0 : i32
        %sign3A_523 = arith.cmpi sgt, %jit3A_513, %sign3A_522 : i32
        %sign3A_524 = arith.extui %sign3A_523 : i1 to i32
        %sign3A_525 = arith.constant 0 : i32
        %sign3A_526 = arith.cmpi slt, %jit3A_513, %sign3A_525 : i32
        %sign3A_527 = arith.extui %sign3A_526 : i1 to i32
        %sign3A_528 = arith.subi %sign3A_524, %sign3A_527 : i32
        %ne3A_529 = arith.cmpi ne, %sign3A_521, %sign3A_528 : i32
        %rem3A_530 = arith.remsi %add3A_512, %jit3A_513 : i32
        %ne3A_531 = arith.constant 0 : i32
        %ne3A_532 = arith.cmpi ne, %rem3A_530, %ne3A_531 : i32
        %and3A_533 = arith.andi %ne3A_529, %ne3A_532 : i1
        %sub3A_534 = arith.constant 1 : i32
        %sub3A_535 = arith.subi %div3A_514, %sub3A_534 : i32
        %select_n3A_536 = arith.select %and3A_533, %sub3A_535, %div3A_514 : i32
        %jit3A_537 = arith.constant 4 : i32
        %eq3A_538 = arith.constant 0 : i32
        %eq3A_539 = arith.cmpi eq, %jit3A_537, %eq3A_538 : i32
        %jit3A_540 = arith.constant 1 : i32
        %select_n3A_541 = arith.select %eq3A_539, %jit3A_540, %jit3A_537 : i32
        %rem3A_542 = arith.remsi %add3A_512, %select_n3A_541 : i32
        %ne3A_543 = arith.constant 0 : i32
        %ne3A_544 = arith.cmpi ne, %rem3A_542, %ne3A_543 : i32
        %lt3A_545 = arith.constant 0 : i32
        %lt3A_546 = arith.cmpi slt, %rem3A_542, %lt3A_545 : i32
        %lt3A_547 = arith.constant 0 : i32
        %lt3A_548 = arith.cmpi slt, %select_n3A_541, %lt3A_547 : i32
        %ne3A_549 = arith.xori %lt3A_546, %lt3A_548 : i1
        %and3A_550 = arith.andi %ne3A_549, %ne3A_544 : i1
        %add3A_551 = arith.addi %rem3A_542, %select_n3A_541 : i32
        %select_n3A_552 = arith.select %and3A_550, %add3A_551, %rem3A_542 : i32
        %mul3A_553 = arith.constant 8 : i32
        %mul3A_554 = arith.muli %select_n3A_536, %mul3A_553 : i32
        %add3A_555 = arith.addi %mul3A_2, %mul3A_554 : i32
        %mul3A_556 = arith.constant 2048 : i32
        %mul3A_557 = arith.muli %select_n3A_552, %mul3A_556 : i32
        %dma_start3A_558 = tpu.memref_slice %arg2[%add3A_555, %mul3A_557] : memref<4096x8192xf32, #tpu.memory_space<hbm>> -> memref<8x2048xf32, #tpu.memory_space<hbm>>
        %dma_start3A_559 = tpu.memref_slice %arg2[%add3A_555, %mul3A_557] : memref<4096x8192xf32, #tpu.memory_space<hbm>> -> memref<8x2048xf32, #tpu.memory_space<hbm>>
        tpu.enqueue_dma source(%dma_start3A_559 : memref<8x2048xf32, #tpu.memory_space<hbm>>) target(%arg8 : memref<8x2048xf32, #tpu.memory_space<vmem>>) target_semaphore(%arg14 : memref<!tpu.dma_semaphore, #tpu.memory_space<semaphore_mem>>)
      } else {
      }
      %scan3A_226 = arith.constant 0 : i32
      %scan3A_227 = arith.constant 0 : i32
      %scan3A_228 = arith.constant 8 : i32
      %scan3A_229 = arith.addi %scan3A_227, %scan3A_228 : i32
      %scan3A_230 = arith.constant 1 : i32
      %scan3A_231 = scf.for %scan3A_511 = %scan3A_227 to %scan3A_229 step %scan3A_230 iter_args(%scan3A_512 = %scan3A_226) -> (i32)  : i32 {
        %scan3A_513 = arith.constant 0 : i32
        %scan3A_514 = arith.constant 0 : i32
        %scan3A_515 = arith.constant 4 : i32
        %scan3A_516 = arith.addi %scan3A_514, %scan3A_515 : i32
        %scan3A_517 = arith.constant 1 : i32
        %scan3A_518 = scf.for %scan3A_521 = %scan3A_514 to %scan3A_516 step %scan3A_517 iter_args(%scan3A_522 = %scan3A_513) -> (i32)  : i32 {
          %mul3A_523 = arith.constant 512 : i32
          %mul3A_524 = arith.muli %scan3A_521, %mul3A_523 : i32
          %add3A_525 = arith.constant 0 : i32
          %add3A_526 = arith.addi %mul3A_524, %add3A_525 : i32
          %get3A = arith.index_cast %scan3A_511 : i32 to index
          %get3A_527 = arith.index_cast %add3A_526 : i32 to index
          %get3A_528 = tpu.vector_load %arg6[%get3A, %get3A_527] {strides = array<i32>} : memref<8x2048xf32, #tpu.memory_space<vmem>>, vector<16xf32>,
          %add3A_529 = arith.constant 16 : i32
          %add3A_530 = arith.addi %mul3A_524, %add3A_529 : i32
          %get3A_531 = arith.index_cast %scan3A_511 : i32 to index
          %get3A_532 = arith.index_cast %add3A_530 : i32 to index
          %get3A_533 = tpu.vector_load %arg6[%get3A_531, %get3A_532] {strides = array<i32>} : memref<8x2048xf32, #tpu.memory_space<vmem>>, vector<16xf32>,
          %add3A_534 = arith.constant 32 : i32
          %add3A_535 = arith.addi %mul3A_524, %add3A_534 : i32
          %get3A_536 = arith.index_cast %scan3A_511 : i32 to index
          %get3A_537 = arith.index_cast %add3A_535 : i32 to index
          %get3A_538 = tpu.vector_load %arg6[%get3A_536, %get3A_537] {strides = array<i32>} : memref<8x2048xf32, #tpu.memory_space<vmem>>, vector<16xf32>,
          %add3A_539 = arith.constant 48 : i32
          %add3A_540 = arith.addi %mul3A_524, %add3A_539 : i32
          %get3A_541 = arith.index_cast %scan3A_511 : i32 to index
          %get3A_542 = arith.index_cast %add3A_540 : i32 to index
          %get3A_543 = tpu.vector_load %arg6[%get3A_541, %get3A_542] {strides = array<i32>} : memref<8x2048xf32, #tpu.memory_space<vmem>>, vector<16xf32>,
          %add3A_544 = arith.constant 64 : i32
          %add3A_545 = arith.addi %mul3A_524, %add3A_544 : i32
          %get3A_546 = arith.index_cast %scan3A_511 : i32 to index
          %get3A_547 = arith.index_cast %add3A_545 : i32 to index
          %get3A_548 = tpu.vector_load %arg6[%get3A_546, %get3A_547] {strides = array<i32>} : memref<8x2048xf32, #tpu.memory_space<vmem>>, vector<16xf32>,
          %add3A_549 = arith.constant 80 : i32
          %add3A_550 = arith.addi %mul3A_524, %add3A_549 : i32
          %get3A_551 = arith.index_cast %scan3A_511 : i32 to index
          %get3A_552 = arith.index_cast %add3A_550 : i32 to index
          %get3A_553 = tpu.vector_load %arg6[%get3A_551, %get3A_552] {strides = array<i32>} : memref<8x2048xf32, #tpu.memory_space<vmem>>, vector<16xf32>,
          %add3A_554 = arith.constant 96 : i32
          %add3A_555 = arith.addi %mul3A_524, %add3A_554 : i32
          %get3A_556 = arith.index_cast %scan3A_511 : i32 to index
          %get3A_557 = arith.index_cast %add3A_555 : i32 to index
          %get3A_558 = tpu.vector_load %arg6[%get3A_556, %get3A_557] {strides = array<i32>} : memref<8x2048xf32, #tpu.memory_space<vmem>>, vector<16xf32>,
          %add3A_559 = arith.constant 112 : i32
          %add3A_560 = arith.addi %mul3A_524, %add3A_559 : i32
          %get3A_561 = arith.index_cast %scan3A_511 : i32 to index
          %get3A_562 = arith.index_cast %add3A_560 : i32 to index
          %get3A_563 = tpu.vector_load %arg6[%get3A_561, %get3A_562] {strides = array<i32>} : memref<8x2048xf32, #tpu.memory_space<vmem>>, vector<16xf32>,
          %add3A_564 = arith.constant 128 : i32
          %add3A_565 = arith.addi %mul3A_524, %add3A_564 : i32
          %get3A_566 = arith.index_cast %scan3A_511 : i32 to index
          %get3A_567 = arith.index_cast %add3A_565 : i32 to index
          %get3A_568 = tpu.vector_load %arg6[%get3A_566, %get3A_567] {strides = array<i32>} : memref<8x2048xf32, #tpu.memory_space<vmem>>, vector<16xf32>,
          %add3A_569 = arith.constant 144 : i32
          %add3A_570 = arith.addi %mul3A_524, %add3A_569 : i32
          %get3A_571 = arith.index_cast %scan3A_511 : i32 to index
          %get3A_572 = arith.index_cast %add3A_570 : i32 to index
          %get3A_573 = tpu.vector_load %arg6[%get3A_571, %get3A_572] {strides = array<i32>} : memref<8x2048xf32, #tpu.memory_space<vmem>>, vector<16xf32>,
          %add3A_574 = arith.constant 160 : i32
          %add3A_575 = arith.addi %mul3A_524, %add3A_574 : i32
          %get3A_576 = arith.index_cast %scan3A_511 : i32 to index
          %get3A_577 = arith.index_cast %add3A_575 : i32 to index
          %get3A_578 = tpu.vector_load %arg6[%get3A_576, %get3A_577] {strides = array<i32>} : memref<8x2048xf32, #tpu.memory_space<vmem>>, vector<16xf32>,
          %add3A_579 = arith.constant 176 : i32
          %add3A_580 = arith.addi %mul3A_524, %add3A_579 : i32
          %get3A_581 = arith.index_cast %scan3A_511 : i32 to index
          %get3A_582 = arith.index_cast %add3A_580 : i32 to index
          %get3A_583 = tpu.vector_load %arg6[%get3A_581, %get3A_582] {strides = array<i32>} : memref<8x2048xf32, #tpu.memory_space<vmem>>, vector<16xf32>,
          %add3A_584 = arith.constant 192 : i32
          %add3A_585 = arith.addi %mul3A_524, %add3A_584 : i32
          %get3A_586 = arith.index_cast %scan3A_511 : i32 to index
          %get3A_587 = arith.index_cast %add3A_585 : i32 to index
          %get3A_588 = tpu.vector_load %arg6[%get3A_586, %get3A_587] {strides = array<i32>} : memref<8x2048xf32, #tpu.memory_space<vmem>>, vector<16xf32>,
          %add3A_589 = arith.constant 208 : i32
          %add3A_590 = arith.addi %mul3A_524, %add3A_589 : i32
          %get3A_591 = arith.index_cast %scan3A_511 : i32 to index
          %get3A_592 = arith.index_cast %add3A_590 : i32 to index
          %get3A_593 = tpu.vector_load %arg6[%get3A_591, %get3A_592] {strides = array<i32>} : memref<8x2048xf32, #tpu.memory_space<vmem>>, vector<16xf32>,
          %add3A_594 = arith.constant 224 : i32
          %add3A_595 = arith.addi %mul3A_524, %add3A_594 : i32
          %get3A_596 = arith.index_cast %scan3A_511 : i32 to index
          %get3A_597 = arith.index_cast %add3A_595 : i32 to index
          %get3A_598 = tpu.vector_load %arg6[%get3A_596, %get3A_597] {strides = array<i32>} : memref<8x2048xf32, #tpu.memory_space<vmem>>, vector<16xf32>,
          %add3A_599 = arith.constant 240 : i32
          %add3A_600 = arith.addi %mul3A_524, %add3A_599 : i32
          %get3A_601 = arith.index_cast %scan3A_511 : i32 to index
          %get3A_602 = arith.index_cast %add3A_600 : i32 to index
          %get3A_603 = tpu.vector_load %arg6[%get3A_601, %get3A_602] {strides = array<i32>} : memref<8x2048xf32, #tpu.memory_space<vmem>>, vector<16xf32>,
          %add3A_604 = arith.constant 256 : i32
          %add3A_605 = arith.addi %mul3A_524, %add3A_604 : i32
          %get3A_606 = arith.index_cast %scan3A_511 : i32 to index
          %get3A_607 = arith.index_cast %add3A_605 : i32 to index
          %get3A_608 = tpu.vector_load %arg6[%get3A_606, %get3A_607] {strides = array<i32>} : memref<8x2048xf32, #tpu.memory_space<vmem>>, vector<16xf32>,
          %add3A_609 = arith.constant 272 : i32
          %add3A_610 = arith.addi %mul3A_524, %add3A_609 : i32
          %get3A_611 = arith.index_cast %scan3A_511 : i32 to index
          %get3A_612 = arith.index_cast %add3A_610 : i32 to index
          %get3A_613 = tpu.vector_load %arg6[%get3A_611, %get3A_612] {strides = array<i32>} : memref<8x2048xf32, #tpu.memory_space<vmem>>, vector<16xf32>,
          %add3A_614 = arith.constant 288 : i32
          %add3A_615 = arith.addi %mul3A_524, %add3A_614 : i32
          %get3A_616 = arith.index_cast %scan3A_511 : i32 to index
          %get3A_617 = arith.index_cast %add3A_615 : i32 to index
          %get3A_618 = tpu.vector_load %arg6[%get3A_616, %get3A_617] {strides = array<i32>} : memref<8x2048xf32, #tpu.memory_space<vmem>>, vector<16xf32>,
          %add3A_619 = arith.constant 304 : i32
          %add3A_620 = arith.addi %mul3A_524, %add3A_619 : i32
          %get3A_621 = arith.index_cast %scan3A_511 : i32 to index
          %get3A_622 = arith.index_cast %add3A_620 : i32 to index
          %get3A_623 = tpu.vector_load %arg6[%get3A_621, %get3A_622] {strides = array<i32>} : memref<8x2048xf32, #tpu.memory_space<vmem>>, vector<16xf32>,
          %add3A_624 = arith.constant 320 : i32
          %add3A_625 = arith.addi %mul3A_524, %add3A_624 : i32
          %get3A_626 = arith.index_cast %scan3A_511 : i32 to index
          %get3A_627 = arith.index_cast %add3A_625 : i32 to index
          %get3A_628 = tpu.vector_load %arg6[%get3A_626, %get3A_627] {strides = array<i32>} : memref<8x2048xf32, #tpu.memory_space<vmem>>, vector<16xf32>,
          %add3A_629 = arith.constant 336 : i32
          %add3A_630 = arith.addi %mul3A_524, %add3A_629 : i32
          %get3A_631 = arith.index_cast %scan3A_511 : i32 to index
          %get3A_632 = arith.index_cast %add3A_630 : i32 to index
          %get3A_633 = tpu.vector_load %arg6[%get3A_631, %get3A_632] {strides = array<i32>} : memref<8x2048xf32, #tpu.memory_space<vmem>>, vector<16xf32>,
          %add3A_634 = arith.constant 352 : i32
          %add3A_635 = arith.addi %mul3A_524, %add3A_634 : i32
          %get3A_636 = arith.index_cast %scan3A_511 : i32 to index
          %get3A_637 = arith.index_cast %add3A_635 : i32 to index
          %get3A_638 = tpu.vector_load %arg6[%get3A_636, %get3A_637] {strides = array<i32>} : memref<8x2048xf32, #tpu.memory_space<vmem>>, vector<16xf32>,
          %add3A_639 = arith.constant 368 : i32
          %add3A_640 = arith.addi %mul3A_524, %add3A_639 : i32
          %get3A_641 = arith.index_cast %scan3A_511 : i32 to index
          %get3A_642 = arith.index_cast %add3A_640 : i32 to index
          %get3A_643 = tpu.vector_load %arg6[%get3A_641, %get3A_642] {strides = array<i32>} : memref<8x2048xf32, #tpu.memory_space<vmem>>, vector<16xf32>,
          %add3A_644 = arith.constant 384 : i32
          %add3A_645 = arith.addi %mul3A_524, %add3A_644 : i32
          %get3A_646 = arith.index_cast %scan3A_511 : i32 to index
          %get3A_647 = arith.index_cast %add3A_645 : i32 to index
          %get3A_648 = tpu.vector_load %arg6[%get3A_646, %get3A_647] {strides = array<i32>} : memref<8x2048xf32, #tpu.memory_space<vmem>>, vector<16xf32>,
          %add3A_649 = arith.constant 400 : i32
          %add3A_650 = arith.addi %mul3A_524, %add3A_649 : i32
          %get3A_651 = arith.index_cast %scan3A_511 : i32 to index
          %get3A_652 = arith.index_cast %add3A_650 : i32 to index
          %get3A_653 = tpu.vector_load %arg6[%get3A_651, %get3A_652] {strides = array<i32>} : memref<8x2048xf32, #tpu.memory_space<vmem>>, vector<16xf32>,
          %add3A_654 = arith.constant 416 : i32
          %add3A_655 = arith.addi %mul3A_524, %add3A_654 : i32
          %get3A_656 = arith.index_cast %scan3A_511 : i32 to index
          %get3A_657 = arith.index_cast %add3A_655 : i32 to index
          %get3A_658 = tpu.vector_load %arg6[%get3A_656, %get3A_657] {strides = array<i32>} : memref<8x2048xf32, #tpu.memory_space<vmem>>, vector<16xf32>,
          %add3A_659 = arith.constant 432 : i32
          %add3A_660 = arith.addi %mul3A_524, %add3A_659 : i32
          %get3A_661 = arith.index_cast %scan3A_511 : i32 to index
          %get3A_662 = arith.index_cast %add3A_660 : i32 to index
          %get3A_663 = tpu.vector_load %arg6[%get3A_661, %get3A_662] {strides = array<i32>} : memref<8x2048xf32, #tpu.memory_space<vmem>>, vector<16xf32>,
          %add3A_664 = arith.constant 448 : i32
          %add3A_665 = arith.addi %mul3A_524, %add3A_664 : i32
          %get3A_666 = arith.index_cast %scan3A_511 : i32 to index
          %get3A_667 = arith.index_cast %add3A_665 : i32 to index
          %get3A_668 = tpu.vector_load %arg6[%get3A_666, %get3A_667] {strides = array<i32>} : memref<8x2048xf32, #tpu.memory_space<vmem>>, vector<16xf32>,
          %add3A_669 = arith.constant 464 : i32
          %add3A_670 = arith.addi %mul3A_524, %add3A_669 : i32
          %get3A_671 = arith.index_cast %scan3A_511 : i32 to index
          %get3A_672 = arith.index_cast %add3A_670 : i32 to index
          %get3A_673 = tpu.vector_load %arg6[%get3A_671, %get3A_672] {strides = array<i32>} : memref<8x2048xf32, #tpu.memory_space<vmem>>, vector<16xf32>,
          %add3A_674 = arith.constant 480 : i32
          %add3A_675 = arith.addi %mul3A_524, %add3A_674 : i32
          %get3A_676 = arith.index_cast %scan3A_511 : i32 to index
          %get3A_677 = arith.index_cast %add3A_675 : i32 to index
          %get3A_678 = tpu.vector_load %arg6[%get3A_676, %get3A_677] {strides = array<i32>} : memref<8x2048xf32, #tpu.memory_space<vmem>>, vector<16xf32>,
          %add3A_679 = arith.constant 496 : i32
          %add3A_680 = arith.addi %mul3A_524, %add3A_679 : i32
          %get3A_681 = arith.index_cast %scan3A_511 : i32 to index
          %get3A_682 = arith.index_cast %add3A_680 : i32 to index
          %get3A_683 = tpu.vector_load %arg6[%get3A_681, %get3A_682] {strides = array<i32>} : memref<8x2048xf32, #tpu.memory_space<vmem>>, vector<16xf32>,
          %mul3A_684 = vector.broadcast %scan3A_32 : f32 to vector<16xf32>
          %mul3A_685 = arith.mulf %get3A_528, %mul3A_684 : vector<16xf32>
          %add3A_686 = arith.addf %mul3A_685, %add3A_17 : vector<16xf32>
          %max3A = arith.maximumf %add3A_686, %convert_element_type3A : vector<16xf32>
          %min3A = arith.minimumf %max3A, %add3A_20 : vector<16xf32>
          %convert_element_type3A_687 = arith.fptosi %min3A : vector<16xf32> to vector<16xi32>
          %mul3A_688 = vector.broadcast %scan3A_32 : f32 to vector<16xf32>
          %mul3A_689 = arith.mulf %get3A_533, %mul3A_688 : vector<16xf32>
          %add3A_690 = arith.addf %mul3A_689, %add3A_17 : vector<16xf32>
          %max3A_691 = arith.maximumf %add3A_690, %convert_element_type3A : vector<16xf32>
          %min3A_692 = arith.minimumf %max3A_691, %add3A_20 : vector<16xf32>
          %convert_element_type3A_693 = arith.fptosi %min3A_692 : vector<16xf32> to vector<16xi32>
          %mul3A_694 = vector.broadcast %scan3A_32 : f32 to vector<16xf32>
          %mul3A_695 = arith.mulf %get3A_538, %mul3A_694 : vector<16xf32>
          %add3A_696 = arith.addf %mul3A_695, %add3A_17 : vector<16xf32>
          %max3A_697 = arith.maximumf %add3A_696, %convert_element_type3A : vector<16xf32>
          %min3A_698 = arith.minimumf %max3A_697, %add3A_20 : vector<16xf32>
          %convert_element_type3A_699 = arith.fptosi %min3A_698 : vector<16xf32> to vector<16xi32>
          %mul3A_700 = vector.broadcast %scan3A_32 : f32 to vector<16xf32>
          %mul3A_701 = arith.mulf %get3A_543, %mul3A_700 : vector<16xf32>
          %add3A_702 = arith.addf %mul3A_701, %add3A_17 : vector<16xf32>
          %max3A_703 = arith.maximumf %add3A_702, %convert_element_type3A : vector<16xf32>
          %min3A_704 = arith.minimumf %max3A_703, %add3A_20 : vector<16xf32>
          %convert_element_type3A_705 = arith.fptosi %min3A_704 : vector<16xf32> to vector<16xi32>
          %mul3A_706 = vector.broadcast %scan3A_32 : f32 to vector<16xf32>
          %mul3A_707 = arith.mulf %get3A_548, %mul3A_706 : vector<16xf32>
          %add3A_708 = arith.addf %mul3A_707, %add3A_17 : vector<16xf32>
          %max3A_709 = arith.maximumf %add3A_708, %convert_element_type3A : vector<16xf32>
          %min3A_710 = arith.minimumf %max3A_709, %add3A_20 : vector<16xf32>
          %convert_element_type3A_711 = arith.fptosi %min3A_710 : vector<16xf32> to vector<16xi32>
          %mul3A_712 = vector.broadcast %scan3A_32 : f32 to vector<16xf32>
          %mul3A_713 = arith.mulf %get3A_553, %mul3A_712 : vector<16xf32>
          %add3A_714 = arith.addf %mul3A_713, %add3A_17 : vector<16xf32>
          %max3A_715 = arith.maximumf %add3A_714, %convert_element_type3A : vector<16xf32>
          %min3A_716 = arith.minimumf %max3A_715, %add3A_20 : vector<16xf32>
          %convert_element_type3A_717 = arith.fptosi %min3A_716 : vector<16xf32> to vector<16xi32>
          %mul3A_718 = vector.broadcast %scan3A_32 : f32 to vector<16xf32>
          %mul3A_719 = arith.mulf %get3A_558, %mul3A_718 : vector<16xf32>
          %add3A_720 = arith.addf %mul3A_719, %add3A_17 : vector<16xf32>
          %max3A_721 = arith.maximumf %add3A_720, %convert_element_type3A : vector<16xf32>
          %min3A_722 = arith.minimumf %max3A_721, %add3A_20 : vector<16xf32>
          %convert_element_type3A_723 = arith.fptosi %min3A_722 : vector<16xf32> to vector<16xi32>
          %mul3A_724 = vector.broadcast %scan3A_32 : f32 to vector<16xf32>
          %mul3A_725 = arith.mulf %get3A_563, %mul3A_724 : vector<16xf32>
          %add3A_726 = arith.addf %mul3A_725, %add3A_17 : vector<16xf32>
          %max3A_727 = arith.maximumf %add3A_726, %convert_element_type3A : vector<16xf32>
          %min3A_728 = arith.minimumf %max3A_727, %add3A_20 : vector<16xf32>
          %convert_element_type3A_729 = arith.fptosi %min3A_728 : vector<16xf32> to vector<16xi32>
          %mul3A_730 = vector.broadcast %scan3A_32 : f32 to vector<16xf32>
          %mul3A_731 = arith.mulf %get3A_568, %mul3A_730 : vector<16xf32>
          %add3A_732 = arith.addf %mul3A_731, %add3A_17 : vector<16xf32>
          %max3A_733 = arith.maximumf %add3A_732, %convert_element_type3A : vector<16xf32>
          %min3A_734 = arith.minimumf %max3A_733, %add3A_20 : vector<16xf32>
          %convert_element_type3A_735 = arith.fptosi %min3A_734 : vector<16xf32> to vector<16xi32>
          %mul3A_736 = vector.broadcast %scan3A_32 : f32 to vector<16xf32>
          %mul3A_737 = arith.mulf %get3A_573, %mul3A_736 : vector<16xf32>
          %add3A_738 = arith.addf %mul3A_737, %add3A_17 : vector<16xf32>
          %max3A_739 = arith.maximumf %add3A_738, %convert_element_type3A : vector<16xf32>
          %min3A_740 = arith.minimumf %max3A_739, %add3A_20 : vector<16xf32>
          %convert_element_type3A_741 = arith.fptosi %min3A_740 : vector<16xf32> to vector<16xi32>
          %mul3A_742 = vector.broadcast %scan3A_32 : f32 to vector<16xf32>
          %mul3A_743 = arith.mulf %get3A_578, %mul3A_742 : vector<16xf32>
          %add3A_744 = arith.addf %mul3A_743, %add3A_17 : vector<16xf32>
          %max3A_745 = arith.maximumf %add3A_744, %convert_element_type3A : vector<16xf32>
          %min3A_746 = arith.minimumf %max3A_745, %add3A_20 : vector<16xf32>
          %convert_element_type3A_747 = arith.fptosi %min3A_746 : vector<16xf32> to vector<16xi32>
          %mul3A_748 = vector.broadcast %scan3A_32 : f32 to vector<16xf32>
          %mul3A_749 = arith.mulf %get3A_583, %mul3A_748 : vector<16xf32>
          %add3A_750 = arith.addf %mul3A_749, %add3A_17 : vector<16xf32>
          %max3A_751 = arith.maximumf %add3A_750, %convert_element_type3A : vector<16xf32>
          %min3A_752 = arith.minimumf %max3A_751, %add3A_20 : vector<16xf32>
          %convert_element_type3A_753 = arith.fptosi %min3A_752 : vector<16xf32> to vector<16xi32>
          %mul3A_754 = vector.broadcast %scan3A_32 : f32 to vector<16xf32>
          %mul3A_755 = arith.mulf %get3A_588, %mul3A_754 : vector<16xf32>
          %add3A_756 = arith.addf %mul3A_755, %add3A_17 : vector<16xf32>
          %max3A_757 = arith.maximumf %add3A_756, %convert_element_type3A : vector<16xf32>
          %min3A_758 = arith.minimumf %max3A_757, %add3A_20 : vector<16xf32>
          %convert_element_type3A_759 = arith.fptosi %min3A_758 : vector<16xf32> to vector<16xi32>
          %mul3A_760 = vector.broadcast %scan3A_32 : f32 to vector<16xf32>
          %mul3A_761 = arith.mulf %get3A_593, %mul3A_760 : vector<16xf32>
          %add3A_762 = arith.addf %mul3A_761, %add3A_17 : vector<16xf32>
          %max3A_763 = arith.maximumf %add3A_762, %convert_element_type3A : vector<16xf32>
          %min3A_764 = arith.minimumf %max3A_763, %add3A_20 : vector<16xf32>
          %convert_element_type3A_765 = arith.fptosi %min3A_764 : vector<16xf32> to vector<16xi32>
          %mul3A_766 = vector.broadcast %scan3A_32 : f32 to vector<16xf32>
          %mul3A_767 = arith.mulf %get3A_598, %mul3A_766 : vector<16xf32>
          %add3A_768 = arith.addf %mul3A_767, %add3A_17 : vector<16xf32>
          %max3A_769 = arith.maximumf %add3A_768, %convert_element_type3A : vector<16xf32>
          %min3A_770 = arith.minimumf %max3A_769, %add3A_20 : vector<16xf32>
          %convert_element_type3A_771 = arith.fptosi %min3A_770 : vector<16xf32> to vector<16xi32>
          %mul3A_772 = vector.broadcast %scan3A_32 : f32 to vector<16xf32>
          %mul3A_773 = arith.mulf %get3A_603, %mul3A_772 : vector<16xf32>
          %add3A_774 = arith.addf %mul3A_773, %add3A_17 : vector<16xf32>
          %max3A_775 = arith.maximumf %add3A_774, %convert_element_type3A : vector<16xf32>
          %min3A_776 = arith.minimumf %max3A_775, %add3A_20 : vector<16xf32>
          %convert_element_type3A_777 = arith.fptosi %min3A_776 : vector<16xf32> to vector<16xi32>
          %mul3A_778 = vector.broadcast %scan3A_32 : f32 to vector<16xf32>
          %mul3A_779 = arith.mulf %get3A_608, %mul3A_778 : vector<16xf32>
          %add3A_780 = arith.addf %mul3A_779, %add3A_17 : vector<16xf32>
          %max3A_781 = arith.maximumf %add3A_780, %convert_element_type3A : vector<16xf32>
          %min3A_782 = arith.minimumf %max3A_781, %add3A_20 : vector<16xf32>
          %convert_element_type3A_783 = arith.fptosi %min3A_782 : vector<16xf32> to vector<16xi32>
          %mul3A_784 = vector.broadcast %scan3A_32 : f32 to vector<16xf32>
          %mul3A_785 = arith.mulf %get3A_613, %mul3A_784 : vector<16xf32>
          %add3A_786 = arith.addf %mul3A_785, %add3A_17 : vector<16xf32>
          %max3A_787 = arith.maximumf %add3A_786, %convert_element_type3A : vector<16xf32>
          %min3A_788 = arith.minimumf %max3A_787, %add3A_20 : vector<16xf32>
          %convert_element_type3A_789 = arith.fptosi %min3A_788 : vector<16xf32> to vector<16xi32>
          %mul3A_790 = vector.broadcast %scan3A_32 : f32 to vector<16xf32>
          %mul3A_791 = arith.mulf %get3A_618, %mul3A_790 : vector<16xf32>
          %add3A_792 = arith.addf %mul3A_791, %add3A_17 : vector<16xf32>
          %max3A_793 = arith.maximumf %add3A_792, %convert_element_type3A : vector<16xf32>
          %min3A_794 = arith.minimumf %max3A_793, %add3A_20 : vector<16xf32>
          %convert_element_type3A_795 = arith.fptosi %min3A_794 : vector<16xf32> to vector<16xi32>
          %mul3A_796 = vector.broadcast %scan3A_32 : f32 to vector<16xf32>
          %mul3A_797 = arith.mulf %get3A_623, %mul3A_796 : vector<16xf32>
          %add3A_798 = arith.addf %mul3A_797, %add3A_17 : vector<16xf32>
          %max3A_799 = arith.maximumf %add3A_798, %convert_element_type3A : vector<16xf32>
          %min3A_800 = arith.minimumf %max3A_799, %add3A_20 : vector<16xf32>
          %convert_element_type3A_801 = arith.fptosi %min3A_800 : vector<16xf32> to vector<16xi32>
          %mul3A_802 = vector.broadcast %scan3A_32 : f32 to vector<16xf32>
          %mul3A_803 = arith.mulf %get3A_628, %mul3A_802 : vector<16xf32>
          %add3A_804 = arith.addf %mul3A_803, %add3A_17 : vector<16xf32>
          %max3A_805 = arith.maximumf %add3A_804, %convert_element_type3A : vector<16xf32>
          %min3A_806 = arith.minimumf %max3A_805, %add3A_20 : vector<16xf32>
          %convert_element_type3A_807 = arith.fptosi %min3A_806 : vector<16xf32> to vector<16xi32>
          %mul3A_808 = vector.broadcast %scan3A_32 : f32 to vector<16xf32>
          %mul3A_809 = arith.mulf %get3A_633, %mul3A_808 : vector<16xf32>
          %add3A_810 = arith.addf %mul3A_809, %add3A_17 : vector<16xf32>
          %max3A_811 = arith.maximumf %add3A_810, %convert_element_type3A : vector<16xf32>
          %min3A_812 = arith.minimumf %max3A_811, %add3A_20 : vector<16xf32>
          %convert_element_type3A_813 = arith.fptosi %min3A_812 : vector<16xf32> to vector<16xi32>
          %mul3A_814 = vector.broadcast %scan3A_32 : f32 to vector<16xf32>
          %mul3A_815 = arith.mulf %get3A_638, %mul3A_814 : vector<16xf32>
          %add3A_816 = arith.addf %mul3A_815, %add3A_17 : vector<16xf32>
          %max3A_817 = arith.maximumf %add3A_816, %convert_element_type3A : vector<16xf32>
          %min3A_818 = arith.minimumf %max3A_817, %add3A_20 : vector<16xf32>
          %convert_element_type3A_819 = arith.fptosi %min3A_818 : vector<16xf32> to vector<16xi32>
          %mul3A_820 = vector.broadcast %scan3A_32 : f32 to vector<16xf32>
          %mul3A_821 = arith.mulf %get3A_643, %mul3A_820 : vector<16xf32>
          %add3A_822 = arith.addf %mul3A_821, %add3A_17 : vector<16xf32>
          %max3A_823 = arith.maximumf %add3A_822, %convert_element_type3A : vector<16xf32>
          %min3A_824 = arith.minimumf %max3A_823, %add3A_20 : vector<16xf32>
          %convert_element_type3A_825 = arith.fptosi %min3A_824 : vector<16xf32> to vector<16xi32>
          %mul3A_826 = vector.broadcast %scan3A_32 : f32 to vector<16xf32>
          %mul3A_827 = arith.mulf %get3A_648, %mul3A_826 : vector<16xf32>
          %add3A_828 = arith.addf %mul3A_827, %add3A_17 : vector<16xf32>
          %max3A_829 = arith.maximumf %add3A_828, %convert_element_type3A : vector<16xf32>
          %min3A_830 = arith.minimumf %max3A_829, %add3A_20 : vector<16xf32>
          %convert_element_type3A_831 = arith.fptosi %min3A_830 : vector<16xf32> to vector<16xi32>
          %mul3A_832 = vector.broadcast %scan3A_32 : f32 to vector<16xf32>
          %mul3A_833 = arith.mulf %get3A_653, %mul3A_832 : vector<16xf32>
          %add3A_834 = arith.addf %mul3A_833, %add3A_17 : vector<16xf32>
          %max3A_835 = arith.maximumf %add3A_834, %convert_element_type3A : vector<16xf32>
          %min3A_836 = arith.minimumf %max3A_835, %add3A_20 : vector<16xf32>
          %convert_element_type3A_837 = arith.fptosi %min3A_836 : vector<16xf32> to vector<16xi32>
          %mul3A_838 = vector.broadcast %scan3A_32 : f32 to vector<16xf32>
          %mul3A_839 = arith.mulf %get3A_658, %mul3A_838 : vector<16xf32>
          %add3A_840 = arith.addf %mul3A_839, %add3A_17 : vector<16xf32>
          %max3A_841 = arith.maximumf %add3A_840, %convert_element_type3A : vector<16xf32>
          %min3A_842 = arith.minimumf %max3A_841, %add3A_20 : vector<16xf32>
          %convert_element_type3A_843 = arith.fptosi %min3A_842 : vector<16xf32> to vector<16xi32>
          %mul3A_844 = vector.broadcast %scan3A_32 : f32 to vector<16xf32>
          %mul3A_845 = arith.mulf %get3A_663, %mul3A_844 : vector<16xf32>
          %add3A_846 = arith.addf %mul3A_845, %add3A_17 : vector<16xf32>
          %max3A_847 = arith.maximumf %add3A_846, %convert_element_type3A : vector<16xf32>
          %min3A_848 = arith.minimumf %max3A_847, %add3A_20 : vector<16xf32>
          %convert_element_type3A_849 = arith.fptosi %min3A_848 : vector<16xf32> to vector<16xi32>
          %mul3A_850 = vector.broadcast %scan3A_32 : f32 to vector<16xf32>
          %mul3A_851 = arith.mulf %get3A_668, %mul3A_850 : vector<16xf32>
          %add3A_852 = arith.addf %mul3A_851, %add3A_17 : vector<16xf32>
          %max3A_853 = arith.maximumf %add3A_852, %convert_element_type3A : vector<16xf32>
          %min3A_854 = arith.minimumf %max3A_853, %add3A_20 : vector<16xf32>
          %convert_element_type3A_855 = arith.fptosi %min3A_854 : vector<16xf32> to vector<16xi32>
          %mul3A_856 = vector.broadcast %scan3A_32 : f32 to vector<16xf32>
          %mul3A_857 = arith.mulf %get3A_673, %mul3A_856 : vector<16xf32>
          %add3A_858 = arith.addf %mul3A_857, %add3A_17 : vector<16xf32>
          %max3A_859 = arith.maximumf %add3A_858, %convert_element_type3A : vector<16xf32>
          %min3A_860 = arith.minimumf %max3A_859, %add3A_20 : vector<16xf32>
          %convert_element_type3A_861 = arith.fptosi %min3A_860 : vector<16xf32> to vector<16xi32>
          %mul3A_862 = vector.broadcast %scan3A_32 : f32 to vector<16xf32>
          %mul3A_863 = arith.mulf %get3A_678, %mul3A_862 : vector<16xf32>
          %add3A_864 = arith.addf %mul3A_863, %add3A_17 : vector<16xf32>
          %max3A_865 = arith.maximumf %add3A_864, %convert_element_type3A : vector<16xf32>
          %min3A_866 = arith.minimumf %max3A_865, %add3A_20 : vector<16xf32>
          %convert_element_type3A_867 = arith.fptosi %min3A_866 : vector<16xf32> to vector<16xi32>
          %mul3A_868 = vector.broadcast %scan3A_32 : f32 to vector<16xf32>
          %mul3A_869 = arith.mulf %get3A_683, %mul3A_868 : vector<16xf32>
          %add3A_870 = arith.addf %mul3A_869, %add3A_17 : vector<16xf32>
          %max3A_871 = arith.maximumf %add3A_870, %convert_element_type3A : vector<16xf32>
          %min3A_872 = arith.minimumf %max3A_871, %add3A_20 : vector<16xf32>
          %convert_element_type3A_873 = arith.fptosi %min3A_872 : vector<16xf32> to vector<16xi32>
          tpu.vector_store_idx %arg9[%convert_element_type3A_687], %broadcast_in_dim3A_14 {add = true} : memref<4096xi32, #tpu.memory_space<vmem>>[vector<16xi32>], vector<16xi32>,
          tpu.vector_store_idx %arg9[%convert_element_type3A_693], %broadcast_in_dim3A_14 {add = true} : memref<4096xi32, #tpu.memory_space<vmem>>[vector<16xi32>], vector<16xi32>,
          tpu.vector_store_idx %arg9[%convert_element_type3A_699], %broadcast_in_dim3A_14 {add = true} : memref<4096xi32, #tpu.memory_space<vmem>>[vector<16xi32>], vector<16xi32>,
          tpu.vector_store_idx %arg9[%convert_element_type3A_705], %broadcast_in_dim3A_14 {add = true} : memref<4096xi32, #tpu.memory_space<vmem>>[vector<16xi32>], vector<16xi32>,
          tpu.vector_store_idx %arg9[%convert_element_type3A_711], %broadcast_in_dim3A_14 {add = true} : memref<4096xi32, #tpu.memory_space<vmem>>[vector<16xi32>], vector<16xi32>,
          tpu.vector_store_idx %arg9[%convert_element_type3A_717], %broadcast_in_dim3A_14 {add = true} : memref<4096xi32, #tpu.memory_space<vmem>>[vector<16xi32>], vector<16xi32>,
          tpu.vector_store_idx %arg9[%convert_element_type3A_723], %broadcast_in_dim3A_14 {add = true} : memref<4096xi32, #tpu.memory_space<vmem>>[vector<16xi32>], vector<16xi32>,
          tpu.vector_store_idx %arg9[%convert_element_type3A_729], %broadcast_in_dim3A_14 {add = true} : memref<4096xi32, #tpu.memory_space<vmem>>[vector<16xi32>], vector<16xi32>,
          tpu.vector_store_idx %arg9[%convert_element_type3A_735], %broadcast_in_dim3A_14 {add = true} : memref<4096xi32, #tpu.memory_space<vmem>>[vector<16xi32>], vector<16xi32>,
          tpu.vector_store_idx %arg9[%convert_element_type3A_741], %broadcast_in_dim3A_14 {add = true} : memref<4096xi32, #tpu.memory_space<vmem>>[vector<16xi32>], vector<16xi32>,
          tpu.vector_store_idx %arg9[%convert_element_type3A_747], %broadcast_in_dim3A_14 {add = true} : memref<4096xi32, #tpu.memory_space<vmem>>[vector<16xi32>], vector<16xi32>,
          tpu.vector_store_idx %arg9[%convert_element_type3A_753], %broadcast_in_dim3A_14 {add = true} : memref<4096xi32, #tpu.memory_space<vmem>>[vector<16xi32>], vector<16xi32>,
          tpu.vector_store_idx %arg9[%convert_element_type3A_759], %broadcast_in_dim3A_14 {add = true} : memref<4096xi32, #tpu.memory_space<vmem>>[vector<16xi32>], vector<16xi32>,
          tpu.vector_store_idx %arg9[%convert_element_type3A_765], %broadcast_in_dim3A_14 {add = true} : memref<4096xi32, #tpu.memory_space<vmem>>[vector<16xi32>], vector<16xi32>,
          tpu.vector_store_idx %arg9[%convert_element_type3A_771], %broadcast_in_dim3A_14 {add = true} : memref<4096xi32, #tpu.memory_space<vmem>>[vector<16xi32>], vector<16xi32>,
          tpu.vector_store_idx %arg9[%convert_element_type3A_777], %broadcast_in_dim3A_14 {add = true} : memref<4096xi32, #tpu.memory_space<vmem>>[vector<16xi32>], vector<16xi32>,
          tpu.vector_store_idx %arg9[%convert_element_type3A_783], %broadcast_in_dim3A_14 {add = true} : memref<4096xi32, #tpu.memory_space<vmem>>[vector<16xi32>], vector<16xi32>,
          tpu.vector_store_idx %arg9[%convert_element_type3A_789], %broadcast_in_dim3A_14 {add = true} : memref<4096xi32, #tpu.memory_space<vmem>>[vector<16xi32>], vector<16xi32>,
          tpu.vector_store_idx %arg9[%convert_element_type3A_795], %broadcast_in_dim3A_14 {add = true} : memref<4096xi32, #tpu.memory_space<vmem>>[vector<16xi32>], vector<16xi32>,
          tpu.vector_store_idx %arg9[%convert_element_type3A_801], %broadcast_in_dim3A_14 {add = true} : memref<4096xi32, #tpu.memory_space<vmem>>[vector<16xi32>], vector<16xi32>,
          tpu.vector_store_idx %arg9[%convert_element_type3A_807], %broadcast_in_dim3A_14 {add = true} : memref<4096xi32, #tpu.memory_space<vmem>>[vector<16xi32>], vector<16xi32>,
          tpu.vector_store_idx %arg9[%convert_element_type3A_813], %broadcast_in_dim3A_14 {add = true} : memref<4096xi32, #tpu.memory_space<vmem>>[vector<16xi32>], vector<16xi32>,
          tpu.vector_store_idx %arg9[%convert_element_type3A_819], %broadcast_in_dim3A_14 {add = true} : memref<4096xi32, #tpu.memory_space<vmem>>[vector<16xi32>], vector<16xi32>,
          tpu.vector_store_idx %arg9[%convert_element_type3A_825], %broadcast_in_dim3A_14 {add = true} : memref<4096xi32, #tpu.memory_space<vmem>>[vector<16xi32>], vector<16xi32>,
          tpu.vector_store_idx %arg9[%convert_element_type3A_831], %broadcast_in_dim3A_14 {add = true} : memref<4096xi32, #tpu.memory_space<vmem>>[vector<16xi32>], vector<16xi32>,
          tpu.vector_store_idx %arg9[%convert_element_type3A_837], %broadcast_in_dim3A_14 {add = true} : memref<4096xi32, #tpu.memory_space<vmem>>[vector<16xi32>], vector<16xi32>,
          tpu.vector_store_idx %arg9[%convert_element_type3A_843], %broadcast_in_dim3A_14 {add = true} : memref<4096xi32, #tpu.memory_space<vmem>>[vector<16xi32>], vector<16xi32>,
          tpu.vector_store_idx %arg9[%convert_element_type3A_849], %broadcast_in_dim3A_14 {add = true} : memref<4096xi32, #tpu.memory_space<vmem>>[vector<16xi32>], vector<16xi32>,
          tpu.vector_store_idx %arg9[%convert_element_type3A_855], %broadcast_in_dim3A_14 {add = true} : memref<4096xi32, #tpu.memory_space<vmem>>[vector<16xi32>], vector<16xi32>,
          tpu.vector_store_idx %arg9[%convert_element_type3A_861], %broadcast_in_dim3A_14 {add = true} : memref<4096xi32, #tpu.memory_space<vmem>>[vector<16xi32>], vector<16xi32>,
          tpu.vector_store_idx %arg9[%convert_element_type3A_867], %broadcast_in_dim3A_14 {add = true} : memref<4096xi32, #tpu.memory_space<vmem>>[vector<16xi32>], vector<16xi32>,
          tpu.vector_store_idx %arg9[%convert_element_type3A_873], %broadcast_in_dim3A_14 {add = true} : memref<4096xi32, #tpu.memory_space<vmem>>[vector<16xi32>], vector<16xi32>,
          %scan3A_874 = arith.constant 0 : i32
          scf.yield %scan3A_874 : i32
        }
        %scan3A_519 = arith.constant 4 : i32
        %scan3A_520 = arith.constant 0 : i32
        scf.yield %scan3A_520 : i32
      }
      %scan3A_232 = arith.constant 8 : i32
      %jit3A_233 = arith.constant 4 : i32
      %div3A_234 = arith.divsi %add3A_166, %jit3A_233 : i32
      %sign3A_235 = arith.constant 0 : i32
      %sign3A_236 = arith.cmpi sgt, %add3A_166, %sign3A_235 : i32
      %sign3A_237 = arith.extui %sign3A_236 : i1 to i32
      %sign3A_238 = arith.constant 0 : i32
      %sign3A_239 = arith.cmpi slt, %add3A_166, %sign3A_238 : i32
      %sign3A_240 = arith.extui %sign3A_239 : i1 to i32
      %sign3A_241 = arith.subi %sign3A_237, %sign3A_240 : i32
      %sign3A_242 = arith.constant 0 : i32
      %sign3A_243 = arith.cmpi sgt, %jit3A_233, %sign3A_242 : i32
      %sign3A_244 = arith.extui %sign3A_243 : i1 to i32
      %sign3A_245 = arith.constant 0 : i32
      %sign3A_246 = arith.cmpi slt, %jit3A_233, %sign3A_245 : i32
      %sign3A_247 = arith.extui %sign3A_246 : i1 to i32
      %sign3A_248 = arith.subi %sign3A_244, %sign3A_247 : i32
      %ne3A_249 = arith.cmpi ne, %sign3A_241, %sign3A_248 : i32
      %rem3A_250 = arith.remsi %add3A_166, %jit3A_233 : i32
      %ne3A_251 = arith.constant 0 : i32
      %ne3A_252 = arith.cmpi ne, %rem3A_250, %ne3A_251 : i32
      %and3A_253 = arith.andi %ne3A_249, %ne3A_252 : i1
      %sub3A_254 = arith.constant 1 : i32
      %sub3A_255 = arith.subi %div3A_234, %sub3A_254 : i32
      %select_n3A_256 = arith.select %and3A_253, %sub3A_255, %div3A_234 : i32
      %jit3A_257 = arith.constant 4 : i32
      %eq3A_258 = arith.constant 0 : i32
      %eq3A_259 = arith.cmpi eq, %jit3A_257, %eq3A_258 : i32
      %jit3A_260 = arith.constant 1 : i32
      %select_n3A_261 = arith.select %eq3A_259, %jit3A_260, %jit3A_257 : i32
      %rem3A_262 = arith.remsi %add3A_166, %select_n3A_261 : i32
      %ne3A_263 = arith.constant 0 : i32
      %ne3A_264 = arith.cmpi ne, %rem3A_262, %ne3A_263 : i32
      %lt3A_265 = arith.constant 0 : i32
      %lt3A_266 = arith.cmpi slt, %rem3A_262, %lt3A_265 : i32
      %lt3A_267 = arith.constant 0 : i32
      %lt3A_268 = arith.cmpi slt, %select_n3A_261, %lt3A_267 : i32
      %ne3A_269 = arith.xori %lt3A_266, %lt3A_268 : i1
      %and3A_270 = arith.andi %ne3A_269, %ne3A_264 : i1
      %add3A_271 = arith.addi %rem3A_262, %select_n3A_261 : i32
      %select_n3A_272 = arith.select %and3A_270, %add3A_271, %rem3A_262 : i32
      %mul3A_273 = arith.constant 8 : i32
      %mul3A_274 = arith.muli %select_n3A_256, %mul3A_273 : i32
      %add3A_275 = arith.addi %mul3A_2, %mul3A_274 : i32
      %mul3A_276 = arith.constant 2048 : i32
      %mul3A_277 = arith.muli %select_n3A_272, %mul3A_276 : i32
      %dma_start3A_278 = tpu.memref_slice %arg4[%add3A_275, %mul3A_277] : memref<4096x8192xf32, #tpu.memory_space<hbm>> -> memref<8x2048xf32, #tpu.memory_space<hbm>>
      %dma_start3A_279 = tpu.memref_slice %arg4[%add3A_275, %mul3A_277] : memref<4096x8192xf32, #tpu.memory_space<hbm>> -> memref<8x2048xf32, #tpu.memory_space<hbm>>
      tpu.enqueue_dma source(%arg6 : memref<8x2048xf32, #tpu.memory_space<vmem>>) target(%dma_start3A_279 : memref<8x2048xf32, #tpu.memory_space<hbm>>) target_semaphore(%arg16 : memref<!tpu.dma_semaphore, #tpu.memory_space<semaphore_mem>>)
      %add3A_280 = arith.constant 2 : i32
      %add3A_281 = arith.addi %mul3A_61, %add3A_280 : i32
      %jit3A_282 = arith.constant 4 : i32
      %div3A_283 = arith.divsi %add3A_281, %jit3A_282 : i32
      %sign3A_284 = arith.constant 0 : i32
      %sign3A_285 = arith.cmpi sgt, %add3A_281, %sign3A_284 : i32
      %sign3A_286 = arith.extui %sign3A_285 : i1 to i32
      %sign3A_287 = arith.constant 0 : i32
      %sign3A_288 = arith.cmpi slt, %add3A_281, %sign3A_287 : i32
      %sign3A_289 = arith.extui %sign3A_288 : i1 to i32
      %sign3A_290 = arith.subi %sign3A_286, %sign3A_289 : i32
      %sign3A_291 = arith.constant 0 : i32
      %sign3A_292 = arith.cmpi sgt, %jit3A_282, %sign3A_291 : i32
      %sign3A_293 = arith.extui %sign3A_292 : i1 to i32
      %sign3A_294 = arith.constant 0 : i32
      %sign3A_295 = arith.cmpi slt, %jit3A_282, %sign3A_294 : i32
      %sign3A_296 = arith.extui %sign3A_295 : i1 to i32
      %sign3A_297 = arith.subi %sign3A_293, %sign3A_296 : i32
      %ne3A_298 = arith.cmpi ne, %sign3A_290, %sign3A_297 : i32
      %rem3A_299 = arith.remsi %add3A_281, %jit3A_282 : i32
      %ne3A_300 = arith.constant 0 : i32
      %ne3A_301 = arith.cmpi ne, %rem3A_299, %ne3A_300 : i32
      %and3A_302 = arith.andi %ne3A_298, %ne3A_301 : i1
      %sub3A_303 = arith.constant 1 : i32
      %sub3A_304 = arith.subi %div3A_283, %sub3A_303 : i32
      %select_n3A_305 = arith.select %and3A_302, %sub3A_304, %div3A_283 : i32
      %jit3A_306 = arith.constant 4 : i32
      %eq3A_307 = arith.constant 0 : i32
      %eq3A_308 = arith.cmpi eq, %jit3A_306, %eq3A_307 : i32
      %jit3A_309 = arith.constant 1 : i32
      %select_n3A_310 = arith.select %eq3A_308, %jit3A_309, %jit3A_306 : i32
      %rem3A_311 = arith.remsi %add3A_281, %select_n3A_310 : i32
      %ne3A_312 = arith.constant 0 : i32
      %ne3A_313 = arith.cmpi ne, %rem3A_311, %ne3A_312 : i32
      %lt3A_314 = arith.constant 0 : i32
      %lt3A_315 = arith.cmpi slt, %rem3A_311, %lt3A_314 : i32
      %lt3A_316 = arith.constant 0 : i32
      %lt3A_317 = arith.cmpi slt, %select_n3A_310, %lt3A_316 : i32
      %ne3A_318 = arith.xori %lt3A_315, %lt3A_317 : i1
      %and3A_319 = arith.andi %ne3A_318, %ne3A_313 : i1
      %add3A_320 = arith.addi %rem3A_311, %select_n3A_310 : i32
      %select_n3A_321 = arith.select %and3A_319, %add3A_320, %rem3A_311 : i32
      %mul3A_322 = arith.constant 8 : i32
      %mul3A_323 = arith.muli %select_n3A_305, %mul3A_322 : i32
      %add3A_324 = arith.addi %mul3A_2, %mul3A_323 : i32
      %mul3A_325 = arith.constant 2048 : i32
      %mul3A_326 = arith.muli %select_n3A_321, %mul3A_325 : i32
      %dma_wait3A_327 = tpu.memref_slice %arg2[%add3A_324, %mul3A_326] : memref<4096x8192xf32, #tpu.memory_space<hbm>> -> memref<8x2048xf32, #tpu.memory_space<hbm>>
      %dma_wait3A_328 = tpu.memref_slice %arg2[%add3A_324, %mul3A_326] : memref<4096x8192xf32, #tpu.memory_space<hbm>> -> memref<8x2048xf32, #tpu.memory_space<hbm>>
      tpu.wait_dma2 semaphore(%arg13 : memref<!tpu.dma_semaphore, #tpu.memory_space<semaphore_mem>>) src(%dma_wait3A_328 : memref<8x2048xf32, #tpu.memory_space<hbm>>) dst(%arg7 : memref<8x2048xf32, #tpu.memory_space<vmem>>)
      %ge3A_329 = arith.constant 2 : i32
      %ge3A_330 = arith.cmpi sge, %add3A_281, %ge3A_329 : i32
      %convert_element_type3A_331 = arith.extui %ge3A_330 : i1 to i32
      %cond3A_332 = arith.constant 0 : i32
      %cond3A_333 = arith.cmpi ne, %convert_element_type3A_331, %cond3A_332 : i32
      scf.if %cond3A_333 {
        %sub3A_511 = arith.constant 2 : i32
        %sub3A_512 = arith.subi %add3A_281, %sub3A_511 : i32
        %jit3A_513 = arith.constant 4 : i32
        %div3A_514 = arith.divsi %sub3A_512, %jit3A_513 : i32
        %sign3A_515 = arith.constant 0 : i32
        %sign3A_516 = arith.cmpi sgt, %sub3A_512, %sign3A_515 : i32
        %sign3A_517 = arith.extui %sign3A_516 : i1 to i32
        %sign3A_518 = arith.constant 0 : i32
        %sign3A_519 = arith.cmpi slt, %sub3A_512, %sign3A_518 : i32
        %sign3A_520 = arith.extui %sign3A_519 : i1 to i32
        %sign3A_521 = arith.subi %sign3A_517, %sign3A_520 : i32
        %sign3A_522 = arith.constant 0 : i32
        %sign3A_523 = arith.cmpi sgt, %jit3A_513, %sign3A_522 : i32
        %sign3A_524 = arith.extui %sign3A_523 : i1 to i32
        %sign3A_525 = arith.constant 0 : i32
        %sign3A_526 = arith.cmpi slt, %jit3A_513, %sign3A_525 : i32
        %sign3A_527 = arith.extui %sign3A_526 : i1 to i32
        %sign3A_528 = arith.subi %sign3A_524, %sign3A_527 : i32
        %ne3A_529 = arith.cmpi ne, %sign3A_521, %sign3A_528 : i32
        %rem3A_530 = arith.remsi %sub3A_512, %jit3A_513 : i32
        %ne3A_531 = arith.constant 0 : i32
        %ne3A_532 = arith.cmpi ne, %rem3A_530, %ne3A_531 : i32
        %and3A_533 = arith.andi %ne3A_529, %ne3A_532 : i1
        %sub3A_534 = arith.constant 1 : i32
        %sub3A_535 = arith.subi %div3A_514, %sub3A_534 : i32
        %select_n3A_536 = arith.select %and3A_533, %sub3A_535, %div3A_514 : i32
        %jit3A_537 = arith.constant 4 : i32
        %eq3A_538 = arith.constant 0 : i32
        %eq3A_539 = arith.cmpi eq, %jit3A_537, %eq3A_538 : i32
        %jit3A_540 = arith.constant 1 : i32
        %select_n3A_541 = arith.select %eq3A_539, %jit3A_540, %jit3A_537 : i32
        %rem3A_542 = arith.remsi %sub3A_512, %select_n3A_541 : i32
        %ne3A_543 = arith.constant 0 : i32
        %ne3A_544 = arith.cmpi ne, %rem3A_542, %ne3A_543 : i32
        %lt3A_545 = arith.constant 0 : i32
        %lt3A_546 = arith.cmpi slt, %rem3A_542, %lt3A_545 : i32
        %lt3A_547 = arith.constant 0 : i32
        %lt3A_548 = arith.cmpi slt, %select_n3A_541, %lt3A_547 : i32
        %ne3A_549 = arith.xori %lt3A_546, %lt3A_548 : i1
        %and3A_550 = arith.andi %ne3A_549, %ne3A_544 : i1
        %add3A_551 = arith.addi %rem3A_542, %select_n3A_541 : i32
        %select_n3A_552 = arith.select %and3A_550, %add3A_551, %rem3A_542 : i32
        %mul3A_553 = arith.constant 8 : i32
        %mul3A_554 = arith.muli %select_n3A_536, %mul3A_553 : i32
        %add3A_555 = arith.addi %mul3A_2, %mul3A_554 : i32
        %mul3A_556 = arith.constant 2048 : i32
        %mul3A_557 = arith.muli %select_n3A_552, %mul3A_556 : i32
        %dma_wait3A_558 = tpu.memref_slice %arg4[%add3A_555, %mul3A_557] : memref<4096x8192xf32, #tpu.memory_space<hbm>> -> memref<8x2048xf32, #tpu.memory_space<hbm>>
        %dma_wait3A_559 = tpu.memref_slice %arg4[%add3A_555, %mul3A_557] : memref<4096x8192xf32, #tpu.memory_space<hbm>> -> memref<8x2048xf32, #tpu.memory_space<hbm>>
        tpu.wait_dma2 semaphore(%arg15 : memref<!tpu.dma_semaphore, #tpu.memory_space<semaphore_mem>>) src(%arg5 : memref<8x2048xf32, #tpu.memory_space<vmem>>) dst(%dma_wait3A_559 : memref<8x2048xf32, #tpu.memory_space<hbm>>)
      } else {
      }
      %add3A_334 = arith.constant 2 : i32
      %add3A_335 = arith.addi %add3A_281, %add3A_334 : i32
      %lt3A_336 = arith.constant 64 : i32
      %lt3A_337 = arith.cmpi slt, %add3A_335, %lt3A_336 : i32
      %convert_element_type3A_338 = arith.extui %lt3A_337 : i1 to i32
      %cond3A_339 = arith.constant 0 : i32
      %cond3A_340 = arith.cmpi ne, %convert_element_type3A_338, %cond3A_339 : i32
      scf.if %cond3A_340 {
        %add3A_511 = arith.constant 2 : i32
        %add3A_512 = arith.addi %add3A_281, %add3A_511 : i32
        %jit3A_513 = arith.constant 4 : i32
        %div3A_514 = arith.divsi %add3A_512, %jit3A_513 : i32
        %sign3A_515 = arith.constant 0 : i32
        %sign3A_516 = arith.cmpi sgt, %add3A_512, %sign3A_515 : i32
        %sign3A_517 = arith.extui %sign3A_516 : i1 to i32
        %sign3A_518 = arith.constant 0 : i32
        %sign3A_519 = arith.cmpi slt, %add3A_512, %sign3A_518 : i32
        %sign3A_520 = arith.extui %sign3A_519 : i1 to i32
        %sign3A_521 = arith.subi %sign3A_517, %sign3A_520 : i32
        %sign3A_522 = arith.constant 0 : i32
        %sign3A_523 = arith.cmpi sgt, %jit3A_513, %sign3A_522 : i32
        %sign3A_524 = arith.extui %sign3A_523 : i1 to i32
        %sign3A_525 = arith.constant 0 : i32
        %sign3A_526 = arith.cmpi slt, %jit3A_513, %sign3A_525 : i32
        %sign3A_527 = arith.extui %sign3A_526 : i1 to i32
        %sign3A_528 = arith.subi %sign3A_524, %sign3A_527 : i32
        %ne3A_529 = arith.cmpi ne, %sign3A_521, %sign3A_528 : i32
        %rem3A_530 = arith.remsi %add3A_512, %jit3A_513 : i32
        %ne3A_531 = arith.constant 0 : i32
        %ne3A_532 = arith.cmpi ne, %rem3A_530, %ne3A_531 : i32
        %and3A_533 = arith.andi %ne3A_529, %ne3A_532 : i1
        %sub3A_534 = arith.constant 1 : i32
        %sub3A_535 = arith.subi %div3A_514, %sub3A_534 : i32
        %select_n3A_536 = arith.select %and3A_533, %sub3A_535, %div3A_514 : i32
        %jit3A_537 = arith.constant 4 : i32
        %eq3A_538 = arith.constant 0 : i32
        %eq3A_539 = arith.cmpi eq, %jit3A_537, %eq3A_538 : i32
        %jit3A_540 = arith.constant 1 : i32
        %select_n3A_541 = arith.select %eq3A_539, %jit3A_540, %jit3A_537 : i32
        %rem3A_542 = arith.remsi %add3A_512, %select_n3A_541 : i32
        %ne3A_543 = arith.constant 0 : i32
        %ne3A_544 = arith.cmpi ne, %rem3A_542, %ne3A_543 : i32
        %lt3A_545 = arith.constant 0 : i32
        %lt3A_546 = arith.cmpi slt, %rem3A_542, %lt3A_545 : i32
        %lt3A_547 = arith.constant 0 : i32
        %lt3A_548 = arith.cmpi slt, %select_n3A_541, %lt3A_547 : i32
        %ne3A_549 = arith.xori %lt3A_546, %lt3A_548 : i1
        %and3A_550 = arith.andi %ne3A_549, %ne3A_544 : i1
        %add3A_551 = arith.addi %rem3A_542, %select_n3A_541 : i32
        %select_n3A_552 = arith.select %and3A_550, %add3A_551, %rem3A_542 : i32
        %mul3A_553 = arith.constant 8 : i32
        %mul3A_554 = arith.muli %select_n3A_536, %mul3A_553 : i32
        %add3A_555 = arith.addi %mul3A_2, %mul3A_554 : i32
        %mul3A_556 = arith.constant 2048 : i32
        %mul3A_557 = arith.muli %select_n3A_552, %mul3A_556 : i32
        %dma_start3A_558 = tpu.memref_slice %arg2[%add3A_555, %mul3A_557] : memref<4096x8192xf32, #tpu.memory_space<hbm>> -> memref<8x2048xf32, #tpu.memory_space<hbm>>
        %dma_start3A_559 = tpu.memref_slice %arg2[%add3A_555, %mul3A_557] : memref<4096x8192xf32, #tpu.memory_space<hbm>> -> memref<8x2048xf32, #tpu.memory_space<hbm>>
        tpu.enqueue_dma source(%dma_start3A_559 : memref<8x2048xf32, #tpu.memory_space<hbm>>) target(%arg5 : memref<8x2048xf32, #tpu.memory_space<vmem>>) target_semaphore(%arg11 : memref<!tpu.dma_semaphore, #tpu.memory_space<semaphore_mem>>)
      } else {
      }
      %scan3A_341 = arith.constant 0 : i32
      %scan3A_342 = arith.constant 0 : i32
      %scan3A_343 = arith.constant 8 : i32
      %scan3A_344 = arith.addi %scan3A_342, %scan3A_343 : i32
      %scan3A_345 = arith.constant 1 : i32
      %scan3A_346 = scf.for %scan3A_511 = %scan3A_342 to %scan3A_344 step %scan3A_345 iter_args(%scan3A_512 = %scan3A_341) -> (i32)  : i32 {
        %scan3A_513 = arith.constant 0 : i32
        %scan3A_514 = arith.constant 0 : i32
        %scan3A_515 = arith.constant 4 : i32
        %scan3A_516 = arith.addi %scan3A_514, %scan3A_515 : i32
        %scan3A_517 = arith.constant 1 : i32
        %scan3A_518 = scf.for %scan3A_521 = %scan3A_514 to %scan3A_516 step %scan3A_517 iter_args(%scan3A_522 = %scan3A_513) -> (i32)  : i32 {
          %mul3A_523 = arith.constant 512 : i32
          %mul3A_524 = arith.muli %scan3A_521, %mul3A_523 : i32
          %add3A_525 = arith.constant 0 : i32
          %add3A_526 = arith.addi %mul3A_524, %add3A_525 : i32
          %get3A = arith.index_cast %scan3A_511 : i32 to index
          %get3A_527 = arith.index_cast %add3A_526 : i32 to index
          %get3A_528 = tpu.vector_load %arg7[%get3A, %get3A_527] {strides = array<i32>} : memref<8x2048xf32, #tpu.memory_space<vmem>>, vector<16xf32>,
          %add3A_529 = arith.constant 16 : i32
          %add3A_530 = arith.addi %mul3A_524, %add3A_529 : i32
          %get3A_531 = arith.index_cast %scan3A_511 : i32 to index
          %get3A_532 = arith.index_cast %add3A_530 : i32 to index
          %get3A_533 = tpu.vector_load %arg7[%get3A_531, %get3A_532] {strides = array<i32>} : memref<8x2048xf32, #tpu.memory_space<vmem>>, vector<16xf32>,
          %add3A_534 = arith.constant 32 : i32
          %add3A_535 = arith.addi %mul3A_524, %add3A_534 : i32
          %get3A_536 = arith.index_cast %scan3A_511 : i32 to index
          %get3A_537 = arith.index_cast %add3A_535 : i32 to index
          %get3A_538 = tpu.vector_load %arg7[%get3A_536, %get3A_537] {strides = array<i32>} : memref<8x2048xf32, #tpu.memory_space<vmem>>, vector<16xf32>,
          %add3A_539 = arith.constant 48 : i32
          %add3A_540 = arith.addi %mul3A_524, %add3A_539 : i32
          %get3A_541 = arith.index_cast %scan3A_511 : i32 to index
          %get3A_542 = arith.index_cast %add3A_540 : i32 to index
          %get3A_543 = tpu.vector_load %arg7[%get3A_541, %get3A_542] {strides = array<i32>} : memref<8x2048xf32, #tpu.memory_space<vmem>>, vector<16xf32>,
          %add3A_544 = arith.constant 64 : i32
          %add3A_545 = arith.addi %mul3A_524, %add3A_544 : i32
          %get3A_546 = arith.index_cast %scan3A_511 : i32 to index
          %get3A_547 = arith.index_cast %add3A_545 : i32 to index
          %get3A_548 = tpu.vector_load %arg7[%get3A_546, %get3A_547] {strides = array<i32>} : memref<8x2048xf32, #tpu.memory_space<vmem>>, vector<16xf32>,
          %add3A_549 = arith.constant 80 : i32
          %add3A_550 = arith.addi %mul3A_524, %add3A_549 : i32
          %get3A_551 = arith.index_cast %scan3A_511 : i32 to index
          %get3A_552 = arith.index_cast %add3A_550 : i32 to index
          %get3A_553 = tpu.vector_load %arg7[%get3A_551, %get3A_552] {strides = array<i32>} : memref<8x2048xf32, #tpu.memory_space<vmem>>, vector<16xf32>,
          %add3A_554 = arith.constant 96 : i32
          %add3A_555 = arith.addi %mul3A_524, %add3A_554 : i32
          %get3A_556 = arith.index_cast %scan3A_511 : i32 to index
          %get3A_557 = arith.index_cast %add3A_555 : i32 to index
          %get3A_558 = tpu.vector_load %arg7[%get3A_556, %get3A_557] {strides = array<i32>} : memref<8x2048xf32, #tpu.memory_space<vmem>>, vector<16xf32>,
          %add3A_559 = arith.constant 112 : i32
          %add3A_560 = arith.addi %mul3A_524, %add3A_559 : i32
          %get3A_561 = arith.index_cast %scan3A_511 : i32 to index
          %get3A_562 = arith.index_cast %add3A_560 : i32 to index
          %get3A_563 = tpu.vector_load %arg7[%get3A_561, %get3A_562] {strides = array<i32>} : memref<8x2048xf32, #tpu.memory_space<vmem>>, vector<16xf32>,
          %add3A_564 = arith.constant 128 : i32
          %add3A_565 = arith.addi %mul3A_524, %add3A_564 : i32
          %get3A_566 = arith.index_cast %scan3A_511 : i32 to index
          %get3A_567 = arith.index_cast %add3A_565 : i32 to index
          %get3A_568 = tpu.vector_load %arg7[%get3A_566, %get3A_567] {strides = array<i32>} : memref<8x2048xf32, #tpu.memory_space<vmem>>, vector<16xf32>,
          %add3A_569 = arith.constant 144 : i32
          %add3A_570 = arith.addi %mul3A_524, %add3A_569 : i32
          %get3A_571 = arith.index_cast %scan3A_511 : i32 to index
          %get3A_572 = arith.index_cast %add3A_570 : i32 to index
          %get3A_573 = tpu.vector_load %arg7[%get3A_571, %get3A_572] {strides = array<i32>} : memref<8x2048xf32, #tpu.memory_space<vmem>>, vector<16xf32>,
          %add3A_574 = arith.constant 160 : i32
          %add3A_575 = arith.addi %mul3A_524, %add3A_574 : i32
          %get3A_576 = arith.index_cast %scan3A_511 : i32 to index
          %get3A_577 = arith.index_cast %add3A_575 : i32 to index
          %get3A_578 = tpu.vector_load %arg7[%get3A_576, %get3A_577] {strides = array<i32>} : memref<8x2048xf32, #tpu.memory_space<vmem>>, vector<16xf32>,
          %add3A_579 = arith.constant 176 : i32
          %add3A_580 = arith.addi %mul3A_524, %add3A_579 : i32
          %get3A_581 = arith.index_cast %scan3A_511 : i32 to index
          %get3A_582 = arith.index_cast %add3A_580 : i32 to index
          %get3A_583 = tpu.vector_load %arg7[%get3A_581, %get3A_582] {strides = array<i32>} : memref<8x2048xf32, #tpu.memory_space<vmem>>, vector<16xf32>,
          %add3A_584 = arith.constant 192 : i32
          %add3A_585 = arith.addi %mul3A_524, %add3A_584 : i32
          %get3A_586 = arith.index_cast %scan3A_511 : i32 to index
          %get3A_587 = arith.index_cast %add3A_585 : i32 to index
          %get3A_588 = tpu.vector_load %arg7[%get3A_586, %get3A_587] {strides = array<i32>} : memref<8x2048xf32, #tpu.memory_space<vmem>>, vector<16xf32>,
          %add3A_589 = arith.constant 208 : i32
          %add3A_590 = arith.addi %mul3A_524, %add3A_589 : i32
          %get3A_591 = arith.index_cast %scan3A_511 : i32 to index
          %get3A_592 = arith.index_cast %add3A_590 : i32 to index
          %get3A_593 = tpu.vector_load %arg7[%get3A_591, %get3A_592] {strides = array<i32>} : memref<8x2048xf32, #tpu.memory_space<vmem>>, vector<16xf32>,
          %add3A_594 = arith.constant 224 : i32
          %add3A_595 = arith.addi %mul3A_524, %add3A_594 : i32
          %get3A_596 = arith.index_cast %scan3A_511 : i32 to index
          %get3A_597 = arith.index_cast %add3A_595 : i32 to index
          %get3A_598 = tpu.vector_load %arg7[%get3A_596, %get3A_597] {strides = array<i32>} : memref<8x2048xf32, #tpu.memory_space<vmem>>, vector<16xf32>,
          %add3A_599 = arith.constant 240 : i32
          %add3A_600 = arith.addi %mul3A_524, %add3A_599 : i32
          %get3A_601 = arith.index_cast %scan3A_511 : i32 to index
          %get3A_602 = arith.index_cast %add3A_600 : i32 to index
          %get3A_603 = tpu.vector_load %arg7[%get3A_601, %get3A_602] {strides = array<i32>} : memref<8x2048xf32, #tpu.memory_space<vmem>>, vector<16xf32>,
          %add3A_604 = arith.constant 256 : i32
          %add3A_605 = arith.addi %mul3A_524, %add3A_604 : i32
          %get3A_606 = arith.index_cast %scan3A_511 : i32 to index
          %get3A_607 = arith.index_cast %add3A_605 : i32 to index
          %get3A_608 = tpu.vector_load %arg7[%get3A_606, %get3A_607] {strides = array<i32>} : memref<8x2048xf32, #tpu.memory_space<vmem>>, vector<16xf32>,
          %add3A_609 = arith.constant 272 : i32
          %add3A_610 = arith.addi %mul3A_524, %add3A_609 : i32
          %get3A_611 = arith.index_cast %scan3A_511 : i32 to index
          %get3A_612 = arith.index_cast %add3A_610 : i32 to index
          %get3A_613 = tpu.vector_load %arg7[%get3A_611, %get3A_612] {strides = array<i32>} : memref<8x2048xf32, #tpu.memory_space<vmem>>, vector<16xf32>,
          %add3A_614 = arith.constant 288 : i32
          %add3A_615 = arith.addi %mul3A_524, %add3A_614 : i32
          %get3A_616 = arith.index_cast %scan3A_511 : i32 to index
          %get3A_617 = arith.index_cast %add3A_615 : i32 to index
          %get3A_618 = tpu.vector_load %arg7[%get3A_616, %get3A_617] {strides = array<i32>} : memref<8x2048xf32, #tpu.memory_space<vmem>>, vector<16xf32>,
          %add3A_619 = arith.constant 304 : i32
          %add3A_620 = arith.addi %mul3A_524, %add3A_619 : i32
          %get3A_621 = arith.index_cast %scan3A_511 : i32 to index
          %get3A_622 = arith.index_cast %add3A_620 : i32 to index
          %get3A_623 = tpu.vector_load %arg7[%get3A_621, %get3A_622] {strides = array<i32>} : memref<8x2048xf32, #tpu.memory_space<vmem>>, vector<16xf32>,
          %add3A_624 = arith.constant 320 : i32
          %add3A_625 = arith.addi %mul3A_524, %add3A_624 : i32
          %get3A_626 = arith.index_cast %scan3A_511 : i32 to index
          %get3A_627 = arith.index_cast %add3A_625 : i32 to index
          %get3A_628 = tpu.vector_load %arg7[%get3A_626, %get3A_627] {strides = array<i32>} : memref<8x2048xf32, #tpu.memory_space<vmem>>, vector<16xf32>,
          %add3A_629 = arith.constant 336 : i32
          %add3A_630 = arith.addi %mul3A_524, %add3A_629 : i32
          %get3A_631 = arith.index_cast %scan3A_511 : i32 to index
          %get3A_632 = arith.index_cast %add3A_630 : i32 to index
          %get3A_633 = tpu.vector_load %arg7[%get3A_631, %get3A_632] {strides = array<i32>} : memref<8x2048xf32, #tpu.memory_space<vmem>>, vector<16xf32>,
          %add3A_634 = arith.constant 352 : i32
          %add3A_635 = arith.addi %mul3A_524, %add3A_634 : i32
          %get3A_636 = arith.index_cast %scan3A_511 : i32 to index
          %get3A_637 = arith.index_cast %add3A_635 : i32 to index
          %get3A_638 = tpu.vector_load %arg7[%get3A_636, %get3A_637] {strides = array<i32>} : memref<8x2048xf32, #tpu.memory_space<vmem>>, vector<16xf32>,
          %add3A_639 = arith.constant 368 : i32
          %add3A_640 = arith.addi %mul3A_524, %add3A_639 : i32
          %get3A_641 = arith.index_cast %scan3A_511 : i32 to index
          %get3A_642 = arith.index_cast %add3A_640 : i32 to index
          %get3A_643 = tpu.vector_load %arg7[%get3A_641, %get3A_642] {strides = array<i32>} : memref<8x2048xf32, #tpu.memory_space<vmem>>, vector<16xf32>,
          %add3A_644 = arith.constant 384 : i32
          %add3A_645 = arith.addi %mul3A_524, %add3A_644 : i32
          %get3A_646 = arith.index_cast %scan3A_511 : i32 to index
          %get3A_647 = arith.index_cast %add3A_645 : i32 to index
          %get3A_648 = tpu.vector_load %arg7[%get3A_646, %get3A_647] {strides = array<i32>} : memref<8x2048xf32, #tpu.memory_space<vmem>>, vector<16xf32>,
          %add3A_649 = arith.constant 400 : i32
          %add3A_650 = arith.addi %mul3A_524, %add3A_649 : i32
          %get3A_651 = arith.index_cast %scan3A_511 : i32 to index
          %get3A_652 = arith.index_cast %add3A_650 : i32 to index
          %get3A_653 = tpu.vector_load %arg7[%get3A_651, %get3A_652] {strides = array<i32>} : memref<8x2048xf32, #tpu.memory_space<vmem>>, vector<16xf32>,
          %add3A_654 = arith.constant 416 : i32
          %add3A_655 = arith.addi %mul3A_524, %add3A_654 : i32
          %get3A_656 = arith.index_cast %scan3A_511 : i32 to index
          %get3A_657 = arith.index_cast %add3A_655 : i32 to index
          %get3A_658 = tpu.vector_load %arg7[%get3A_656, %get3A_657] {strides = array<i32>} : memref<8x2048xf32, #tpu.memory_space<vmem>>, vector<16xf32>,
          %add3A_659 = arith.constant 432 : i32
          %add3A_660 = arith.addi %mul3A_524, %add3A_659 : i32
          %get3A_661 = arith.index_cast %scan3A_511 : i32 to index
          %get3A_662 = arith.index_cast %add3A_660 : i32 to index
          %get3A_663 = tpu.vector_load %arg7[%get3A_661, %get3A_662] {strides = array<i32>} : memref<8x2048xf32, #tpu.memory_space<vmem>>, vector<16xf32>,
          %add3A_664 = arith.constant 448 : i32
          %add3A_665 = arith.addi %mul3A_524, %add3A_664 : i32
          %get3A_666 = arith.index_cast %scan3A_511 : i32 to index
          %get3A_667 = arith.index_cast %add3A_665 : i32 to index
          %get3A_668 = tpu.vector_load %arg7[%get3A_666, %get3A_667] {strides = array<i32>} : memref<8x2048xf32, #tpu.memory_space<vmem>>, vector<16xf32>,
          %add3A_669 = arith.constant 464 : i32
          %add3A_670 = arith.addi %mul3A_524, %add3A_669 : i32
          %get3A_671 = arith.index_cast %scan3A_511 : i32 to index
          %get3A_672 = arith.index_cast %add3A_670 : i32 to index
          %get3A_673 = tpu.vector_load %arg7[%get3A_671, %get3A_672] {strides = array<i32>} : memref<8x2048xf32, #tpu.memory_space<vmem>>, vector<16xf32>,
          %add3A_674 = arith.constant 480 : i32
          %add3A_675 = arith.addi %mul3A_524, %add3A_674 : i32
          %get3A_676 = arith.index_cast %scan3A_511 : i32 to index
          %get3A_677 = arith.index_cast %add3A_675 : i32 to index
          %get3A_678 = tpu.vector_load %arg7[%get3A_676, %get3A_677] {strides = array<i32>} : memref<8x2048xf32, #tpu.memory_space<vmem>>, vector<16xf32>,
          %add3A_679 = arith.constant 496 : i32
          %add3A_680 = arith.addi %mul3A_524, %add3A_679 : i32
          %get3A_681 = arith.index_cast %scan3A_511 : i32 to index
          %get3A_682 = arith.index_cast %add3A_680 : i32 to index
          %get3A_683 = tpu.vector_load %arg7[%get3A_681, %get3A_682] {strides = array<i32>} : memref<8x2048xf32, #tpu.memory_space<vmem>>, vector<16xf32>,
          %mul3A_684 = vector.broadcast %scan3A_32 : f32 to vector<16xf32>
          %mul3A_685 = arith.mulf %get3A_528, %mul3A_684 : vector<16xf32>
          %add3A_686 = arith.addf %mul3A_685, %add3A_17 : vector<16xf32>
          %max3A = arith.maximumf %add3A_686, %convert_element_type3A : vector<16xf32>
          %min3A = arith.minimumf %max3A, %add3A_20 : vector<16xf32>
          %convert_element_type3A_687 = arith.fptosi %min3A : vector<16xf32> to vector<16xi32>
          %mul3A_688 = vector.broadcast %scan3A_32 : f32 to vector<16xf32>
          %mul3A_689 = arith.mulf %get3A_533, %mul3A_688 : vector<16xf32>
          %add3A_690 = arith.addf %mul3A_689, %add3A_17 : vector<16xf32>
          %max3A_691 = arith.maximumf %add3A_690, %convert_element_type3A : vector<16xf32>
          %min3A_692 = arith.minimumf %max3A_691, %add3A_20 : vector<16xf32>
          %convert_element_type3A_693 = arith.fptosi %min3A_692 : vector<16xf32> to vector<16xi32>
          %mul3A_694 = vector.broadcast %scan3A_32 : f32 to vector<16xf32>
          %mul3A_695 = arith.mulf %get3A_538, %mul3A_694 : vector<16xf32>
          %add3A_696 = arith.addf %mul3A_695, %add3A_17 : vector<16xf32>
          %max3A_697 = arith.maximumf %add3A_696, %convert_element_type3A : vector<16xf32>
          %min3A_698 = arith.minimumf %max3A_697, %add3A_20 : vector<16xf32>
          %convert_element_type3A_699 = arith.fptosi %min3A_698 : vector<16xf32> to vector<16xi32>
          %mul3A_700 = vector.broadcast %scan3A_32 : f32 to vector<16xf32>
          %mul3A_701 = arith.mulf %get3A_543, %mul3A_700 : vector<16xf32>
          %add3A_702 = arith.addf %mul3A_701, %add3A_17 : vector<16xf32>
          %max3A_703 = arith.maximumf %add3A_702, %convert_element_type3A : vector<16xf32>
          %min3A_704 = arith.minimumf %max3A_703, %add3A_20 : vector<16xf32>
          %convert_element_type3A_705 = arith.fptosi %min3A_704 : vector<16xf32> to vector<16xi32>
          %mul3A_706 = vector.broadcast %scan3A_32 : f32 to vector<16xf32>
          %mul3A_707 = arith.mulf %get3A_548, %mul3A_706 : vector<16xf32>
          %add3A_708 = arith.addf %mul3A_707, %add3A_17 : vector<16xf32>
          %max3A_709 = arith.maximumf %add3A_708, %convert_element_type3A : vector<16xf32>
          %min3A_710 = arith.minimumf %max3A_709, %add3A_20 : vector<16xf32>
          %convert_element_type3A_711 = arith.fptosi %min3A_710 : vector<16xf32> to vector<16xi32>
          %mul3A_712 = vector.broadcast %scan3A_32 : f32 to vector<16xf32>
          %mul3A_713 = arith.mulf %get3A_553, %mul3A_712 : vector<16xf32>
          %add3A_714 = arith.addf %mul3A_713, %add3A_17 : vector<16xf32>
          %max3A_715 = arith.maximumf %add3A_714, %convert_element_type3A : vector<16xf32>
          %min3A_716 = arith.minimumf %max3A_715, %add3A_20 : vector<16xf32>
          %convert_element_type3A_717 = arith.fptosi %min3A_716 : vector<16xf32> to vector<16xi32>
          %mul3A_718 = vector.broadcast %scan3A_32 : f32 to vector<16xf32>
          %mul3A_719 = arith.mulf %get3A_558, %mul3A_718 : vector<16xf32>
          %add3A_720 = arith.addf %mul3A_719, %add3A_17 : vector<16xf32>
          %max3A_721 = arith.maximumf %add3A_720, %convert_element_type3A : vector<16xf32>
          %min3A_722 = arith.minimumf %max3A_721, %add3A_20 : vector<16xf32>
          %convert_element_type3A_723 = arith.fptosi %min3A_722 : vector<16xf32> to vector<16xi32>
          %mul3A_724 = vector.broadcast %scan3A_32 : f32 to vector<16xf32>
          %mul3A_725 = arith.mulf %get3A_563, %mul3A_724 : vector<16xf32>
          %add3A_726 = arith.addf %mul3A_725, %add3A_17 : vector<16xf32>
          %max3A_727 = arith.maximumf %add3A_726, %convert_element_type3A : vector<16xf32>
          %min3A_728 = arith.minimumf %max3A_727, %add3A_20 : vector<16xf32>
          %convert_element_type3A_729 = arith.fptosi %min3A_728 : vector<16xf32> to vector<16xi32>
          %mul3A_730 = vector.broadcast %scan3A_32 : f32 to vector<16xf32>
          %mul3A_731 = arith.mulf %get3A_568, %mul3A_730 : vector<16xf32>
          %add3A_732 = arith.addf %mul3A_731, %add3A_17 : vector<16xf32>
          %max3A_733 = arith.maximumf %add3A_732, %convert_element_type3A : vector<16xf32>
          %min3A_734 = arith.minimumf %max3A_733, %add3A_20 : vector<16xf32>
          %convert_element_type3A_735 = arith.fptosi %min3A_734 : vector<16xf32> to vector<16xi32>
          %mul3A_736 = vector.broadcast %scan3A_32 : f32 to vector<16xf32>
          %mul3A_737 = arith.mulf %get3A_573, %mul3A_736 : vector<16xf32>
          %add3A_738 = arith.addf %mul3A_737, %add3A_17 : vector<16xf32>
          %max3A_739 = arith.maximumf %add3A_738, %convert_element_type3A : vector<16xf32>
          %min3A_740 = arith.minimumf %max3A_739, %add3A_20 : vector<16xf32>
          %convert_element_type3A_741 = arith.fptosi %min3A_740 : vector<16xf32> to vector<16xi32>
          %mul3A_742 = vector.broadcast %scan3A_32 : f32 to vector<16xf32>
          %mul3A_743 = arith.mulf %get3A_578, %mul3A_742 : vector<16xf32>
          %add3A_744 = arith.addf %mul3A_743, %add3A_17 : vector<16xf32>
          %max3A_745 = arith.maximumf %add3A_744, %convert_element_type3A : vector<16xf32>
          %min3A_746 = arith.minimumf %max3A_745, %add3A_20 : vector<16xf32>
          %convert_element_type3A_747 = arith.fptosi %min3A_746 : vector<16xf32> to vector<16xi32>
          %mul3A_748 = vector.broadcast %scan3A_32 : f32 to vector<16xf32>
          %mul3A_749 = arith.mulf %get3A_583, %mul3A_748 : vector<16xf32>
          %add3A_750 = arith.addf %mul3A_749, %add3A_17 : vector<16xf32>
          %max3A_751 = arith.maximumf %add3A_750, %convert_element_type3A : vector<16xf32>
          %min3A_752 = arith.minimumf %max3A_751, %add3A_20 : vector<16xf32>
          %convert_element_type3A_753 = arith.fptosi %min3A_752 : vector<16xf32> to vector<16xi32>
          %mul3A_754 = vector.broadcast %scan3A_32 : f32 to vector<16xf32>
          %mul3A_755 = arith.mulf %get3A_588, %mul3A_754 : vector<16xf32>
          %add3A_756 = arith.addf %mul3A_755, %add3A_17 : vector<16xf32>
          %max3A_757 = arith.maximumf %add3A_756, %convert_element_type3A : vector<16xf32>
          %min3A_758 = arith.minimumf %max3A_757, %add3A_20 : vector<16xf32>
          %convert_element_type3A_759 = arith.fptosi %min3A_758 : vector<16xf32> to vector<16xi32>
          %mul3A_760 = vector.broadcast %scan3A_32 : f32 to vector<16xf32>
          %mul3A_761 = arith.mulf %get3A_593, %mul3A_760 : vector<16xf32>
          %add3A_762 = arith.addf %mul3A_761, %add3A_17 : vector<16xf32>
          %max3A_763 = arith.maximumf %add3A_762, %convert_element_type3A : vector<16xf32>
          %min3A_764 = arith.minimumf %max3A_763, %add3A_20 : vector<16xf32>
          %convert_element_type3A_765 = arith.fptosi %min3A_764 : vector<16xf32> to vector<16xi32>
          %mul3A_766 = vector.broadcast %scan3A_32 : f32 to vector<16xf32>
          %mul3A_767 = arith.mulf %get3A_598, %mul3A_766 : vector<16xf32>
          %add3A_768 = arith.addf %mul3A_767, %add3A_17 : vector<16xf32>
          %max3A_769 = arith.maximumf %add3A_768, %convert_element_type3A : vector<16xf32>
          %min3A_770 = arith.minimumf %max3A_769, %add3A_20 : vector<16xf32>
          %convert_element_type3A_771 = arith.fptosi %min3A_770 : vector<16xf32> to vector<16xi32>
          %mul3A_772 = vector.broadcast %scan3A_32 : f32 to vector<16xf32>
          %mul3A_773 = arith.mulf %get3A_603, %mul3A_772 : vector<16xf32>
          %add3A_774 = arith.addf %mul3A_773, %add3A_17 : vector<16xf32>
          %max3A_775 = arith.maximumf %add3A_774, %convert_element_type3A : vector<16xf32>
          %min3A_776 = arith.minimumf %max3A_775, %add3A_20 : vector<16xf32>
          %convert_element_type3A_777 = arith.fptosi %min3A_776 : vector<16xf32> to vector<16xi32>
          %mul3A_778 = vector.broadcast %scan3A_32 : f32 to vector<16xf32>
          %mul3A_779 = arith.mulf %get3A_608, %mul3A_778 : vector<16xf32>
          %add3A_780 = arith.addf %mul3A_779, %add3A_17 : vector<16xf32>
          %max3A_781 = arith.maximumf %add3A_780, %convert_element_type3A : vector<16xf32>
          %min3A_782 = arith.minimumf %max3A_781, %add3A_20 : vector<16xf32>
          %convert_element_type3A_783 = arith.fptosi %min3A_782 : vector<16xf32> to vector<16xi32>
          %mul3A_784 = vector.broadcast %scan3A_32 : f32 to vector<16xf32>
          %mul3A_785 = arith.mulf %get3A_613, %mul3A_784 : vector<16xf32>
          %add3A_786 = arith.addf %mul3A_785, %add3A_17 : vector<16xf32>
          %max3A_787 = arith.maximumf %add3A_786, %convert_element_type3A : vector<16xf32>
          %min3A_788 = arith.minimumf %max3A_787, %add3A_20 : vector<16xf32>
          %convert_element_type3A_789 = arith.fptosi %min3A_788 : vector<16xf32> to vector<16xi32>
          %mul3A_790 = vector.broadcast %scan3A_32 : f32 to vector<16xf32>
          %mul3A_791 = arith.mulf %get3A_618, %mul3A_790 : vector<16xf32>
          %add3A_792 = arith.addf %mul3A_791, %add3A_17 : vector<16xf32>
          %max3A_793 = arith.maximumf %add3A_792, %convert_element_type3A : vector<16xf32>
          %min3A_794 = arith.minimumf %max3A_793, %add3A_20 : vector<16xf32>
          %convert_element_type3A_795 = arith.fptosi %min3A_794 : vector<16xf32> to vector<16xi32>
          %mul3A_796 = vector.broadcast %scan3A_32 : f32 to vector<16xf32>
          %mul3A_797 = arith.mulf %get3A_623, %mul3A_796 : vector<16xf32>
          %add3A_798 = arith.addf %mul3A_797, %add3A_17 : vector<16xf32>
          %max3A_799 = arith.maximumf %add3A_798, %convert_element_type3A : vector<16xf32>
          %min3A_800 = arith.minimumf %max3A_799, %add3A_20 : vector<16xf32>
          %convert_element_type3A_801 = arith.fptosi %min3A_800 : vector<16xf32> to vector<16xi32>
          %mul3A_802 = vector.broadcast %scan3A_32 : f32 to vector<16xf32>
          %mul3A_803 = arith.mulf %get3A_628, %mul3A_802 : vector<16xf32>
          %add3A_804 = arith.addf %mul3A_803, %add3A_17 : vector<16xf32>
          %max3A_805 = arith.maximumf %add3A_804, %convert_element_type3A : vector<16xf32>
          %min3A_806 = arith.minimumf %max3A_805, %add3A_20 : vector<16xf32>
          %convert_element_type3A_807 = arith.fptosi %min3A_806 : vector<16xf32> to vector<16xi32>
          %mul3A_808 = vector.broadcast %scan3A_32 : f32 to vector<16xf32>
          %mul3A_809 = arith.mulf %get3A_633, %mul3A_808 : vector<16xf32>
          %add3A_810 = arith.addf %mul3A_809, %add3A_17 : vector<16xf32>
          %max3A_811 = arith.maximumf %add3A_810, %convert_element_type3A : vector<16xf32>
          %min3A_812 = arith.minimumf %max3A_811, %add3A_20 : vector<16xf32>
          %convert_element_type3A_813 = arith.fptosi %min3A_812 : vector<16xf32> to vector<16xi32>
          %mul3A_814 = vector.broadcast %scan3A_32 : f32 to vector<16xf32>
          %mul3A_815 = arith.mulf %get3A_638, %mul3A_814 : vector<16xf32>
          %add3A_816 = arith.addf %mul3A_815, %add3A_17 : vector<16xf32>
          %max3A_817 = arith.maximumf %add3A_816, %convert_element_type3A : vector<16xf32>
          %min3A_818 = arith.minimumf %max3A_817, %add3A_20 : vector<16xf32>
          %convert_element_type3A_819 = arith.fptosi %min3A_818 : vector<16xf32> to vector<16xi32>
          %mul3A_820 = vector.broadcast %scan3A_32 : f32 to vector<16xf32>
          %mul3A_821 = arith.mulf %get3A_643, %mul3A_820 : vector<16xf32>
          %add3A_822 = arith.addf %mul3A_821, %add3A_17 : vector<16xf32>
          %max3A_823 = arith.maximumf %add3A_822, %convert_element_type3A : vector<16xf32>
          %min3A_824 = arith.minimumf %max3A_823, %add3A_20 : vector<16xf32>
          %convert_element_type3A_825 = arith.fptosi %min3A_824 : vector<16xf32> to vector<16xi32>
          %mul3A_826 = vector.broadcast %scan3A_32 : f32 to vector<16xf32>
          %mul3A_827 = arith.mulf %get3A_648, %mul3A_826 : vector<16xf32>
          %add3A_828 = arith.addf %mul3A_827, %add3A_17 : vector<16xf32>
          %max3A_829 = arith.maximumf %add3A_828, %convert_element_type3A : vector<16xf32>
          %min3A_830 = arith.minimumf %max3A_829, %add3A_20 : vector<16xf32>
          %convert_element_type3A_831 = arith.fptosi %min3A_830 : vector<16xf32> to vector<16xi32>
          %mul3A_832 = vector.broadcast %scan3A_32 : f32 to vector<16xf32>
          %mul3A_833 = arith.mulf %get3A_653, %mul3A_832 : vector<16xf32>
          %add3A_834 = arith.addf %mul3A_833, %add3A_17 : vector<16xf32>
          %max3A_835 = arith.maximumf %add3A_834, %convert_element_type3A : vector<16xf32>
          %min3A_836 = arith.minimumf %max3A_835, %add3A_20 : vector<16xf32>
          %convert_element_type3A_837 = arith.fptosi %min3A_836 : vector<16xf32> to vector<16xi32>
          %mul3A_838 = vector.broadcast %scan3A_32 : f32 to vector<16xf32>
          %mul3A_839 = arith.mulf %get3A_658, %mul3A_838 : vector<16xf32>
          %add3A_840 = arith.addf %mul3A_839, %add3A_17 : vector<16xf32>
          %max3A_841 = arith.maximumf %add3A_840, %convert_element_type3A : vector<16xf32>
          %min3A_842 = arith.minimumf %max3A_841, %add3A_20 : vector<16xf32>
          %convert_element_type3A_843 = arith.fptosi %min3A_842 : vector<16xf32> to vector<16xi32>
          %mul3A_844 = vector.broadcast %scan3A_32 : f32 to vector<16xf32>
          %mul3A_845 = arith.mulf %get3A_663, %mul3A_844 : vector<16xf32>
          %add3A_846 = arith.addf %mul3A_845, %add3A_17 : vector<16xf32>
          %max3A_847 = arith.maximumf %add3A_846, %convert_element_type3A : vector<16xf32>
          %min3A_848 = arith.minimumf %max3A_847, %add3A_20 : vector<16xf32>
          %convert_element_type3A_849 = arith.fptosi %min3A_848 : vector<16xf32> to vector<16xi32>
          %mul3A_850 = vector.broadcast %scan3A_32 : f32 to vector<16xf32>
          %mul3A_851 = arith.mulf %get3A_668, %mul3A_850 : vector<16xf32>
          %add3A_852 = arith.addf %mul3A_851, %add3A_17 : vector<16xf32>
          %max3A_853 = arith.maximumf %add3A_852, %convert_element_type3A : vector<16xf32>
          %min3A_854 = arith.minimumf %max3A_853, %add3A_20 : vector<16xf32>
          %convert_element_type3A_855 = arith.fptosi %min3A_854 : vector<16xf32> to vector<16xi32>
          %mul3A_856 = vector.broadcast %scan3A_32 : f32 to vector<16xf32>
          %mul3A_857 = arith.mulf %get3A_673, %mul3A_856 : vector<16xf32>
          %add3A_858 = arith.addf %mul3A_857, %add3A_17 : vector<16xf32>
          %max3A_859 = arith.maximumf %add3A_858, %convert_element_type3A : vector<16xf32>
          %min3A_860 = arith.minimumf %max3A_859, %add3A_20 : vector<16xf32>
          %convert_element_type3A_861 = arith.fptosi %min3A_860 : vector<16xf32> to vector<16xi32>
          %mul3A_862 = vector.broadcast %scan3A_32 : f32 to vector<16xf32>
          %mul3A_863 = arith.mulf %get3A_678, %mul3A_862 : vector<16xf32>
          %add3A_864 = arith.addf %mul3A_863, %add3A_17 : vector<16xf32>
          %max3A_865 = arith.maximumf %add3A_864, %convert_element_type3A : vector<16xf32>
          %min3A_866 = arith.minimumf %max3A_865, %add3A_20 : vector<16xf32>
          %convert_element_type3A_867 = arith.fptosi %min3A_866 : vector<16xf32> to vector<16xi32>
          %mul3A_868 = vector.broadcast %scan3A_32 : f32 to vector<16xf32>
          %mul3A_869 = arith.mulf %get3A_683, %mul3A_868 : vector<16xf32>
          %add3A_870 = arith.addf %mul3A_869, %add3A_17 : vector<16xf32>
          %max3A_871 = arith.maximumf %add3A_870, %convert_element_type3A : vector<16xf32>
          %min3A_872 = arith.minimumf %max3A_871, %add3A_20 : vector<16xf32>
          %convert_element_type3A_873 = arith.fptosi %min3A_872 : vector<16xf32> to vector<16xi32>
          tpu.vector_store_idx %arg9[%convert_element_type3A_687], %broadcast_in_dim3A_14 {add = true} : memref<4096xi32, #tpu.memory_space<vmem>>[vector<16xi32>], vector<16xi32>,
          tpu.vector_store_idx %arg9[%convert_element_type3A_693], %broadcast_in_dim3A_14 {add = true} : memref<4096xi32, #tpu.memory_space<vmem>>[vector<16xi32>], vector<16xi32>,
          tpu.vector_store_idx %arg9[%convert_element_type3A_699], %broadcast_in_dim3A_14 {add = true} : memref<4096xi32, #tpu.memory_space<vmem>>[vector<16xi32>], vector<16xi32>,
          tpu.vector_store_idx %arg9[%convert_element_type3A_705], %broadcast_in_dim3A_14 {add = true} : memref<4096xi32, #tpu.memory_space<vmem>>[vector<16xi32>], vector<16xi32>,
          tpu.vector_store_idx %arg9[%convert_element_type3A_711], %broadcast_in_dim3A_14 {add = true} : memref<4096xi32, #tpu.memory_space<vmem>>[vector<16xi32>], vector<16xi32>,
          tpu.vector_store_idx %arg9[%convert_element_type3A_717], %broadcast_in_dim3A_14 {add = true} : memref<4096xi32, #tpu.memory_space<vmem>>[vector<16xi32>], vector<16xi32>,
          tpu.vector_store_idx %arg9[%convert_element_type3A_723], %broadcast_in_dim3A_14 {add = true} : memref<4096xi32, #tpu.memory_space<vmem>>[vector<16xi32>], vector<16xi32>,
          tpu.vector_store_idx %arg9[%convert_element_type3A_729], %broadcast_in_dim3A_14 {add = true} : memref<4096xi32, #tpu.memory_space<vmem>>[vector<16xi32>], vector<16xi32>,
          tpu.vector_store_idx %arg9[%convert_element_type3A_735], %broadcast_in_dim3A_14 {add = true} : memref<4096xi32, #tpu.memory_space<vmem>>[vector<16xi32>], vector<16xi32>,
          tpu.vector_store_idx %arg9[%convert_element_type3A_741], %broadcast_in_dim3A_14 {add = true} : memref<4096xi32, #tpu.memory_space<vmem>>[vector<16xi32>], vector<16xi32>,
          tpu.vector_store_idx %arg9[%convert_element_type3A_747], %broadcast_in_dim3A_14 {add = true} : memref<4096xi32, #tpu.memory_space<vmem>>[vector<16xi32>], vector<16xi32>,
          tpu.vector_store_idx %arg9[%convert_element_type3A_753], %broadcast_in_dim3A_14 {add = true} : memref<4096xi32, #tpu.memory_space<vmem>>[vector<16xi32>], vector<16xi32>,
          tpu.vector_store_idx %arg9[%convert_element_type3A_759], %broadcast_in_dim3A_14 {add = true} : memref<4096xi32, #tpu.memory_space<vmem>>[vector<16xi32>], vector<16xi32>,
          tpu.vector_store_idx %arg9[%convert_element_type3A_765], %broadcast_in_dim3A_14 {add = true} : memref<4096xi32, #tpu.memory_space<vmem>>[vector<16xi32>], vector<16xi32>,
          tpu.vector_store_idx %arg9[%convert_element_type3A_771], %broadcast_in_dim3A_14 {add = true} : memref<4096xi32, #tpu.memory_space<vmem>>[vector<16xi32>], vector<16xi32>,
          tpu.vector_store_idx %arg9[%convert_element_type3A_777], %broadcast_in_dim3A_14 {add = true} : memref<4096xi32, #tpu.memory_space<vmem>>[vector<16xi32>], vector<16xi32>,
          tpu.vector_store_idx %arg9[%convert_element_type3A_783], %broadcast_in_dim3A_14 {add = true} : memref<4096xi32, #tpu.memory_space<vmem>>[vector<16xi32>], vector<16xi32>,
          tpu.vector_store_idx %arg9[%convert_element_type3A_789], %broadcast_in_dim3A_14 {add = true} : memref<4096xi32, #tpu.memory_space<vmem>>[vector<16xi32>], vector<16xi32>,
          tpu.vector_store_idx %arg9[%convert_element_type3A_795], %broadcast_in_dim3A_14 {add = true} : memref<4096xi32, #tpu.memory_space<vmem>>[vector<16xi32>], vector<16xi32>,
          tpu.vector_store_idx %arg9[%convert_element_type3A_801], %broadcast_in_dim3A_14 {add = true} : memref<4096xi32, #tpu.memory_space<vmem>>[vector<16xi32>], vector<16xi32>,
          tpu.vector_store_idx %arg9[%convert_element_type3A_807], %broadcast_in_dim3A_14 {add = true} : memref<4096xi32, #tpu.memory_space<vmem>>[vector<16xi32>], vector<16xi32>,
          tpu.vector_store_idx %arg9[%convert_element_type3A_813], %broadcast_in_dim3A_14 {add = true} : memref<4096xi32, #tpu.memory_space<vmem>>[vector<16xi32>], vector<16xi32>,
          tpu.vector_store_idx %arg9[%convert_element_type3A_819], %broadcast_in_dim3A_14 {add = true} : memref<4096xi32, #tpu.memory_space<vmem>>[vector<16xi32>], vector<16xi32>,
          tpu.vector_store_idx %arg9[%convert_element_type3A_825], %broadcast_in_dim3A_14 {add = true} : memref<4096xi32, #tpu.memory_space<vmem>>[vector<16xi32>], vector<16xi32>,
          tpu.vector_store_idx %arg9[%convert_element_type3A_831], %broadcast_in_dim3A_14 {add = true} : memref<4096xi32, #tpu.memory_space<vmem>>[vector<16xi32>], vector<16xi32>,
          tpu.vector_store_idx %arg9[%convert_element_type3A_837], %broadcast_in_dim3A_14 {add = true} : memref<4096xi32, #tpu.memory_space<vmem>>[vector<16xi32>], vector<16xi32>,
          tpu.vector_store_idx %arg9[%convert_element_type3A_843], %broadcast_in_dim3A_14 {add = true} : memref<4096xi32, #tpu.memory_space<vmem>>[vector<16xi32>], vector<16xi32>,
          tpu.vector_store_idx %arg9[%convert_element_type3A_849], %broadcast_in_dim3A_14 {add = true} : memref<4096xi32, #tpu.memory_space<vmem>>[vector<16xi32>], vector<16xi32>,
          tpu.vector_store_idx %arg9[%convert_element_type3A_855], %broadcast_in_dim3A_14 {add = true} : memref<4096xi32, #tpu.memory_space<vmem>>[vector<16xi32>], vector<16xi32>,
          tpu.vector_store_idx %arg9[%convert_element_type3A_861], %broadcast_in_dim3A_14 {add = true} : memref<4096xi32, #tpu.memory_space<vmem>>[vector<16xi32>], vector<16xi32>,
          tpu.vector_store_idx %arg9[%convert_element_type3A_867], %broadcast_in_dim3A_14 {add = true} : memref<4096xi32, #tpu.memory_space<vmem>>[vector<16xi32>], vector<16xi32>,
          tpu.vector_store_idx %arg9[%convert_element_type3A_873], %broadcast_in_dim3A_14 {add = true} : memref<4096xi32, #tpu.memory_space<vmem>>[vector<16xi32>], vector<16xi32>,
          %scan3A_874 = arith.constant 0 : i32
          scf.yield %scan3A_874 : i32
        }
        %scan3A_519 = arith.constant 4 : i32
        %scan3A_520 = arith.constant 0 : i32
        scf.yield %scan3A_520 : i32
      }
      %scan3A_347 = arith.constant 8 : i32
      %jit3A_348 = arith.constant 4 : i32
      %div3A_349 = arith.divsi %add3A_281, %jit3A_348 : i32
      %sign3A_350 = arith.constant 0 : i32
      %sign3A_351 = arith.cmpi sgt, %add3A_281, %sign3A_350 : i32
      %sign3A_352 = arith.extui %sign3A_351 : i1 to i32
      %sign3A_353 = arith.constant 0 : i32
      %sign3A_354 = arith.cmpi slt, %add3A_281, %sign3A_353 : i32
      %sign3A_355 = arith.extui %sign3A_354 : i1 to i32
      %sign3A_356 = arith.subi %sign3A_352, %sign3A_355 : i32
      %sign3A_357 = arith.constant 0 : i32
      %sign3A_358 = arith.cmpi sgt, %jit3A_348, %sign3A_357 : i32
      %sign3A_359 = arith.extui %sign3A_358 : i1 to i32
      %sign3A_360 = arith.constant 0 : i32
      %sign3A_361 = arith.cmpi slt, %jit3A_348, %sign3A_360 : i32
      %sign3A_362 = arith.extui %sign3A_361 : i1 to i32
      %sign3A_363 = arith.subi %sign3A_359, %sign3A_362 : i32
      %ne3A_364 = arith.cmpi ne, %sign3A_356, %sign3A_363 : i32
      %rem3A_365 = arith.remsi %add3A_281, %jit3A_348 : i32
      %ne3A_366 = arith.constant 0 : i32
      %ne3A_367 = arith.cmpi ne, %rem3A_365, %ne3A_366 : i32
      %and3A_368 = arith.andi %ne3A_364, %ne3A_367 : i1
      %sub3A_369 = arith.constant 1 : i32
      %sub3A_370 = arith.subi %div3A_349, %sub3A_369 : i32
      %select_n3A_371 = arith.select %and3A_368, %sub3A_370, %div3A_349 : i32
      %jit3A_372 = arith.constant 4 : i32
      %eq3A_373 = arith.constant 0 : i32
      %eq3A_374 = arith.cmpi eq, %jit3A_372, %eq3A_373 : i32
      %jit3A_375 = arith.constant 1 : i32
      %select_n3A_376 = arith.select %eq3A_374, %jit3A_375, %jit3A_372 : i32
      %rem3A_377 = arith.remsi %add3A_281, %select_n3A_376 : i32
      %ne3A_378 = arith.constant 0 : i32
      %ne3A_379 = arith.cmpi ne, %rem3A_377, %ne3A_378 : i32
      %lt3A_380 = arith.constant 0 : i32
      %lt3A_381 = arith.cmpi slt, %rem3A_377, %lt3A_380 : i32
      %lt3A_382 = arith.constant 0 : i32
      %lt3A_383 = arith.cmpi slt, %select_n3A_376, %lt3A_382 : i32
      %ne3A_384 = arith.xori %lt3A_381, %lt3A_383 : i1
      %and3A_385 = arith.andi %ne3A_384, %ne3A_379 : i1
      %add3A_386 = arith.addi %rem3A_377, %select_n3A_376 : i32
      %select_n3A_387 = arith.select %and3A_385, %add3A_386, %rem3A_377 : i32
      %mul3A_388 = arith.constant 8 : i32
      %mul3A_389 = arith.muli %select_n3A_371, %mul3A_388 : i32
      %add3A_390 = arith.addi %mul3A_2, %mul3A_389 : i32
      %mul3A_391 = arith.constant 2048 : i32
      %mul3A_392 = arith.muli %select_n3A_387, %mul3A_391 : i32
      %dma_start3A_393 = tpu.memref_slice %arg4[%add3A_390, %mul3A_392] : memref<4096x8192xf32, #tpu.memory_space<hbm>> -> memref<8x2048xf32, #tpu.memory_space<hbm>>
      %dma_start3A_394 = tpu.memref_slice %arg4[%add3A_390, %mul3A_392] : memref<4096x8192xf32, #tpu.memory_space<hbm>> -> memref<8x2048xf32, #tpu.memory_space<hbm>>
      tpu.enqueue_dma source(%arg7 : memref<8x2048xf32, #tpu.memory_space<vmem>>) target(%dma_start3A_394 : memref<8x2048xf32, #tpu.memory_space<hbm>>) target_semaphore(%arg17 : memref<!tpu.dma_semaphore, #tpu.memory_space<semaphore_mem>>)
      %add3A_395 = arith.constant 3 : i32
      %add3A_396 = arith.addi %mul3A_61, %add3A_395 : i32
      %jit3A_397 = arith.constant 4 : i32
      %div3A_398 = arith.divsi %add3A_396, %jit3A_397 : i32
      %sign3A_399 = arith.constant 0 : i32
      %sign3A_400 = arith.cmpi sgt, %add3A_396, %sign3A_399 : i32
      %sign3A_401 = arith.extui %sign3A_400 : i1 to i32
      %sign3A_402 = arith.constant 0 : i32
      %sign3A_403 = arith.cmpi slt, %add3A_396, %sign3A_402 : i32
      %sign3A_404 = arith.extui %sign3A_403 : i1 to i32
      %sign3A_405 = arith.subi %sign3A_401, %sign3A_404 : i32
      %sign3A_406 = arith.constant 0 : i32
      %sign3A_407 = arith.cmpi sgt, %jit3A_397, %sign3A_406 : i32
      %sign3A_408 = arith.extui %sign3A_407 : i1 to i32
      %sign3A_409 = arith.constant 0 : i32
      %sign3A_410 = arith.cmpi slt, %jit3A_397, %sign3A_409 : i32
      %sign3A_411 = arith.extui %sign3A_410 : i1 to i32
      %sign3A_412 = arith.subi %sign3A_408, %sign3A_411 : i32
      %ne3A_413 = arith.cmpi ne, %sign3A_405, %sign3A_412 : i32
      %rem3A_414 = arith.remsi %add3A_396, %jit3A_397 : i32
      %ne3A_415 = arith.constant 0 : i32
      %ne3A_416 = arith.cmpi ne, %rem3A_414, %ne3A_415 : i32
      %and3A_417 = arith.andi %ne3A_413, %ne3A_416 : i1
      %sub3A_418 = arith.constant 1 : i32
      %sub3A_419 = arith.subi %div3A_398, %sub3A_418 : i32
      %select_n3A_420 = arith.select %and3A_417, %sub3A_419, %div3A_398 : i32
      %jit3A_421 = arith.constant 4 : i32
      %eq3A_422 = arith.constant 0 : i32
      %eq3A_423 = arith.cmpi eq, %jit3A_421, %eq3A_422 : i32
      %jit3A_424 = arith.constant 1 : i32
      %select_n3A_425 = arith.select %eq3A_423, %jit3A_424, %jit3A_421 : i32
      %rem3A_426 = arith.remsi %add3A_396, %select_n3A_425 : i32
      %ne3A_427 = arith.constant 0 : i32
      %ne3A_428 = arith.cmpi ne, %rem3A_426, %ne3A_427 : i32
      %lt3A_429 = arith.constant 0 : i32
      %lt3A_430 = arith.cmpi slt, %rem3A_426, %lt3A_429 : i32
      %lt3A_431 = arith.constant 0 : i32
      %lt3A_432 = arith.cmpi slt, %select_n3A_425, %lt3A_431 : i32
      %ne3A_433 = arith.xori %lt3A_430, %lt3A_432 : i1
      %and3A_434 = arith.andi %ne3A_433, %ne3A_428 : i1
      %add3A_435 = arith.addi %rem3A_426, %select_n3A_425 : i32
      %select_n3A_436 = arith.select %and3A_434, %add3A_435, %rem3A_426 : i32
      %mul3A_437 = arith.constant 8 : i32
      %mul3A_438 = arith.muli %select_n3A_420, %mul3A_437 : i32
      %add3A_439 = arith.addi %mul3A_2, %mul3A_438 : i32
      %mul3A_440 = arith.constant 2048 : i32
      %mul3A_441 = arith.muli %select_n3A_436, %mul3A_440 : i32
      %dma_wait3A_442 = tpu.memref_slice %arg2[%add3A_439, %mul3A_441] : memref<4096x8192xf32, #tpu.memory_space<hbm>> -> memref<8x2048xf32, #tpu.memory_space<hbm>>
      %dma_wait3A_443 = tpu.memref_slice %arg2[%add3A_439, %mul3A_441] : memref<4096x8192xf32, #tpu.memory_space<hbm>> -> memref<8x2048xf32, #tpu.memory_space<hbm>>
      tpu.wait_dma2 semaphore(%arg14 : memref<!tpu.dma_semaphore, #tpu.memory_space<semaphore_mem>>) src(%dma_wait3A_443 : memref<8x2048xf32, #tpu.memory_space<hbm>>) dst(%arg8 : memref<8x2048xf32, #tpu.memory_space<vmem>>)
      %ge3A_444 = arith.constant 2 : i32
      %ge3A_445 = arith.cmpi sge, %add3A_396, %ge3A_444 : i32
      %convert_element_type3A_446 = arith.extui %ge3A_445 : i1 to i32
      %cond3A_447 = arith.constant 0 : i32
      %cond3A_448 = arith.cmpi ne, %convert_element_type3A_446, %cond3A_447 : i32
      scf.if %cond3A_448 {
        %sub3A_511 = arith.constant 2 : i32
        %sub3A_512 = arith.subi %add3A_396, %sub3A_511 : i32
        %jit3A_513 = arith.constant 4 : i32
        %div3A_514 = arith.divsi %sub3A_512, %jit3A_513 : i32
        %sign3A_515 = arith.constant 0 : i32
        %sign3A_516 = arith.cmpi sgt, %sub3A_512, %sign3A_515 : i32
        %sign3A_517 = arith.extui %sign3A_516 : i1 to i32
        %sign3A_518 = arith.constant 0 : i32
        %sign3A_519 = arith.cmpi slt, %sub3A_512, %sign3A_518 : i32
        %sign3A_520 = arith.extui %sign3A_519 : i1 to i32
        %sign3A_521 = arith.subi %sign3A_517, %sign3A_520 : i32
        %sign3A_522 = arith.constant 0 : i32
        %sign3A_523 = arith.cmpi sgt, %jit3A_513, %sign3A_522 : i32
        %sign3A_524 = arith.extui %sign3A_523 : i1 to i32
        %sign3A_525 = arith.constant 0 : i32
        %sign3A_526 = arith.cmpi slt, %jit3A_513, %sign3A_525 : i32
        %sign3A_527 = arith.extui %sign3A_526 : i1 to i32
        %sign3A_528 = arith.subi %sign3A_524, %sign3A_527 : i32
        %ne3A_529 = arith.cmpi ne, %sign3A_521, %sign3A_528 : i32
        %rem3A_530 = arith.remsi %sub3A_512, %jit3A_513 : i32
        %ne3A_531 = arith.constant 0 : i32
        %ne3A_532 = arith.cmpi ne, %rem3A_530, %ne3A_531 : i32
        %and3A_533 = arith.andi %ne3A_529, %ne3A_532 : i1
        %sub3A_534 = arith.constant 1 : i32
        %sub3A_535 = arith.subi %div3A_514, %sub3A_534 : i32
        %select_n3A_536 = arith.select %and3A_533, %sub3A_535, %div3A_514 : i32
        %jit3A_537 = arith.constant 4 : i32
        %eq3A_538 = arith.constant 0 : i32
        %eq3A_539 = arith.cmpi eq, %jit3A_537, %eq3A_538 : i32
        %jit3A_540 = arith.constant 1 : i32
        %select_n3A_541 = arith.select %eq3A_539, %jit3A_540, %jit3A_537 : i32
        %rem3A_542 = arith.remsi %sub3A_512, %select_n3A_541 : i32
        %ne3A_543 = arith.constant 0 : i32
        %ne3A_544 = arith.cmpi ne, %rem3A_542, %ne3A_543 : i32
        %lt3A_545 = arith.constant 0 : i32
        %lt3A_546 = arith.cmpi slt, %rem3A_542, %lt3A_545 : i32
        %lt3A_547 = arith.constant 0 : i32
        %lt3A_548 = arith.cmpi slt, %select_n3A_541, %lt3A_547 : i32
        %ne3A_549 = arith.xori %lt3A_546, %lt3A_548 : i1
        %and3A_550 = arith.andi %ne3A_549, %ne3A_544 : i1
        %add3A_551 = arith.addi %rem3A_542, %select_n3A_541 : i32
        %select_n3A_552 = arith.select %and3A_550, %add3A_551, %rem3A_542 : i32
        %mul3A_553 = arith.constant 8 : i32
        %mul3A_554 = arith.muli %select_n3A_536, %mul3A_553 : i32
        %add3A_555 = arith.addi %mul3A_2, %mul3A_554 : i32
        %mul3A_556 = arith.constant 2048 : i32
        %mul3A_557 = arith.muli %select_n3A_552, %mul3A_556 : i32
        %dma_wait3A_558 = tpu.memref_slice %arg4[%add3A_555, %mul3A_557] : memref<4096x8192xf32, #tpu.memory_space<hbm>> -> memref<8x2048xf32, #tpu.memory_space<hbm>>
        %dma_wait3A_559 = tpu.memref_slice %arg4[%add3A_555, %mul3A_557] : memref<4096x8192xf32, #tpu.memory_space<hbm>> -> memref<8x2048xf32, #tpu.memory_space<hbm>>
        tpu.wait_dma2 semaphore(%arg16 : memref<!tpu.dma_semaphore, #tpu.memory_space<semaphore_mem>>) src(%arg6 : memref<8x2048xf32, #tpu.memory_space<vmem>>) dst(%dma_wait3A_559 : memref<8x2048xf32, #tpu.memory_space<hbm>>)
      } else {
      }
      %add3A_449 = arith.constant 2 : i32
      %add3A_450 = arith.addi %add3A_396, %add3A_449 : i32
      %lt3A_451 = arith.constant 64 : i32
      %lt3A_452 = arith.cmpi slt, %add3A_450, %lt3A_451 : i32
      %convert_element_type3A_453 = arith.extui %lt3A_452 : i1 to i32
      %cond3A_454 = arith.constant 0 : i32
      %cond3A_455 = arith.cmpi ne, %convert_element_type3A_453, %cond3A_454 : i32
      scf.if %cond3A_455 {
        %add3A_511 = arith.constant 2 : i32
        %add3A_512 = arith.addi %add3A_396, %add3A_511 : i32
        %jit3A_513 = arith.constant 4 : i32
        %div3A_514 = arith.divsi %add3A_512, %jit3A_513 : i32
        %sign3A_515 = arith.constant 0 : i32
        %sign3A_516 = arith.cmpi sgt, %add3A_512, %sign3A_515 : i32
        %sign3A_517 = arith.extui %sign3A_516 : i1 to i32
        %sign3A_518 = arith.constant 0 : i32
        %sign3A_519 = arith.cmpi slt, %add3A_512, %sign3A_518 : i32
        %sign3A_520 = arith.extui %sign3A_519 : i1 to i32
        %sign3A_521 = arith.subi %sign3A_517, %sign3A_520 : i32
        %sign3A_522 = arith.constant 0 : i32
        %sign3A_523 = arith.cmpi sgt, %jit3A_513, %sign3A_522 : i32
        %sign3A_524 = arith.extui %sign3A_523 : i1 to i32
        %sign3A_525 = arith.constant 0 : i32
        %sign3A_526 = arith.cmpi slt, %jit3A_513, %sign3A_525 : i32
        %sign3A_527 = arith.extui %sign3A_526 : i1 to i32
        %sign3A_528 = arith.subi %sign3A_524, %sign3A_527 : i32
        %ne3A_529 = arith.cmpi ne, %sign3A_521, %sign3A_528 : i32
        %rem3A_530 = arith.remsi %add3A_512, %jit3A_513 : i32
        %ne3A_531 = arith.constant 0 : i32
        %ne3A_532 = arith.cmpi ne, %rem3A_530, %ne3A_531 : i32
        %and3A_533 = arith.andi %ne3A_529, %ne3A_532 : i1
        %sub3A_534 = arith.constant 1 : i32
        %sub3A_535 = arith.subi %div3A_514, %sub3A_534 : i32
        %select_n3A_536 = arith.select %and3A_533, %sub3A_535, %div3A_514 : i32
        %jit3A_537 = arith.constant 4 : i32
        %eq3A_538 = arith.constant 0 : i32
        %eq3A_539 = arith.cmpi eq, %jit3A_537, %eq3A_538 : i32
        %jit3A_540 = arith.constant 1 : i32
        %select_n3A_541 = arith.select %eq3A_539, %jit3A_540, %jit3A_537 : i32
        %rem3A_542 = arith.remsi %add3A_512, %select_n3A_541 : i32
        %ne3A_543 = arith.constant 0 : i32
        %ne3A_544 = arith.cmpi ne, %rem3A_542, %ne3A_543 : i32
        %lt3A_545 = arith.constant 0 : i32
        %lt3A_546 = arith.cmpi slt, %rem3A_542, %lt3A_545 : i32
        %lt3A_547 = arith.constant 0 : i32
        %lt3A_548 = arith.cmpi slt, %select_n3A_541, %lt3A_547 : i32
        %ne3A_549 = arith.xori %lt3A_546, %lt3A_548 : i1
        %and3A_550 = arith.andi %ne3A_549, %ne3A_544 : i1
        %add3A_551 = arith.addi %rem3A_542, %select_n3A_541 : i32
        %select_n3A_552 = arith.select %and3A_550, %add3A_551, %rem3A_542 : i32
        %mul3A_553 = arith.constant 8 : i32
        %mul3A_554 = arith.muli %select_n3A_536, %mul3A_553 : i32
        %add3A_555 = arith.addi %mul3A_2, %mul3A_554 : i32
        %mul3A_556 = arith.constant 2048 : i32
        %mul3A_557 = arith.muli %select_n3A_552, %mul3A_556 : i32
        %dma_start3A_558 = tpu.memref_slice %arg2[%add3A_555, %mul3A_557] : memref<4096x8192xf32, #tpu.memory_space<hbm>> -> memref<8x2048xf32, #tpu.memory_space<hbm>>
        %dma_start3A_559 = tpu.memref_slice %arg2[%add3A_555, %mul3A_557] : memref<4096x8192xf32, #tpu.memory_space<hbm>> -> memref<8x2048xf32, #tpu.memory_space<hbm>>
        tpu.enqueue_dma source(%dma_start3A_559 : memref<8x2048xf32, #tpu.memory_space<hbm>>) target(%arg6 : memref<8x2048xf32, #tpu.memory_space<vmem>>) target_semaphore(%arg12 : memref<!tpu.dma_semaphore, #tpu.memory_space<semaphore_mem>>)
      } else {
      }
      %scan3A_456 = arith.constant 0 : i32
      %scan3A_457 = arith.constant 0 : i32
      %scan3A_458 = arith.constant 8 : i32
      %scan3A_459 = arith.addi %scan3A_457, %scan3A_458 : i32
      %scan3A_460 = arith.constant 1 : i32
      %scan3A_461 = scf.for %scan3A_511 = %scan3A_457 to %scan3A_459 step %scan3A_460 iter_args(%scan3A_512 = %scan3A_456) -> (i32)  : i32 {
        %scan3A_513 = arith.constant 0 : i32
        %scan3A_514 = arith.constant 0 : i32
        %scan3A_515 = arith.constant 4 : i32
        %scan3A_516 = arith.addi %scan3A_514, %scan3A_515 : i32
        %scan3A_517 = arith.constant 1 : i32
        %scan3A_518 = scf.for %scan3A_521 = %scan3A_514 to %scan3A_516 step %scan3A_517 iter_args(%scan3A_522 = %scan3A_513) -> (i32)  : i32 {
          %mul3A_523 = arith.constant 512 : i32
          %mul3A_524 = arith.muli %scan3A_521, %mul3A_523 : i32
          %add3A_525 = arith.constant 0 : i32
          %add3A_526 = arith.addi %mul3A_524, %add3A_525 : i32
          %get3A = arith.index_cast %scan3A_511 : i32 to index
          %get3A_527 = arith.index_cast %add3A_526 : i32 to index
          %get3A_528 = tpu.vector_load %arg8[%get3A, %get3A_527] {strides = array<i32>} : memref<8x2048xf32, #tpu.memory_space<vmem>>, vector<16xf32>,
          %add3A_529 = arith.constant 16 : i32
          %add3A_530 = arith.addi %mul3A_524, %add3A_529 : i32
          %get3A_531 = arith.index_cast %scan3A_511 : i32 to index
          %get3A_532 = arith.index_cast %add3A_530 : i32 to index
          %get3A_533 = tpu.vector_load %arg8[%get3A_531, %get3A_532] {strides = array<i32>} : memref<8x2048xf32, #tpu.memory_space<vmem>>, vector<16xf32>,
          %add3A_534 = arith.constant 32 : i32
          %add3A_535 = arith.addi %mul3A_524, %add3A_534 : i32
          %get3A_536 = arith.index_cast %scan3A_511 : i32 to index
          %get3A_537 = arith.index_cast %add3A_535 : i32 to index
          %get3A_538 = tpu.vector_load %arg8[%get3A_536, %get3A_537] {strides = array<i32>} : memref<8x2048xf32, #tpu.memory_space<vmem>>, vector<16xf32>,
          %add3A_539 = arith.constant 48 : i32
          %add3A_540 = arith.addi %mul3A_524, %add3A_539 : i32
          %get3A_541 = arith.index_cast %scan3A_511 : i32 to index
          %get3A_542 = arith.index_cast %add3A_540 : i32 to index
          %get3A_543 = tpu.vector_load %arg8[%get3A_541, %get3A_542] {strides = array<i32>} : memref<8x2048xf32, #tpu.memory_space<vmem>>, vector<16xf32>,
          %add3A_544 = arith.constant 64 : i32
          %add3A_545 = arith.addi %mul3A_524, %add3A_544 : i32
          %get3A_546 = arith.index_cast %scan3A_511 : i32 to index
          %get3A_547 = arith.index_cast %add3A_545 : i32 to index
          %get3A_548 = tpu.vector_load %arg8[%get3A_546, %get3A_547] {strides = array<i32>} : memref<8x2048xf32, #tpu.memory_space<vmem>>, vector<16xf32>,
          %add3A_549 = arith.constant 80 : i32
          %add3A_550 = arith.addi %mul3A_524, %add3A_549 : i32
          %get3A_551 = arith.index_cast %scan3A_511 : i32 to index
          %get3A_552 = arith.index_cast %add3A_550 : i32 to index
          %get3A_553 = tpu.vector_load %arg8[%get3A_551, %get3A_552] {strides = array<i32>} : memref<8x2048xf32, #tpu.memory_space<vmem>>, vector<16xf32>,
          %add3A_554 = arith.constant 96 : i32
          %add3A_555 = arith.addi %mul3A_524, %add3A_554 : i32
          %get3A_556 = arith.index_cast %scan3A_511 : i32 to index
          %get3A_557 = arith.index_cast %add3A_555 : i32 to index
          %get3A_558 = tpu.vector_load %arg8[%get3A_556, %get3A_557] {strides = array<i32>} : memref<8x2048xf32, #tpu.memory_space<vmem>>, vector<16xf32>,
          %add3A_559 = arith.constant 112 : i32
          %add3A_560 = arith.addi %mul3A_524, %add3A_559 : i32
          %get3A_561 = arith.index_cast %scan3A_511 : i32 to index
          %get3A_562 = arith.index_cast %add3A_560 : i32 to index
          %get3A_563 = tpu.vector_load %arg8[%get3A_561, %get3A_562] {strides = array<i32>} : memref<8x2048xf32, #tpu.memory_space<vmem>>, vector<16xf32>,
          %add3A_564 = arith.constant 128 : i32
          %add3A_565 = arith.addi %mul3A_524, %add3A_564 : i32
          %get3A_566 = arith.index_cast %scan3A_511 : i32 to index
          %get3A_567 = arith.index_cast %add3A_565 : i32 to index
          %get3A_568 = tpu.vector_load %arg8[%get3A_566, %get3A_567] {strides = array<i32>} : memref<8x2048xf32, #tpu.memory_space<vmem>>, vector<16xf32>,
          %add3A_569 = arith.constant 144 : i32
          %add3A_570 = arith.addi %mul3A_524, %add3A_569 : i32
          %get3A_571 = arith.index_cast %scan3A_511 : i32 to index
          %get3A_572 = arith.index_cast %add3A_570 : i32 to index
          %get3A_573 = tpu.vector_load %arg8[%get3A_571, %get3A_572] {strides = array<i32>} : memref<8x2048xf32, #tpu.memory_space<vmem>>, vector<16xf32>,
          %add3A_574 = arith.constant 160 : i32
          %add3A_575 = arith.addi %mul3A_524, %add3A_574 : i32
          %get3A_576 = arith.index_cast %scan3A_511 : i32 to index
          %get3A_577 = arith.index_cast %add3A_575 : i32 to index
          %get3A_578 = tpu.vector_load %arg8[%get3A_576, %get3A_577] {strides = array<i32>} : memref<8x2048xf32, #tpu.memory_space<vmem>>, vector<16xf32>,
          %add3A_579 = arith.constant 176 : i32
          %add3A_580 = arith.addi %mul3A_524, %add3A_579 : i32
          %get3A_581 = arith.index_cast %scan3A_511 : i32 to index
          %get3A_582 = arith.index_cast %add3A_580 : i32 to index
          %get3A_583 = tpu.vector_load %arg8[%get3A_581, %get3A_582] {strides = array<i32>} : memref<8x2048xf32, #tpu.memory_space<vmem>>, vector<16xf32>,
          %add3A_584 = arith.constant 192 : i32
          %add3A_585 = arith.addi %mul3A_524, %add3A_584 : i32
          %get3A_586 = arith.index_cast %scan3A_511 : i32 to index
          %get3A_587 = arith.index_cast %add3A_585 : i32 to index
          %get3A_588 = tpu.vector_load %arg8[%get3A_586, %get3A_587] {strides = array<i32>} : memref<8x2048xf32, #tpu.memory_space<vmem>>, vector<16xf32>,
          %add3A_589 = arith.constant 208 : i32
          %add3A_590 = arith.addi %mul3A_524, %add3A_589 : i32
          %get3A_591 = arith.index_cast %scan3A_511 : i32 to index
          %get3A_592 = arith.index_cast %add3A_590 : i32 to index
          %get3A_593 = tpu.vector_load %arg8[%get3A_591, %get3A_592] {strides = array<i32>} : memref<8x2048xf32, #tpu.memory_space<vmem>>, vector<16xf32>,
          %add3A_594 = arith.constant 224 : i32
          %add3A_595 = arith.addi %mul3A_524, %add3A_594 : i32
          %get3A_596 = arith.index_cast %scan3A_511 : i32 to index
          %get3A_597 = arith.index_cast %add3A_595 : i32 to index
          %get3A_598 = tpu.vector_load %arg8[%get3A_596, %get3A_597] {strides = array<i32>} : memref<8x2048xf32, #tpu.memory_space<vmem>>, vector<16xf32>,
          %add3A_599 = arith.constant 240 : i32
          %add3A_600 = arith.addi %mul3A_524, %add3A_599 : i32
          %get3A_601 = arith.index_cast %scan3A_511 : i32 to index
          %get3A_602 = arith.index_cast %add3A_600 : i32 to index
          %get3A_603 = tpu.vector_load %arg8[%get3A_601, %get3A_602] {strides = array<i32>} : memref<8x2048xf32, #tpu.memory_space<vmem>>, vector<16xf32>,
          %add3A_604 = arith.constant 256 : i32
          %add3A_605 = arith.addi %mul3A_524, %add3A_604 : i32
          %get3A_606 = arith.index_cast %scan3A_511 : i32 to index
          %get3A_607 = arith.index_cast %add3A_605 : i32 to index
          %get3A_608 = tpu.vector_load %arg8[%get3A_606, %get3A_607] {strides = array<i32>} : memref<8x2048xf32, #tpu.memory_space<vmem>>, vector<16xf32>,
          %add3A_609 = arith.constant 272 : i32
          %add3A_610 = arith.addi %mul3A_524, %add3A_609 : i32
          %get3A_611 = arith.index_cast %scan3A_511 : i32 to index
          %get3A_612 = arith.index_cast %add3A_610 : i32 to index
          %get3A_613 = tpu.vector_load %arg8[%get3A_611, %get3A_612] {strides = array<i32>} : memref<8x2048xf32, #tpu.memory_space<vmem>>, vector<16xf32>,
          %add3A_614 = arith.constant 288 : i32
          %add3A_615 = arith.addi %mul3A_524, %add3A_614 : i32
          %get3A_616 = arith.index_cast %scan3A_511 : i32 to index
          %get3A_617 = arith.index_cast %add3A_615 : i32 to index
          %get3A_618 = tpu.vector_load %arg8[%get3A_616, %get3A_617] {strides = array<i32>} : memref<8x2048xf32, #tpu.memory_space<vmem>>, vector<16xf32>,
          %add3A_619 = arith.constant 304 : i32
          %add3A_620 = arith.addi %mul3A_524, %add3A_619 : i32
          %get3A_621 = arith.index_cast %scan3A_511 : i32 to index
          %get3A_622 = arith.index_cast %add3A_620 : i32 to index
          %get3A_623 = tpu.vector_load %arg8[%get3A_621, %get3A_622] {strides = array<i32>} : memref<8x2048xf32, #tpu.memory_space<vmem>>, vector<16xf32>,
          %add3A_624 = arith.constant 320 : i32
          %add3A_625 = arith.addi %mul3A_524, %add3A_624 : i32
          %get3A_626 = arith.index_cast %scan3A_511 : i32 to index
          %get3A_627 = arith.index_cast %add3A_625 : i32 to index
          %get3A_628 = tpu.vector_load %arg8[%get3A_626, %get3A_627] {strides = array<i32>} : memref<8x2048xf32, #tpu.memory_space<vmem>>, vector<16xf32>,
          %add3A_629 = arith.constant 336 : i32
          %add3A_630 = arith.addi %mul3A_524, %add3A_629 : i32
          %get3A_631 = arith.index_cast %scan3A_511 : i32 to index
          %get3A_632 = arith.index_cast %add3A_630 : i32 to index
          %get3A_633 = tpu.vector_load %arg8[%get3A_631, %get3A_632] {strides = array<i32>} : memref<8x2048xf32, #tpu.memory_space<vmem>>, vector<16xf32>,
          %add3A_634 = arith.constant 352 : i32
          %add3A_635 = arith.addi %mul3A_524, %add3A_634 : i32
          %get3A_636 = arith.index_cast %scan3A_511 : i32 to index
          %get3A_637 = arith.index_cast %add3A_635 : i32 to index
          %get3A_638 = tpu.vector_load %arg8[%get3A_636, %get3A_637] {strides = array<i32>} : memref<8x2048xf32, #tpu.memory_space<vmem>>, vector<16xf32>,
          %add3A_639 = arith.constant 368 : i32
          %add3A_640 = arith.addi %mul3A_524, %add3A_639 : i32
          %get3A_641 = arith.index_cast %scan3A_511 : i32 to index
          %get3A_642 = arith.index_cast %add3A_640 : i32 to index
          %get3A_643 = tpu.vector_load %arg8[%get3A_641, %get3A_642] {strides = array<i32>} : memref<8x2048xf32, #tpu.memory_space<vmem>>, vector<16xf32>,
          %add3A_644 = arith.constant 384 : i32
          %add3A_645 = arith.addi %mul3A_524, %add3A_644 : i32
          %get3A_646 = arith.index_cast %scan3A_511 : i32 to index
          %get3A_647 = arith.index_cast %add3A_645 : i32 to index
          %get3A_648 = tpu.vector_load %arg8[%get3A_646, %get3A_647] {strides = array<i32>} : memref<8x2048xf32, #tpu.memory_space<vmem>>, vector<16xf32>,
          %add3A_649 = arith.constant 400 : i32
          %add3A_650 = arith.addi %mul3A_524, %add3A_649 : i32
          %get3A_651 = arith.index_cast %scan3A_511 : i32 to index
          %get3A_652 = arith.index_cast %add3A_650 : i32 to index
          %get3A_653 = tpu.vector_load %arg8[%get3A_651, %get3A_652] {strides = array<i32>} : memref<8x2048xf32, #tpu.memory_space<vmem>>, vector<16xf32>,
          %add3A_654 = arith.constant 416 : i32
          %add3A_655 = arith.addi %mul3A_524, %add3A_654 : i32
          %get3A_656 = arith.index_cast %scan3A_511 : i32 to index
          %get3A_657 = arith.index_cast %add3A_655 : i32 to index
          %get3A_658 = tpu.vector_load %arg8[%get3A_656, %get3A_657] {strides = array<i32>} : memref<8x2048xf32, #tpu.memory_space<vmem>>, vector<16xf32>,
          %add3A_659 = arith.constant 432 : i32
          %add3A_660 = arith.addi %mul3A_524, %add3A_659 : i32
          %get3A_661 = arith.index_cast %scan3A_511 : i32 to index
          %get3A_662 = arith.index_cast %add3A_660 : i32 to index
          %get3A_663 = tpu.vector_load %arg8[%get3A_661, %get3A_662] {strides = array<i32>} : memref<8x2048xf32, #tpu.memory_space<vmem>>, vector<16xf32>,
          %add3A_664 = arith.constant 448 : i32
          %add3A_665 = arith.addi %mul3A_524, %add3A_664 : i32
          %get3A_666 = arith.index_cast %scan3A_511 : i32 to index
          %get3A_667 = arith.index_cast %add3A_665 : i32 to index
          %get3A_668 = tpu.vector_load %arg8[%get3A_666, %get3A_667] {strides = array<i32>} : memref<8x2048xf32, #tpu.memory_space<vmem>>, vector<16xf32>,
          %add3A_669 = arith.constant 464 : i32
          %add3A_670 = arith.addi %mul3A_524, %add3A_669 : i32
          %get3A_671 = arith.index_cast %scan3A_511 : i32 to index
          %get3A_672 = arith.index_cast %add3A_670 : i32 to index
          %get3A_673 = tpu.vector_load %arg8[%get3A_671, %get3A_672] {strides = array<i32>} : memref<8x2048xf32, #tpu.memory_space<vmem>>, vector<16xf32>,
          %add3A_674 = arith.constant 480 : i32
          %add3A_675 = arith.addi %mul3A_524, %add3A_674 : i32
          %get3A_676 = arith.index_cast %scan3A_511 : i32 to index
          %get3A_677 = arith.index_cast %add3A_675 : i32 to index
          %get3A_678 = tpu.vector_load %arg8[%get3A_676, %get3A_677] {strides = array<i32>} : memref<8x2048xf32, #tpu.memory_space<vmem>>, vector<16xf32>,
          %add3A_679 = arith.constant 496 : i32
          %add3A_680 = arith.addi %mul3A_524, %add3A_679 : i32
          %get3A_681 = arith.index_cast %scan3A_511 : i32 to index
          %get3A_682 = arith.index_cast %add3A_680 : i32 to index
          %get3A_683 = tpu.vector_load %arg8[%get3A_681, %get3A_682] {strides = array<i32>} : memref<8x2048xf32, #tpu.memory_space<vmem>>, vector<16xf32>,
          %mul3A_684 = vector.broadcast %scan3A_32 : f32 to vector<16xf32>
          %mul3A_685 = arith.mulf %get3A_528, %mul3A_684 : vector<16xf32>
          %add3A_686 = arith.addf %mul3A_685, %add3A_17 : vector<16xf32>
          %max3A = arith.maximumf %add3A_686, %convert_element_type3A : vector<16xf32>
          %min3A = arith.minimumf %max3A, %add3A_20 : vector<16xf32>
          %convert_element_type3A_687 = arith.fptosi %min3A : vector<16xf32> to vector<16xi32>
          %mul3A_688 = vector.broadcast %scan3A_32 : f32 to vector<16xf32>
          %mul3A_689 = arith.mulf %get3A_533, %mul3A_688 : vector<16xf32>
          %add3A_690 = arith.addf %mul3A_689, %add3A_17 : vector<16xf32>
          %max3A_691 = arith.maximumf %add3A_690, %convert_element_type3A : vector<16xf32>
          %min3A_692 = arith.minimumf %max3A_691, %add3A_20 : vector<16xf32>
          %convert_element_type3A_693 = arith.fptosi %min3A_692 : vector<16xf32> to vector<16xi32>
          %mul3A_694 = vector.broadcast %scan3A_32 : f32 to vector<16xf32>
          %mul3A_695 = arith.mulf %get3A_538, %mul3A_694 : vector<16xf32>
          %add3A_696 = arith.addf %mul3A_695, %add3A_17 : vector<16xf32>
          %max3A_697 = arith.maximumf %add3A_696, %convert_element_type3A : vector<16xf32>
          %min3A_698 = arith.minimumf %max3A_697, %add3A_20 : vector<16xf32>
          %convert_element_type3A_699 = arith.fptosi %min3A_698 : vector<16xf32> to vector<16xi32>
          %mul3A_700 = vector.broadcast %scan3A_32 : f32 to vector<16xf32>
          %mul3A_701 = arith.mulf %get3A_543, %mul3A_700 : vector<16xf32>
          %add3A_702 = arith.addf %mul3A_701, %add3A_17 : vector<16xf32>
          %max3A_703 = arith.maximumf %add3A_702, %convert_element_type3A : vector<16xf32>
          %min3A_704 = arith.minimumf %max3A_703, %add3A_20 : vector<16xf32>
          %convert_element_type3A_705 = arith.fptosi %min3A_704 : vector<16xf32> to vector<16xi32>
          %mul3A_706 = vector.broadcast %scan3A_32 : f32 to vector<16xf32>
          %mul3A_707 = arith.mulf %get3A_548, %mul3A_706 : vector<16xf32>
          %add3A_708 = arith.addf %mul3A_707, %add3A_17 : vector<16xf32>
          %max3A_709 = arith.maximumf %add3A_708, %convert_element_type3A : vector<16xf32>
          %min3A_710 = arith.minimumf %max3A_709, %add3A_20 : vector<16xf32>
          %convert_element_type3A_711 = arith.fptosi %min3A_710 : vector<16xf32> to vector<16xi32>
          %mul3A_712 = vector.broadcast %scan3A_32 : f32 to vector<16xf32>
          %mul3A_713 = arith.mulf %get3A_553, %mul3A_712 : vector<16xf32>
          %add3A_714 = arith.addf %mul3A_713, %add3A_17 : vector<16xf32>
          %max3A_715 = arith.maximumf %add3A_714, %convert_element_type3A : vector<16xf32>
          %min3A_716 = arith.minimumf %max3A_715, %add3A_20 : vector<16xf32>
          %convert_element_type3A_717 = arith.fptosi %min3A_716 : vector<16xf32> to vector<16xi32>
          %mul3A_718 = vector.broadcast %scan3A_32 : f32 to vector<16xf32>
          %mul3A_719 = arith.mulf %get3A_558, %mul3A_718 : vector<16xf32>
          %add3A_720 = arith.addf %mul3A_719, %add3A_17 : vector<16xf32>
          %max3A_721 = arith.maximumf %add3A_720, %convert_element_type3A : vector<16xf32>
          %min3A_722 = arith.minimumf %max3A_721, %add3A_20 : vector<16xf32>
          %convert_element_type3A_723 = arith.fptosi %min3A_722 : vector<16xf32> to vector<16xi32>
          %mul3A_724 = vector.broadcast %scan3A_32 : f32 to vector<16xf32>
          %mul3A_725 = arith.mulf %get3A_563, %mul3A_724 : vector<16xf32>
          %add3A_726 = arith.addf %mul3A_725, %add3A_17 : vector<16xf32>
          %max3A_727 = arith.maximumf %add3A_726, %convert_element_type3A : vector<16xf32>
          %min3A_728 = arith.minimumf %max3A_727, %add3A_20 : vector<16xf32>
          %convert_element_type3A_729 = arith.fptosi %min3A_728 : vector<16xf32> to vector<16xi32>
          %mul3A_730 = vector.broadcast %scan3A_32 : f32 to vector<16xf32>
          %mul3A_731 = arith.mulf %get3A_568, %mul3A_730 : vector<16xf32>
          %add3A_732 = arith.addf %mul3A_731, %add3A_17 : vector<16xf32>
          %max3A_733 = arith.maximumf %add3A_732, %convert_element_type3A : vector<16xf32>
          %min3A_734 = arith.minimumf %max3A_733, %add3A_20 : vector<16xf32>
          %convert_element_type3A_735 = arith.fptosi %min3A_734 : vector<16xf32> to vector<16xi32>
          %mul3A_736 = vector.broadcast %scan3A_32 : f32 to vector<16xf32>
          %mul3A_737 = arith.mulf %get3A_573, %mul3A_736 : vector<16xf32>
          %add3A_738 = arith.addf %mul3A_737, %add3A_17 : vector<16xf32>
          %max3A_739 = arith.maximumf %add3A_738, %convert_element_type3A : vector<16xf32>
          %min3A_740 = arith.minimumf %max3A_739, %add3A_20 : vector<16xf32>
          %convert_element_type3A_741 = arith.fptosi %min3A_740 : vector<16xf32> to vector<16xi32>
          %mul3A_742 = vector.broadcast %scan3A_32 : f32 to vector<16xf32>
          %mul3A_743 = arith.mulf %get3A_578, %mul3A_742 : vector<16xf32>
          %add3A_744 = arith.addf %mul3A_743, %add3A_17 : vector<16xf32>
          %max3A_745 = arith.maximumf %add3A_744, %convert_element_type3A : vector<16xf32>
          %min3A_746 = arith.minimumf %max3A_745, %add3A_20 : vector<16xf32>
          %convert_element_type3A_747 = arith.fptosi %min3A_746 : vector<16xf32> to vector<16xi32>
          %mul3A_748 = vector.broadcast %scan3A_32 : f32 to vector<16xf32>
          %mul3A_749 = arith.mulf %get3A_583, %mul3A_748 : vector<16xf32>
          %add3A_750 = arith.addf %mul3A_749, %add3A_17 : vector<16xf32>
          %max3A_751 = arith.maximumf %add3A_750, %convert_element_type3A : vector<16xf32>
          %min3A_752 = arith.minimumf %max3A_751, %add3A_20 : vector<16xf32>
          %convert_element_type3A_753 = arith.fptosi %min3A_752 : vector<16xf32> to vector<16xi32>
          %mul3A_754 = vector.broadcast %scan3A_32 : f32 to vector<16xf32>
          %mul3A_755 = arith.mulf %get3A_588, %mul3A_754 : vector<16xf32>
          %add3A_756 = arith.addf %mul3A_755, %add3A_17 : vector<16xf32>
          %max3A_757 = arith.maximumf %add3A_756, %convert_element_type3A : vector<16xf32>
          %min3A_758 = arith.minimumf %max3A_757, %add3A_20 : vector<16xf32>
          %convert_element_type3A_759 = arith.fptosi %min3A_758 : vector<16xf32> to vector<16xi32>
          %mul3A_760 = vector.broadcast %scan3A_32 : f32 to vector<16xf32>
          %mul3A_761 = arith.mulf %get3A_593, %mul3A_760 : vector<16xf32>
          %add3A_762 = arith.addf %mul3A_761, %add3A_17 : vector<16xf32>
          %max3A_763 = arith.maximumf %add3A_762, %convert_element_type3A : vector<16xf32>
          %min3A_764 = arith.minimumf %max3A_763, %add3A_20 : vector<16xf32>
          %convert_element_type3A_765 = arith.fptosi %min3A_764 : vector<16xf32> to vector<16xi32>
          %mul3A_766 = vector.broadcast %scan3A_32 : f32 to vector<16xf32>
          %mul3A_767 = arith.mulf %get3A_598, %mul3A_766 : vector<16xf32>
          %add3A_768 = arith.addf %mul3A_767, %add3A_17 : vector<16xf32>
          %max3A_769 = arith.maximumf %add3A_768, %convert_element_type3A : vector<16xf32>
          %min3A_770 = arith.minimumf %max3A_769, %add3A_20 : vector<16xf32>
          %convert_element_type3A_771 = arith.fptosi %min3A_770 : vector<16xf32> to vector<16xi32>
          %mul3A_772 = vector.broadcast %scan3A_32 : f32 to vector<16xf32>
          %mul3A_773 = arith.mulf %get3A_603, %mul3A_772 : vector<16xf32>
          %add3A_774 = arith.addf %mul3A_773, %add3A_17 : vector<16xf32>
          %max3A_775 = arith.maximumf %add3A_774, %convert_element_type3A : vector<16xf32>
          %min3A_776 = arith.minimumf %max3A_775, %add3A_20 : vector<16xf32>
          %convert_element_type3A_777 = arith.fptosi %min3A_776 : vector<16xf32> to vector<16xi32>
          %mul3A_778 = vector.broadcast %scan3A_32 : f32 to vector<16xf32>
          %mul3A_779 = arith.mulf %get3A_608, %mul3A_778 : vector<16xf32>
          %add3A_780 = arith.addf %mul3A_779, %add3A_17 : vector<16xf32>
          %max3A_781 = arith.maximumf %add3A_780, %convert_element_type3A : vector<16xf32>
          %min3A_782 = arith.minimumf %max3A_781, %add3A_20 : vector<16xf32>
          %convert_element_type3A_783 = arith.fptosi %min3A_782 : vector<16xf32> to vector<16xi32>
          %mul3A_784 = vector.broadcast %scan3A_32 : f32 to vector<16xf32>
          %mul3A_785 = arith.mulf %get3A_613, %mul3A_784 : vector<16xf32>
          %add3A_786 = arith.addf %mul3A_785, %add3A_17 : vector<16xf32>
          %max3A_787 = arith.maximumf %add3A_786, %convert_element_type3A : vector<16xf32>
          %min3A_788 = arith.minimumf %max3A_787, %add3A_20 : vector<16xf32>
          %convert_element_type3A_789 = arith.fptosi %min3A_788 : vector<16xf32> to vector<16xi32>
          %mul3A_790 = vector.broadcast %scan3A_32 : f32 to vector<16xf32>
          %mul3A_791 = arith.mulf %get3A_618, %mul3A_790 : vector<16xf32>
          %add3A_792 = arith.addf %mul3A_791, %add3A_17 : vector<16xf32>
          %max3A_793 = arith.maximumf %add3A_792, %convert_element_type3A : vector<16xf32>
          %min3A_794 = arith.minimumf %max3A_793, %add3A_20 : vector<16xf32>
          %convert_element_type3A_795 = arith.fptosi %min3A_794 : vector<16xf32> to vector<16xi32>
          %mul3A_796 = vector.broadcast %scan3A_32 : f32 to vector<16xf32>
          %mul3A_797 = arith.mulf %get3A_623, %mul3A_796 : vector<16xf32>
          %add3A_798 = arith.addf %mul3A_797, %add3A_17 : vector<16xf32>
          %max3A_799 = arith.maximumf %add3A_798, %convert_element_type3A : vector<16xf32>
          %min3A_800 = arith.minimumf %max3A_799, %add3A_20 : vector<16xf32>
          %convert_element_type3A_801 = arith.fptosi %min3A_800 : vector<16xf32> to vector<16xi32>
          %mul3A_802 = vector.broadcast %scan3A_32 : f32 to vector<16xf32>
          %mul3A_803 = arith.mulf %get3A_628, %mul3A_802 : vector<16xf32>
          %add3A_804 = arith.addf %mul3A_803, %add3A_17 : vector<16xf32>
          %max3A_805 = arith.maximumf %add3A_804, %convert_element_type3A : vector<16xf32>
          %min3A_806 = arith.minimumf %max3A_805, %add3A_20 : vector<16xf32>
          %convert_element_type3A_807 = arith.fptosi %min3A_806 : vector<16xf32> to vector<16xi32>
          %mul3A_808 = vector.broadcast %scan3A_32 : f32 to vector<16xf32>
          %mul3A_809 = arith.mulf %get3A_633, %mul3A_808 : vector<16xf32>
          %add3A_810 = arith.addf %mul3A_809, %add3A_17 : vector<16xf32>
          %max3A_811 = arith.maximumf %add3A_810, %convert_element_type3A : vector<16xf32>
          %min3A_812 = arith.minimumf %max3A_811, %add3A_20 : vector<16xf32>
          %convert_element_type3A_813 = arith.fptosi %min3A_812 : vector<16xf32> to vector<16xi32>
          %mul3A_814 = vector.broadcast %scan3A_32 : f32 to vector<16xf32>
          %mul3A_815 = arith.mulf %get3A_638, %mul3A_814 : vector<16xf32>
          %add3A_816 = arith.addf %mul3A_815, %add3A_17 : vector<16xf32>
          %max3A_817 = arith.maximumf %add3A_816, %convert_element_type3A : vector<16xf32>
          %min3A_818 = arith.minimumf %max3A_817, %add3A_20 : vector<16xf32>
          %convert_element_type3A_819 = arith.fptosi %min3A_818 : vector<16xf32> to vector<16xi32>
          %mul3A_820 = vector.broadcast %scan3A_32 : f32 to vector<16xf32>
          %mul3A_821 = arith.mulf %get3A_643, %mul3A_820 : vector<16xf32>
          %add3A_822 = arith.addf %mul3A_821, %add3A_17 : vector<16xf32>
          %max3A_823 = arith.maximumf %add3A_822, %convert_element_type3A : vector<16xf32>
          %min3A_824 = arith.minimumf %max3A_823, %add3A_20 : vector<16xf32>
          %convert_element_type3A_825 = arith.fptosi %min3A_824 : vector<16xf32> to vector<16xi32>
          %mul3A_826 = vector.broadcast %scan3A_32 : f32 to vector<16xf32>
          %mul3A_827 = arith.mulf %get3A_648, %mul3A_826 : vector<16xf32>
          %add3A_828 = arith.addf %mul3A_827, %add3A_17 : vector<16xf32>
          %max3A_829 = arith.maximumf %add3A_828, %convert_element_type3A : vector<16xf32>
          %min3A_830 = arith.minimumf %max3A_829, %add3A_20 : vector<16xf32>
          %convert_element_type3A_831 = arith.fptosi %min3A_830 : vector<16xf32> to vector<16xi32>
          %mul3A_832 = vector.broadcast %scan3A_32 : f32 to vector<16xf32>
          %mul3A_833 = arith.mulf %get3A_653, %mul3A_832 : vector<16xf32>
          %add3A_834 = arith.addf %mul3A_833, %add3A_17 : vector<16xf32>
          %max3A_835 = arith.maximumf %add3A_834, %convert_element_type3A : vector<16xf32>
          %min3A_836 = arith.minimumf %max3A_835, %add3A_20 : vector<16xf32>
          %convert_element_type3A_837 = arith.fptosi %min3A_836 : vector<16xf32> to vector<16xi32>
          %mul3A_838 = vector.broadcast %scan3A_32 : f32 to vector<16xf32>
          %mul3A_839 = arith.mulf %get3A_658, %mul3A_838 : vector<16xf32>
          %add3A_840 = arith.addf %mul3A_839, %add3A_17 : vector<16xf32>
          %max3A_841 = arith.maximumf %add3A_840, %convert_element_type3A : vector<16xf32>
          %min3A_842 = arith.minimumf %max3A_841, %add3A_20 : vector<16xf32>
          %convert_element_type3A_843 = arith.fptosi %min3A_842 : vector<16xf32> to vector<16xi32>
          %mul3A_844 = vector.broadcast %scan3A_32 : f32 to vector<16xf32>
          %mul3A_845 = arith.mulf %get3A_663, %mul3A_844 : vector<16xf32>
          %add3A_846 = arith.addf %mul3A_845, %add3A_17 : vector<16xf32>
          %max3A_847 = arith.maximumf %add3A_846, %convert_element_type3A : vector<16xf32>
          %min3A_848 = arith.minimumf %max3A_847, %add3A_20 : vector<16xf32>
          %convert_element_type3A_849 = arith.fptosi %min3A_848 : vector<16xf32> to vector<16xi32>
          %mul3A_850 = vector.broadcast %scan3A_32 : f32 to vector<16xf32>
          %mul3A_851 = arith.mulf %get3A_668, %mul3A_850 : vector<16xf32>
          %add3A_852 = arith.addf %mul3A_851, %add3A_17 : vector<16xf32>
          %max3A_853 = arith.maximumf %add3A_852, %convert_element_type3A : vector<16xf32>
          %min3A_854 = arith.minimumf %max3A_853, %add3A_20 : vector<16xf32>
          %convert_element_type3A_855 = arith.fptosi %min3A_854 : vector<16xf32> to vector<16xi32>
          %mul3A_856 = vector.broadcast %scan3A_32 : f32 to vector<16xf32>
          %mul3A_857 = arith.mulf %get3A_673, %mul3A_856 : vector<16xf32>
          %add3A_858 = arith.addf %mul3A_857, %add3A_17 : vector<16xf32>
          %max3A_859 = arith.maximumf %add3A_858, %convert_element_type3A : vector<16xf32>
          %min3A_860 = arith.minimumf %max3A_859, %add3A_20 : vector<16xf32>
          %convert_element_type3A_861 = arith.fptosi %min3A_860 : vector<16xf32> to vector<16xi32>
          %mul3A_862 = vector.broadcast %scan3A_32 : f32 to vector<16xf32>
          %mul3A_863 = arith.mulf %get3A_678, %mul3A_862 : vector<16xf32>
          %add3A_864 = arith.addf %mul3A_863, %add3A_17 : vector<16xf32>
          %max3A_865 = arith.maximumf %add3A_864, %convert_element_type3A : vector<16xf32>
          %min3A_866 = arith.minimumf %max3A_865, %add3A_20 : vector<16xf32>
          %convert_element_type3A_867 = arith.fptosi %min3A_866 : vector<16xf32> to vector<16xi32>
          %mul3A_868 = vector.broadcast %scan3A_32 : f32 to vector<16xf32>
          %mul3A_869 = arith.mulf %get3A_683, %mul3A_868 : vector<16xf32>
          %add3A_870 = arith.addf %mul3A_869, %add3A_17 : vector<16xf32>
          %max3A_871 = arith.maximumf %add3A_870, %convert_element_type3A : vector<16xf32>
          %min3A_872 = arith.minimumf %max3A_871, %add3A_20 : vector<16xf32>
          %convert_element_type3A_873 = arith.fptosi %min3A_872 : vector<16xf32> to vector<16xi32>
          tpu.vector_store_idx %arg9[%convert_element_type3A_687], %broadcast_in_dim3A_14 {add = true} : memref<4096xi32, #tpu.memory_space<vmem>>[vector<16xi32>], vector<16xi32>,
          tpu.vector_store_idx %arg9[%convert_element_type3A_693], %broadcast_in_dim3A_14 {add = true} : memref<4096xi32, #tpu.memory_space<vmem>>[vector<16xi32>], vector<16xi32>,
          tpu.vector_store_idx %arg9[%convert_element_type3A_699], %broadcast_in_dim3A_14 {add = true} : memref<4096xi32, #tpu.memory_space<vmem>>[vector<16xi32>], vector<16xi32>,
          tpu.vector_store_idx %arg9[%convert_element_type3A_705], %broadcast_in_dim3A_14 {add = true} : memref<4096xi32, #tpu.memory_space<vmem>>[vector<16xi32>], vector<16xi32>,
          tpu.vector_store_idx %arg9[%convert_element_type3A_711], %broadcast_in_dim3A_14 {add = true} : memref<4096xi32, #tpu.memory_space<vmem>>[vector<16xi32>], vector<16xi32>,
          tpu.vector_store_idx %arg9[%convert_element_type3A_717], %broadcast_in_dim3A_14 {add = true} : memref<4096xi32, #tpu.memory_space<vmem>>[vector<16xi32>], vector<16xi32>,
          tpu.vector_store_idx %arg9[%convert_element_type3A_723], %broadcast_in_dim3A_14 {add = true} : memref<4096xi32, #tpu.memory_space<vmem>>[vector<16xi32>], vector<16xi32>,
          tpu.vector_store_idx %arg9[%convert_element_type3A_729], %broadcast_in_dim3A_14 {add = true} : memref<4096xi32, #tpu.memory_space<vmem>>[vector<16xi32>], vector<16xi32>,
          tpu.vector_store_idx %arg9[%convert_element_type3A_735], %broadcast_in_dim3A_14 {add = true} : memref<4096xi32, #tpu.memory_space<vmem>>[vector<16xi32>], vector<16xi32>,
          tpu.vector_store_idx %arg9[%convert_element_type3A_741], %broadcast_in_dim3A_14 {add = true} : memref<4096xi32, #tpu.memory_space<vmem>>[vector<16xi32>], vector<16xi32>,
          tpu.vector_store_idx %arg9[%convert_element_type3A_747], %broadcast_in_dim3A_14 {add = true} : memref<4096xi32, #tpu.memory_space<vmem>>[vector<16xi32>], vector<16xi32>,
          tpu.vector_store_idx %arg9[%convert_element_type3A_753], %broadcast_in_dim3A_14 {add = true} : memref<4096xi32, #tpu.memory_space<vmem>>[vector<16xi32>], vector<16xi32>,
          tpu.vector_store_idx %arg9[%convert_element_type3A_759], %broadcast_in_dim3A_14 {add = true} : memref<4096xi32, #tpu.memory_space<vmem>>[vector<16xi32>], vector<16xi32>,
          tpu.vector_store_idx %arg9[%convert_element_type3A_765], %broadcast_in_dim3A_14 {add = true} : memref<4096xi32, #tpu.memory_space<vmem>>[vector<16xi32>], vector<16xi32>,
          tpu.vector_store_idx %arg9[%convert_element_type3A_771], %broadcast_in_dim3A_14 {add = true} : memref<4096xi32, #tpu.memory_space<vmem>>[vector<16xi32>], vector<16xi32>,
          tpu.vector_store_idx %arg9[%convert_element_type3A_777], %broadcast_in_dim3A_14 {add = true} : memref<4096xi32, #tpu.memory_space<vmem>>[vector<16xi32>], vector<16xi32>,
          tpu.vector_store_idx %arg9[%convert_element_type3A_783], %broadcast_in_dim3A_14 {add = true} : memref<4096xi32, #tpu.memory_space<vmem>>[vector<16xi32>], vector<16xi32>,
          tpu.vector_store_idx %arg9[%convert_element_type3A_789], %broadcast_in_dim3A_14 {add = true} : memref<4096xi32, #tpu.memory_space<vmem>>[vector<16xi32>], vector<16xi32>,
          tpu.vector_store_idx %arg9[%convert_element_type3A_795], %broadcast_in_dim3A_14 {add = true} : memref<4096xi32, #tpu.memory_space<vmem>>[vector<16xi32>], vector<16xi32>,
          tpu.vector_store_idx %arg9[%convert_element_type3A_801], %broadcast_in_dim3A_14 {add = true} : memref<4096xi32, #tpu.memory_space<vmem>>[vector<16xi32>], vector<16xi32>,
          tpu.vector_store_idx %arg9[%convert_element_type3A_807], %broadcast_in_dim3A_14 {add = true} : memref<4096xi32, #tpu.memory_space<vmem>>[vector<16xi32>], vector<16xi32>,
          tpu.vector_store_idx %arg9[%convert_element_type3A_813], %broadcast_in_dim3A_14 {add = true} : memref<4096xi32, #tpu.memory_space<vmem>>[vector<16xi32>], vector<16xi32>,
          tpu.vector_store_idx %arg9[%convert_element_type3A_819], %broadcast_in_dim3A_14 {add = true} : memref<4096xi32, #tpu.memory_space<vmem>>[vector<16xi32>], vector<16xi32>,
          tpu.vector_store_idx %arg9[%convert_element_type3A_825], %broadcast_in_dim3A_14 {add = true} : memref<4096xi32, #tpu.memory_space<vmem>>[vector<16xi32>], vector<16xi32>,
          tpu.vector_store_idx %arg9[%convert_element_type3A_831], %broadcast_in_dim3A_14 {add = true} : memref<4096xi32, #tpu.memory_space<vmem>>[vector<16xi32>], vector<16xi32>,
          tpu.vector_store_idx %arg9[%convert_element_type3A_837], %broadcast_in_dim3A_14 {add = true} : memref<4096xi32, #tpu.memory_space<vmem>>[vector<16xi32>], vector<16xi32>,
          tpu.vector_store_idx %arg9[%convert_element_type3A_843], %broadcast_in_dim3A_14 {add = true} : memref<4096xi32, #tpu.memory_space<vmem>>[vector<16xi32>], vector<16xi32>,
          tpu.vector_store_idx %arg9[%convert_element_type3A_849], %broadcast_in_dim3A_14 {add = true} : memref<4096xi32, #tpu.memory_space<vmem>>[vector<16xi32>], vector<16xi32>,
          tpu.vector_store_idx %arg9[%convert_element_type3A_855], %broadcast_in_dim3A_14 {add = true} : memref<4096xi32, #tpu.memory_space<vmem>>[vector<16xi32>], vector<16xi32>,
          tpu.vector_store_idx %arg9[%convert_element_type3A_861], %broadcast_in_dim3A_14 {add = true} : memref<4096xi32, #tpu.memory_space<vmem>>[vector<16xi32>], vector<16xi32>,
          tpu.vector_store_idx %arg9[%convert_element_type3A_867], %broadcast_in_dim3A_14 {add = true} : memref<4096xi32, #tpu.memory_space<vmem>>[vector<16xi32>], vector<16xi32>,
          tpu.vector_store_idx %arg9[%convert_element_type3A_873], %broadcast_in_dim3A_14 {add = true} : memref<4096xi32, #tpu.memory_space<vmem>>[vector<16xi32>], vector<16xi32>,
          %scan3A_874 = arith.constant 0 : i32
          scf.yield %scan3A_874 : i32
        }
        %scan3A_519 = arith.constant 4 : i32
        %scan3A_520 = arith.constant 0 : i32
        scf.yield %scan3A_520 : i32
      }
      %scan3A_462 = arith.constant 8 : i32
      %jit3A_463 = arith.constant 4 : i32
      %div3A_464 = arith.divsi %add3A_396, %jit3A_463 : i32
      %sign3A_465 = arith.constant 0 : i32
      %sign3A_466 = arith.cmpi sgt, %add3A_396, %sign3A_465 : i32
      %sign3A_467 = arith.extui %sign3A_466 : i1 to i32
      %sign3A_468 = arith.constant 0 : i32
      %sign3A_469 = arith.cmpi slt, %add3A_396, %sign3A_468 : i32
      %sign3A_470 = arith.extui %sign3A_469 : i1 to i32
      %sign3A_471 = arith.subi %sign3A_467, %sign3A_470 : i32
      %sign3A_472 = arith.constant 0 : i32
      %sign3A_473 = arith.cmpi sgt, %jit3A_463, %sign3A_472 : i32
      %sign3A_474 = arith.extui %sign3A_473 : i1 to i32
      %sign3A_475 = arith.constant 0 : i32
      %sign3A_476 = arith.cmpi slt, %jit3A_463, %sign3A_475 : i32
      %sign3A_477 = arith.extui %sign3A_476 : i1 to i32
      %sign3A_478 = arith.subi %sign3A_474, %sign3A_477 : i32
      %ne3A_479 = arith.cmpi ne, %sign3A_471, %sign3A_478 : i32
      %rem3A_480 = arith.remsi %add3A_396, %jit3A_463 : i32
      %ne3A_481 = arith.constant 0 : i32
      %ne3A_482 = arith.cmpi ne, %rem3A_480, %ne3A_481 : i32
      %and3A_483 = arith.andi %ne3A_479, %ne3A_482 : i1
      %sub3A_484 = arith.constant 1 : i32
      %sub3A_485 = arith.subi %div3A_464, %sub3A_484 : i32
      %select_n3A_486 = arith.select %and3A_483, %sub3A_485, %div3A_464 : i32
      %jit3A_487 = arith.constant 4 : i32
      %eq3A_488 = arith.constant 0 : i32
      %eq3A_489 = arith.cmpi eq, %jit3A_487, %eq3A_488 : i32
      %jit3A_490 = arith.constant 1 : i32
      %select_n3A_491 = arith.select %eq3A_489, %jit3A_490, %jit3A_487 : i32
      %rem3A_492 = arith.remsi %add3A_396, %select_n3A_491 : i32
      %ne3A_493 = arith.constant 0 : i32
      %ne3A_494 = arith.cmpi ne, %rem3A_492, %ne3A_493 : i32
      %lt3A_495 = arith.constant 0 : i32
      %lt3A_496 = arith.cmpi slt, %rem3A_492, %lt3A_495 : i32
      %lt3A_497 = arith.constant 0 : i32
      %lt3A_498 = arith.cmpi slt, %select_n3A_491, %lt3A_497 : i32
      %ne3A_499 = arith.xori %lt3A_496, %lt3A_498 : i1
      %and3A_500 = arith.andi %ne3A_499, %ne3A_494 : i1
      %add3A_501 = arith.addi %rem3A_492, %select_n3A_491 : i32
      %select_n3A_502 = arith.select %and3A_500, %add3A_501, %rem3A_492 : i32
      %mul3A_503 = arith.constant 8 : i32
      %mul3A_504 = arith.muli %select_n3A_486, %mul3A_503 : i32
      %add3A_505 = arith.addi %mul3A_2, %mul3A_504 : i32
      %mul3A_506 = arith.constant 2048 : i32
      %mul3A_507 = arith.muli %select_n3A_502, %mul3A_506 : i32
      %dma_start3A_508 = tpu.memref_slice %arg4[%add3A_505, %mul3A_507] : memref<4096x8192xf32, #tpu.memory_space<hbm>> -> memref<8x2048xf32, #tpu.memory_space<hbm>>
      %dma_start3A_509 = tpu.memref_slice %arg4[%add3A_505, %mul3A_507] : memref<4096x8192xf32, #tpu.memory_space<hbm>> -> memref<8x2048xf32, #tpu.memory_space<hbm>>
      tpu.enqueue_dma source(%arg8 : memref<8x2048xf32, #tpu.memory_space<vmem>>) target(%dma_start3A_509 : memref<8x2048xf32, #tpu.memory_space<hbm>>) target_semaphore(%arg18 : memref<!tpu.dma_semaphore, #tpu.memory_space<semaphore_mem>>)
      %scan3A_510 = arith.constant 0 : i32
      scf.yield %scan3A_510 : i32
    }
    %scan3A_39 = arith.constant 16 : i32
    %add3A_40 = arith.constant 120 : i32
    %add3A_41 = arith.addi %mul3A_2, %add3A_40 : i32
    %dma_wait3A = arith.constant 4096 : i32
    %dma_wait3A_42 = tpu.memref_slice %arg4[%add3A_41, %dma_wait3A] : memref<4096x8192xf32, #tpu.memory_space<hbm>> -> memref<8x2048xf32, #tpu.memory_space<hbm>>
    %dma_wait3A_43 = arith.constant 4096 : i32
    %dma_wait3A_44 = tpu.memref_slice %arg4[%add3A_41, %dma_wait3A_43] : memref<4096x8192xf32, #tpu.memory_space<hbm>> -> memref<8x2048xf32, #tpu.memory_space<hbm>>
    tpu.wait_dma2 semaphore(%arg17 : memref<!tpu.dma_semaphore, #tpu.memory_space<semaphore_mem>>) src(%arg7 : memref<8x2048xf32, #tpu.memory_space<vmem>>) dst(%dma_wait3A_44 : memref<8x2048xf32, #tpu.memory_space<hbm>>)
    %add3A_45 = arith.constant 120 : i32
    %add3A_46 = arith.addi %mul3A_2, %add3A_45 : i32
    %dma_wait3A_47 = arith.constant 6144 : i32
    %dma_wait3A_48 = tpu.memref_slice %arg4[%add3A_46, %dma_wait3A_47] : memref<4096x8192xf32, #tpu.memory_space<hbm>> -> memref<8x2048xf32, #tpu.memory_space<hbm>>
    %dma_wait3A_49 = arith.constant 6144 : i32
    %dma_wait3A_50 = tpu.memref_slice %arg4[%add3A_46, %dma_wait3A_49] : memref<4096x8192xf32, #tpu.memory_space<hbm>> -> memref<8x2048xf32, #tpu.memory_space<hbm>>
    tpu.wait_dma2 semaphore(%arg18 : memref<!tpu.dma_semaphore, #tpu.memory_space<semaphore_mem>>) src(%arg8 : memref<8x2048xf32, #tpu.memory_space<vmem>>) dst(%dma_wait3A_50 : memref<8x2048xf32, #tpu.memory_space<hbm>>)
    %scan3A_51 = arith.constant 0 : i32
    %scan3A_52 = arith.constant 0 : i32
    %scan3A_53 = arith.constant 16 : i32
    %scan3A_54 = arith.addi %scan3A_52, %scan3A_53 : i32
    %scan3A_55 = arith.constant 1 : i32
    %scan3A_56 = scf.for %scan3A_58 = %scan3A_52 to %scan3A_54 step %scan3A_55 iter_args(%scan3A_59 = %scan3A_51) -> (i32)  : i32 {
      %mul3A_60 = arith.constant 16 : i32
      %mul3A_61 = arith.muli %scan3A_58, %mul3A_60 : i32
      %get3A = arith.index_cast %mul3A_61 : i32 to index
      %get3A_62 = tpu.vector_load %arg9[%get3A] {strides = array<i32>} : memref<4096xi32, #tpu.memory_space<vmem>>, vector<16xi32>,
      %mul3A_63 = arith.constant 16 : i32
      %mul3A_64 = arith.muli %scan3A_58, %mul3A_63 : i32
      %add3A_65 = arith.constant 256 : i32
      %add3A_66 = arith.addi %add3A_65, %mul3A_64 : i32
      %get3A_67 = arith.index_cast %add3A_66 : i32 to index
      %get3A_68 = tpu.vector_load %arg9[%get3A_67] {strides = array<i32>} : memref<4096xi32, #tpu.memory_space<vmem>>, vector<16xi32>,
      %add3A_69 = arith.addi %get3A_62, %get3A_68 : vector<16xi32>
      %mul3A_70 = arith.constant 16 : i32
      %mul3A_71 = arith.muli %scan3A_58, %mul3A_70 : i32
      %add3A_72 = arith.constant 512 : i32
      %add3A_73 = arith.addi %add3A_72, %mul3A_71 : i32
      %get3A_74 = arith.index_cast %add3A_73 : i32 to index
      %get3A_75 = tpu.vector_load %arg9[%get3A_74] {strides = array<i32>} : memref<4096xi32, #tpu.memory_space<vmem>>, vector<16xi32>,
      %add3A_76 = arith.addi %add3A_69, %get3A_75 : vector<16xi32>
      %mul3A_77 = arith.constant 16 : i32
      %mul3A_78 = arith.muli %scan3A_58, %mul3A_77 : i32
      %add3A_79 = arith.constant 768 : i32
      %add3A_80 = arith.addi %add3A_79, %mul3A_78 : i32
      %get3A_81 = arith.index_cast %add3A_80 : i32 to index
      %get3A_82 = tpu.vector_load %arg9[%get3A_81] {strides = array<i32>} : memref<4096xi32, #tpu.memory_space<vmem>>, vector<16xi32>,
      %add3A_83 = arith.addi %add3A_76, %get3A_82 : vector<16xi32>
      %mul3A_84 = arith.constant 16 : i32
      %mul3A_85 = arith.muli %scan3A_58, %mul3A_84 : i32
      %add3A_86 = arith.constant 1024 : i32
      %add3A_87 = arith.addi %add3A_86, %mul3A_85 : i32
      %get3A_88 = arith.index_cast %add3A_87 : i32 to index
      %get3A_89 = tpu.vector_load %arg9[%get3A_88] {strides = array<i32>} : memref<4096xi32, #tpu.memory_space<vmem>>, vector<16xi32>,
      %add3A_90 = arith.addi %add3A_83, %get3A_89 : vector<16xi32>
      %mul3A_91 = arith.constant 16 : i32
      %mul3A_92 = arith.muli %scan3A_58, %mul3A_91 : i32
      %add3A_93 = arith.constant 1280 : i32
      %add3A_94 = arith.addi %add3A_93, %mul3A_92 : i32
      %get3A_95 = arith.index_cast %add3A_94 : i32 to index
      %get3A_96 = tpu.vector_load %arg9[%get3A_95] {strides = array<i32>} : memref<4096xi32, #tpu.memory_space<vmem>>, vector<16xi32>,
      %add3A_97 = arith.addi %add3A_90, %get3A_96 : vector<16xi32>
      %mul3A_98 = arith.constant 16 : i32
      %mul3A_99 = arith.muli %scan3A_58, %mul3A_98 : i32
      %add3A_100 = arith.constant 1536 : i32
      %add3A_101 = arith.addi %add3A_100, %mul3A_99 : i32
      %get3A_102 = arith.index_cast %add3A_101 : i32 to index
      %get3A_103 = tpu.vector_load %arg9[%get3A_102] {strides = array<i32>} : memref<4096xi32, #tpu.memory_space<vmem>>, vector<16xi32>,
      %add3A_104 = arith.addi %add3A_97, %get3A_103 : vector<16xi32>
      %mul3A_105 = arith.constant 16 : i32
      %mul3A_106 = arith.muli %scan3A_58, %mul3A_105 : i32
      %add3A_107 = arith.constant 1792 : i32
      %add3A_108 = arith.addi %add3A_107, %mul3A_106 : i32
      %get3A_109 = arith.index_cast %add3A_108 : i32 to index
      %get3A_110 = tpu.vector_load %arg9[%get3A_109] {strides = array<i32>} : memref<4096xi32, #tpu.memory_space<vmem>>, vector<16xi32>,
      %add3A_111 = arith.addi %add3A_104, %get3A_110 : vector<16xi32>
      %mul3A_112 = arith.constant 16 : i32
      %mul3A_113 = arith.muli %scan3A_58, %mul3A_112 : i32
      %add3A_114 = arith.constant 2048 : i32
      %add3A_115 = arith.addi %add3A_114, %mul3A_113 : i32
      %get3A_116 = arith.index_cast %add3A_115 : i32 to index
      %get3A_117 = tpu.vector_load %arg9[%get3A_116] {strides = array<i32>} : memref<4096xi32, #tpu.memory_space<vmem>>, vector<16xi32>,
      %add3A_118 = arith.addi %add3A_111, %get3A_117 : vector<16xi32>
      %mul3A_119 = arith.constant 16 : i32
      %mul3A_120 = arith.muli %scan3A_58, %mul3A_119 : i32
      %add3A_121 = arith.constant 2304 : i32
      %add3A_122 = arith.addi %add3A_121, %mul3A_120 : i32
      %get3A_123 = arith.index_cast %add3A_122 : i32 to index
      %get3A_124 = tpu.vector_load %arg9[%get3A_123] {strides = array<i32>} : memref<4096xi32, #tpu.memory_space<vmem>>, vector<16xi32>,
      %add3A_125 = arith.addi %add3A_118, %get3A_124 : vector<16xi32>
      %mul3A_126 = arith.constant 16 : i32
      %mul3A_127 = arith.muli %scan3A_58, %mul3A_126 : i32
      %add3A_128 = arith.constant 2560 : i32
      %add3A_129 = arith.addi %add3A_128, %mul3A_127 : i32
      %get3A_130 = arith.index_cast %add3A_129 : i32 to index
      %get3A_131 = tpu.vector_load %arg9[%get3A_130] {strides = array<i32>} : memref<4096xi32, #tpu.memory_space<vmem>>, vector<16xi32>,
      %add3A_132 = arith.addi %add3A_125, %get3A_131 : vector<16xi32>
      %mul3A_133 = arith.constant 16 : i32
      %mul3A_134 = arith.muli %scan3A_58, %mul3A_133 : i32
      %add3A_135 = arith.constant 2816 : i32
      %add3A_136 = arith.addi %add3A_135, %mul3A_134 : i32
      %get3A_137 = arith.index_cast %add3A_136 : i32 to index
      %get3A_138 = tpu.vector_load %arg9[%get3A_137] {strides = array<i32>} : memref<4096xi32, #tpu.memory_space<vmem>>, vector<16xi32>,
      %add3A_139 = arith.addi %add3A_132, %get3A_138 : vector<16xi32>
      %mul3A_140 = arith.constant 16 : i32
      %mul3A_141 = arith.muli %scan3A_58, %mul3A_140 : i32
      %add3A_142 = arith.constant 3072 : i32
      %add3A_143 = arith.addi %add3A_142, %mul3A_141 : i32
      %get3A_144 = arith.index_cast %add3A_143 : i32 to index
      %get3A_145 = tpu.vector_load %arg9[%get3A_144] {strides = array<i32>} : memref<4096xi32, #tpu.memory_space<vmem>>, vector<16xi32>,
      %add3A_146 = arith.addi %add3A_139, %get3A_145 : vector<16xi32>
      %mul3A_147 = arith.constant 16 : i32
      %mul3A_148 = arith.muli %scan3A_58, %mul3A_147 : i32
      %add3A_149 = arith.constant 3328 : i32
      %add3A_150 = arith.addi %add3A_149, %mul3A_148 : i32
      %get3A_151 = arith.index_cast %add3A_150 : i32 to index
      %get3A_152 = tpu.vector_load %arg9[%get3A_151] {strides = array<i32>} : memref<4096xi32, #tpu.memory_space<vmem>>, vector<16xi32>,
      %add3A_153 = arith.addi %add3A_146, %get3A_152 : vector<16xi32>
      %mul3A_154 = arith.constant 16 : i32
      %mul3A_155 = arith.muli %scan3A_58, %mul3A_154 : i32
      %add3A_156 = arith.constant 3584 : i32
      %add3A_157 = arith.addi %add3A_156, %mul3A_155 : i32
      %get3A_158 = arith.index_cast %add3A_157 : i32 to index
      %get3A_159 = tpu.vector_load %arg9[%get3A_158] {strides = array<i32>} : memref<4096xi32, #tpu.memory_space<vmem>>, vector<16xi32>,
      %add3A_160 = arith.addi %add3A_153, %get3A_159 : vector<16xi32>
      %mul3A_161 = arith.constant 16 : i32
      %mul3A_162 = arith.muli %scan3A_58, %mul3A_161 : i32
      %add3A_163 = arith.constant 3840 : i32
      %add3A_164 = arith.addi %add3A_163, %mul3A_162 : i32
      %get3A_165 = arith.index_cast %add3A_164 : i32 to index
      %get3A_166 = tpu.vector_load %arg9[%get3A_165] {strides = array<i32>} : memref<4096xi32, #tpu.memory_space<vmem>>, vector<16xi32>,
      %add3A_167 = arith.addi %add3A_160, %get3A_166 : vector<16xi32>
      %mul3A_168 = arith.constant 16 : i32
      %mul3A_169 = arith.muli %scan3A_58, %mul3A_168 : i32
      %swap3A = arith.index_cast %mul3A_169 : i32 to index
      %swap3A_170 = tpu.vector_load %arg10[%swap3A] {strides = array<i32>} : memref<256xi32, #tpu.memory_space<vmem>>, vector<16xi32>,
      tpu.vector_store %arg10[%swap3A], %add3A_167 {strides = array<i32>} : memref<256xi32, #tpu.memory_space<vmem>>, vector<16xi32>,
      %scan3A_171 = arith.constant 0 : i32
      scf.yield %scan3A_171 : i32
    }
    %scan3A_57 = arith.constant 16 : i32
    "tpu.region"() ({
      %run_scoped3A = tpu.sem_alloc : memref<!tpu.dma_semaphore, #tpu.memory_space<semaphore_mem>>
      %dma_start3A_58 = arith.constant 0 : i32
      %dma_start3A_59 = tpu.memref_slice %arg3[%add3A, %dma_start3A_58] : memref<32x256xi32, #tpu.memory_space<hbm>> -> memref<1x256xi32, #tpu.memory_space<hbm>>
      %dma_start3A_60 = tpu.memref_squeeze %dma_start3A_59 : memref<1x256xi32, #tpu.memory_space<hbm>> -> memref<256xi32, #tpu.memory_space<hbm>>
      %dma_start3A_61 = arith.constant 0 : i32
      %dma_start3A_62 = tpu.memref_slice %arg3[%add3A, %dma_start3A_61] : memref<32x256xi32, #tpu.memory_space<hbm>> -> memref<1x256xi32, #tpu.memory_space<hbm>>
      %dma_start3A_63 = tpu.memref_squeeze %dma_start3A_62 : memref<1x256xi32, #tpu.memory_space<hbm>> -> memref<256xi32, #tpu.memory_space<hbm>>
      tpu.enqueue_dma source(%arg10 : memref<256xi32, #tpu.memory_space<vmem>>) target(%dma_start3A_63 : memref<256xi32, #tpu.memory_space<hbm>>) target_semaphore(%run_scoped3A : memref<!tpu.dma_semaphore, #tpu.memory_space<semaphore_mem>>)
      %dma_wait3A_64 = arith.constant 0 : i32
      %dma_wait3A_65 = tpu.memref_slice %arg3[%add3A, %dma_wait3A_64] : memref<32x256xi32, #tpu.memory_space<hbm>> -> memref<1x256xi32, #tpu.memory_space<hbm>>
      %dma_wait3A_66 = tpu.memref_squeeze %dma_wait3A_65 : memref<1x256xi32, #tpu.memory_space<hbm>> -> memref<256xi32, #tpu.memory_space<hbm>>
      %dma_wait3A_67 = arith.constant 0 : i32
      %dma_wait3A_68 = tpu.memref_slice %arg3[%add3A, %dma_wait3A_67] : memref<32x256xi32, #tpu.memory_space<hbm>> -> memref<1x256xi32, #tpu.memory_space<hbm>>
      %dma_wait3A_69 = tpu.memref_squeeze %dma_wait3A_68 : memref<1x256xi32, #tpu.memory_space<hbm>> -> memref<256xi32, #tpu.memory_space<hbm>>
      tpu.wait_dma2 semaphore(%run_scoped3A : memref<!tpu.dma_semaphore, #tpu.memory_space<semaphore_mem>>) src(%arg10 : memref<256xi32, #tpu.memory_space<vmem>>) dst(%dma_wait3A_69 : memref<256xi32, #tpu.memory_space<hbm>>)
      tpu.yield
    }) : () -> ()
    return
  }
}

</mosaic_0001>

<sc_bundles>
// kernel: _hist_and_copy.3.cloned.1.call-start
scs
__scs_entry_jumppad:
0x0: {  	(pc) =	sbr.rel $0x88, $3  }
0x1: {  	(tag) =	ssettag $0x0;
	lr =	simm.s32 $0x1  }
0x2: {  	[smem:$0x3FA0] =	sst lr;
	_ =	strace $0xD0000000  }
0x3: {  	_ = 	snop  }
0x4: {  	_ = 	snop  }
0x5: {  	_ = 	snop  }
0x6: {  	_ = 	snop  }
0x7: {  	_ = 	snop  }
__scs_overlays_trampoline_lowered:
0x8: {  	[smem:$0x3FAF] =	sst s0  }
0x9: {  	[smem:$0x3FB0] =	sst s1  }
0xa: {  	[smem:$0x3FB1] =	sst s2  }
0xb: {  	[smem:$0x3FB2] =	sst s3  }
0xc: {  	[smem:$0x3FB3] =	sst s4  }
0xd: {  	[smem:$0x3FB4] =	sst s5  }
0xe: {  	[smem:$0x3FB5] =	sst s6  }
0xf: {  	[smem:$0x3FB6] =	sst s7  }
0x10: {  	[smem:$0x3FB7] =	sst s8  }
0x11: {  	[smem:$0x3FB8] =	sst s9;
	s0 =	simm.s32 @!p0 $0x0  }
0x12: {  	s1 =	sld [smem:$0x3F9E];
	s0 =	simm.s32 @p0 $0x1  }
0x13: {  	[smem:$0x3FB9] =	sst s0;
	s0 =	simm.s32 @!p1 $0x0  }
0x14: {  	s2 =	sld [smem:$0x3F9D];
	s0 =	simm.s32 @p1 $0x1  }
0x15: {  	[smem:$0x3FBA] =	sst s0;
	s0 =	simm.s32 @!p2 $0x0  }
0x16: {  	s3 =	sld [smem:$0x3FDB];
	s0 =	simm.s32 @p2 $0x1  }
0x17: {  	s4 =	simm.s32 $0x1BF5;
	[smem:$0x3FBC] =	sst s0  }
0x18: {  	s0 =	sld [smem:$0x3F9F];
	_ =	swait.ge [sflag:s4], $0x0  }
0x19: {  	s7 =	sld [smem:$0x3FA0]  }
0x1a: {  	s8 =	sadd.s32 $0xFFFFE003, lr  }
0x1b: {  	s9 =	sadd.s32 $0xFFFFFEF7, lr;
	s5 =	simm.s32 $0xFFFFFFFF;
	p2 =	slt.u32 s8, $0xFFFFF086  }
0x1c: {  	p1 =	slt.u32 s9, $0xF7A;
	s5 =	simm.s32 @!p2 $0x0  }
0x1d: {  	s5 =	simm.s32 @p1 $0x1;
	p0 =	seq.s32 s7, s2  }
0x1e: {  	s7 =	smul.u32 @!p0 $0xF7A, s2;
	p2 =	seq.s32 @!p0 s5, $0x0  }
0x1f: {  	s9 =	smul.u32 $0xF7A, s1;
	s8 =	simm.s32 @!p0 $0x1BF5;
	p2 =	por !p2, p0  }
0x20: {  	[sflag:s8] =	ssyncset.s32 @!p0 $0xFFFFF086;
	s6 =	sadd.s32 @!p0 s3, s7;
	s7 =	simm.s32 @!p0 $0x108  }
0x21: {  	s3 =	sadd.s32 s3, s9;
	s6 =	sadd.s32 @!p0 $0x88, s6;
	s7 =	simm.s32 @p2 $0x1082  }
0x22: {  	[simem:s7], [sflag:s8] =	dma.local @!p0 [hbm:s6], $0xF7A  }
0x23: {  	s9 =	sor.u32 $0xD0000000, s2;
	s6 =	simm.s32 $0x108;
	_ =	swait.ge @!p0 [sflag:s8], $0x0  }
0x24: {  	s3 =	sadd.s32 $0x88, s3;
	s6 =	simm.s32 @!p1 $0x1082;
	[sflag:s4] =	ssyncset.s32 $0xFFFFF086  }
0x25: {  	[simem:s6], [sflag:s4] =	dma.local [hbm:s3], $0xF7A  }
0x26: {  	[smem:$0x3FA0] =	sst s1;
	(tag) =	ssettag s2;
	_ =	strace s9  }
0x27: {  	s1 =	sld [smem:$0x3FB0]  }
0x28: {  	s2 =	sld [smem:$0x3FB1]  }
0x29: {  	s4 =	sld [smem:$0x3FB3]  }
0x2a: {  	p0 =	seq.s32 s5, $0x0;
	s5 =	sld [smem:$0x3FB4]  }
0x2b: {  	s6 =	sld [smem:$0x3FB5]  }
0x2c: {  	s7 =	sld [smem:$0x3FB6]  }
0x2d: {  	s3 =	simm.s32 $0x108;
	s8 =	sld [smem:$0x3FB7]  }
0x2e: {  	s3 =	simm.s32 @!p0 $0x1082;
	s9 =	sld [smem:$0x3FB8]  }
0x2f: {  	lr =	sadd.s32 s0, s3;
	s0 =	sld [smem:$0x3FAF]  }
0x30: {  	s3 =	sld [smem:$0x3FB2]  }
0x31: {  	[smem:$0x3FBB] =	sst s10  }
0x32: {  	s10 =	sld [smem:$0x3FB9];
	_ =	sdelay $0x3  }
0x33: {  	p0 =	seq.s32 s10, $0x1;
	s10 =	sld [smem:$0x3FBB];
	_ =	sdelay $0x3  }
0x34: {  	[smem:$0x3FBB] =	sst s10  }
0x35: {  	s10 =	sld [smem:$0x3FBA];
	_ =	sdelay $0x3  }
0x36: {  	p1 =	seq.s32 s10, $0x1;
	s10 =	sld [smem:$0x3FBB];
	_ =	sdelay $0x3  }
0x37: {  	[smem:$0x3FBB] =	sst s10  }
0x38: {  	s10 =	sld [smem:$0x3FBC]  }
0x39: {  	_ = 	snop;
	(pc) =	sbr.ind lr, $3  }
0x3a: {  	_ = 	snop  }
0x3b: {  	_ = 	snop  }
0x3c: {  	p2 =	seq.s32 s10, $0x1;
	s10 =	sld [smem:$0x3FBB]  }
0x3d: {  	_ =	shalt  }
0x3e: {  	_ =	shalt  }
0x3f: {  	_ =	shalt  }
0x40: {  	_ =	shalt  }
0x41: {  	_ =	shalt  }
0x42: {  	_ =	shalt  }
0x43: {  	_ =	shalt  }
0x44: {  	_ =	shalt  }
0x45: {  	_ =	shalt  }
0x46: {  	_ =	shalt  }
0x47: {  	_ =	shalt  }
0x48: {  	_ =	shalt  }
0x49: {  	_ =	shalt  }
0x4a: {  	_ =	shalt  }
0x4b: {  	_ =	shalt  }
0x4c: {  	_ =	shalt  }
0x4d: {  	_ =	shalt  }
0x4e: {  	_ =	shalt  }
0x4f: {  	_ =	shalt  }
0x50: {  	_ =	shalt  }
0x51: {  	_ =	shalt  }
0x52: {  	_ =	shalt  }
0x53: {  	_ =	shalt  }
0x54: {  	_ =	shalt  }
0x55: {  	_ =	shalt  }
0x56: {  	_ =	shalt  }
0x57: {  	_ =	shalt  }
0x58: {  	_ =	shalt  }
0x59: {  	_ =	shalt  }
0x5a: {  	_ =	shalt  }
0x5b: {  	_ =	shalt  }
0x5c: {  	_ =	shalt  }
0x5d: {  	_ =	shalt  }
0x5e: {  	_ =	shalt  }
0x5f: {  	_ =	shalt  }
0x60: {  	_ =	shalt  }
0x61: {  	_ =	shalt  }
0x62: {  	_ =	shalt  }
0x63: {  	_ =	shalt  }
0x64: {  	_ =	shalt  }
0x65: {  	_ =	shalt  }
0x66: {  	_ =	shalt  }
0x67: {  	_ =	shalt  }
0x68: {  	_ =	shalt  }
0x69: {  	_ =	shalt  }
0x6a: {  	_ =	shalt  }
0x6b: {  	_ =	shalt  }
0x6c: {  	_ =	shalt  }
0x6d: {  	_ =	shalt  }
0x6e: {  	_ =	shalt  }
0x6f: {  	_ =	shalt  }
0x70: {  	_ =	shalt  }
0x71: {  	_ =	shalt  }
0x72: {  	_ =	shalt  }
0x73: {  	_ =	shalt  }
0x74: {  	_ =	shalt  }
0x75: {  	_ =	shalt  }
0x76: {  	_ =	shalt  }
0x77: {  	_ =	shalt  }
0x78: {  	_ =	shalt  }
0x79: {  	_ =	shalt  }
0x7a: {  	_ =	shalt  }
0x7b: {  	_ =	shalt  }
0x7c: {  	_ =	shalt  }
0x7d: {  	_ =	shalt  }
0x7e: {  	_ =	shalt  }
0x7f: {  	_ =	shalt  }
0x80: {  	_ =	shalt  }
0x81: {  	_ =	shalt  }
0x82: {  	_ =	shalt  }
0x83: {  	_ =	shalt  }
0x84: {  	_ =	shalt  }
0x85: {  	_ =	shalt  }
0x86: {  	_ =	shalt  }
0x87: {  	_ =	shalt  }
.Lfunc_end0:
.L_simem_size_0:
called_computation_lowered:
.L_overlay_start_0:
0x88: {  	s2 =	sld [smem:$0x3FD9]  }
0x89: {  	s3 =	sld [smem:$0x3FFE];
	_ =	sdelay $0x1  }
0x8a: {  	s1 =	srdreg.scid  }
0x8b: {  	s0 =	sand.u32 $0x1, s1  }
0x8c: {  	s14 =	sshll.u32 s0, $0xA;
	s2 =	sadd.s32 s3, s2  }
0x8d: {  	s2 =	sadd.s32 s2, s14  }
0x8e: {  	[smem:$0x3FC7] =	sst s2  }
0x8f: {  	_ = 	snop  }
0x90: {  	s2 =	sld [smem:$0x3FD0];
	_ =	sdelay $0x2  }
0x91: {  	s4 =	simm.s32 $0xA;
	s5 =	simm.s32 $0x10;
	s15 =	sld [smem:$0x3FC9]  }
0x92: {  	[smem:s5], [sflag:s4] =	dma.local [hbm:s2], $0x1  }
0x93: {  	_ =	swait.eq [sflag:s4], $0x1  }
0x94: {  	[sflag:s4] =	ssyncset.done $0x0  }
0x95: {  	[sflag:s4] =	ssyncadd.s32 $0xFFFFFFFF  }
0x96: {  	s16 =	sld [smem:$0x11];
	(tm) =	ssettm $0x1  }
0x97: {  	s17 =	sld [smem:$0x3FFB];
	_ =	sdelay $0x3  }
0x98: {  	_ =	strace s17  }
0x99: {  	s4 =	sld [smem:$0x3FFC];
	_ =	sdelay $0x3  }
0x9a: {  	_ =	strace s4  }
0x9b: {  	s4 =	sld [smem:$0x3FFD];
	_ =	sdelay $0x3  }
0x9c: {  	_ =	strace s4  }
0x9d: {  	_ =	strace $0x8FFFFFFF  }
0x9e: {  	s18 =	sld [smem:$0x3FDB];
	_ =	sdelay $0x1  }
0x9f: {  	s19 =	simm.s32 $_scs_section_size  }
0xa0: {  	s6 =	simm.s32 $_size__tile_overlayer_lowered;
	s7 =	simm.s32 $_tile_overlayer_lowered  }
0xa1: {  	s22 =	simm.s32 $0x1BFF;
	s21 =	sshll.u32 s7, $0x1;
	s4 =	sadd.s32 s19, s18  }
0xa2: {  	s8 =	simm.s32 $0x0;
	s20 =	sshll.u32 s6, $0x1;
	s6 =	sadd.s32 s21, s4  }
0xa3: {  	[timem:s8], [sflag:s22] =	dma.local [hbm:s6], s20  }
0xa4: {  	_ =	swait.ge [sflag:s22], s20  }
0xa5: {  	s5 =	ssub.s32 $0x0, s20;
	[sflag:s22] =	ssyncset.done $0x0  }
0xa6: {  	[sflag:s22] =	ssyncadd.s32 s5;
	_ =	sdelay $0x1  }
0xa7: {  	s23 =	simm.s32 $0x1B8B  }
0xa8: {  	_ =	swait.ge [sflag:s23], $0x1  }
0xa9: {  	[sflag:s23] =	ssyncset.done $0x0  }
0xaa: {  	s25 =	simm.s32 $0x1B8E;
	s24 =	sld [smem:$0x3FFE];
	[sflag:s23] =	ssyncadd.s32 $0xFFFFFFFF  }
0xab: {  	s26 =	simm.s32 $execute0_lowered;
	[smem:$0x3FD2] =	sst s25  }
0xac: {  	s6 =	sshll.u32 s26, $0x1;
	_ =	strace $0x80000046;
	[dreg:$0x1] =	wrdreg $0xFFFFFFFF  }
0xad: {  	s28 =	simm.s32 $_size_execute0_lowered;
	s4 =	sadd.s32 s4, s6;
	[dreg:$0x0] =	wrdreg $0x0  }
0xae: {  	s6 =	sshll.u32 s28, $0x1;
	[dreg:$0x2] =	wrdreg s4  }
0xaf: {  	[dreg:$0x3] =	wrdreg s6  }
0xb0: {  	[dreg:$0x4] =	wrdreg $0xC0  }
0xb1: {  	_ =	task [dreg:s8], $0x5FFFF  }
0xb2: {  	[dreg:$0x1] =	wrdreg $0xFFFFFFFF  }
0xb3: {  	[dreg:$0x0] =	wrdreg $0x60  }
0xb4: {  	[dreg:$0x2] =	wrdreg s15  }
0xb5: {  	[dreg:$0x3] =	wrdreg s24  }
0xb6: {  	[dreg:$0x4] =	wrdreg s16  }
0xb7: {  	[dreg:$0x5] =	wrdreg $0x9  }
0xb8: {  	_ =	task.clear_ibuf [dreg:s8], $0x6FFFF;
	_ =	strace $0x90000046  }
0xb9: {  	s29 =	simm.s32 $0x9;
	_ =	strace $0x80000048  }
0xba: {  	_ =	swait.ge [sflag:s29], $0x1  }
0xbb: {  	[sflag:s29] =	ssyncadd.s32 $0xFFFFFFFF  }
0xbc: {  	_ =	strace $0x90000048  }
0xbd: {  	_ =	sfence  }
0xbe: {  	s30 =	sld [smem:$0x0];
	_ =	sdelay $0x2  }
0xbf: {  	s31 =	sshll.u32 s1, $0xD;
	s1 =	sshrl.u32 s1, $0x2  }
0xc0: {  	s3 =	sand.u32 $0x4000, s31;
	s1 =	sadd.s32 s1, s30  }
0xc1: {  	s0 =	sor.u32 s3, s0;
	s1 =	sshll.u32 s1, $0x11  }
0xc2: {  	s0 =	sor.u32 s1, s0  }
0xc3: {  	s0 =	sadd.s32 $0x8F2B, s0  }
0xc4: {  	[sflag:s0] =	ssyncadd.remote.s32 $0x1  }
0xc5: {  	_ =	sfence.sel $0xFFFF  }
0xc6: {  	[dreg:$0x0] =	wrdreg $0xFFFFFFFF;
	(pc) =	sbr.abs _section_cstart, $3  }
0xc7: {  	[dreg:$0x1] =	wrdreg $0xFFFFFFFF  }
0xc8: {  	_ =	task.clear_ibuf [dreg:s8], $0x2FFFF;
	_ =	strace $0x9FFFFFFF  }
0xc9: {  	(tm) =	ssettm $0x7FFFFFFF  }
tec
execute0_lowered:
.L_overlay_start_1:
0x0: {  	(tag) =	ssettag $0x1  }
0x1: {  	v0 =	vimm.f32 $3.968000000e+03;
	vm4 =	vcmask $0x300  }
0x2: {  	vm8 =	vcmask $0x704;
	vm7 =	vcmask $0xB08;
	vm6 =	vcmask $0xF0C  }
0x3: {  	vm5 =	vcmask $0x1310;
	vm3 =	vcmask $0x1714;
	vm2 =	vcmask $0x1B18  }
0x4: {  	vm0 =	vcmask $0x1F1C;
	v2 =	vimm.f32 $3.840000000e+03;
	v3 =	vimm.f32 $4.095000000e+03  }
0x5: {  	vm1 =	vcmask $0x2320;
	vm10 =	vcmask $0x2724;
	vm11 =	vcmask $0x2B28  }
0x6: {  	s0 =	rddreg [dreg:$0x0];
	vm12 =	vcmask $0x2F2C;
	vm13 =	vcmask $0x3330;
	vm14 =	vcmask $0x3734  }
0x7: {  	s1 =	rddreg [dreg:$0x1];
	vm15 =	vcmask $0x3B38;
	v4 =	vimm.s32 $0x1;
	v0 =	vsel vm4, $0x43000000, v0  }
0x8: {  	s2 =	rddreg [dreg:$0x2];
	s3 =	simm.s32 $0x0;
	s6 =	stileid.u32;
	v2 =	vsel vm4, $0x0, v2;
	v3 =	vsel vm4, $0x437F0000, v3;
	v0 =	vsel vm8, $0x43C00000, v0  }
0x9: {  	s5 =	srdreg.scid;
	s13 =	simm.s32 $0x4000;
	s14 =	simm.s32 $0x1;
	v2 =	vsel vm8, $0x43800000, v2;
	v3 =	vsel vm8, $0x43FF8000, v3;
	v0 =	vsel vm7, $0x44200000, v0  }
0xa: {  	s15 =	simm.s32 $0x8000;
	s16 =	simm.s32 $0x10000;
	s17 =	simm.s32 $0x2;
	v2 =	vsel vm7, $0x44000000, v2;
	v3 =	vsel vm7, $0x443FC000, v3;
	v0 =	vsel vm6, $0x44600000, v0  }
0xb: {  	s18 =	simm.s32 $0xC000;
	s19 =	simm.s32 $0x3;
	s20 =	simm.s32 $0x5;
	v2 =	vsel vm6, $0x44400000, v2;
	v3 =	vsel vm6, $0x447FC000, v3;
	v0 =	vsel vm5, $0x44900000, v0  }
0xc: {  	s21 =	simm.s32 $0x4;
	s22 =	simm.s32 $0x6;
	s23 =	simm.s32 $0x7;
	v2 =	vsel vm5, $0x44800000, v2;
	v3 =	vsel vm5, $0x449FE000, v3;
	v1 =	vsel vm3, $0x44B00000, v0  }
0xd: {  	s24 =	simm.s32 $0x8;
	s29 =	simm.s32 $0x9;
	s30 =	simm.s32 $0x0;
	v0 =	vimm.s32 $0x0;
	v2 =	vsel vm3, $0x44A00000, v2;
	v3 =	vsel vm3, $0x44BFE000, v3  }
0xe: {  	s31 =	simm.s32 $0x0;
	[smem:$0x7FF] =	sst s3;
	s4 =	sshll.u32 s6, $0x6;
	v1 =	vsel vm2, $0x44D00000, v1;
	v2 =	vsel vm2, $0x44C00000, v2;
	v3 =	vsel vm2, $0x44DFE000, v3  }
0xf: {  	s5 =	sand.u32 $0x1, s5;
	s6 =	sshll.u32 s6, $0x1;
	_ =	strace $0x80000047;
	v1 =	vsel vm0, $0x44F00000, v1;
	v2 =	vsel vm0, $0x44E00000, v2;
	v3 =	vsel vm0, $0x44FFE000, v3  }
0x10: {  	s4 =	sand.u32 $0x300, s4;
	s25 =	ssub.s32 $0x2, s5;
	s6 =	sor.u32 s5, s6;
	v1 =	vsel vm1, $0x45080000, v1;
	v2 =	vsel vm1, $0x45000000, v2;
	v3 =	vsel vm1, $0x450FF000, v3  }
0x11: {  	s1 =	sadd.s32 s4, s1;
	s7 =	sshrl.u32 s25, $0x1;
	s5 =	sshll.u32 s6, $0x11;
	v1 =	vsel vm10, $0x45180000, v1;
	v2 =	vsel vm10, $0x45100000, v2;
	v3 =	vsel vm10, $0x451FF000, v3  }
0x12: {  	s6 =	sshll.u32 s6, $0x4;
	s4 =	ssub.s32 s25, s7;
	s26 =	sadd.s32 s0, s5;
	v1 =	vsel vm11, $0x45280000, v1;
	v2 =	vsel vm11, $0x45200000, v2;
	v3 =	vsel vm11, $0x452FF000, v3  }
0x13: {  	s6 =	sand.u32 $0x70, s6;
	s8 =	sadd.s32 $0x800, s26;
	[dreg:$0x4] =	wrdreg s26;
	v1 =	vsel vm12, $0x45380000, v1;
	v2 =	vsel vm12, $0x45300000, v2;
	v3 =	vsel vm12, $0x453FF000, v3  }
0x14: {  	s1 =	sadd.s32 s6, s1;
	s28 =	smax.u32 s4, $0x1;
	[dreg:$0x5] =	wrdreg s8;
	v1 =	vsel vm13, $0x45480000, v1;
	v2 =	vsel vm13, $0x45400000, v2;
	v3 =	vsel vm13, $0x454FF000, v3  }
0x15: {  	s9 =	sadd.s32 $0x2000, s26;
	s1 =	sadd.s32 $0x400, s1;
	[dreg:$0x7] =	wrdreg s28;
	v1 =	vsel vm14, $0x45580000, v1;
	v2 =	vsel vm14, $0x45500000, v2;
	v3 =	vsel vm14, $0x455FF000, v3  }
0x16: {  	s10 =	sadd.s32 $0x2800, s26;
	s8 =	sadd.s32 $0x800, s2;
	[dreg:$0x6] =	wrdreg s1;
	v1 =	vsel vm15, $0x45680000, v1;
	v2 =	vsel vm15, $0x45600000, v2;
	v3 =	vsel vm15, $0x456FF000, v3  }
.LBB2_1:
0x17: {  	s1 =	simm.s32 $0x40;
	s4 =	simm.s32 $0x0  }
.LBB2_2:
0x18: {  	p0 =	sne.s32 s1, $0x3FC0;
	[tilespmem:s4+$0x10000] =	vst v0;
	s4 =	smov.u32 s1;
	s1 =	sadd.s32 $0x40, s1  }
.Ltmp0:
0x19: {  	(pc) =	sbr.rel @p0 .LBB2_2-.Ltmp0, $2  }
0x1a: {  	_ =	sdelay $0x2  }
0x1b: {  	s4 =	sshra.s32 s4, $0x2  }
0x1c: {  	[tilespmem:s4+$0x10000] =	vst v0;
	s1 =	rddreg [dreg:$0x4]  }
0x1d: {  	[tilespmem:s31], [sflag:$0x1] =	stream.linear.gather [hbm4b:s1+s31], $0x4000, $0x38;
	[tilespmem:$0x11100] =	vst v63  }
0x1e: {  	s28 =	rddreg [dreg:$0x5];
	s1 =	simm.s32 $0x0  }
0x1f: {  	[tilespmem:s13], [sflag:$0x2] =	stream.linear.gather [hbm4b:s28+s31], $0x4000, $0x38;
	[tilespmem:$0x11100] =	vst v63  }
.LBB2_4:
0x20: {  	_ =	swait.ge [sflag:s14], $0x4000  }
0x21: {  	p0 =	seq.s32 s1, $0x0;
	[sflag:s14] =	ssyncset.done $0x0  }
0x22: {  	s4 =	sshll.u32 s1, $0xD;
	s6 =	simm.s32 @!p0 $0x7;
	[sflag:s14] =	ssyncadd.s32 $0xFFFFC000  }
0x23: {  	s28 =	sor.u32 s5, s4;
	_ =	swait.ge @!p0 [sflag:s6], $0x4000  }
0x24: {  	s25 =	sor.u32 $0x1000, s28;
	[sflag:s6] =	ssyncset.done @!p0 $0x0  }
0x25: {  	s26 =	sadd.s32 s0, s25;
	[sflag:s6] =	ssyncadd.s32 @!p0 $0xFFFFC000  }
0x26: {  	[tilespmem:s15], [sflag:$0x3] =	stream.linear.gather [hbm4b:s26+s31], $0x4000, $0x38;
	[tilespmem:$0x11100] =	vst v63  }
0x27: {  	s7 =	simm.s32 $0x800;
	s26 =	simm.s32 $0x0  }
.LBB2_5:
0x28: {  	v5 =	vmov s7;
	_ =	sdelay $0x3  }
0x29: {  	s6 =	simm.s32 $0x0  }
0x2a: {  	v6 =	vld.idx.msk [tilespmem:v5+s6+$0xFFFFF810 ss:$0x1], $0xffff  }
0x2b: {  	v7 =	vld.idx.msk [tilespmem:v5+s6+$0xFFFFF800 ss:$0x1], $0xffff  }
0x2c: {  	v8 =	vld.idx.msk [tilespmem:v5+s6+$0xFFFFF820 ss:$0x1], $0xffff  }
0x2d: {  	v9 =	vld.idx.msk [tilespmem:v5+s6+$0xFFFFF830 ss:$0x1], $0xffff  }
0x2e: {  	v11 =	vld.idx.msk [tilespmem:v5+s6+$0xFFFFF850 ss:$0x1], $0xffff  }
0x2f: {  	v12 =	vld.idx.msk [tilespmem:v5+s6+$0x10 ss:$0x1], $0xffff  }
0x30: {  	v14 =	vld.idx.msk [tilespmem:v5+s6+$0xFFFFFC70 ss:$0x1], $0xffff  }
0x31: {  	v18 =	vld.idx.msk [tilespmem:v5+s6+$0xFFFFFC20 ss:$0x1], $0xffff  }
0x32: {  	v10 =	vld.idx.msk [tilespmem:v5+s6+$0xFFFFF840 ss:$0x1], $0xffff;
	v7 =	vmul.f32 $2.560000040e+01, v7  }
0x33: {  	v28 =	vld.idx.msk [tilespmem:v5+s6+$0x60 ss:$0x1], $0xffff;
	v6 =	vmul.f32 $2.560000040e+01, v6;
	v8 =	vmul.f32 $2.560000040e+01, v8  }
0x34: {  	v9 =	vmul.f32 $2.560000040e+01, v9;
	v11 =	vmul.f32 $2.560000040e+01, v11  }
0x35: {  	v19 =	vmul.f32 $2.560000040e+01, v12;
	v12 =	vmul.f32 $2.560000040e+01, v14;
	v7 =	vadd.f32 v1, v7  }
0x36: {  	v18 =	vmul.f32 $2.560000040e+01, v18;
	v6 =	vadd.f32 v1, v6;
	v8 =	vadd.f32 v1, v8  }
0x37: {  	v10 =	vmul.f32 $2.560000040e+01, v10;
	v9 =	vadd.f32 v1, v9;
	v11 =	vadd.f32 v1, v11  }
0x38: {  	v28 =	vmul.f32 $2.560000040e+01, v28;
	v21 =	vadd.f32 v1, v12;
	v34 =	vadd.f32 v1, v18  }
0x39: {  	v19 =	vadd.f32 v1, v19;
	v7 =	vmax.f32 v7, v2;
	v6 =	vmax.f32 v6, v2  }
0x3a: {  	v13 =	vld.idx.msk [tilespmem:v5+s6+$0xFFFFF860 ss:$0x1], $0xffff;
	v8 =	vmax.f32 v8, v2;
	v11 =	vmax.f32 v11, v2;
	v34 =	vmax.f32 v34, v2  }
0x3b: {  	v15 =	vld.idx.msk [tilespmem:v5+s6+$0x0 ss:$0x1], $0xffff;
	v21 =	vmax.f32 v21, v2;
	v19 =	vmax.f32 v19, v2;
	v6 =	vmin.f32 v6, v3  }
0x3c: {  	v16 =	vld.idx.msk [tilespmem:v5+s6+$0xFFFFFC60 ss:$0x1], $0xffff;
	v7 =	vmin.f32 v7, v3;
	v11 =	vmin.f32 v11, v3;
	v6 =	vtrunc.f32 v6  }
0x3d: {  	v7 =	vtrunc.f32 v7;
	v17 =	vcvt.f32.s32 v6;
	v6 =	vmin.f32 v8, v3;
	v8 =	vld.idx.msk [tilespmem:v5+s6+$0xFFFFFC00 ss:$0x1], $0xffff  }
0x3e: {  	v20 =	vcvt.f32.s32 v7;
	v7 =	vmax.f32 v9, v2;
	v9 =	vld.idx.msk [tilespmem:v5+s6+$0xFFFFFC10 ss:$0x1], $0xffff;
	v6 =	vtrunc.f32 v6  }
0x3f: {  	v11 =	vtrunc.f32 v11;
	v22 =	vcvt.f32.s32 v6;
	v6 =	vmin.f32 v7, v3  }
0x40: {  	v21 =	vmin.f32 v21, v3;
	v7 =	vmul.f32 $2.560000040e+01, v13;
	v6 =	vtrunc.f32 v6  }
0x41: {  	v26 =	vcvt.f32.s32 v11;
	v14 =	vcvt.f32.s32 v6;
	v6 =	vadd.f32 v1, v10  }
0x42: {  	v30 =	vld.idx.msk [tilespmem:v5+s6+$0x20 ss:$0x1], $0xffff;
	v10 =	vmul.f32 $2.560000040e+01, v15;
	v7 =	vadd.f32 v1, v7;
	v15 =	vmul.f32 $2.560000040e+01, v16  }
0x43: {  	v34 =	vmin.f32 v34, v3;
	v13 =	vld.idx.msk [tilespmem:v5+s6+$0xFFFFF870 ss:$0x1], $0xffff;
	v8 =	vmul.f32 $2.560000040e+01, v8;
	v9 =	vmul.f32 $2.560000040e+01, v9  }
0x44: {  	v16 =	vld.idx.msk [tilespmem:v5+s6+$0xFFFFFC50 ss:$0x1], $0xffff;
	v6 =	vmax.f32 v6, v2;
	v7 =	vmax.f32 v7, v2;
	v12 =	vadd.f32 v1, v15  }
0x45: {  	v15 =	vld.idx.msk [tilespmem:v5+s6+$0xFFFFFC30 ss:$0x1], $0xffff;
	v23 =	vadd.f32 v1, v10;
	v7 =	vmin.f32 v7, v3;
	v8 =	vadd.f32 v1, v8  }
0x46: {  	v10 =	vld.idx.msk [tilespmem:v5+s6+$0x430 ss:$0x1], $0xffff;
	v9 =	vadd.f32 v1, v9;
	v6 =	vmin.f32 v6, v3;
	v7 =	vtrunc.f32 v7  }
0x47: {  	v35 =	vld.idx.msk [tilespmem:v5+s6+$0x40 ss:$0x1], $0xffff;
	v25 =	vmax.f32 v12, v2;
	v6 =	vtrunc.f32 v6;
	v24 =	vcvt.f32.s32 v7  }
0x48: {  	v36 =	vld.idx.msk [tilespmem:v5+s6+$0x400 ss:$0x1], $0xffff;
	v7 =	vmul.f32 $2.560000040e+01, v13;
	v8 =	vmax.f32 v8, v2;
	v9 =	vmax.f32 v9, v2  }
0x49: {  	v13 =	vld.idx.msk [tilespmem:v5+s6+$0xFFFFFC40 ss:$0x1], $0xffff;
	v27 =	vcvt.f32.s32 v6;
	v16 =	vmul.f32 $2.560000040e+01, v16;
	v25 =	vmin.f32 v25, v3  }
0x4a: {  	v12 =	vld.idx.msk [tilespmem:v5+s6+$0x420 ss:$0x1], $0xffff;
	v9 =	vmin.f32 v9, v3;
	v7 =	vadd.f32 v1, v7;
	v11 =	vmul.f32 $2.560000040e+01, v15  }
0x4b: {  	v8 =	vmin.f32 v8, v3;
	v25 =	vtrunc.f32 v25;
	v15 =	vld.idx.msk [tilespmem:v5+s6+$0x410 ss:$0x1], $0xffff;
	v10 =	vmul.f32 $2.560000040e+01, v10  }
0x4c: {  	v37 =	vld.idx.msk [tilespmem:v5+s6+$0x30 ss:$0x1], $0xffff;
	v32 =	vtrunc.f32 v8;
	v6 =	vmax.f32 v7, v2;
	v11 =	vadd.f32 v1, v11  }
0x4d: {  	v16 =	vadd.f32 v1, v16;
	v7 =	vtrunc.f32 v9;
	v9 =	vld.idx.msk [tilespmem:v5+s6+$0x70 ss:$0x1], $0xffff;
	v29 =	vmin.f32 v6, v3  }
0x4e: {  	v13 =	vmul.f32 $2.560000040e+01, v13;
	v31 =	vcvt.f32.s32 v7;
	v6 =	vld.idx.msk [tilespmem:v5+s6+$0x470 ss:$0x1], $0xffff;
	v7 =	vmax.f32 v11, v2  }
0x4f: {  	v32 =	vcvt.f32.s32 v32;
	v33 =	vmax.f32 v16, v2;
	v8 =	vmin.f32 v7, v3;
	v7 =	vld.idx.msk [tilespmem:v5+s6+$0x460 ss:$0x1], $0xffff  }
0x50: {  	v11 =	vmul.f32 $2.560000040e+01, v12;
	v13 =	vadd.f32 v1, v13;
	v18 =	vmul.f32 $2.560000040e+01, v15;
	v15 =	vld.idx.msk [tilespmem:v5+s6+$0x50 ss:$0x1], $0xffff  }
0x51: {  	v33 =	vmin.f32 v33, v3;
	v29 =	vtrunc.f32 v29;
	v12 =	vtrunc.f32 v8;
	v8 =	vld.idx.msk [tilespmem:v5+s6+$0x450 ss:$0x1], $0xffff  }
0x52: {  	v12 =	vcvt.f32.s32 v12;
	v16 =	vmul.f32 $2.560000040e+01, v9;
	v9 =	vld.idx.msk [tilespmem:v5+s6+$0x440 ss:$0x1], $0xffff;
	v13 =	vmax.f32 v13, v2  }
0x53: {  	[tilespmem:v20+s16+$0x0] =	vst.idx.add.s32.msk $0xffff, v4;
	v38 =	vmin.f32 v13, v3;
	v13 =	vcvt.f32.s32 v25;
	v25 =	vcvt.f32.s32 v29  }
0x54: {  	v29 =	vtrunc.f32 v21;
	[tilespmem:v17+s16+$0x0] =	vst.idx.add.s32.msk $0xffff, v4;
	v17 =	vmax.f32 v23, v2;
	v21 =	vmul.f32 $2.560000040e+01, v30  }
0x55: {  	v23 =	vmul.f32 $2.560000040e+01, v37;
	[tilespmem:v22+s16+$0x0] =	vst.idx.add.s32.msk $0xffff, v4;
	v22 =	vmin.f32 v19, v3;
	v63 =	vmul.f32 $2.560000040e+01, v15  }
0x56: {  	v15 =	vmin.f32 v17, v3;
	v17 =	vmul.f32 $2.560000040e+01, v35;
	[tilespmem:v14+s16+$0x0] =	vst.idx.add.s32.msk $0xffff, v4;
	v14 =	vtrunc.f32 v38  }
0x57: {  	v20 =	vadd.f32 v1, v28;
	v22 =	vtrunc.f32 v22;
	[tilespmem:v27+s16+$0x0] =	vst.idx.add.s32.msk $0xffff, v4;
	v27 =	vmul.f32 $2.560000040e+01, v36  }
0x58: {  	v28 =	vadd.f32 v1, v23;
	v23 =	vtrunc.f32 v34;
	v15 =	vtrunc.f32 v15;
	[tilespmem:v26+s16+$0x0] =	vst.idx.add.s32.msk $0xffff, v4  }
0x59: {  	v19 =	vcvt.f32.s32 v14;
	v26 =	vadd.f32 v1, v17;
	[tilespmem:v24+s16+$0x0] =	vst.idx.add.s32.msk $0xffff, v4;
	v24 =	vadd.f32 v1, v27  }
0x5a: {  	v14 =	vcvt.f32.s32 v15;
	v15 =	vcvt.f32.s32 v22;
	v22 =	vadd.f32 v1, v63;
	[tilespmem:v25+s16+$0x0] =	vst.idx.add.s32.msk $0xffff, v4  }
0x5b: {  	v17 =	vcvt.f32.s32 v29;
	v27 =	vmax.f32 v28, v2;
	[tilespmem:v32+s16+$0x0] =	vst.idx.add.s32.msk $0xffff, v4;
	v25 =	vmax.f32 v24, v2  }
0x5c: {  	s11 =	simm.s32 $0x4000;
	v26 =	vmax.f32 v26, v2;
	v24 =	vtrunc.f32 v33;
	[tilespmem:v31+s16+$0x0] =	vst.idx.add.s32.msk $0xffff, v4;
	v25 =	vmin.f32 v25, v3  }
.LBB2_6:
0x5d: {  	p1 =	sne.s32 s11, $0xC000;
	v27 =	vmin.f32 v27, v3;
	v26 =	vmin.f32 v26, v3;
	v18 =	vadd.f32 v1, v18;
	s6 =	smov.u32 s11;
	s11 =	sadd.s32 $0x4000, s11  }
0x5e: {  	v21 =	vadd.f32 v1, v21;
	v16 =	vadd.f32 v1, v16;
	v26 =	vtrunc.f32 v26  }
0x5f: {  	v23 =	vcvt.f32.s32 v23;
	v26 =	vcvt.f32.s32 v26;
	v18 =	vmax.f32 v18, v2  }
0x60: {  	v24 =	vcvt.f32.s32 v24;
	v25 =	vtrunc.f32 v25;
	v18 =	vmin.f32 v18, v3  }
0x61: {  	v22 =	vmax.f32 v22, v2;
	v25 =	vcvt.f32.s32 v25;
	v21 =	vmax.f32 v21, v2  }
0x62: {  	v27 =	vtrunc.f32 v27;
	v22 =	vmin.f32 v22, v3;
	v18 =	vtrunc.f32 v18  }
0x63: {  	v20 =	vmax.f32 v20, v2;
	v22 =	vtrunc.f32 v22;
	v21 =	vmin.f32 v21, v3  }
0x64: {  	v20 =	vmin.f32 v20, v3;
	v22 =	vcvt.f32.s32 v22;
	v21 =	vtrunc.f32 v21  }
0x65: {  	v20 =	vtrunc.f32 v20;
	v16 =	vmax.f32 v16, v2;
	v21 =	vcvt.f32.s32 v21;
	[tilespmem:v23+s16+$0x0] =	vst.idx.add.s32.msk $0xffff, v4  }
0x66: {  	v11 =	vadd.f32 v1, v11;
	v20 =	vcvt.f32.s32 v20;
	v16 =	vmin.f32 v16, v3;
	[tilespmem:v12+s16+$0x0] =	vst.idx.add.s32.msk $0xffff, v4  }
0x67: {  	v10 =	vadd.f32 v1, v10;
	v16 =	vtrunc.f32 v16;
	v12 =	vcvt.f32.s32 v27;
	[tilespmem:v19+s16+$0x0] =	vst.idx.add.s32.msk $0xffff, v4  }
0x68: {  	v11 =	vmax.f32 v11, v2;
	v16 =	vcvt.f32.s32 v16;
	v18 =	vcvt.f32.s32 v18;
	[tilespmem:v24+s16+$0x0] =	vst.idx.add.s32.msk $0xffff, v4  }
0x69: {  	v9 =	vmul.f32 $2.560000040e+01, v9;
	v10 =	vmax.f32 v10, v2;
	v11 =	vmin.f32 v11, v3;
	[tilespmem:v13+s16+$0x0] =	vst.idx.add.s32.msk $0xffff, v4  }
0x6a: {  	v8 =	vmul.f32 $2.560000040e+01, v8;
	v10 =	vmin.f32 v10, v3;
	v11 =	vtrunc.f32 v11;
	[tilespmem:v17+s16+$0x0] =	vst.idx.add.s32.msk $0xffff, v4  }
0x6b: {  	v7 =	vmul.f32 $2.560000040e+01, v7;
	v9 =	vadd.f32 v1, v9;
	v10 =	vtrunc.f32 v10;
	[tilespmem:v14+s16+$0x0] =	vst.idx.add.s32.msk $0xffff, v4  }
0x6c: {  	v6 =	vmul.f32 $2.560000040e+01, v6;
	v8 =	vadd.f32 v1, v8;
	v11 =	vcvt.f32.s32 v11;
	[tilespmem:v15+s16+$0x0] =	vst.idx.add.s32.msk $0xffff, v4  }
0x6d: {  	v7 =	vadd.f32 v1, v7;
	v9 =	vmax.f32 v9, v2;
	[tilespmem:v21+s16+$0x0] =	vst.idx.add.s32.msk $0xffff, v4  }
0x6e: {  	v8 =	vmax.f32 v8, v2;
	v9 =	vmin.f32 v9, v3;
	[tilespmem:v12+s16+$0x0] =	vst.idx.add.s32.msk $0xffff, v4  }
0x6f: {  	v6 =	vadd.f32 v1, v6;
	v10 =	vcvt.f32.s32 v10;
	v9 =	vtrunc.f32 v9;
	[tilespmem:v26+s16+$0x0] =	vst.idx.add.s32.msk $0xffff, v4  }
0x70: {  	v7 =	vmax.f32 v7, v2;
	v8 =	vmin.f32 v8, v3;
	v9 =	vcvt.f32.s32 v9;
	[tilespmem:v22+s16+$0x0] =	vst.idx.add.s32.msk $0xffff, v4  }
0x71: {  	v6 =	vmax.f32 v6, v2;
	v7 =	vmin.f32 v7, v3;
	v8 =	vtrunc.f32 v8;
	[tilespmem:v20+s16+$0x0] =	vst.idx.add.s32.msk $0xffff, v4  }
0x72: {  	v6 =	vmin.f32 v6, v3;
	v7 =	vtrunc.f32 v7;
	v8 =	vcvt.f32.s32 v8;
	[tilespmem:v16+s16+$0x0] =	vst.idx.add.s32.msk $0xffff, v4  }
0x73: {  	v6 =	vtrunc.f32 v6;
	v7 =	vcvt.f32.s32 v7;
	[tilespmem:v25+s16+$0x0] =	vst.idx.add.s32.msk $0xffff, v4  }
0x74: {  	v6 =	vcvt.f32.s32 v6;
	[tilespmem:v18+s16+$0x0] =	vst.idx.add.s32.msk $0xffff, v4  }
0x75: {  	[tilespmem:v11+s16+$0x0] =	vst.idx.add.s32.msk $0xffff, v4  }
0x76: {  	[tilespmem:v10+s16+$0x0] =	vst.idx.add.s32.msk $0xffff, v4  }
0x77: {  	[tilespmem:v9+s16+$0x0] =	vst.idx.add.s32.msk $0xffff, v4  }
0x78: {  	[tilespmem:v8+s16+$0x0] =	vst.idx.add.s32.msk $0xffff, v4  }
0x79: {  	[tilespmem:v7+s16+$0x0] =	vst.idx.add.s32.msk $0xffff, v4  }
0x7a: {  	s12 =	sshra.s32 s6, $0x2;
	[tilespmem:v6+s16+$0x0] =	vst.idx.add.s32.msk $0xffff, v4  }
0x7b: {  	v6 =	vld.idx.msk [tilespmem:v5+s12+$0xFFFFF810 ss:$0x1], $0xffff  }
0x7c: {  	v7 =	vld.idx.msk [tilespmem:v5+s12+$0xFFFFF800 ss:$0x1], $0xffff  }
0x7d: {  	v8 =	vld.idx.msk [tilespmem:v5+s12+$0xFFFFF820 ss:$0x1], $0xffff  }
0x7e: {  	v9 =	vld.idx.msk [tilespmem:v5+s12+$0xFFFFF830 ss:$0x1], $0xffff  }
0x7f: {  	v10 =	vld.idx.msk [tilespmem:v5+s12+$0xFFFFF840 ss:$0x1], $0xffff  }
0x80: {  	v14 =	vld.idx.msk [tilespmem:v5+s12+$0x20 ss:$0x1], $0xffff  }
0x81: {  	v11 =	vld.idx.msk [tilespmem:v5+s12+$0xFFFFF850 ss:$0x1], $0xffff  }
0x82: {  	v6 =	vmul.f32 $2.560000040e+01, v6;
	v7 =	vmul.f32 $2.560000040e+01, v7;
	v12 =	vld.idx.msk [tilespmem:v5+s12+$0x10 ss:$0x1], $0xffff  }
0x83: {  	v8 =	vmul.f32 $2.560000040e+01, v8;
	v13 =	vld.idx.msk [tilespmem:v5+s12+$0xFFFFF860 ss:$0x1], $0xffff  }
0x84: {  	v6 =	vadd.f32 v1, v6;
	v7 =	vadd.f32 v1, v7;
	v9 =	vmul.f32 $2.560000040e+01, v9;
	v15 =	vld.idx.msk [tilespmem:v5+s12+$0x0 ss:$0x1], $0xffff  }
0x85: {  	v8 =	vadd.f32 v1, v8;
	v10 =	vmul.f32 $2.560000040e+01, v10;
	v16 =	vld.idx.msk [tilespmem:v5+s12+$0xFFFFFC70 ss:$0x1], $0xffff  }
0x86: {  	v6 =	vmax.f32 v6, v2;
	v7 =	vmax.f32 v7, v2;
	v9 =	vadd.f32 v1, v9;
	v17 =	vld.idx.msk [tilespmem:v5+s12+$0xFFFFF870 ss:$0x1], $0xffff  }
0x87: {  	v6 =	vmin.f32 v6, v3;
	v7 =	vmin.f32 v7, v3;
	v11 =	vmul.f32 $2.560000040e+01, v11;
	v18 =	vld.idx.msk [tilespmem:v5+s12+$0xFFFFFC60 ss:$0x1], $0xffff  }
0x88: {  	v6 =	vtrunc.f32 v6;
	v8 =	vmax.f32 v8, v2;
	v7 =	vtrunc.f32 v7;
	v19 =	vld.idx.msk [tilespmem:v5+s12+$0xFFFFFC00 ss:$0x1], $0xffff  }
0x89: {  	v21 =	vcvt.f32.s32 v6;
	v6 =	vmin.f32 v8, v3;
	v22 =	vmul.f32 $2.560000040e+01, v12;
	v20 =	vld.idx.msk [tilespmem:v5+s12+$0xFFFFFC10 ss:$0x1], $0xffff  }
0x8a: {  	v23 =	vcvt.f32.s32 v7;
	v6 =	vtrunc.f32 v6;
	v7 =	vmax.f32 v9, v2;
	v12 =	vld.idx.msk [tilespmem:v5+s12+$0xFFFFFC50 ss:$0x1], $0xffff  }
0x8b: {  	v25 =	vcvt.f32.s32 v6;
	v6 =	vmin.f32 v7, v3;
	v7 =	vmul.f32 $2.560000040e+01, v13;
	v24 =	vld.idx.msk [tilespmem:v5+s12+$0xFFFFFC20 ss:$0x1], $0xffff  }
0x8c: {  	v8 =	vadd.f32 v1, v11;
	v6 =	vtrunc.f32 v6;
	v9 =	vmul.f32 $2.560000040e+01, v16;
	v13 =	vld.idx.msk [tilespmem:v5+s12+$0xFFFFFC40 ss:$0x1], $0xffff  }
0x8d: {  	v10 =	vadd.f32 v1, v10;
	v15 =	vmul.f32 $2.560000040e+01, v15;
	v26 =	vcvt.f32.s32 v6;
	v11 =	vld.idx.msk [tilespmem:v5+s12+$0xFFFFFC30 ss:$0x1], $0xffff  }
0x8e: {  	v16 =	vmax.f32 v8, v2;
	v27 =	vadd.f32 v1, v7;
	v18 =	vmul.f32 $2.560000040e+01, v18;
	v6 =	vld.idx.msk [tilespmem:v5+s12+$0x470 ss:$0x1], $0xffff  }
0x8f: {  	v10 =	vmax.f32 v10, v2;
	v28 =	vadd.f32 v1, v9;
	v19 =	vmul.f32 $2.560000040e+01, v19;
	v7 =	vld.idx.msk [tilespmem:v5+s12+$0x460 ss:$0x1], $0xffff  }
0x90: {  	v16 =	vmin.f32 v16, v3;
	v27 =	vmax.f32 v27, v2;
	v18 =	vadd.f32 v1, v18;
	v8 =	vld.idx.msk [tilespmem:v5+s12+$0x450 ss:$0x1], $0xffff  }
0x91: {  	v16 =	vtrunc.f32 v16;
	v27 =	vmin.f32 v27, v3;
	v20 =	vmul.f32 $2.560000040e+01, v20;
	v9 =	vld.idx.msk [tilespmem:v5+s12+$0x440 ss:$0x1], $0xffff  }
0x92: {  	v15 =	vadd.f32 v1, v15;
	v27 =	vtrunc.f32 v27;
	v19 =	vadd.f32 v1, v19;
	v29 =	vld.idx.msk [tilespmem:v5+s12+$0x430 ss:$0x1], $0xffff  }
0x93: {  	v17 =	vmul.f32 $2.560000040e+01, v17;
	v27 =	vcvt.f32.s32 v27;
	v20 =	vadd.f32 v1, v20;
	v30 =	vld.idx.msk [tilespmem:v5+s12+$0x420 ss:$0x1], $0xffff  }
0x94: {  	v10 =	vmin.f32 v10, v3;
	v32 =	vmax.f32 v18, v2;
	v19 =	vmax.f32 v19, v2;
	v31 =	vld.idx.msk [tilespmem:v5+s12+$0x410 ss:$0x1], $0xffff  }
0x95: {  	v34 =	vcvt.f32.s32 v16;
	v16 =	vadd.f32 v1, v17;
	v17 =	vmax.f32 v20, v2;
	v33 =	vld.idx.msk [tilespmem:v5+s12+$0x400 ss:$0x1], $0xffff  }
0x96: {  	v10 =	vtrunc.f32 v10;
	v11 =	vmul.f32 $2.560000040e+01, v11;
	v17 =	vmin.f32 v17, v3;
	v18 =	vld.idx.msk [tilespmem:v5+s12+$0x70 ss:$0x1], $0xffff  }
0x97: {  	v35 =	vcvt.f32.s32 v10;
	v16 =	vmax.f32 v16, v2;
	v17 =	vtrunc.f32 v17;
	v20 =	vld.idx.msk [tilespmem:v5+s12+$0x60 ss:$0x1], $0xffff  }
0x98: {  	v19 =	vmin.f32 v19, v3;
	v11 =	vadd.f32 v1, v11;
	v10 =	vmul.f32 $2.560000040e+01, v29;
	v36 =	vld.idx.msk [tilespmem:v5+s12+$0x50 ss:$0x1], $0xffff  }
0x99: {  	v12 =	vmul.f32 $2.560000040e+01, v12;
	v37 =	vmin.f32 v16, v3;
	v13 =	vmul.f32 $2.560000040e+01, v13;
	v29 =	vld.idx.msk [tilespmem:v5+s12+$0x40 ss:$0x1], $0xffff  }
0x9a: {  	v39 =	vcvt.f32.s32 v17;
	v16 =	vmax.f32 v11, v2;
	v11 =	vmul.f32 $2.560000040e+01, v30;
	v38 =	vld.idx.msk [tilespmem:v5+s12+$0x30 ss:$0x1], $0xffff  }
0x9b: {  	v17 =	vtrunc.f32 v19;
	v19 =	vadd.f32 v1, v12;
	v16 =	vmin.f32 v16, v3;
	[tilespmem:v23+s16+$0x0] =	vst.idx.add.s32.msk $0xffff, v4  }
0x9c: {  	v13 =	vadd.f32 v1, v13;
	v12 =	vtrunc.f32 v16;
	v23 =	vmul.f32 $2.560000040e+01, v24;
	[tilespmem:v21+s16+$0x0] =	vst.idx.add.s32.msk $0xffff, v4  }
0x9d: {  	v19 =	vmax.f32 v19, v2;
	v12 =	vcvt.f32.s32 v12;
	v16 =	vmul.f32 $2.560000040e+01, v18;
	[tilespmem:v25+s16+$0x0] =	vst.idx.add.s32.msk $0xffff, v4  }
0x9e: {  	v18 =	vmul.f32 $2.560000040e+01, v31;
	v20 =	vmul.f32 $2.560000040e+01, v20;
	v21 =	vadd.f32 v1, v23  }
0x9f: {  	v24 =	vmin.f32 v19, v3;
	v19 =	vmin.f32 v32, v3;
	v23 =	vtrunc.f32 v37  }
0xa0: {  	v19 =	vtrunc.f32 v19;
	v25 =	vmax.f32 v28, v2;
	v21 =	vmax.f32 v21, v2  }
0xa1: {  	v13 =	vmax.f32 v13, v2;
	v28 =	vcvt.f32.s32 v17;
	v17 =	vmin.f32 v25, v3;
	[tilespmem:v26+s16+$0x0] =	vst.idx.add.s32.msk $0xffff, v4  }
0xa2: {  	v25 =	vmin.f32 v21, v3;
	v26 =	vmin.f32 v13, v3;
	v13 =	vcvt.f32.s32 v19;
	[tilespmem:v35+s16+$0x0] =	vst.idx.add.s32.msk $0xffff, v4  }
0xa3: {  	v23 =	vcvt.f32.s32 v23;
	v17 =	vtrunc.f32 v17;
	v19 =	vadd.f32 v1, v22;
	[tilespmem:v34+s16+$0x0] =	vst.idx.add.s32.msk $0xffff, v4  }
0xa4: {  	v15 =	vmax.f32 v15, v2;
	v21 =	vmul.f32 $2.560000040e+01, v14;
	v22 =	vmul.f32 $2.560000040e+01, v36;
	[tilespmem:v27+s16+$0x0] =	vst.idx.add.s32.msk $0xffff, v4  }
0xa5: {  	v20 =	vadd.f32 v1, v20;
	v14 =	vmin.f32 v15, v3;
	v15 =	vmul.f32 $2.560000040e+01, v29  }
0xa6: {  	v14 =	vtrunc.f32 v14;
	v26 =	vtrunc.f32 v26;
	v19 =	vmax.f32 v19, v2  }
0xa7: {  	v30 =	vmul.f32 $2.560000040e+01, v33;
	v29 =	vmul.f32 $2.560000040e+01, v38;
	v27 =	vmin.f32 v19, v3  }
.Ltmp1:
0xa8: {  	v19 =	vcvt.f32.s32 v26;
	v26 =	vtrunc.f32 v27;
	v27 =	vadd.f32 v1, v15;
	(pc) =	sbr.rel @p1 .LBB2_6-.Ltmp1, $4  }
0xa9: {  	v30 =	vadd.f32 v1, v30;
	v14 =	vcvt.f32.s32 v14;
	v29 =	vadd.f32 v1, v29;
	[tilespmem:v23+s16+$0x0] =	vst.idx.add.s32.msk $0xffff, v4  }
0xaa: {  	v17 =	vcvt.f32.s32 v17;
	v15 =	vcvt.f32.s32 v26;
	v26 =	vmax.f32 v27, v2;
	[tilespmem:v28+s16+$0x0] =	vst.idx.add.s32.msk $0xffff, v4  }
0xab: {  	v22 =	vadd.f32 v1, v22;
	v23 =	vtrunc.f32 v25;
	v25 =	vmax.f32 v30, v2;
	[tilespmem:v39+s16+$0x0] =	vst.idx.add.s32.msk $0xffff, v4  }
0xac: {  	v24 =	vtrunc.f32 v24;
	v27 =	vmax.f32 v29, v2;
	v25 =	vmin.f32 v25, v3  }
0xad: {  	v5 =	vmin.f32 v27, v3  }
0xae: {  	v26 =	vmin.f32 v26, v3;
	v18 =	vadd.f32 v1, v18;
	v21 =	vadd.f32 v1, v21  }
0xaf: {  	v16 =	vadd.f32 v1, v16;
	v23 =	vcvt.f32.s32 v23;
	v24 =	vcvt.f32.s32 v24  }
0xb0: {  	v25 =	vtrunc.f32 v25;
	v22 =	vmax.f32 v22, v2;
	v9 =	vmul.f32 $2.560000040e+01, v9  }
0xb1: {  	v20 =	vmax.f32 v20, v2;
	v8 =	vmul.f32 $2.560000040e+01, v8;
	v7 =	vmul.f32 $2.560000040e+01, v7  }
0xb2: {  	v11 =	vadd.f32 v1, v11;
	v6 =	vmul.f32 $2.560000040e+01, v6;
	v26 =	vtrunc.f32 v26  }
0xb3: {  	v10 =	vadd.f32 v1, v10;
	v25 =	vcvt.f32.s32 v25;
	v5 =	vtrunc.f32 v5  }
0xb4: {  	v22 =	vmin.f32 v22, v3;
	v20 =	vmin.f32 v20, v3;
	v21 =	vmax.f32 v21, v2  }
0xb5: {  	v26 =	vcvt.f32.s32 v26;
	v18 =	vmax.f32 v18, v2;
	v21 =	vmin.f32 v21, v3;
	[tilespmem:v23+s16+$0x0] =	vst.idx.add.s32.msk $0xffff, v4  }
0xb6: {  	v22 =	vtrunc.f32 v22;
	v16 =	vmax.f32 v16, v2;
	v21 =	vtrunc.f32 v21;
	[tilespmem:v12+s16+$0x0] =	vst.idx.add.s32.msk $0xffff, v4  }
0xb7: {  	v11 =	vmax.f32 v11, v2;
	v10 =	vmax.f32 v10, v2;
	v21 =	vcvt.f32.s32 v21;
	[tilespmem:v19+s16+$0x0] =	vst.idx.add.s32.msk $0xffff, v4  }
0xb8: {  	v5 =	vcvt.f32.s32 v5;
	v9 =	vadd.f32 v1, v9;
	v8 =	vadd.f32 v1, v8;
	[tilespmem:v24+s16+$0x0] =	vst.idx.add.s32.msk $0xffff, v4  }
0xb9: {  	v20 =	vtrunc.f32 v20;
	v7 =	vadd.f32 v1, v7;
	v6 =	vadd.f32 v1, v6;
	[tilespmem:v13+s16+$0x0] =	vst.idx.add.s32.msk $0xffff, v4  }
0xba: {  	v18 =	vmin.f32 v18, v3;
	v22 =	vcvt.f32.s32 v22;
	v16 =	vmin.f32 v16, v3;
	[tilespmem:v17+s16+$0x0] =	vst.idx.add.s32.msk $0xffff, v4  }
0xbb: {  	v63 =	vcvt.f32.s32 v20;
	v11 =	vmin.f32 v11, v3;
	v16 =	vtrunc.f32 v16;
	[tilespmem:v14+s16+$0x0] =	vst.idx.add.s32.msk $0xffff, v4  }
0xbc: {  	v10 =	vmin.f32 v10, v3;
	v18 =	vtrunc.f32 v18;
	v16 =	vcvt.f32.s32 v16;
	[tilespmem:v15+s16+$0x0] =	vst.idx.add.s32.msk $0xffff, v4  }
0xbd: {  	v11 =	vtrunc.f32 v11;
	v10 =	vtrunc.f32 v10;
	v9 =	vmax.f32 v9, v2;
	[tilespmem:v21+s16+$0x0] =	vst.idx.add.s32.msk $0xffff, v4  }
0xbe: {  	v8 =	vmax.f32 v8, v2;
	v7 =	vmax.f32 v7, v2;
	v18 =	vcvt.f32.s32 v18;
	[tilespmem:v5+s16+$0x0] =	vst.idx.add.s32.msk $0xffff, v4  }
0xbf: {  	v6 =	vmax.f32 v6, v2;
	v11 =	vcvt.f32.s32 v11;
	v9 =	vmin.f32 v9, v3;
	[tilespmem:v26+s16+$0x0] =	vst.idx.add.s32.msk $0xffff, v4  }
0xc0: {  	v8 =	vmin.f32 v8, v3;
	v9 =	vtrunc.f32 v9;
	v5 =	vcvt.f32.s32 v10;
	[tilespmem:v22+s16+$0x0] =	vst.idx.add.s32.msk $0xffff, v4  }
0xc1: {  	v7 =	vmin.f32 v7, v3;
	v8 =	vtrunc.f32 v8;
	v9 =	vcvt.f32.s32 v9;
	[tilespmem:v63+s16+$0x0] =	vst.idx.add.s32.msk $0xffff, v4  }
0xc2: {  	v6 =	vmin.f32 v6, v3;
	v7 =	vtrunc.f32 v7;
	v8 =	vcvt.f32.s32 v8;
	[tilespmem:v16+s16+$0x0] =	vst.idx.add.s32.msk $0xffff, v4  }
0xc3: {  	v6 =	vtrunc.f32 v6;
	v7 =	vcvt.f32.s32 v7;
	[tilespmem:v25+s16+$0x0] =	vst.idx.add.s32.msk $0xffff, v4  }
0xc4: {  	s26 =	sadd.s32 $0x1, s26;
	v6 =	vcvt.f32.s32 v6;
	[tilespmem:v18+s16+$0x0] =	vst.idx.add.s32.msk $0xffff, v4  }
0xc5: {  	p1 =	sne.s32 s26, $0x8;
	[tilespmem:v11+s16+$0x0] =	vst.idx.add.s32.msk $0xffff, v4  }
.Ltmp2:
0xc6: {  	[tilespmem:v5+s16+$0x0] =	vst.idx.add.s32.msk $0xffff, v4;
	(pc) =	sbr.rel @p1 .LBB2_5-.Ltmp2, $4  }
0xc7: {  	[tilespmem:v9+s16+$0x0] =	vst.idx.add.s32.msk $0xffff, v4  }
0xc8: {  	[tilespmem:v8+s16+$0x0] =	vst.idx.add.s32.msk $0xffff, v4  }
0xc9: {  	[tilespmem:v7+s16+$0x0] =	vst.idx.add.s32.msk $0xffff, v4  }
0xca: {  	s7 =	sadd.s32 $0x80, s7;
	[tilespmem:v6+s16+$0x0] =	vst.idx.add.s32.msk $0xffff, v4  }
0xcb: {  	s6 =	sadd.s32 s2, s28  }
0xcc: {  	[hbm4b:s6+s3] =	stream.linear.scatter [tilespmem:s3], [sflag:$0x5], $0x4000, $0x38;
	[tilespmem:$0x11100] =	vst v63  }
0xcd: {  	_ =	swait.ge [sflag:s17], $0x4000  }
0xce: {  	[sflag:s17] =	ssyncset.done $0x0  }
0xcf: {  	s6 =	simm.s32 @!p0 $0x8;
	[sflag:s17] =	ssyncadd.s32 $0xFFFFC000  }
0xd0: {  	_ =	swait.ge @!p0 [sflag:s6], $0x4000  }
0xd1: {  	s26 =	sor.u32 $0x1800, s28;
	s7 =	simm.s32 $0x0;
	[sflag:s6] =	ssyncset.done @!p0 $0x0  }
0xd2: {  	s11 =	simm.s32 $0x4800;
	s12 =	sadd.s32 s0, s26;
	[sflag:s6] =	ssyncadd.s32 @!p0 $0xFFFFC000  }
0xd3: {  	[tilespmem:s18], [sflag:$0x4] =	stream.linear.gather [hbm4b:s12+s7], $0x4000, $0x38;
	[tilespmem:$0x11100] =	vst v63  }
.LBB2_9:
0xd4: {  	v5 =	vmov s11;
	_ =	sdelay $0x3  }
0xd5: {  	s6 =	simm.s32 $0x0  }
0xd6: {  	v6 =	vld.idx.msk [tilespmem:v5+s6+$0xFFFFF810 ss:$0x1], $0xffff  }
0xd7: {  	v7 =	vld.idx.msk [tilespmem:v5+s6+$0xFFFFF800 ss:$0x1], $0xffff  }
0xd8: {  	v8 =	vld.idx.msk [tilespmem:v5+s6+$0xFFFFF820 ss:$0x1], $0xffff  }
0xd9: {  	v9 =	vld.idx.msk [tilespmem:v5+s6+$0xFFFFF830 ss:$0x1], $0xffff  }
0xda: {  	v11 =	vld.idx.msk [tilespmem:v5+s6+$0xFFFFF850 ss:$0x1], $0xffff  }
0xdb: {  	v12 =	vld.idx.msk [tilespmem:v5+s6+$0x10 ss:$0x1], $0xffff  }
0xdc: {  	v14 =	vld.idx.msk [tilespmem:v5+s6+$0xFFFFFC70 ss:$0x1], $0xffff  }
0xdd: {  	v18 =	vld.idx.msk [tilespmem:v5+s6+$0xFFFFFC20 ss:$0x1], $0xffff  }
0xde: {  	v10 =	vld.idx.msk [tilespmem:v5+s6+$0xFFFFF840 ss:$0x1], $0xffff;
	v7 =	vmul.f32 $2.560000040e+01, v7  }
0xdf: {  	v28 =	vld.idx.msk [tilespmem:v5+s6+$0x60 ss:$0x1], $0xffff;
	v6 =	vmul.f32 $2.560000040e+01, v6;
	v8 =	vmul.f32 $2.560000040e+01, v8  }
0xe0: {  	v9 =	vmul.f32 $2.560000040e+01, v9;
	v11 =	vmul.f32 $2.560000040e+01, v11  }
0xe1: {  	v19 =	vmul.f32 $2.560000040e+01, v12;
	v12 =	vmul.f32 $2.560000040e+01, v14;
	v7 =	vadd.f32 v1, v7  }
0xe2: {  	v18 =	vmul.f32 $2.560000040e+01, v18;
	v6 =	vadd.f32 v1, v6;
	v8 =	vadd.f32 v1, v8  }
0xe3: {  	v10 =	vmul.f32 $2.560000040e+01, v10;
	v9 =	vadd.f32 v1, v9;
	v11 =	vadd.f32 v1, v11  }
0xe4: {  	v28 =	vmul.f32 $2.560000040e+01, v28;
	v21 =	vadd.f32 v1, v12;
	v34 =	vadd.f32 v1, v18  }
0xe5: {  	v19 =	vadd.f32 v1, v19;
	v7 =	vmax.f32 v7, v2;
	v6 =	vmax.f32 v6, v2  }
0xe6: {  	v13 =	vld.idx.msk [tilespmem:v5+s6+$0xFFFFF860 ss:$0x1], $0xffff;
	v8 =	vmax.f32 v8, v2;
	v11 =	vmax.f32 v11, v2;
	v34 =	vmax.f32 v34, v2  }
0xe7: {  	v15 =	vld.idx.msk [tilespmem:v5+s6+$0x0 ss:$0x1], $0xffff;
	v21 =	vmax.f32 v21, v2;
	v19 =	vmax.f32 v19, v2;
	v6 =	vmin.f32 v6, v3  }
0xe8: {  	v16 =	vld.idx.msk [tilespmem:v5+s6+$0xFFFFFC60 ss:$0x1], $0xffff;
	v7 =	vmin.f32 v7, v3;
	v11 =	vmin.f32 v11, v3;
	v6 =	vtrunc.f32 v6  }
0xe9: {  	v7 =	vtrunc.f32 v7;
	v17 =	vcvt.f32.s32 v6;
	v6 =	vmin.f32 v8, v3;
	v8 =	vld.idx.msk [tilespmem:v5+s6+$0xFFFFFC00 ss:$0x1], $0xffff  }
0xea: {  	v20 =	vcvt.f32.s32 v7;
	v7 =	vmax.f32 v9, v2;
	v9 =	vld.idx.msk [tilespmem:v5+s6+$0xFFFFFC10 ss:$0x1], $0xffff;
	v6 =	vtrunc.f32 v6  }
0xeb: {  	v11 =	vtrunc.f32 v11;
	v22 =	vcvt.f32.s32 v6;
	v6 =	vmin.f32 v7, v3  }
0xec: {  	v21 =	vmin.f32 v21, v3;
	v7 =	vmul.f32 $2.560000040e+01, v13;
	v6 =	vtrunc.f32 v6  }
0xed: {  	v26 =	vcvt.f32.s32 v11;
	v14 =	vcvt.f32.s32 v6;
	v6 =	vadd.f32 v1, v10  }
0xee: {  	v30 =	vld.idx.msk [tilespmem:v5+s6+$0x20 ss:$0x1], $0xffff;
	v10 =	vmul.f32 $2.560000040e+01, v15;
	v7 =	vadd.f32 v1, v7;
	v15 =	vmul.f32 $2.560000040e+01, v16  }
0xef: {  	v34 =	vmin.f32 v34, v3;
	v13 =	vld.idx.msk [tilespmem:v5+s6+$0xFFFFF870 ss:$0x1], $0xffff;
	v8 =	vmul.f32 $2.560000040e+01, v8;
	v9 =	vmul.f32 $2.560000040e+01, v9  }
0xf0: {  	v16 =	vld.idx.msk [tilespmem:v5+s6+$0xFFFFFC50 ss:$0x1], $0xffff;
	v6 =	vmax.f32 v6, v2;
	v7 =	vmax.f32 v7, v2;
	v12 =	vadd.f32 v1, v15  }
0xf1: {  	v15 =	vld.idx.msk [tilespmem:v5+s6+$0xFFFFFC30 ss:$0x1], $0xffff;
	v23 =	vadd.f32 v1, v10;
	v7 =	vmin.f32 v7, v3;
	v8 =	vadd.f32 v1, v8  }
0xf2: {  	v10 =	vld.idx.msk [tilespmem:v5+s6+$0x430 ss:$0x1], $0xffff;
	v9 =	vadd.f32 v1, v9;
	v6 =	vmin.f32 v6, v3;
	v7 =	vtrunc.f32 v7  }
0xf3: {  	v35 =	vld.idx.msk [tilespmem:v5+s6+$0x40 ss:$0x1], $0xffff;
	v25 =	vmax.f32 v12, v2;
	v6 =	vtrunc.f32 v6;
	v24 =	vcvt.f32.s32 v7  }
0xf4: {  	v36 =	vld.idx.msk [tilespmem:v5+s6+$0x400 ss:$0x1], $0xffff;
	v7 =	vmul.f32 $2.560000040e+01, v13;
	v8 =	vmax.f32 v8, v2;
	v9 =	vmax.f32 v9, v2  }
0xf5: {  	v13 =	vld.idx.msk [tilespmem:v5+s6+$0xFFFFFC40 ss:$0x1], $0xffff;
	v27 =	vcvt.f32.s32 v6;
	v16 =	vmul.f32 $2.560000040e+01, v16;
	v25 =	vmin.f32 v25, v3  }
0xf6: {  	v12 =	vld.idx.msk [tilespmem:v5+s6+$0x420 ss:$0x1], $0xffff;
	v9 =	vmin.f32 v9, v3;
	v7 =	vadd.f32 v1, v7;
	v11 =	vmul.f32 $2.560000040e+01, v15  }
0xf7: {  	v8 =	vmin.f32 v8, v3;
	v25 =	vtrunc.f32 v25;
	v15 =	vld.idx.msk [tilespmem:v5+s6+$0x410 ss:$0x1], $0xffff;
	v10 =	vmul.f32 $2.560000040e+01, v10  }
0xf8: {  	v37 =	vld.idx.msk [tilespmem:v5+s6+$0x30 ss:$0x1], $0xffff;
	v32 =	vtrunc.f32 v8;
	v6 =	vmax.f32 v7, v2;
	v11 =	vadd.f32 v1, v11  }
0xf9: {  	v16 =	vadd.f32 v1, v16;
	v7 =	vtrunc.f32 v9;
	v9 =	vld.idx.msk [tilespmem:v5+s6+$0x70 ss:$0x1], $0xffff;
	v29 =	vmin.f32 v6, v3  }
0xfa: {  	v13 =	vmul.f32 $2.560000040e+01, v13;
	v31 =	vcvt.f32.s32 v7;
	v6 =	vld.idx.msk [tilespmem:v5+s6+$0x470 ss:$0x1], $0xffff;
	v7 =	vmax.f32 v11, v2  }
0xfb: {  	v32 =	vcvt.f32.s32 v32;
	v33 =	vmax.f32 v16, v2;
	v8 =	vmin.f32 v7, v3;
	v7 =	vld.idx.msk [tilespmem:v5+s6+$0x460 ss:$0x1], $0xffff  }
0xfc: {  	v11 =	vmul.f32 $2.560000040e+01, v12;
	v13 =	vadd.f32 v1, v13;
	v18 =	vmul.f32 $2.560000040e+01, v15;
	v15 =	vld.idx.msk [tilespmem:v5+s6+$0x50 ss:$0x1], $0xffff  }
0xfd: {  	v33 =	vmin.f32 v33, v3;
	v29 =	vtrunc.f32 v29;
	v12 =	vtrunc.f32 v8;
	v8 =	vld.idx.msk [tilespmem:v5+s6+$0x450 ss:$0x1], $0xffff  }
0xfe: {  	v12 =	vcvt.f32.s32 v12;
	v16 =	vmul.f32 $2.560000040e+01, v9;
	v9 =	vld.idx.msk [tilespmem:v5+s6+$0x440 ss:$0x1], $0xffff;
	v13 =	vmax.f32 v13, v2  }
0xff: {  	[tilespmem:v20+s16+$0x0] =	vst.idx.add.s32.msk $0xffff, v4;
	v38 =	vmin.f32 v13, v3;
	v13 =	vcvt.f32.s32 v25;
	v25 =	vcvt.f32.s32 v29  }
0x100: {  	v29 =	vtrunc.f32 v21;
	[tilespmem:v17+s16+$0x0] =	vst.idx.add.s32.msk $0xffff, v4;
	v17 =	vmax.f32 v23, v2;
	v21 =	vmul.f32 $2.560000040e+01, v30  }
0x101: {  	v23 =	vmul.f32 $2.560000040e+01, v37;
	[tilespmem:v22+s16+$0x0] =	vst.idx.add.s32.msk $0xffff, v4;
	v22 =	vmin.f32 v19, v3;
	v63 =	vmul.f32 $2.560000040e+01, v15  }
0x102: {  	v15 =	vmin.f32 v17, v3;
	v17 =	vmul.f32 $2.560000040e+01, v35;
	[tilespmem:v14+s16+$0x0] =	vst.idx.add.s32.msk $0xffff, v4;
	v14 =	vtrunc.f32 v38  }
0x103: {  	v20 =	vadd.f32 v1, v28;
	v22 =	vtrunc.f32 v22;
	[tilespmem:v27+s16+$0x0] =	vst.idx.add.s32.msk $0xffff, v4;
	v27 =	vmul.f32 $2.560000040e+01, v36  }
0x104: {  	v28 =	vadd.f32 v1, v23;
	v23 =	vtrunc.f32 v34;
	v15 =	vtrunc.f32 v15;
	[tilespmem:v26+s16+$0x0] =	vst.idx.add.s32.msk $0xffff, v4  }
0x105: {  	v19 =	vcvt.f32.s32 v14;
	v26 =	vadd.f32 v1, v17;
	[tilespmem:v24+s16+$0x0] =	vst.idx.add.s32.msk $0xffff, v4;
	v24 =	vadd.f32 v1, v27  }
0x106: {  	v14 =	vcvt.f32.s32 v15;
	v15 =	vcvt.f32.s32 v22;
	v22 =	vadd.f32 v1, v63;
	[tilespmem:v25+s16+$0x0] =	vst.idx.add.s32.msk $0xffff, v4  }
0x107: {  	v17 =	vcvt.f32.s32 v29;
	v27 =	vmax.f32 v28, v2;
	[tilespmem:v32+s16+$0x0] =	vst.idx.add.s32.msk $0xffff, v4;
	v25 =	vmax.f32 v24, v2  }
0x108: {  	s12 =	simm.s32 $0x4000;
	v26 =	vmax.f32 v26, v2;
	v24 =	vtrunc.f32 v33;
	[tilespmem:v31+s16+$0x0] =	vst.idx.add.s32.msk $0xffff, v4;
	v25 =	vmin.f32 v25, v3  }
.LBB2_10:
0x109: {  	p0 =	sne.s32 s12, $0xC000;
	v27 =	vmin.f32 v27, v3;
	v26 =	vmin.f32 v26, v3;
	v18 =	vadd.f32 v1, v18;
	s6 =	smov.u32 s12;
	s12 =	sadd.s32 $0x4000, s12  }
0x10a: {  	v21 =	vadd.f32 v1, v21;
	v16 =	vadd.f32 v1, v16;
	v26 =	vtrunc.f32 v26  }
0x10b: {  	v23 =	vcvt.f32.s32 v23;
	v26 =	vcvt.f32.s32 v26;
	v18 =	vmax.f32 v18, v2  }
0x10c: {  	v24 =	vcvt.f32.s32 v24;
	v25 =	vtrunc.f32 v25;
	v18 =	vmin.f32 v18, v3  }
0x10d: {  	v22 =	vmax.f32 v22, v2;
	v25 =	vcvt.f32.s32 v25;
	v21 =	vmax.f32 v21, v2  }
0x10e: {  	v27 =	vtrunc.f32 v27;
	v22 =	vmin.f32 v22, v3;
	v18 =	vtrunc.f32 v18  }
0x10f: {  	v20 =	vmax.f32 v20, v2;
	v22 =	vtrunc.f32 v22;
	v21 =	vmin.f32 v21, v3  }
0x110: {  	v20 =	vmin.f32 v20, v3;
	v22 =	vcvt.f32.s32 v22;
	v21 =	vtrunc.f32 v21  }
0x111: {  	v20 =	vtrunc.f32 v20;
	v16 =	vmax.f32 v16, v2;
	v21 =	vcvt.f32.s32 v21;
	[tilespmem:v23+s16+$0x0] =	vst.idx.add.s32.msk $0xffff, v4  }
0x112: {  	v11 =	vadd.f32 v1, v11;
	v20 =	vcvt.f32.s32 v20;
	v16 =	vmin.f32 v16, v3;
	[tilespmem:v12+s16+$0x0] =	vst.idx.add.s32.msk $0xffff, v4  }
0x113: {  	v10 =	vadd.f32 v1, v10;
	v16 =	vtrunc.f32 v16;
	v12 =	vcvt.f32.s32 v27;
	[tilespmem:v19+s16+$0x0] =	vst.idx.add.s32.msk $0xffff, v4  }
0x114: {  	v11 =	vmax.f32 v11, v2;
	v16 =	vcvt.f32.s32 v16;
	v18 =	vcvt.f32.s32 v18;
	[tilespmem:v24+s16+$0x0] =	vst.idx.add.s32.msk $0xffff, v4  }
0x115: {  	v9 =	vmul.f32 $2.560000040e+01, v9;
	v10 =	vmax.f32 v10, v2;
	v11 =	vmin.f32 v11, v3;
	[tilespmem:v13+s16+$0x0] =	vst.idx.add.s32.msk $0xffff, v4  }
0x116: {  	v8 =	vmul.f32 $2.560000040e+01, v8;
	v10 =	vmin.f32 v10, v3;
	v11 =	vtrunc.f32 v11;
	[tilespmem:v17+s16+$0x0] =	vst.idx.add.s32.msk $0xffff, v4  }
0x117: {  	v7 =	vmul.f32 $2.560000040e+01, v7;
	v9 =	vadd.f32 v1, v9;
	v10 =	vtrunc.f32 v10;
	[tilespmem:v14+s16+$0x0] =	vst.idx.add.s32.msk $0xffff, v4  }
0x118: {  	v6 =	vmul.f32 $2.560000040e+01, v6;
	v8 =	vadd.f32 v1, v8;
	v11 =	vcvt.f32.s32 v11;
	[tilespmem:v15+s16+$0x0] =	vst.idx.add.s32.msk $0xffff, v4  }
0x119: {  	v7 =	vadd.f32 v1, v7;
	v9 =	vmax.f32 v9, v2;
	[tilespmem:v21+s16+$0x0] =	vst.idx.add.s32.msk $0xffff, v4  }
0x11a: {  	v8 =	vmax.f32 v8, v2;
	v9 =	vmin.f32 v9, v3;
	[tilespmem:v12+s16+$0x0] =	vst.idx.add.s32.msk $0xffff, v4  }
0x11b: {  	v6 =	vadd.f32 v1, v6;
	v10 =	vcvt.f32.s32 v10;
	v9 =	vtrunc.f32 v9;
	[tilespmem:v26+s16+$0x0] =	vst.idx.add.s32.msk $0xffff, v4  }
0x11c: {  	v7 =	vmax.f32 v7, v2;
	v8 =	vmin.f32 v8, v3;
	v9 =	vcvt.f32.s32 v9;
	[tilespmem:v22+s16+$0x0] =	vst.idx.add.s32.msk $0xffff, v4  }
0x11d: {  	v6 =	vmax.f32 v6, v2;
	v7 =	vmin.f32 v7, v3;
	v8 =	vtrunc.f32 v8;
	[tilespmem:v20+s16+$0x0] =	vst.idx.add.s32.msk $0xffff, v4  }
0x11e: {  	v6 =	vmin.f32 v6, v3;
	v7 =	vtrunc.f32 v7;
	v8 =	vcvt.f32.s32 v8;
	[tilespmem:v16+s16+$0x0] =	vst.idx.add.s32.msk $0xffff, v4  }
0x11f: {  	v6 =	vtrunc.f32 v6;
	v7 =	vcvt.f32.s32 v7;
	[tilespmem:v25+s16+$0x0] =	vst.idx.add.s32.msk $0xffff, v4  }
0x120: {  	v6 =	vcvt.f32.s32 v6;
	[tilespmem:v18+s16+$0x0] =	vst.idx.add.s32.msk $0xffff, v4  }
0x121: {  	[tilespmem:v11+s16+$0x0] =	vst.idx.add.s32.msk $0xffff, v4  }
0x122: {  	[tilespmem:v10+s16+$0x0] =	vst.idx.add.s32.msk $0xffff, v4  }
0x123: {  	[tilespmem:v9+s16+$0x0] =	vst.idx.add.s32.msk $0xffff, v4  }
0x124: {  	[tilespmem:v8+s16+$0x0] =	vst.idx.add.s32.msk $0xffff, v4  }
0x125: {  	[tilespmem:v7+s16+$0x0] =	vst.idx.add.s32.msk $0xffff, v4  }
0x126: {  	s6 =	sshra.s32 s6, $0x2;
	[tilespmem:v6+s16+$0x0] =	vst.idx.add.s32.msk $0xffff, v4  }
0x127: {  	v6 =	vld.idx.msk [tilespmem:v5+s6+$0xFFFFF810 ss:$0x1], $0xffff  }
0x128: {  	v7 =	vld.idx.msk [tilespmem:v5+s6+$0xFFFFF800 ss:$0x1], $0xffff  }
0x129: {  	v8 =	vld.idx.msk [tilespmem:v5+s6+$0xFFFFF820 ss:$0x1], $0xffff  }
0x12a: {  	v9 =	vld.idx.msk [tilespmem:v5+s6+$0xFFFFF830 ss:$0x1], $0xffff  }
0x12b: {  	v10 =	vld.idx.msk [tilespmem:v5+s6+$0xFFFFF840 ss:$0x1], $0xffff  }
0x12c: {  	v14 =	vld.idx.msk [tilespmem:v5+s6+$0x20 ss:$0x1], $0xffff  }
0x12d: {  	v11 =	vld.idx.msk [tilespmem:v5+s6+$0xFFFFF850 ss:$0x1], $0xffff  }
0x12e: {  	v6 =	vmul.f32 $2.560000040e+01, v6;
	v7 =	vmul.f32 $2.560000040e+01, v7;
	v12 =	vld.idx.msk [tilespmem:v5+s6+$0x10 ss:$0x1], $0xffff  }
0x12f: {  	v8 =	vmul.f32 $2.560000040e+01, v8;
	v13 =	vld.idx.msk [tilespmem:v5+s6+$0xFFFFF860 ss:$0x1], $0xffff  }
0x130: {  	v6 =	vadd.f32 v1, v6;
	v7 =	vadd.f32 v1, v7;
	v9 =	vmul.f32 $2.560000040e+01, v9;
	v15 =	vld.idx.msk [tilespmem:v5+s6+$0x0 ss:$0x1], $0xffff  }
0x131: {  	v8 =	vadd.f32 v1, v8;
	v10 =	vmul.f32 $2.560000040e+01, v10;
	v16 =	vld.idx.msk [tilespmem:v5+s6+$0xFFFFFC70 ss:$0x1], $0xffff  }
0x132: {  	v6 =	vmax.f32 v6, v2;
	v7 =	vmax.f32 v7, v2;
	v9 =	vadd.f32 v1, v9;
	v17 =	vld.idx.msk [tilespmem:v5+s6+$0xFFFFF870 ss:$0x1], $0xffff  }
0x133: {  	v6 =	vmin.f32 v6, v3;
	v7 =	vmin.f32 v7, v3;
	v11 =	vmul.f32 $2.560000040e+01, v11;
	v18 =	vld.idx.msk [tilespmem:v5+s6+$0xFFFFFC60 ss:$0x1], $0xffff  }
0x134: {  	v6 =	vtrunc.f32 v6;
	v8 =	vmax.f32 v8, v2;
	v7 =	vtrunc.f32 v7;
	v19 =	vld.idx.msk [tilespmem:v5+s6+$0xFFFFFC00 ss:$0x1], $0xffff  }
0x135: {  	v21 =	vcvt.f32.s32 v6;
	v6 =	vmin.f32 v8, v3;
	v22 =	vmul.f32 $2.560000040e+01, v12;
	v20 =	vld.idx.msk [tilespmem:v5+s6+$0xFFFFFC10 ss:$0x1], $0xffff  }
0x136: {  	v23 =	vcvt.f32.s32 v7;
	v6 =	vtrunc.f32 v6;
	v7 =	vmax.f32 v9, v2;
	v12 =	vld.idx.msk [tilespmem:v5+s6+$0xFFFFFC50 ss:$0x1], $0xffff  }
0x137: {  	v25 =	vcvt.f32.s32 v6;
	v6 =	vmin.f32 v7, v3;
	v7 =	vmul.f32 $2.560000040e+01, v13;
	v24 =	vld.idx.msk [tilespmem:v5+s6+$0xFFFFFC20 ss:$0x1], $0xffff  }
0x138: {  	v8 =	vadd.f32 v1, v11;
	v6 =	vtrunc.f32 v6;
	v9 =	vmul.f32 $2.560000040e+01, v16;
	v13 =	vld.idx.msk [tilespmem:v5+s6+$0xFFFFFC40 ss:$0x1], $0xffff  }
0x139: {  	v10 =	vadd.f32 v1, v10;
	v15 =	vmul.f32 $2.560000040e+01, v15;
	v26 =	vcvt.f32.s32 v6;
	v11 =	vld.idx.msk [tilespmem:v5+s6+$0xFFFFFC30 ss:$0x1], $0xffff  }
0x13a: {  	v16 =	vmax.f32 v8, v2;
	v27 =	vadd.f32 v1, v7;
	v18 =	vmul.f32 $2.560000040e+01, v18;
	v6 =	vld.idx.msk [tilespmem:v5+s6+$0x470 ss:$0x1], $0xffff  }
0x13b: {  	v10 =	vmax.f32 v10, v2;
	v28 =	vadd.f32 v1, v9;
	v19 =	vmul.f32 $2.560000040e+01, v19;
	v7 =	vld.idx.msk [tilespmem:v5+s6+$0x460 ss:$0x1], $0xffff  }
0x13c: {  	v16 =	vmin.f32 v16, v3;
	v27 =	vmax.f32 v27, v2;
	v18 =	vadd.f32 v1, v18;
	v8 =	vld.idx.msk [tilespmem:v5+s6+$0x450 ss:$0x1], $0xffff  }
0x13d: {  	v16 =	vtrunc.f32 v16;
	v27 =	vmin.f32 v27, v3;
	v20 =	vmul.f32 $2.560000040e+01, v20;
	v9 =	vld.idx.msk [tilespmem:v5+s6+$0x440 ss:$0x1], $0xffff  }
0x13e: {  	v15 =	vadd.f32 v1, v15;
	v27 =	vtrunc.f32 v27;
	v19 =	vadd.f32 v1, v19;
	v29 =	vld.idx.msk [tilespmem:v5+s6+$0x430 ss:$0x1], $0xffff  }
0x13f: {  	v17 =	vmul.f32 $2.560000040e+01, v17;
	v27 =	vcvt.f32.s32 v27;
	v20 =	vadd.f32 v1, v20;
	v30 =	vld.idx.msk [tilespmem:v5+s6+$0x420 ss:$0x1], $0xffff  }
0x140: {  	v10 =	vmin.f32 v10, v3;
	v32 =	vmax.f32 v18, v2;
	v19 =	vmax.f32 v19, v2;
	v31 =	vld.idx.msk [tilespmem:v5+s6+$0x410 ss:$0x1], $0xffff  }
0x141: {  	v34 =	vcvt.f32.s32 v16;
	v16 =	vadd.f32 v1, v17;
	v17 =	vmax.f32 v20, v2;
	v33 =	vld.idx.msk [tilespmem:v5+s6+$0x400 ss:$0x1], $0xffff  }
0x142: {  	v10 =	vtrunc.f32 v10;
	v11 =	vmul.f32 $2.560000040e+01, v11;
	v17 =	vmin.f32 v17, v3;
	v18 =	vld.idx.msk [tilespmem:v5+s6+$0x70 ss:$0x1], $0xffff  }
0x143: {  	v35 =	vcvt.f32.s32 v10;
	v16 =	vmax.f32 v16, v2;
	v17 =	vtrunc.f32 v17;
	v20 =	vld.idx.msk [tilespmem:v5+s6+$0x60 ss:$0x1], $0xffff  }
0x144: {  	v19 =	vmin.f32 v19, v3;
	v11 =	vadd.f32 v1, v11;
	v10 =	vmul.f32 $2.560000040e+01, v29;
	v36 =	vld.idx.msk [tilespmem:v5+s6+$0x50 ss:$0x1], $0xffff  }
0x145: {  	v12 =	vmul.f32 $2.560000040e+01, v12;
	v37 =	vmin.f32 v16, v3;
	v13 =	vmul.f32 $2.560000040e+01, v13;
	v29 =	vld.idx.msk [tilespmem:v5+s6+$0x40 ss:$0x1], $0xffff  }
0x146: {  	v39 =	vcvt.f32.s32 v17;
	v16 =	vmax.f32 v11, v2;
	v11 =	vmul.f32 $2.560000040e+01, v30;
	v38 =	vld.idx.msk [tilespmem:v5+s6+$0x30 ss:$0x1], $0xffff  }
0x147: {  	v17 =	vtrunc.f32 v19;
	v19 =	vadd.f32 v1, v12;
	v16 =	vmin.f32 v16, v3;
	[tilespmem:v23+s16+$0x0] =	vst.idx.add.s32.msk $0xffff, v4  }
0x148: {  	v13 =	vadd.f32 v1, v13;
	v12 =	vtrunc.f32 v16;
	v23 =	vmul.f32 $2.560000040e+01, v24;
	[tilespmem:v21+s16+$0x0] =	vst.idx.add.s32.msk $0xffff, v4  }
0x149: {  	v19 =	vmax.f32 v19, v2;
	v12 =	vcvt.f32.s32 v12;
	v16 =	vmul.f32 $2.560000040e+01, v18;
	[tilespmem:v25+s16+$0x0] =	vst.idx.add.s32.msk $0xffff, v4  }
0x14a: {  	v18 =	vmul.f32 $2.560000040e+01, v31;
	v20 =	vmul.f32 $2.560000040e+01, v20;
	v21 =	vadd.f32 v1, v23  }
0x14b: {  	v24 =	vmin.f32 v19, v3;
	v19 =	vmin.f32 v32, v3;
	v23 =	vtrunc.f32 v37  }
0x14c: {  	v19 =	vtrunc.f32 v19;
	v25 =	vmax.f32 v28, v2;
	v21 =	vmax.f32 v21, v2  }
0x14d: {  	v13 =	vmax.f32 v13, v2;
	v28 =	vcvt.f32.s32 v17;
	v17 =	vmin.f32 v25, v3;
	[tilespmem:v26+s16+$0x0] =	vst.idx.add.s32.msk $0xffff, v4  }
0x14e: {  	v25 =	vmin.f32 v21, v3;
	v26 =	vmin.f32 v13, v3;
	v13 =	vcvt.f32.s32 v19;
	[tilespmem:v35+s16+$0x0] =	vst.idx.add.s32.msk $0xffff, v4  }
0x14f: {  	v23 =	vcvt.f32.s32 v23;
	v17 =	vtrunc.f32 v17;
	v19 =	vadd.f32 v1, v22;
	[tilespmem:v34+s16+$0x0] =	vst.idx.add.s32.msk $0xffff, v4  }
0x150: {  	v15 =	vmax.f32 v15, v2;
	v21 =	vmul.f32 $2.560000040e+01, v14;
	v22 =	vmul.f32 $2.560000040e+01, v36;
	[tilespmem:v27+s16+$0x0] =	vst.idx.add.s32.msk $0xffff, v4  }
0x151: {  	v20 =	vadd.f32 v1, v20;
	v14 =	vmin.f32 v15, v3;
	v15 =	vmul.f32 $2.560000040e+01, v29  }
0x152: {  	v14 =	vtrunc.f32 v14;
	v26 =	vtrunc.f32 v26;
	v19 =	vmax.f32 v19, v2  }
0x153: {  	v30 =	vmul.f32 $2.560000040e+01, v33;
	v29 =	vmul.f32 $2.560000040e+01, v38;
	v27 =	vmin.f32 v19, v3  }
.Ltmp3:
0x154: {  	v19 =	vcvt.f32.s32 v26;
	v26 =	vtrunc.f32 v27;
	v27 =	vadd.f32 v1, v15;
	(pc) =	sbr.rel @p0 .LBB2_10-.Ltmp3, $4  }
0x155: {  	v30 =	vadd.f32 v1, v30;
	v14 =	vcvt.f32.s32 v14;
	v29 =	vadd.f32 v1, v29;
	[tilespmem:v23+s16+$0x0] =	vst.idx.add.s32.msk $0xffff, v4  }
0x156: {  	v17 =	vcvt.f32.s32 v17;
	v15 =	vcvt.f32.s32 v26;
	v26 =	vmax.f32 v27, v2;
	[tilespmem:v28+s16+$0x0] =	vst.idx.add.s32.msk $0xffff, v4  }
0x157: {  	v22 =	vadd.f32 v1, v22;
	v23 =	vtrunc.f32 v25;
	v25 =	vmax.f32 v30, v2;
	[tilespmem:v39+s16+$0x0] =	vst.idx.add.s32.msk $0xffff, v4  }
0x158: {  	v24 =	vtrunc.f32 v24;
	v27 =	vmax.f32 v29, v2;
	v25 =	vmin.f32 v25, v3  }
0x159: {  	v5 =	vmin.f32 v27, v3  }
0x15a: {  	v26 =	vmin.f32 v26, v3;
	v18 =	vadd.f32 v1, v18;
	v21 =	vadd.f32 v1, v21  }
0x15b: {  	v16 =	vadd.f32 v1, v16;
	v23 =	vcvt.f32.s32 v23;
	v24 =	vcvt.f32.s32 v24  }
0x15c: {  	v25 =	vtrunc.f32 v25;
	v22 =	vmax.f32 v22, v2;
	v9 =	vmul.f32 $2.560000040e+01, v9  }
0x15d: {  	v20 =	vmax.f32 v20, v2;
	v8 =	vmul.f32 $2.560000040e+01, v8;
	v7 =	vmul.f32 $2.560000040e+01, v7  }
0x15e: {  	v11 =	vadd.f32 v1, v11;
	v6 =	vmul.f32 $2.560000040e+01, v6;
	v26 =	vtrunc.f32 v26  }
0x15f: {  	v10 =	vadd.f32 v1, v10;
	v25 =	vcvt.f32.s32 v25;
	v5 =	vtrunc.f32 v5  }
0x160: {  	v22 =	vmin.f32 v22, v3;
	v20 =	vmin.f32 v20, v3;
	v21 =	vmax.f32 v21, v2  }
0x161: {  	v26 =	vcvt.f32.s32 v26;
	v18 =	vmax.f32 v18, v2;
	v21 =	vmin.f32 v21, v3;
	[tilespmem:v23+s16+$0x0] =	vst.idx.add.s32.msk $0xffff, v4  }
0x162: {  	v22 =	vtrunc.f32 v22;
	v16 =	vmax.f32 v16, v2;
	v21 =	vtrunc.f32 v21;
	[tilespmem:v12+s16+$0x0] =	vst.idx.add.s32.msk $0xffff, v4  }
0x163: {  	v11 =	vmax.f32 v11, v2;
	v10 =	vmax.f32 v10, v2;
	v21 =	vcvt.f32.s32 v21;
	[tilespmem:v19+s16+$0x0] =	vst.idx.add.s32.msk $0xffff, v4  }
0x164: {  	v5 =	vcvt.f32.s32 v5;
	v9 =	vadd.f32 v1, v9;
	v8 =	vadd.f32 v1, v8;
	[tilespmem:v24+s16+$0x0] =	vst.idx.add.s32.msk $0xffff, v4  }
0x165: {  	v20 =	vtrunc.f32 v20;
	v7 =	vadd.f32 v1, v7;
	v6 =	vadd.f32 v1, v6;
	[tilespmem:v13+s16+$0x0] =	vst.idx.add.s32.msk $0xffff, v4  }
0x166: {  	v18 =	vmin.f32 v18, v3;
	v22 =	vcvt.f32.s32 v22;
	v16 =	vmin.f32 v16, v3;
	[tilespmem:v17+s16+$0x0] =	vst.idx.add.s32.msk $0xffff, v4  }
0x167: {  	v63 =	vcvt.f32.s32 v20;
	v11 =	vmin.f32 v11, v3;
	v16 =	vtrunc.f32 v16;
	[tilespmem:v14+s16+$0x0] =	vst.idx.add.s32.msk $0xffff, v4  }
0x168: {  	v10 =	vmin.f32 v10, v3;
	v18 =	vtrunc.f32 v18;
	v16 =	vcvt.f32.s32 v16;
	[tilespmem:v15+s16+$0x0] =	vst.idx.add.s32.msk $0xffff, v4  }
0x169: {  	v11 =	vtrunc.f32 v11;
	v10 =	vtrunc.f32 v10;
	v9 =	vmax.f32 v9, v2;
	[tilespmem:v21+s16+$0x0] =	vst.idx.add.s32.msk $0xffff, v4  }
0x16a: {  	v8 =	vmax.f32 v8, v2;
	v7 =	vmax.f32 v7, v2;
	v18 =	vcvt.f32.s32 v18;
	[tilespmem:v5+s16+$0x0] =	vst.idx.add.s32.msk $0xffff, v4  }
0x16b: {  	v6 =	vmax.f32 v6, v2;
	v11 =	vcvt.f32.s32 v11;
	v9 =	vmin.f32 v9, v3;
	[tilespmem:v26+s16+$0x0] =	vst.idx.add.s32.msk $0xffff, v4  }
0x16c: {  	v8 =	vmin.f32 v8, v3;
	v9 =	vtrunc.f32 v9;
	v5 =	vcvt.f32.s32 v10;
	[tilespmem:v22+s16+$0x0] =	vst.idx.add.s32.msk $0xffff, v4  }
0x16d: {  	v7 =	vmin.f32 v7, v3;
	v8 =	vtrunc.f32 v8;
	v9 =	vcvt.f32.s32 v9;
	[tilespmem:v63+s16+$0x0] =	vst.idx.add.s32.msk $0xffff, v4  }
0x16e: {  	v6 =	vmin.f32 v6, v3;
	v7 =	vtrunc.f32 v7;
	v8 =	vcvt.f32.s32 v8;
	[tilespmem:v16+s16+$0x0] =	vst.idx.add.s32.msk $0xffff, v4  }
0x16f: {  	v6 =	vtrunc.f32 v6;
	v7 =	vcvt.f32.s32 v7;
	[tilespmem:v25+s16+$0x0] =	vst.idx.add.s32.msk $0xffff, v4  }
0x170: {  	s7 =	sadd.s32 $0x1, s7;
	v6 =	vcvt.f32.s32 v6;
	[tilespmem:v18+s16+$0x0] =	vst.idx.add.s32.msk $0xffff, v4  }
0x171: {  	p0 =	sne.s32 s7, $0x8;
	[tilespmem:v11+s16+$0x0] =	vst.idx.add.s32.msk $0xffff, v4  }
.Ltmp4:
0x172: {  	[tilespmem:v5+s16+$0x0] =	vst.idx.add.s32.msk $0xffff, v4;
	(pc) =	sbr.rel @p0 .LBB2_9-.Ltmp4, $4  }
0x173: {  	[tilespmem:v9+s16+$0x0] =	vst.idx.add.s32.msk $0xffff, v4  }
0x174: {  	[tilespmem:v8+s16+$0x0] =	vst.idx.add.s32.msk $0xffff, v4  }
0x175: {  	[tilespmem:v7+s16+$0x0] =	vst.idx.add.s32.msk $0xffff, v4  }
0x176: {  	s11 =	sadd.s32 $0x80, s11;
	[tilespmem:v6+s16+$0x0] =	vst.idx.add.s32.msk $0xffff, v4  }
0x177: {  	s6 =	sadd.s32 s28, s8  }
0x178: {  	[hbm4b:s6+s3] =	stream.linear.scatter [tilespmem:s13], [sflag:$0x6], $0x4000, $0x38;
	[tilespmem:$0x11100] =	vst v63  }
0x179: {  	_ =	swait.ge [sflag:s19], $0x4000  }
0x17a: {  	[sflag:s19] =	ssyncset.done $0x0  }
0x17b: {  	[sflag:s19] =	ssyncadd.s32 $0xFFFFC000  }
0x17c: {  	_ =	swait.ge [sflag:s20], $0x4000  }
0x17d: {  	p0 =	seq.s32 s1, $0xF;
	[sflag:s20] =	ssyncset.done $0x0  }
0x17e: {  	s6 =	sadd.s32 @!p0 s4, s9;
	s7 =	simm.s32 @!p0 $0x0;
	[sflag:s20] =	ssyncadd.s32 $0xFFFFC000  }
0x17f: {  	[tilespmem:s7], [sflag:$0x1] =	stream.linear.gather @!p0 [hbm4b:s6+s7], $0x4000, $0x38;
	[tilespmem:$0x11100] =	vst v63  }
0x180: {  	s11 =	simm.s32 $0x8800;
	s7 =	simm.s32 $0x0  }
.LBB2_13:
0x181: {  	v5 =	vmov s11;
	_ =	sdelay $0x3  }
0x182: {  	s6 =	simm.s32 $0x0  }
0x183: {  	v6 =	vld.idx.msk [tilespmem:v5+s6+$0xFFFFF810 ss:$0x1], $0xffff  }
0x184: {  	v7 =	vld.idx.msk [tilespmem:v5+s6+$0xFFFFF800 ss:$0x1], $0xffff  }
0x185: {  	v8 =	vld.idx.msk [tilespmem:v5+s6+$0xFFFFF820 ss:$0x1], $0xffff  }
0x186: {  	v9 =	vld.idx.msk [tilespmem:v5+s6+$0xFFFFF830 ss:$0x1], $0xffff  }
0x187: {  	v11 =	vld.idx.msk [tilespmem:v5+s6+$0xFFFFF850 ss:$0x1], $0xffff  }
0x188: {  	v12 =	vld.idx.msk [tilespmem:v5+s6+$0x10 ss:$0x1], $0xffff  }
0x189: {  	v14 =	vld.idx.msk [tilespmem:v5+s6+$0xFFFFFC70 ss:$0x1], $0xffff  }
0x18a: {  	v18 =	vld.idx.msk [tilespmem:v5+s6+$0xFFFFFC20 ss:$0x1], $0xffff  }
0x18b: {  	v10 =	vld.idx.msk [tilespmem:v5+s6+$0xFFFFF840 ss:$0x1], $0xffff;
	v7 =	vmul.f32 $2.560000040e+01, v7  }
0x18c: {  	v28 =	vld.idx.msk [tilespmem:v5+s6+$0x60 ss:$0x1], $0xffff;
	v6 =	vmul.f32 $2.560000040e+01, v6;
	v8 =	vmul.f32 $2.560000040e+01, v8  }
0x18d: {  	v9 =	vmul.f32 $2.560000040e+01, v9;
	v11 =	vmul.f32 $2.560000040e+01, v11  }
0x18e: {  	v19 =	vmul.f32 $2.560000040e+01, v12;
	v12 =	vmul.f32 $2.560000040e+01, v14;
	v7 =	vadd.f32 v1, v7  }
0x18f: {  	v18 =	vmul.f32 $2.560000040e+01, v18;
	v6 =	vadd.f32 v1, v6;
	v8 =	vadd.f32 v1, v8  }
0x190: {  	v10 =	vmul.f32 $2.560000040e+01, v10;
	v9 =	vadd.f32 v1, v9;
	v11 =	vadd.f32 v1, v11  }
0x191: {  	v28 =	vmul.f32 $2.560000040e+01, v28;
	v21 =	vadd.f32 v1, v12;
	v34 =	vadd.f32 v1, v18  }
0x192: {  	v19 =	vadd.f32 v1, v19;
	v7 =	vmax.f32 v7, v2;
	v6 =	vmax.f32 v6, v2  }
0x193: {  	v13 =	vld.idx.msk [tilespmem:v5+s6+$0xFFFFF860 ss:$0x1], $0xffff;
	v8 =	vmax.f32 v8, v2;
	v11 =	vmax.f32 v11, v2;
	v34 =	vmax.f32 v34, v2  }
0x194: {  	v15 =	vld.idx.msk [tilespmem:v5+s6+$0x0 ss:$0x1], $0xffff;
	v21 =	vmax.f32 v21, v2;
	v19 =	vmax.f32 v19, v2;
	v6 =	vmin.f32 v6, v3  }
0x195: {  	v16 =	vld.idx.msk [tilespmem:v5+s6+$0xFFFFFC60 ss:$0x1], $0xffff;
	v7 =	vmin.f32 v7, v3;
	v11 =	vmin.f32 v11, v3;
	v6 =	vtrunc.f32 v6  }
0x196: {  	v7 =	vtrunc.f32 v7;
	v17 =	vcvt.f32.s32 v6;
	v6 =	vmin.f32 v8, v3;
	v8 =	vld.idx.msk [tilespmem:v5+s6+$0xFFFFFC00 ss:$0x1], $0xffff  }
0x197: {  	v20 =	vcvt.f32.s32 v7;
	v7 =	vmax.f32 v9, v2;
	v9 =	vld.idx.msk [tilespmem:v5+s6+$0xFFFFFC10 ss:$0x1], $0xffff;
	v6 =	vtrunc.f32 v6  }
0x198: {  	v11 =	vtrunc.f32 v11;
	v22 =	vcvt.f32.s32 v6;
	v6 =	vmin.f32 v7, v3  }
0x199: {  	v21 =	vmin.f32 v21, v3;
	v7 =	vmul.f32 $2.560000040e+01, v13;
	v6 =	vtrunc.f32 v6  }
0x19a: {  	v26 =	vcvt.f32.s32 v11;
	v14 =	vcvt.f32.s32 v6;
	v6 =	vadd.f32 v1, v10  }
0x19b: {  	v30 =	vld.idx.msk [tilespmem:v5+s6+$0x20 ss:$0x1], $0xffff;
	v10 =	vmul.f32 $2.560000040e+01, v15;
	v7 =	vadd.f32 v1, v7;
	v15 =	vmul.f32 $2.560000040e+01, v16  }
0x19c: {  	v34 =	vmin.f32 v34, v3;
	v13 =	vld.idx.msk [tilespmem:v5+s6+$0xFFFFF870 ss:$0x1], $0xffff;
	v8 =	vmul.f32 $2.560000040e+01, v8;
	v9 =	vmul.f32 $2.560000040e+01, v9  }
0x19d: {  	v16 =	vld.idx.msk [tilespmem:v5+s6+$0xFFFFFC50 ss:$0x1], $0xffff;
	v6 =	vmax.f32 v6, v2;
	v7 =	vmax.f32 v7, v2;
	v12 =	vadd.f32 v1, v15  }
0x19e: {  	v15 =	vld.idx.msk [tilespmem:v5+s6+$0xFFFFFC30 ss:$0x1], $0xffff;
	v23 =	vadd.f32 v1, v10;
	v7 =	vmin.f32 v7, v3;
	v8 =	vadd.f32 v1, v8  }
0x19f: {  	v10 =	vld.idx.msk [tilespmem:v5+s6+$0x430 ss:$0x1], $0xffff;
	v9 =	vadd.f32 v1, v9;
	v6 =	vmin.f32 v6, v3;
	v7 =	vtrunc.f32 v7  }
0x1a0: {  	v35 =	vld.idx.msk [tilespmem:v5+s6+$0x40 ss:$0x1], $0xffff;
	v25 =	vmax.f32 v12, v2;
	v6 =	vtrunc.f32 v6;
	v24 =	vcvt.f32.s32 v7  }
0x1a1: {  	v36 =	vld.idx.msk [tilespmem:v5+s6+$0x400 ss:$0x1], $0xffff;
	v7 =	vmul.f32 $2.560000040e+01, v13;
	v8 =	vmax.f32 v8, v2;
	v9 =	vmax.f32 v9, v2  }
0x1a2: {  	v13 =	vld.idx.msk [tilespmem:v5+s6+$0xFFFFFC40 ss:$0x1], $0xffff;
	v27 =	vcvt.f32.s32 v6;
	v16 =	vmul.f32 $2.560000040e+01, v16;
	v25 =	vmin.f32 v25, v3  }
0x1a3: {  	v12 =	vld.idx.msk [tilespmem:v5+s6+$0x420 ss:$0x1], $0xffff;
	v9 =	vmin.f32 v9, v3;
	v7 =	vadd.f32 v1, v7;
	v11 =	vmul.f32 $2.560000040e+01, v15  }
0x1a4: {  	v8 =	vmin.f32 v8, v3;
	v25 =	vtrunc.f32 v25;
	v15 =	vld.idx.msk [tilespmem:v5+s6+$0x410 ss:$0x1], $0xffff;
	v10 =	vmul.f32 $2.560000040e+01, v10  }
0x1a5: {  	v37 =	vld.idx.msk [tilespmem:v5+s6+$0x30 ss:$0x1], $0xffff;
	v32 =	vtrunc.f32 v8;
	v6 =	vmax.f32 v7, v2;
	v11 =	vadd.f32 v1, v11  }
0x1a6: {  	v16 =	vadd.f32 v1, v16;
	v7 =	vtrunc.f32 v9;
	v9 =	vld.idx.msk [tilespmem:v5+s6+$0x70 ss:$0x1], $0xffff;
	v29 =	vmin.f32 v6, v3  }
0x1a7: {  	v13 =	vmul.f32 $2.560000040e+01, v13;
	v31 =	vcvt.f32.s32 v7;
	v6 =	vld.idx.msk [tilespmem:v5+s6+$0x470 ss:$0x1], $0xffff;
	v7 =	vmax.f32 v11, v2  }
0x1a8: {  	v32 =	vcvt.f32.s32 v32;
	v33 =	vmax.f32 v16, v2;
	v8 =	vmin.f32 v7, v3;
	v7 =	vld.idx.msk [tilespmem:v5+s6+$0x460 ss:$0x1], $0xffff  }
0x1a9: {  	v11 =	vmul.f32 $2.560000040e+01, v12;
	v13 =	vadd.f32 v1, v13;
	v18 =	vmul.f32 $2.560000040e+01, v15;
	v15 =	vld.idx.msk [tilespmem:v5+s6+$0x50 ss:$0x1], $0xffff  }
0x1aa: {  	v33 =	vmin.f32 v33, v3;
	v29 =	vtrunc.f32 v29;
	v12 =	vtrunc.f32 v8;
	v8 =	vld.idx.msk [tilespmem:v5+s6+$0x450 ss:$0x1], $0xffff  }
0x1ab: {  	v12 =	vcvt.f32.s32 v12;
	v16 =	vmul.f32 $2.560000040e+01, v9;
	v9 =	vld.idx.msk [tilespmem:v5+s6+$0x440 ss:$0x1], $0xffff;
	v13 =	vmax.f32 v13, v2  }
0x1ac: {  	[tilespmem:v20+s16+$0x0] =	vst.idx.add.s32.msk $0xffff, v4;
	v38 =	vmin.f32 v13, v3;
	v13 =	vcvt.f32.s32 v25;
	v25 =	vcvt.f32.s32 v29  }
0x1ad: {  	v29 =	vtrunc.f32 v21;
	[tilespmem:v17+s16+$0x0] =	vst.idx.add.s32.msk $0xffff, v4;
	v17 =	vmax.f32 v23, v2;
	v21 =	vmul.f32 $2.560000040e+01, v30  }
0x1ae: {  	v23 =	vmul.f32 $2.560000040e+01, v37;
	[tilespmem:v22+s16+$0x0] =	vst.idx.add.s32.msk $0xffff, v4;
	v22 =	vmin.f32 v19, v3;
	v63 =	vmul.f32 $2.560000040e+01, v15  }
0x1af: {  	v15 =	vmin.f32 v17, v3;
	v17 =	vmul.f32 $2.560000040e+01, v35;
	[tilespmem:v14+s16+$0x0] =	vst.idx.add.s32.msk $0xffff, v4;
	v14 =	vtrunc.f32 v38  }
0x1b0: {  	v20 =	vadd.f32 v1, v28;
	v22 =	vtrunc.f32 v22;
	[tilespmem:v27+s16+$0x0] =	vst.idx.add.s32.msk $0xffff, v4;
	v27 =	vmul.f32 $2.560000040e+01, v36  }
0x1b1: {  	v28 =	vadd.f32 v1, v23;
	v23 =	vtrunc.f32 v34;
	v15 =	vtrunc.f32 v15;
	[tilespmem:v26+s16+$0x0] =	vst.idx.add.s32.msk $0xffff, v4  }
0x1b2: {  	v19 =	vcvt.f32.s32 v14;
	v26 =	vadd.f32 v1, v17;
	[tilespmem:v24+s16+$0x0] =	vst.idx.add.s32.msk $0xffff, v4;
	v24 =	vadd.f32 v1, v27  }
0x1b3: {  	v14 =	vcvt.f32.s32 v15;
	v15 =	vcvt.f32.s32 v22;
	v22 =	vadd.f32 v1, v63;
	[tilespmem:v25+s16+$0x0] =	vst.idx.add.s32.msk $0xffff, v4  }
0x1b4: {  	v17 =	vcvt.f32.s32 v29;
	v27 =	vmax.f32 v28, v2;
	[tilespmem:v32+s16+$0x0] =	vst.idx.add.s32.msk $0xffff, v4;
	v25 =	vmax.f32 v24, v2  }
0x1b5: {  	s12 =	simm.s32 $0x4000;
	v26 =	vmax.f32 v26, v2;
	v24 =	vtrunc.f32 v33;
	[tilespmem:v31+s16+$0x0] =	vst.idx.add.s32.msk $0xffff, v4;
	v25 =	vmin.f32 v25, v3  }
.LBB2_14:
0x1b6: {  	p1 =	sne.s32 s12, $0xC000;
	v27 =	vmin.f32 v27, v3;
	v26 =	vmin.f32 v26, v3;
	v18 =	vadd.f32 v1, v18;
	s6 =	smov.u32 s12;
	s12 =	sadd.s32 $0x4000, s12  }
0x1b7: {  	v21 =	vadd.f32 v1, v21;
	v16 =	vadd.f32 v1, v16;
	v26 =	vtrunc.f32 v26  }
0x1b8: {  	v23 =	vcvt.f32.s32 v23;
	v26 =	vcvt.f32.s32 v26;
	v18 =	vmax.f32 v18, v2  }
0x1b9: {  	v24 =	vcvt.f32.s32 v24;
	v25 =	vtrunc.f32 v25;
	v18 =	vmin.f32 v18, v3  }
0x1ba: {  	v22 =	vmax.f32 v22, v2;
	v25 =	vcvt.f32.s32 v25;
	v21 =	vmax.f32 v21, v2  }
0x1bb: {  	v27 =	vtrunc.f32 v27;
	v22 =	vmin.f32 v22, v3;
	v18 =	vtrunc.f32 v18  }
0x1bc: {  	v20 =	vmax.f32 v20, v2;
	v22 =	vtrunc.f32 v22;
	v21 =	vmin.f32 v21, v3  }
0x1bd: {  	v20 =	vmin.f32 v20, v3;
	v22 =	vcvt.f32.s32 v22;
	v21 =	vtrunc.f32 v21  }
0x1be: {  	v20 =	vtrunc.f32 v20;
	v16 =	vmax.f32 v16, v2;
	v21 =	vcvt.f32.s32 v21;
	[tilespmem:v23+s16+$0x0] =	vst.idx.add.s32.msk $0xffff, v4  }
0x1bf: {  	v11 =	vadd.f32 v1, v11;
	v20 =	vcvt.f32.s32 v20;
	v16 =	vmin.f32 v16, v3;
	[tilespmem:v12+s16+$0x0] =	vst.idx.add.s32.msk $0xffff, v4  }
0x1c0: {  	v10 =	vadd.f32 v1, v10;
	v16 =	vtrunc.f32 v16;
	v12 =	vcvt.f32.s32 v27;
	[tilespmem:v19+s16+$0x0] =	vst.idx.add.s32.msk $0xffff, v4  }
0x1c1: {  	v11 =	vmax.f32 v11, v2;
	v16 =	vcvt.f32.s32 v16;
	v18 =	vcvt.f32.s32 v18;
	[tilespmem:v24+s16+$0x0] =	vst.idx.add.s32.msk $0xffff, v4  }
0x1c2: {  	v9 =	vmul.f32 $2.560000040e+01, v9;
	v10 =	vmax.f32 v10, v2;
	v11 =	vmin.f32 v11, v3;
	[tilespmem:v13+s16+$0x0] =	vst.idx.add.s32.msk $0xffff, v4  }
0x1c3: {  	v8 =	vmul.f32 $2.560000040e+01, v8;
	v10 =	vmin.f32 v10, v3;
	v11 =	vtrunc.f32 v11;
	[tilespmem:v17+s16+$0x0] =	vst.idx.add.s32.msk $0xffff, v4  }
0x1c4: {  	v7 =	vmul.f32 $2.560000040e+01, v7;
	v9 =	vadd.f32 v1, v9;
	v10 =	vtrunc.f32 v10;
	[tilespmem:v14+s16+$0x0] =	vst.idx.add.s32.msk $0xffff, v4  }
0x1c5: {  	v6 =	vmul.f32 $2.560000040e+01, v6;
	v8 =	vadd.f32 v1, v8;
	v11 =	vcvt.f32.s32 v11;
	[tilespmem:v15+s16+$0x0] =	vst.idx.add.s32.msk $0xffff, v4  }
0x1c6: {  	v7 =	vadd.f32 v1, v7;
	v9 =	vmax.f32 v9, v2;
	[tilespmem:v21+s16+$0x0] =	vst.idx.add.s32.msk $0xffff, v4  }
0x1c7: {  	v8 =	vmax.f32 v8, v2;
	v9 =	vmin.f32 v9, v3;
	[tilespmem:v12+s16+$0x0] =	vst.idx.add.s32.msk $0xffff, v4  }
0x1c8: {  	v6 =	vadd.f32 v1, v6;
	v10 =	vcvt.f32.s32 v10;
	v9 =	vtrunc.f32 v9;
	[tilespmem:v26+s16+$0x0] =	vst.idx.add.s32.msk $0xffff, v4  }
0x1c9: {  	v7 =	vmax.f32 v7, v2;
	v8 =	vmin.f32 v8, v3;
	v9 =	vcvt.f32.s32 v9;
	[tilespmem:v22+s16+$0x0] =	vst.idx.add.s32.msk $0xffff, v4  }
0x1ca: {  	v6 =	vmax.f32 v6, v2;
	v7 =	vmin.f32 v7, v3;
	v8 =	vtrunc.f32 v8;
	[tilespmem:v20+s16+$0x0] =	vst.idx.add.s32.msk $0xffff, v4  }
0x1cb: {  	v6 =	vmin.f32 v6, v3;
	v7 =	vtrunc.f32 v7;
	v8 =	vcvt.f32.s32 v8;
	[tilespmem:v16+s16+$0x0] =	vst.idx.add.s32.msk $0xffff, v4  }
0x1cc: {  	v6 =	vtrunc.f32 v6;
	v7 =	vcvt.f32.s32 v7;
	[tilespmem:v25+s16+$0x0] =	vst.idx.add.s32.msk $0xffff, v4  }
0x1cd: {  	v6 =	vcvt.f32.s32 v6;
	[tilespmem:v18+s16+$0x0] =	vst.idx.add.s32.msk $0xffff, v4  }
0x1ce: {  	[tilespmem:v11+s16+$0x0] =	vst.idx.add.s32.msk $0xffff, v4  }
0x1cf: {  	[tilespmem:v10+s16+$0x0] =	vst.idx.add.s32.msk $0xffff, v4  }
0x1d0: {  	[tilespmem:v9+s16+$0x0] =	vst.idx.add.s32.msk $0xffff, v4  }
0x1d1: {  	[tilespmem:v8+s16+$0x0] =	vst.idx.add.s32.msk $0xffff, v4  }
0x1d2: {  	[tilespmem:v7+s16+$0x0] =	vst.idx.add.s32.msk $0xffff, v4  }
0x1d3: {  	s6 =	sshra.s32 s6, $0x2;
	[tilespmem:v6+s16+$0x0] =	vst.idx.add.s32.msk $0xffff, v4  }
0x1d4: {  	v6 =	vld.idx.msk [tilespmem:v5+s6+$0xFFFFF810 ss:$0x1], $0xffff  }
0x1d5: {  	v7 =	vld.idx.msk [tilespmem:v5+s6+$0xFFFFF800 ss:$0x1], $0xffff  }
0x1d6: {  	v8 =	vld.idx.msk [tilespmem:v5+s6+$0xFFFFF820 ss:$0x1], $0xffff  }
0x1d7: {  	v9 =	vld.idx.msk [tilespmem:v5+s6+$0xFFFFF830 ss:$0x1], $0xffff  }
0x1d8: {  	v10 =	vld.idx.msk [tilespmem:v5+s6+$0xFFFFF840 ss:$0x1], $0xffff  }
0x1d9: {  	v14 =	vld.idx.msk [tilespmem:v5+s6+$0x20 ss:$0x1], $0xffff  }
0x1da: {  	v11 =	vld.idx.msk [tilespmem:v5+s6+$0xFFFFF850 ss:$0x1], $0xffff  }
0x1db: {  	v6 =	vmul.f32 $2.560000040e+01, v6;
	v7 =	vmul.f32 $2.560000040e+01, v7;
	v12 =	vld.idx.msk [tilespmem:v5+s6+$0x10 ss:$0x1], $0xffff  }
0x1dc: {  	v8 =	vmul.f32 $2.560000040e+01, v8;
	v13 =	vld.idx.msk [tilespmem:v5+s6+$0xFFFFF860 ss:$0x1], $0xffff  }
0x1dd: {  	v6 =	vadd.f32 v1, v6;
	v7 =	vadd.f32 v1, v7;
	v9 =	vmul.f32 $2.560000040e+01, v9;
	v15 =	vld.idx.msk [tilespmem:v5+s6+$0x0 ss:$0x1], $0xffff  }
0x1de: {  	v8 =	vadd.f32 v1, v8;
	v10 =	vmul.f32 $2.560000040e+01, v10;
	v16 =	vld.idx.msk [tilespmem:v5+s6+$0xFFFFFC70 ss:$0x1], $0xffff  }
0x1df: {  	v6 =	vmax.f32 v6, v2;
	v7 =	vmax.f32 v7, v2;
	v9 =	vadd.f32 v1, v9;
	v17 =	vld.idx.msk [tilespmem:v5+s6+$0xFFFFF870 ss:$0x1], $0xffff  }
0x1e0: {  	v6 =	vmin.f32 v6, v3;
	v7 =	vmin.f32 v7, v3;
	v11 =	vmul.f32 $2.560000040e+01, v11;
	v18 =	vld.idx.msk [tilespmem:v5+s6+$0xFFFFFC60 ss:$0x1], $0xffff  }
0x1e1: {  	v6 =	vtrunc.f32 v6;
	v8 =	vmax.f32 v8, v2;
	v7 =	vtrunc.f32 v7;
	v19 =	vld.idx.msk [tilespmem:v5+s6+$0xFFFFFC00 ss:$0x1], $0xffff  }
0x1e2: {  	v21 =	vcvt.f32.s32 v6;
	v6 =	vmin.f32 v8, v3;
	v22 =	vmul.f32 $2.560000040e+01, v12;
	v20 =	vld.idx.msk [tilespmem:v5+s6+$0xFFFFFC10 ss:$0x1], $0xffff  }
0x1e3: {  	v23 =	vcvt.f32.s32 v7;
	v6 =	vtrunc.f32 v6;
	v7 =	vmax.f32 v9, v2;
	v12 =	vld.idx.msk [tilespmem:v5+s6+$0xFFFFFC50 ss:$0x1], $0xffff  }
0x1e4: {  	v25 =	vcvt.f32.s32 v6;
	v6 =	vmin.f32 v7, v3;
	v7 =	vmul.f32 $2.560000040e+01, v13;
	v24 =	vld.idx.msk [tilespmem:v5+s6+$0xFFFFFC20 ss:$0x1], $0xffff  }
0x1e5: {  	v8 =	vadd.f32 v1, v11;
	v6 =	vtrunc.f32 v6;
	v9 =	vmul.f32 $2.560000040e+01, v16;
	v13 =	vld.idx.msk [tilespmem:v5+s6+$0xFFFFFC40 ss:$0x1], $0xffff  }
0x1e6: {  	v10 =	vadd.f32 v1, v10;
	v15 =	vmul.f32 $2.560000040e+01, v15;
	v26 =	vcvt.f32.s32 v6;
	v11 =	vld.idx.msk [tilespmem:v5+s6+$0xFFFFFC30 ss:$0x1], $0xffff  }
0x1e7: {  	v16 =	vmax.f32 v8, v2;
	v27 =	vadd.f32 v1, v7;
	v18 =	vmul.f32 $2.560000040e+01, v18;
	v6 =	vld.idx.msk [tilespmem:v5+s6+$0x470 ss:$0x1], $0xffff  }
0x1e8: {  	v10 =	vmax.f32 v10, v2;
	v28 =	vadd.f32 v1, v9;
	v19 =	vmul.f32 $2.560000040e+01, v19;
	v7 =	vld.idx.msk [tilespmem:v5+s6+$0x460 ss:$0x1], $0xffff  }
0x1e9: {  	v16 =	vmin.f32 v16, v3;
	v27 =	vmax.f32 v27, v2;
	v18 =	vadd.f32 v1, v18;
	v8 =	vld.idx.msk [tilespmem:v5+s6+$0x450 ss:$0x1], $0xffff  }
0x1ea: {  	v16 =	vtrunc.f32 v16;
	v27 =	vmin.f32 v27, v3;
	v20 =	vmul.f32 $2.560000040e+01, v20;
	v9 =	vld.idx.msk [tilespmem:v5+s6+$0x440 ss:$0x1], $0xffff  }
0x1eb: {  	v15 =	vadd.f32 v1, v15;
	v27 =	vtrunc.f32 v27;
	v19 =	vadd.f32 v1, v19;
	v29 =	vld.idx.msk [tilespmem:v5+s6+$0x430 ss:$0x1], $0xffff  }
0x1ec: {  	v17 =	vmul.f32 $2.560000040e+01, v17;
	v27 =	vcvt.f32.s32 v27;
	v20 =	vadd.f32 v1, v20;
	v30 =	vld.idx.msk [tilespmem:v5+s6+$0x420 ss:$0x1], $0xffff  }
0x1ed: {  	v10 =	vmin.f32 v10, v3;
	v32 =	vmax.f32 v18, v2;
	v19 =	vmax.f32 v19, v2;
	v31 =	vld.idx.msk [tilespmem:v5+s6+$0x410 ss:$0x1], $0xffff  }
0x1ee: {  	v34 =	vcvt.f32.s32 v16;
	v16 =	vadd.f32 v1, v17;
	v17 =	vmax.f32 v20, v2;
	v33 =	vld.idx.msk [tilespmem:v5+s6+$0x400 ss:$0x1], $0xffff  }
0x1ef: {  	v10 =	vtrunc.f32 v10;
	v11 =	vmul.f32 $2.560000040e+01, v11;
	v17 =	vmin.f32 v17, v3;
	v18 =	vld.idx.msk [tilespmem:v5+s6+$0x70 ss:$0x1], $0xffff  }
0x1f0: {  	v35 =	vcvt.f32.s32 v10;
	v16 =	vmax.f32 v16, v2;
	v17 =	vtrunc.f32 v17;
	v20 =	vld.idx.msk [tilespmem:v5+s6+$0x60 ss:$0x1], $0xffff  }
0x1f1: {  	v19 =	vmin.f32 v19, v3;
	v11 =	vadd.f32 v1, v11;
	v10 =	vmul.f32 $2.560000040e+01, v29;
	v36 =	vld.idx.msk [tilespmem:v5+s6+$0x50 ss:$0x1], $0xffff  }
0x1f2: {  	v12 =	vmul.f32 $2.560000040e+01, v12;
	v37 =	vmin.f32 v16, v3;
	v13 =	vmul.f32 $2.560000040e+01, v13;
	v29 =	vld.idx.msk [tilespmem:v5+s6+$0x40 ss:$0x1], $0xffff  }
0x1f3: {  	v39 =	vcvt.f32.s32 v17;
	v16 =	vmax.f32 v11, v2;
	v11 =	vmul.f32 $2.560000040e+01, v30;
	v38 =	vld.idx.msk [tilespmem:v5+s6+$0x30 ss:$0x1], $0xffff  }
0x1f4: {  	v17 =	vtrunc.f32 v19;
	v19 =	vadd.f32 v1, v12;
	v16 =	vmin.f32 v16, v3;
	[tilespmem:v23+s16+$0x0] =	vst.idx.add.s32.msk $0xffff, v4  }
0x1f5: {  	v13 =	vadd.f32 v1, v13;
	v12 =	vtrunc.f32 v16;
	v23 =	vmul.f32 $2.560000040e+01, v24;
	[tilespmem:v21+s16+$0x0] =	vst.idx.add.s32.msk $0xffff, v4  }
0x1f6: {  	v19 =	vmax.f32 v19, v2;
	v12 =	vcvt.f32.s32 v12;
	v16 =	vmul.f32 $2.560000040e+01, v18;
	[tilespmem:v25+s16+$0x0] =	vst.idx.add.s32.msk $0xffff, v4  }
0x1f7: {  	v18 =	vmul.f32 $2.560000040e+01, v31;
	v20 =	vmul.f32 $2.560000040e+01, v20;
	v21 =	vadd.f32 v1, v23  }
0x1f8: {  	v24 =	vmin.f32 v19, v3;
	v19 =	vmin.f32 v32, v3;
	v23 =	vtrunc.f32 v37  }
0x1f9: {  	v19 =	vtrunc.f32 v19;
	v25 =	vmax.f32 v28, v2;
	v21 =	vmax.f32 v21, v2  }
0x1fa: {  	v13 =	vmax.f32 v13, v2;
	v28 =	vcvt.f32.s32 v17;
	v17 =	vmin.f32 v25, v3;
	[tilespmem:v26+s16+$0x0] =	vst.idx.add.s32.msk $0xffff, v4  }
0x1fb: {  	v25 =	vmin.f32 v21, v3;
	v26 =	vmin.f32 v13, v3;
	v13 =	vcvt.f32.s32 v19;
	[tilespmem:v35+s16+$0x0] =	vst.idx.add.s32.msk $0xffff, v4  }
0x1fc: {  	v23 =	vcvt.f32.s32 v23;
	v17 =	vtrunc.f32 v17;
	v19 =	vadd.f32 v1, v22;
	[tilespmem:v34+s16+$0x0] =	vst.idx.add.s32.msk $0xffff, v4  }
0x1fd: {  	v15 =	vmax.f32 v15, v2;
	v21 =	vmul.f32 $2.560000040e+01, v14;
	v22 =	vmul.f32 $2.560000040e+01, v36;
	[tilespmem:v27+s16+$0x0] =	vst.idx.add.s32.msk $0xffff, v4  }
0x1fe: {  	v20 =	vadd.f32 v1, v20;
	v14 =	vmin.f32 v15, v3;
	v15 =	vmul.f32 $2.560000040e+01, v29  }
0x1ff: {  	v14 =	vtrunc.f32 v14;
	v26 =	vtrunc.f32 v26;
	v19 =	vmax.f32 v19, v2  }
0x200: {  	v30 =	vmul.f32 $2.560000040e+01, v33;
	v29 =	vmul.f32 $2.560000040e+01, v38;
	v27 =	vmin.f32 v19, v3  }
.Ltmp5:
0x201: {  	v19 =	vcvt.f32.s32 v26;
	v26 =	vtrunc.f32 v27;
	v27 =	vadd.f32 v1, v15;
	(pc) =	sbr.rel @p1 .LBB2_14-.Ltmp5, $4  }
0x202: {  	v30 =	vadd.f32 v1, v30;
	v14 =	vcvt.f32.s32 v14;
	v29 =	vadd.f32 v1, v29;
	[tilespmem:v23+s16+$0x0] =	vst.idx.add.s32.msk $0xffff, v4  }
0x203: {  	v17 =	vcvt.f32.s32 v17;
	v15 =	vcvt.f32.s32 v26;
	v26 =	vmax.f32 v27, v2;
	[tilespmem:v28+s16+$0x0] =	vst.idx.add.s32.msk $0xffff, v4  }
0x204: {  	v22 =	vadd.f32 v1, v22;
	v23 =	vtrunc.f32 v25;
	v25 =	vmax.f32 v30, v2;
	[tilespmem:v39+s16+$0x0] =	vst.idx.add.s32.msk $0xffff, v4  }
0x205: {  	v24 =	vtrunc.f32 v24;
	v27 =	vmax.f32 v29, v2;
	v25 =	vmin.f32 v25, v3  }
0x206: {  	v5 =	vmin.f32 v27, v3  }
0x207: {  	v26 =	vmin.f32 v26, v3;
	v18 =	vadd.f32 v1, v18;
	v21 =	vadd.f32 v1, v21  }
0x208: {  	v16 =	vadd.f32 v1, v16;
	v23 =	vcvt.f32.s32 v23;
	v24 =	vcvt.f32.s32 v24  }
0x209: {  	v25 =	vtrunc.f32 v25;
	v22 =	vmax.f32 v22, v2;
	v9 =	vmul.f32 $2.560000040e+01, v9  }
0x20a: {  	v20 =	vmax.f32 v20, v2;
	v8 =	vmul.f32 $2.560000040e+01, v8;
	v7 =	vmul.f32 $2.560000040e+01, v7  }
0x20b: {  	v11 =	vadd.f32 v1, v11;
	v6 =	vmul.f32 $2.560000040e+01, v6;
	v26 =	vtrunc.f32 v26  }
0x20c: {  	v10 =	vadd.f32 v1, v10;
	v25 =	vcvt.f32.s32 v25;
	v5 =	vtrunc.f32 v5  }
0x20d: {  	v22 =	vmin.f32 v22, v3;
	v20 =	vmin.f32 v20, v3;
	v21 =	vmax.f32 v21, v2  }
0x20e: {  	v26 =	vcvt.f32.s32 v26;
	v18 =	vmax.f32 v18, v2;
	v21 =	vmin.f32 v21, v3;
	[tilespmem:v23+s16+$0x0] =	vst.idx.add.s32.msk $0xffff, v4  }
0x20f: {  	v22 =	vtrunc.f32 v22;
	v16 =	vmax.f32 v16, v2;
	v21 =	vtrunc.f32 v21;
	[tilespmem:v12+s16+$0x0] =	vst.idx.add.s32.msk $0xffff, v4  }
0x210: {  	v11 =	vmax.f32 v11, v2;
	v10 =	vmax.f32 v10, v2;
	v21 =	vcvt.f32.s32 v21;
	[tilespmem:v19+s16+$0x0] =	vst.idx.add.s32.msk $0xffff, v4  }
0x211: {  	v5 =	vcvt.f32.s32 v5;
	v9 =	vadd.f32 v1, v9;
	v8 =	vadd.f32 v1, v8;
	[tilespmem:v24+s16+$0x0] =	vst.idx.add.s32.msk $0xffff, v4  }
0x212: {  	v20 =	vtrunc.f32 v20;
	v7 =	vadd.f32 v1, v7;
	v6 =	vadd.f32 v1, v6;
	[tilespmem:v13+s16+$0x0] =	vst.idx.add.s32.msk $0xffff, v4  }
0x213: {  	v18 =	vmin.f32 v18, v3;
	v22 =	vcvt.f32.s32 v22;
	v16 =	vmin.f32 v16, v3;
	[tilespmem:v17+s16+$0x0] =	vst.idx.add.s32.msk $0xffff, v4  }
0x214: {  	v63 =	vcvt.f32.s32 v20;
	v11 =	vmin.f32 v11, v3;
	v16 =	vtrunc.f32 v16;
	[tilespmem:v14+s16+$0x0] =	vst.idx.add.s32.msk $0xffff, v4  }
0x215: {  	v10 =	vmin.f32 v10, v3;
	v18 =	vtrunc.f32 v18;
	v16 =	vcvt.f32.s32 v16;
	[tilespmem:v15+s16+$0x0] =	vst.idx.add.s32.msk $0xffff, v4  }
0x216: {  	v11 =	vtrunc.f32 v11;
	v10 =	vtrunc.f32 v10;
	v9 =	vmax.f32 v9, v2;
	[tilespmem:v21+s16+$0x0] =	vst.idx.add.s32.msk $0xffff, v4  }
0x217: {  	v8 =	vmax.f32 v8, v2;
	v7 =	vmax.f32 v7, v2;
	v18 =	vcvt.f32.s32 v18;
	[tilespmem:v5+s16+$0x0] =	vst.idx.add.s32.msk $0xffff, v4  }
0x218: {  	v6 =	vmax.f32 v6, v2;
	v11 =	vcvt.f32.s32 v11;
	v9 =	vmin.f32 v9, v3;
	[tilespmem:v26+s16+$0x0] =	vst.idx.add.s32.msk $0xffff, v4  }
0x219: {  	v8 =	vmin.f32 v8, v3;
	v9 =	vtrunc.f32 v9;
	v5 =	vcvt.f32.s32 v10;
	[tilespmem:v22+s16+$0x0] =	vst.idx.add.s32.msk $0xffff, v4  }
0x21a: {  	v7 =	vmin.f32 v7, v3;
	v8 =	vtrunc.f32 v8;
	v9 =	vcvt.f32.s32 v9;
	[tilespmem:v63+s16+$0x0] =	vst.idx.add.s32.msk $0xffff, v4  }
0x21b: {  	v6 =	vmin.f32 v6, v3;
	v7 =	vtrunc.f32 v7;
	v8 =	vcvt.f32.s32 v8;
	[tilespmem:v16+s16+$0x0] =	vst.idx.add.s32.msk $0xffff, v4  }
0x21c: {  	v6 =	vtrunc.f32 v6;
	v7 =	vcvt.f32.s32 v7;
	[tilespmem:v25+s16+$0x0] =	vst.idx.add.s32.msk $0xffff, v4  }
0x21d: {  	s7 =	sadd.s32 $0x1, s7;
	v6 =	vcvt.f32.s32 v6;
	[tilespmem:v18+s16+$0x0] =	vst.idx.add.s32.msk $0xffff, v4  }
0x21e: {  	p1 =	sne.s32 s7, $0x8;
	[tilespmem:v11+s16+$0x0] =	vst.idx.add.s32.msk $0xffff, v4  }
.Ltmp6:
0x21f: {  	[tilespmem:v5+s16+$0x0] =	vst.idx.add.s32.msk $0xffff, v4;
	(pc) =	sbr.rel @p1 .LBB2_13-.Ltmp6, $4  }
0x220: {  	[tilespmem:v9+s16+$0x0] =	vst.idx.add.s32.msk $0xffff, v4  }
0x221: {  	[tilespmem:v8+s16+$0x0] =	vst.idx.add.s32.msk $0xffff, v4  }
0x222: {  	[tilespmem:v7+s16+$0x0] =	vst.idx.add.s32.msk $0xffff, v4  }
0x223: {  	s11 =	sadd.s32 $0x80, s11;
	[tilespmem:v6+s16+$0x0] =	vst.idx.add.s32.msk $0xffff, v4  }
0x224: {  	s6 =	sadd.s32 s2, s25  }
0x225: {  	[hbm4b:s6+s3] =	stream.linear.scatter [tilespmem:s15], [sflag:$0x7], $0x4000, $0x38;
	[tilespmem:$0x11100] =	vst v63  }
0x226: {  	_ =	swait.ge [sflag:s21], $0x4000  }
0x227: {  	[sflag:s21] =	ssyncset.done $0x0  }
0x228: {  	[sflag:s21] =	ssyncadd.s32 $0xFFFFC000  }
0x229: {  	_ =	swait.ge [sflag:s22], $0x4000  }
0x22a: {  	s4 =	sadd.s32 @!p0 s4, s10;
	[sflag:s22] =	ssyncset.done $0x0  }
0x22b: {  	s7 =	simm.s32 @!p0 $0x4000;
	s6 =	simm.s32 @!p0 $0x0;
	[sflag:s22] =	ssyncadd.s32 $0xFFFFC000  }
0x22c: {  	[tilespmem:s7], [sflag:$0x2] =	stream.linear.gather @!p0 [hbm4b:s4+s6], $0x4000, $0x38;
	[tilespmem:$0x11100] =	vst v63  }
0x22d: {  	s4 =	simm.s32 $0x0;
	s7 =	simm.s32 $0xC800  }
.LBB2_17:
0x22e: {  	v5 =	vmov s7;
	_ =	sdelay $0x3  }
0x22f: {  	s6 =	simm.s32 $0x0  }
0x230: {  	v6 =	vld.idx.msk [tilespmem:v5+s6+$0xFFFFF810 ss:$0x1], $0xffff  }
0x231: {  	v7 =	vld.idx.msk [tilespmem:v5+s6+$0xFFFFF800 ss:$0x1], $0xffff  }
0x232: {  	v8 =	vld.idx.msk [tilespmem:v5+s6+$0xFFFFF820 ss:$0x1], $0xffff  }
0x233: {  	v9 =	vld.idx.msk [tilespmem:v5+s6+$0xFFFFF830 ss:$0x1], $0xffff  }
0x234: {  	v11 =	vld.idx.msk [tilespmem:v5+s6+$0xFFFFF850 ss:$0x1], $0xffff  }
0x235: {  	v12 =	vld.idx.msk [tilespmem:v5+s6+$0x10 ss:$0x1], $0xffff  }
0x236: {  	v14 =	vld.idx.msk [tilespmem:v5+s6+$0xFFFFFC70 ss:$0x1], $0xffff  }
0x237: {  	v18 =	vld.idx.msk [tilespmem:v5+s6+$0xFFFFFC20 ss:$0x1], $0xffff  }
0x238: {  	v10 =	vld.idx.msk [tilespmem:v5+s6+$0xFFFFF840 ss:$0x1], $0xffff;
	v7 =	vmul.f32 $2.560000040e+01, v7  }
0x239: {  	v28 =	vld.idx.msk [tilespmem:v5+s6+$0x60 ss:$0x1], $0xffff;
	v6 =	vmul.f32 $2.560000040e+01, v6;
	v8 =	vmul.f32 $2.560000040e+01, v8  }
0x23a: {  	v9 =	vmul.f32 $2.560000040e+01, v9;
	v11 =	vmul.f32 $2.560000040e+01, v11  }
0x23b: {  	v19 =	vmul.f32 $2.560000040e+01, v12;
	v12 =	vmul.f32 $2.560000040e+01, v14;
	v7 =	vadd.f32 v1, v7  }
0x23c: {  	v18 =	vmul.f32 $2.560000040e+01, v18;
	v6 =	vadd.f32 v1, v6;
	v8 =	vadd.f32 v1, v8  }
0x23d: {  	v10 =	vmul.f32 $2.560000040e+01, v10;
	v9 =	vadd.f32 v1, v9;
	v11 =	vadd.f32 v1, v11  }
0x23e: {  	v28 =	vmul.f32 $2.560000040e+01, v28;
	v21 =	vadd.f32 v1, v12;
	v34 =	vadd.f32 v1, v18  }
0x23f: {  	v19 =	vadd.f32 v1, v19;
	v7 =	vmax.f32 v7, v2;
	v6 =	vmax.f32 v6, v2  }
0x240: {  	v13 =	vld.idx.msk [tilespmem:v5+s6+$0xFFFFF860 ss:$0x1], $0xffff;
	v8 =	vmax.f32 v8, v2;
	v11 =	vmax.f32 v11, v2;
	v34 =	vmax.f32 v34, v2  }
0x241: {  	v15 =	vld.idx.msk [tilespmem:v5+s6+$0x0 ss:$0x1], $0xffff;
	v21 =	vmax.f32 v21, v2;
	v19 =	vmax.f32 v19, v2;
	v6 =	vmin.f32 v6, v3  }
0x242: {  	v16 =	vld.idx.msk [tilespmem:v5+s6+$0xFFFFFC60 ss:$0x1], $0xffff;
	v7 =	vmin.f32 v7, v3;
	v11 =	vmin.f32 v11, v3;
	v6 =	vtrunc.f32 v6  }
0x243: {  	v7 =	vtrunc.f32 v7;
	v17 =	vcvt.f32.s32 v6;
	v6 =	vmin.f32 v8, v3;
	v8 =	vld.idx.msk [tilespmem:v5+s6+$0xFFFFFC00 ss:$0x1], $0xffff  }
0x244: {  	v20 =	vcvt.f32.s32 v7;
	v7 =	vmax.f32 v9, v2;
	v9 =	vld.idx.msk [tilespmem:v5+s6+$0xFFFFFC10 ss:$0x1], $0xffff;
	v6 =	vtrunc.f32 v6  }
0x245: {  	v11 =	vtrunc.f32 v11;
	v22 =	vcvt.f32.s32 v6;
	v6 =	vmin.f32 v7, v3  }
0x246: {  	v21 =	vmin.f32 v21, v3;
	v7 =	vmul.f32 $2.560000040e+01, v13;
	v6 =	vtrunc.f32 v6  }
0x247: {  	v26 =	vcvt.f32.s32 v11;
	v14 =	vcvt.f32.s32 v6;
	v6 =	vadd.f32 v1, v10  }
0x248: {  	v30 =	vld.idx.msk [tilespmem:v5+s6+$0x20 ss:$0x1], $0xffff;
	v10 =	vmul.f32 $2.560000040e+01, v15;
	v7 =	vadd.f32 v1, v7;
	v15 =	vmul.f32 $2.560000040e+01, v16  }
0x249: {  	v34 =	vmin.f32 v34, v3;
	v13 =	vld.idx.msk [tilespmem:v5+s6+$0xFFFFF870 ss:$0x1], $0xffff;
	v8 =	vmul.f32 $2.560000040e+01, v8;
	v9 =	vmul.f32 $2.560000040e+01, v9  }
0x24a: {  	v16 =	vld.idx.msk [tilespmem:v5+s6+$0xFFFFFC50 ss:$0x1], $0xffff;
	v6 =	vmax.f32 v6, v2;
	v7 =	vmax.f32 v7, v2;
	v12 =	vadd.f32 v1, v15  }
0x24b: {  	v15 =	vld.idx.msk [tilespmem:v5+s6+$0xFFFFFC30 ss:$0x1], $0xffff;
	v23 =	vadd.f32 v1, v10;
	v7 =	vmin.f32 v7, v3;
	v8 =	vadd.f32 v1, v8  }
0x24c: {  	v10 =	vld.idx.msk [tilespmem:v5+s6+$0x430 ss:$0x1], $0xffff;
	v9 =	vadd.f32 v1, v9;
	v6 =	vmin.f32 v6, v3;
	v7 =	vtrunc.f32 v7  }
0x24d: {  	v35 =	vld.idx.msk [tilespmem:v5+s6+$0x40 ss:$0x1], $0xffff;
	v25 =	vmax.f32 v12, v2;
	v6 =	vtrunc.f32 v6;
	v24 =	vcvt.f32.s32 v7  }
0x24e: {  	v36 =	vld.idx.msk [tilespmem:v5+s6+$0x400 ss:$0x1], $0xffff;
	v7 =	vmul.f32 $2.560000040e+01, v13;
	v8 =	vmax.f32 v8, v2;
	v9 =	vmax.f32 v9, v2  }
0x24f: {  	v13 =	vld.idx.msk [tilespmem:v5+s6+$0xFFFFFC40 ss:$0x1], $0xffff;
	v27 =	vcvt.f32.s32 v6;
	v16 =	vmul.f32 $2.560000040e+01, v16;
	v25 =	vmin.f32 v25, v3  }
0x250: {  	v12 =	vld.idx.msk [tilespmem:v5+s6+$0x420 ss:$0x1], $0xffff;
	v9 =	vmin.f32 v9, v3;
	v7 =	vadd.f32 v1, v7;
	v11 =	vmul.f32 $2.560000040e+01, v15  }
0x251: {  	v8 =	vmin.f32 v8, v3;
	v25 =	vtrunc.f32 v25;
	v15 =	vld.idx.msk [tilespmem:v5+s6+$0x410 ss:$0x1], $0xffff;
	v10 =	vmul.f32 $2.560000040e+01, v10  }
0x252: {  	v37 =	vld.idx.msk [tilespmem:v5+s6+$0x30 ss:$0x1], $0xffff;
	v32 =	vtrunc.f32 v8;
	v6 =	vmax.f32 v7, v2;
	v11 =	vadd.f32 v1, v11  }
0x253: {  	v16 =	vadd.f32 v1, v16;
	v7 =	vtrunc.f32 v9;
	v9 =	vld.idx.msk [tilespmem:v5+s6+$0x70 ss:$0x1], $0xffff;
	v29 =	vmin.f32 v6, v3  }
0x254: {  	v13 =	vmul.f32 $2.560000040e+01, v13;
	v31 =	vcvt.f32.s32 v7;
	v6 =	vld.idx.msk [tilespmem:v5+s6+$0x470 ss:$0x1], $0xffff;
	v7 =	vmax.f32 v11, v2  }
0x255: {  	v32 =	vcvt.f32.s32 v32;
	v33 =	vmax.f32 v16, v2;
	v8 =	vmin.f32 v7, v3;
	v7 =	vld.idx.msk [tilespmem:v5+s6+$0x460 ss:$0x1], $0xffff  }
0x256: {  	v11 =	vmul.f32 $2.560000040e+01, v12;
	v13 =	vadd.f32 v1, v13;
	v18 =	vmul.f32 $2.560000040e+01, v15;
	v15 =	vld.idx.msk [tilespmem:v5+s6+$0x50 ss:$0x1], $0xffff  }
0x257: {  	v33 =	vmin.f32 v33, v3;
	v29 =	vtrunc.f32 v29;
	v12 =	vtrunc.f32 v8;
	v8 =	vld.idx.msk [tilespmem:v5+s6+$0x450 ss:$0x1], $0xffff  }
0x258: {  	v12 =	vcvt.f32.s32 v12;
	v16 =	vmul.f32 $2.560000040e+01, v9;
	v9 =	vld.idx.msk [tilespmem:v5+s6+$0x440 ss:$0x1], $0xffff;
	v13 =	vmax.f32 v13, v2  }
0x259: {  	[tilespmem:v20+s16+$0x0] =	vst.idx.add.s32.msk $0xffff, v4;
	v38 =	vmin.f32 v13, v3;
	v13 =	vcvt.f32.s32 v25;
	v25 =	vcvt.f32.s32 v29  }
0x25a: {  	v29 =	vtrunc.f32 v21;
	[tilespmem:v17+s16+$0x0] =	vst.idx.add.s32.msk $0xffff, v4;
	v17 =	vmax.f32 v23, v2;
	v21 =	vmul.f32 $2.560000040e+01, v30  }
0x25b: {  	v23 =	vmul.f32 $2.560000040e+01, v37;
	[tilespmem:v22+s16+$0x0] =	vst.idx.add.s32.msk $0xffff, v4;
	v22 =	vmin.f32 v19, v3;
	v63 =	vmul.f32 $2.560000040e+01, v15  }
0x25c: {  	v15 =	vmin.f32 v17, v3;
	v17 =	vmul.f32 $2.560000040e+01, v35;
	[tilespmem:v14+s16+$0x0] =	vst.idx.add.s32.msk $0xffff, v4;
	v14 =	vtrunc.f32 v38  }
0x25d: {  	v20 =	vadd.f32 v1, v28;
	v22 =	vtrunc.f32 v22;
	[tilespmem:v27+s16+$0x0] =	vst.idx.add.s32.msk $0xffff, v4;
	v27 =	vmul.f32 $2.560000040e+01, v36  }
0x25e: {  	v28 =	vadd.f32 v1, v23;
	v23 =	vtrunc.f32 v34;
	v15 =	vtrunc.f32 v15;
	[tilespmem:v26+s16+$0x0] =	vst.idx.add.s32.msk $0xffff, v4  }
0x25f: {  	v19 =	vcvt.f32.s32 v14;
	v26 =	vadd.f32 v1, v17;
	[tilespmem:v24+s16+$0x0] =	vst.idx.add.s32.msk $0xffff, v4;
	v24 =	vadd.f32 v1, v27  }
0x260: {  	v14 =	vcvt.f32.s32 v15;
	v15 =	vcvt.f32.s32 v22;
	v22 =	vadd.f32 v1, v63;
	[tilespmem:v25+s16+$0x0] =	vst.idx.add.s32.msk $0xffff, v4  }
0x261: {  	v17 =	vcvt.f32.s32 v29;
	v27 =	vmax.f32 v28, v2;
	[tilespmem:v32+s16+$0x0] =	vst.idx.add.s32.msk $0xffff, v4;
	v25 =	vmax.f32 v24, v2  }
0x262: {  	s11 =	simm.s32 $0x4000;
	v26 =	vmax.f32 v26, v2;
	v24 =	vtrunc.f32 v33;
	[tilespmem:v31+s16+$0x0] =	vst.idx.add.s32.msk $0xffff, v4;
	v25 =	vmin.f32 v25, v3  }
.LBB2_18:
0x263: {  	p0 =	sne.s32 s11, $0xC000;
	v27 =	vmin.f32 v27, v3;
	v26 =	vmin.f32 v26, v3;
	v18 =	vadd.f32 v1, v18;
	s6 =	smov.u32 s11;
	s11 =	sadd.s32 $0x4000, s11  }
0x264: {  	v21 =	vadd.f32 v1, v21;
	v16 =	vadd.f32 v1, v16;
	v26 =	vtrunc.f32 v26  }
0x265: {  	v23 =	vcvt.f32.s32 v23;
	v26 =	vcvt.f32.s32 v26;
	v18 =	vmax.f32 v18, v2  }
0x266: {  	v24 =	vcvt.f32.s32 v24;
	v25 =	vtrunc.f32 v25;
	v18 =	vmin.f32 v18, v3  }
0x267: {  	v22 =	vmax.f32 v22, v2;
	v25 =	vcvt.f32.s32 v25;
	v21 =	vmax.f32 v21, v2  }
0x268: {  	v27 =	vtrunc.f32 v27;
	v22 =	vmin.f32 v22, v3;
	v18 =	vtrunc.f32 v18  }
0x269: {  	v20 =	vmax.f32 v20, v2;
	v22 =	vtrunc.f32 v22;
	v21 =	vmin.f32 v21, v3  }
0x26a: {  	v20 =	vmin.f32 v20, v3;
	v22 =	vcvt.f32.s32 v22;
	v21 =	vtrunc.f32 v21  }
0x26b: {  	v20 =	vtrunc.f32 v20;
	v16 =	vmax.f32 v16, v2;
	v21 =	vcvt.f32.s32 v21;
	[tilespmem:v23+s16+$0x0] =	vst.idx.add.s32.msk $0xffff, v4  }
0x26c: {  	v11 =	vadd.f32 v1, v11;
	v20 =	vcvt.f32.s32 v20;
	v16 =	vmin.f32 v16, v3;
	[tilespmem:v12+s16+$0x0] =	vst.idx.add.s32.msk $0xffff, v4  }
0x26d: {  	v10 =	vadd.f32 v1, v10;
	v16 =	vtrunc.f32 v16;
	v12 =	vcvt.f32.s32 v27;
	[tilespmem:v19+s16+$0x0] =	vst.idx.add.s32.msk $0xffff, v4  }
0x26e: {  	v11 =	vmax.f32 v11, v2;
	v16 =	vcvt.f32.s32 v16;
	v18 =	vcvt.f32.s32 v18;
	[tilespmem:v24+s16+$0x0] =	vst.idx.add.s32.msk $0xffff, v4  }
0x26f: {  	v9 =	vmul.f32 $2.560000040e+01, v9;
	v10 =	vmax.f32 v10, v2;
	v11 =	vmin.f32 v11, v3;
	[tilespmem:v13+s16+$0x0] =	vst.idx.add.s32.msk $0xffff, v4  }
0x270: {  	v8 =	vmul.f32 $2.560000040e+01, v8;
	v10 =	vmin.f32 v10, v3;
	v11 =	vtrunc.f32 v11;
	[tilespmem:v17+s16+$0x0] =	vst.idx.add.s32.msk $0xffff, v4  }
0x271: {  	v7 =	vmul.f32 $2.560000040e+01, v7;
	v9 =	vadd.f32 v1, v9;
	v10 =	vtrunc.f32 v10;
	[tilespmem:v14+s16+$0x0] =	vst.idx.add.s32.msk $0xffff, v4  }
0x272: {  	v6 =	vmul.f32 $2.560000040e+01, v6;
	v8 =	vadd.f32 v1, v8;
	v11 =	vcvt.f32.s32 v11;
	[tilespmem:v15+s16+$0x0] =	vst.idx.add.s32.msk $0xffff, v4  }
0x273: {  	v7 =	vadd.f32 v1, v7;
	v9 =	vmax.f32 v9, v2;
	[tilespmem:v21+s16+$0x0] =	vst.idx.add.s32.msk $0xffff, v4  }
0x274: {  	v8 =	vmax.f32 v8, v2;
	v9 =	vmin.f32 v9, v3;
	[tilespmem:v12+s16+$0x0] =	vst.idx.add.s32.msk $0xffff, v4  }
0x275: {  	v6 =	vadd.f32 v1, v6;
	v10 =	vcvt.f32.s32 v10;
	v9 =	vtrunc.f32 v9;
	[tilespmem:v26+s16+$0x0] =	vst.idx.add.s32.msk $0xffff, v4  }
0x276: {  	v7 =	vmax.f32 v7, v2;
	v8 =	vmin.f32 v8, v3;
	v9 =	vcvt.f32.s32 v9;
	[tilespmem:v22+s16+$0x0] =	vst.idx.add.s32.msk $0xffff, v4  }
0x277: {  	v6 =	vmax.f32 v6, v2;
	v7 =	vmin.f32 v7, v3;
	v8 =	vtrunc.f32 v8;
	[tilespmem:v20+s16+$0x0] =	vst.idx.add.s32.msk $0xffff, v4  }
0x278: {  	v6 =	vmin.f32 v6, v3;
	v7 =	vtrunc.f32 v7;
	v8 =	vcvt.f32.s32 v8;
	[tilespmem:v16+s16+$0x0] =	vst.idx.add.s32.msk $0xffff, v4  }
0x279: {  	v6 =	vtrunc.f32 v6;
	v7 =	vcvt.f32.s32 v7;
	[tilespmem:v25+s16+$0x0] =	vst.idx.add.s32.msk $0xffff, v4  }
0x27a: {  	v6 =	vcvt.f32.s32 v6;
	[tilespmem:v18+s16+$0x0] =	vst.idx.add.s32.msk $0xffff, v4  }
0x27b: {  	[tilespmem:v11+s16+$0x0] =	vst.idx.add.s32.msk $0xffff, v4  }
0x27c: {  	[tilespmem:v10+s16+$0x0] =	vst.idx.add.s32.msk $0xffff, v4  }
0x27d: {  	[tilespmem:v9+s16+$0x0] =	vst.idx.add.s32.msk $0xffff, v4  }
0x27e: {  	[tilespmem:v8+s16+$0x0] =	vst.idx.add.s32.msk $0xffff, v4  }
0x27f: {  	[tilespmem:v7+s16+$0x0] =	vst.idx.add.s32.msk $0xffff, v4  }
0x280: {  	s6 =	sshra.s32 s6, $0x2;
	[tilespmem:v6+s16+$0x0] =	vst.idx.add.s32.msk $0xffff, v4  }
0x281: {  	v6 =	vld.idx.msk [tilespmem:v5+s6+$0xFFFFF810 ss:$0x1], $0xffff  }
0x282: {  	v7 =	vld.idx.msk [tilespmem:v5+s6+$0xFFFFF800 ss:$0x1], $0xffff  }
0x283: {  	v8 =	vld.idx.msk [tilespmem:v5+s6+$0xFFFFF820 ss:$0x1], $0xffff  }
0x284: {  	v9 =	vld.idx.msk [tilespmem:v5+s6+$0xFFFFF830 ss:$0x1], $0xffff  }
0x285: {  	v10 =	vld.idx.msk [tilespmem:v5+s6+$0xFFFFF840 ss:$0x1], $0xffff  }
0x286: {  	v14 =	vld.idx.msk [tilespmem:v5+s6+$0x20 ss:$0x1], $0xffff  }
0x287: {  	v11 =	vld.idx.msk [tilespmem:v5+s6+$0xFFFFF850 ss:$0x1], $0xffff  }
0x288: {  	v6 =	vmul.f32 $2.560000040e+01, v6;
	v7 =	vmul.f32 $2.560000040e+01, v7;
	v12 =	vld.idx.msk [tilespmem:v5+s6+$0x10 ss:$0x1], $0xffff  }
0x289: {  	v8 =	vmul.f32 $2.560000040e+01, v8;
	v13 =	vld.idx.msk [tilespmem:v5+s6+$0xFFFFF860 ss:$0x1], $0xffff  }
0x28a: {  	v6 =	vadd.f32 v1, v6;
	v7 =	vadd.f32 v1, v7;
	v9 =	vmul.f32 $2.560000040e+01, v9;
	v15 =	vld.idx.msk [tilespmem:v5+s6+$0x0 ss:$0x1], $0xffff  }
0x28b: {  	v8 =	vadd.f32 v1, v8;
	v10 =	vmul.f32 $2.560000040e+01, v10;
	v16 =	vld.idx.msk [tilespmem:v5+s6+$0xFFFFFC70 ss:$0x1], $0xffff  }
0x28c: {  	v6 =	vmax.f32 v6, v2;
	v7 =	vmax.f32 v7, v2;
	v9 =	vadd.f32 v1, v9;
	v17 =	vld.idx.msk [tilespmem:v5+s6+$0xFFFFF870 ss:$0x1], $0xffff  }
0x28d: {  	v6 =	vmin.f32 v6, v3;
	v7 =	vmin.f32 v7, v3;
	v11 =	vmul.f32 $2.560000040e+01, v11;
	v18 =	vld.idx.msk [tilespmem:v5+s6+$0xFFFFFC60 ss:$0x1], $0xffff  }
0x28e: {  	v6 =	vtrunc.f32 v6;
	v8 =	vmax.f32 v8, v2;
	v7 =	vtrunc.f32 v7;
	v19 =	vld.idx.msk [tilespmem:v5+s6+$0xFFFFFC00 ss:$0x1], $0xffff  }
0x28f: {  	v21 =	vcvt.f32.s32 v6;
	v6 =	vmin.f32 v8, v3;
	v22 =	vmul.f32 $2.560000040e+01, v12;
	v20 =	vld.idx.msk [tilespmem:v5+s6+$0xFFFFFC10 ss:$0x1], $0xffff  }
0x290: {  	v23 =	vcvt.f32.s32 v7;
	v6 =	vtrunc.f32 v6;
	v7 =	vmax.f32 v9, v2;
	v12 =	vld.idx.msk [tilespmem:v5+s6+$0xFFFFFC50 ss:$0x1], $0xffff  }
0x291: {  	v25 =	vcvt.f32.s32 v6;
	v6 =	vmin.f32 v7, v3;
	v7 =	vmul.f32 $2.560000040e+01, v13;
	v24 =	vld.idx.msk [tilespmem:v5+s6+$0xFFFFFC20 ss:$0x1], $0xffff  }
0x292: {  	v8 =	vadd.f32 v1, v11;
	v6 =	vtrunc.f32 v6;
	v9 =	vmul.f32 $2.560000040e+01, v16;
	v13 =	vld.idx.msk [tilespmem:v5+s6+$0xFFFFFC40 ss:$0x1], $0xffff  }
0x293: {  	v10 =	vadd.f32 v1, v10;
	v15 =	vmul.f32 $2.560000040e+01, v15;
	v26 =	vcvt.f32.s32 v6;
	v11 =	vld.idx.msk [tilespmem:v5+s6+$0xFFFFFC30 ss:$0x1], $0xffff  }
0x294: {  	v16 =	vmax.f32 v8, v2;
	v27 =	vadd.f32 v1, v7;
	v18 =	vmul.f32 $2.560000040e+01, v18;
	v6 =	vld.idx.msk [tilespmem:v5+s6+$0x470 ss:$0x1], $0xffff  }
0x295: {  	v10 =	vmax.f32 v10, v2;
	v28 =	vadd.f32 v1, v9;
	v19 =	vmul.f32 $2.560000040e+01, v19;
	v7 =	vld.idx.msk [tilespmem:v5+s6+$0x460 ss:$0x1], $0xffff  }
0x296: {  	v16 =	vmin.f32 v16, v3;
	v27 =	vmax.f32 v27, v2;
	v18 =	vadd.f32 v1, v18;
	v8 =	vld.idx.msk [tilespmem:v5+s6+$0x450 ss:$0x1], $0xffff  }
0x297: {  	v16 =	vtrunc.f32 v16;
	v27 =	vmin.f32 v27, v3;
	v20 =	vmul.f32 $2.560000040e+01, v20;
	v9 =	vld.idx.msk [tilespmem:v5+s6+$0x440 ss:$0x1], $0xffff  }
0x298: {  	v15 =	vadd.f32 v1, v15;
	v27 =	vtrunc.f32 v27;
	v19 =	vadd.f32 v1, v19;
	v29 =	vld.idx.msk [tilespmem:v5+s6+$0x430 ss:$0x1], $0xffff  }
0x299: {  	v17 =	vmul.f32 $2.560000040e+01, v17;
	v27 =	vcvt.f32.s32 v27;
	v20 =	vadd.f32 v1, v20;
	v30 =	vld.idx.msk [tilespmem:v5+s6+$0x420 ss:$0x1], $0xffff  }
0x29a: {  	v10 =	vmin.f32 v10, v3;
	v32 =	vmax.f32 v18, v2;
	v19 =	vmax.f32 v19, v2;
	v31 =	vld.idx.msk [tilespmem:v5+s6+$0x410 ss:$0x1], $0xffff  }
0x29b: {  	v34 =	vcvt.f32.s32 v16;
	v16 =	vadd.f32 v1, v17;
	v17 =	vmax.f32 v20, v2;
	v33 =	vld.idx.msk [tilespmem:v5+s6+$0x400 ss:$0x1], $0xffff  }
0x29c: {  	v10 =	vtrunc.f32 v10;
	v11 =	vmul.f32 $2.560000040e+01, v11;
	v17 =	vmin.f32 v17, v3;
	v18 =	vld.idx.msk [tilespmem:v5+s6+$0x70 ss:$0x1], $0xffff  }
0x29d: {  	v35 =	vcvt.f32.s32 v10;
	v16 =	vmax.f32 v16, v2;
	v17 =	vtrunc.f32 v17;
	v20 =	vld.idx.msk [tilespmem:v5+s6+$0x60 ss:$0x1], $0xffff  }
0x29e: {  	v19 =	vmin.f32 v19, v3;
	v11 =	vadd.f32 v1, v11;
	v10 =	vmul.f32 $2.560000040e+01, v29;
	v36 =	vld.idx.msk [tilespmem:v5+s6+$0x50 ss:$0x1], $0xffff  }
0x29f: {  	v12 =	vmul.f32 $2.560000040e+01, v12;
	v37 =	vmin.f32 v16, v3;
	v13 =	vmul.f32 $2.560000040e+01, v13;
	v29 =	vld.idx.msk [tilespmem:v5+s6+$0x40 ss:$0x1], $0xffff  }
0x2a0: {  	v39 =	vcvt.f32.s32 v17;
	v16 =	vmax.f32 v11, v2;
	v11 =	vmul.f32 $2.560000040e+01, v30;
	v38 =	vld.idx.msk [tilespmem:v5+s6+$0x30 ss:$0x1], $0xffff  }
0x2a1: {  	v17 =	vtrunc.f32 v19;
	v19 =	vadd.f32 v1, v12;
	v16 =	vmin.f32 v16, v3;
	[tilespmem:v23+s16+$0x0] =	vst.idx.add.s32.msk $0xffff, v4  }
0x2a2: {  	v13 =	vadd.f32 v1, v13;
	v12 =	vtrunc.f32 v16;
	v23 =	vmul.f32 $2.560000040e+01, v24;
	[tilespmem:v21+s16+$0x0] =	vst.idx.add.s32.msk $0xffff, v4  }
0x2a3: {  	v19 =	vmax.f32 v19, v2;
	v12 =	vcvt.f32.s32 v12;
	v16 =	vmul.f32 $2.560000040e+01, v18;
	[tilespmem:v25+s16+$0x0] =	vst.idx.add.s32.msk $0xffff, v4  }
0x2a4: {  	v18 =	vmul.f32 $2.560000040e+01, v31;
	v20 =	vmul.f32 $2.560000040e+01, v20;
	v21 =	vadd.f32 v1, v23  }
0x2a5: {  	v24 =	vmin.f32 v19, v3;
	v19 =	vmin.f32 v32, v3;
	v23 =	vtrunc.f32 v37  }
0x2a6: {  	v19 =	vtrunc.f32 v19;
	v25 =	vmax.f32 v28, v2;
	v21 =	vmax.f32 v21, v2  }
0x2a7: {  	v13 =	vmax.f32 v13, v2;
	v28 =	vcvt.f32.s32 v17;
	v17 =	vmin.f32 v25, v3;
	[tilespmem:v26+s16+$0x0] =	vst.idx.add.s32.msk $0xffff, v4  }
0x2a8: {  	v25 =	vmin.f32 v21, v3;
	v26 =	vmin.f32 v13, v3;
	v13 =	vcvt.f32.s32 v19;
	[tilespmem:v35+s16+$0x0] =	vst.idx.add.s32.msk $0xffff, v4  }
0x2a9: {  	v23 =	vcvt.f32.s32 v23;
	v17 =	vtrunc.f32 v17;
	v19 =	vadd.f32 v1, v22;
	[tilespmem:v34+s16+$0x0] =	vst.idx.add.s32.msk $0xffff, v4  }
0x2aa: {  	v15 =	vmax.f32 v15, v2;
	v21 =	vmul.f32 $2.560000040e+01, v14;
	v22 =	vmul.f32 $2.560000040e+01, v36;
	[tilespmem:v27+s16+$0x0] =	vst.idx.add.s32.msk $0xffff, v4  }
0x2ab: {  	v20 =	vadd.f32 v1, v20;
	v14 =	vmin.f32 v15, v3;
	v15 =	vmul.f32 $2.560000040e+01, v29  }
0x2ac: {  	v14 =	vtrunc.f32 v14;
	v26 =	vtrunc.f32 v26;
	v19 =	vmax.f32 v19, v2  }
0x2ad: {  	v30 =	vmul.f32 $2.560000040e+01, v33;
	v29 =	vmul.f32 $2.560000040e+01, v38;
	v27 =	vmin.f32 v19, v3  }
.Ltmp7:
0x2ae: {  	v19 =	vcvt.f32.s32 v26;
	v26 =	vtrunc.f32 v27;
	v27 =	vadd.f32 v1, v15;
	(pc) =	sbr.rel @p0 .LBB2_18-.Ltmp7, $4  }
0x2af: {  	v30 =	vadd.f32 v1, v30;
	v14 =	vcvt.f32.s32 v14;
	v29 =	vadd.f32 v1, v29;
	[tilespmem:v23+s16+$0x0] =	vst.idx.add.s32.msk $0xffff, v4  }
0x2b0: {  	v17 =	vcvt.f32.s32 v17;
	v15 =	vcvt.f32.s32 v26;
	v26 =	vmax.f32 v27, v2;
	[tilespmem:v28+s16+$0x0] =	vst.idx.add.s32.msk $0xffff, v4  }
0x2b1: {  	v22 =	vadd.f32 v1, v22;
	v23 =	vtrunc.f32 v25;
	v25 =	vmax.f32 v30, v2;
	[tilespmem:v39+s16+$0x0] =	vst.idx.add.s32.msk $0xffff, v4  }
0x2b2: {  	v24 =	vtrunc.f32 v24;
	v27 =	vmax.f32 v29, v2;
	v25 =	vmin.f32 v25, v3  }
0x2b3: {  	v5 =	vmin.f32 v27, v3  }
0x2b4: {  	v26 =	vmin.f32 v26, v3;
	v18 =	vadd.f32 v1, v18;
	v21 =	vadd.f32 v1, v21  }
0x2b5: {  	v16 =	vadd.f32 v1, v16;
	v23 =	vcvt.f32.s32 v23;
	v24 =	vcvt.f32.s32 v24  }
0x2b6: {  	v25 =	vtrunc.f32 v25;
	v22 =	vmax.f32 v22, v2;
	v9 =	vmul.f32 $2.560000040e+01, v9  }
0x2b7: {  	v20 =	vmax.f32 v20, v2;
	v8 =	vmul.f32 $2.560000040e+01, v8;
	v7 =	vmul.f32 $2.560000040e+01, v7  }
0x2b8: {  	v11 =	vadd.f32 v1, v11;
	v6 =	vmul.f32 $2.560000040e+01, v6;
	v26 =	vtrunc.f32 v26  }
0x2b9: {  	v10 =	vadd.f32 v1, v10;
	v25 =	vcvt.f32.s32 v25;
	v5 =	vtrunc.f32 v5  }
0x2ba: {  	v22 =	vmin.f32 v22, v3;
	v20 =	vmin.f32 v20, v3;
	v21 =	vmax.f32 v21, v2  }
0x2bb: {  	v26 =	vcvt.f32.s32 v26;
	v18 =	vmax.f32 v18, v2;
	v21 =	vmin.f32 v21, v3;
	[tilespmem:v23+s16+$0x0] =	vst.idx.add.s32.msk $0xffff, v4  }
0x2bc: {  	v22 =	vtrunc.f32 v22;
	v16 =	vmax.f32 v16, v2;
	v21 =	vtrunc.f32 v21;
	[tilespmem:v12+s16+$0x0] =	vst.idx.add.s32.msk $0xffff, v4  }
0x2bd: {  	v11 =	vmax.f32 v11, v2;
	v10 =	vmax.f32 v10, v2;
	v21 =	vcvt.f32.s32 v21;
	[tilespmem:v19+s16+$0x0] =	vst.idx.add.s32.msk $0xffff, v4  }
0x2be: {  	v5 =	vcvt.f32.s32 v5;
	v9 =	vadd.f32 v1, v9;
	v8 =	vadd.f32 v1, v8;
	[tilespmem:v24+s16+$0x0] =	vst.idx.add.s32.msk $0xffff, v4  }
0x2bf: {  	v20 =	vtrunc.f32 v20;
	v7 =	vadd.f32 v1, v7;
	v6 =	vadd.f32 v1, v6;
	[tilespmem:v13+s16+$0x0] =	vst.idx.add.s32.msk $0xffff, v4  }
0x2c0: {  	v18 =	vmin.f32 v18, v3;
	v22 =	vcvt.f32.s32 v22;
	v16 =	vmin.f32 v16, v3;
	[tilespmem:v17+s16+$0x0] =	vst.idx.add.s32.msk $0xffff, v4  }
0x2c1: {  	v63 =	vcvt.f32.s32 v20;
	v11 =	vmin.f32 v11, v3;
	v16 =	vtrunc.f32 v16;
	[tilespmem:v14+s16+$0x0] =	vst.idx.add.s32.msk $0xffff, v4  }
0x2c2: {  	v10 =	vmin.f32 v10, v3;
	v18 =	vtrunc.f32 v18;
	v16 =	vcvt.f32.s32 v16;
	[tilespmem:v15+s16+$0x0] =	vst.idx.add.s32.msk $0xffff, v4  }
0x2c3: {  	v11 =	vtrunc.f32 v11;
	v10 =	vtrunc.f32 v10;
	v9 =	vmax.f32 v9, v2;
	[tilespmem:v21+s16+$0x0] =	vst.idx.add.s32.msk $0xffff, v4  }
0x2c4: {  	v8 =	vmax.f32 v8, v2;
	v7 =	vmax.f32 v7, v2;
	v18 =	vcvt.f32.s32 v18;
	[tilespmem:v5+s16+$0x0] =	vst.idx.add.s32.msk $0xffff, v4  }
0x2c5: {  	v6 =	vmax.f32 v6, v2;
	v11 =	vcvt.f32.s32 v11;
	v9 =	vmin.f32 v9, v3;
	[tilespmem:v26+s16+$0x0] =	vst.idx.add.s32.msk $0xffff, v4  }
0x2c6: {  	v8 =	vmin.f32 v8, v3;
	v9 =	vtrunc.f32 v9;
	v5 =	vcvt.f32.s32 v10;
	[tilespmem:v22+s16+$0x0] =	vst.idx.add.s32.msk $0xffff, v4  }
0x2c7: {  	v7 =	vmin.f32 v7, v3;
	v8 =	vtrunc.f32 v8;
	v9 =	vcvt.f32.s32 v9;
	[tilespmem:v63+s16+$0x0] =	vst.idx.add.s32.msk $0xffff, v4  }
0x2c8: {  	v6 =	vmin.f32 v6, v3;
	v7 =	vtrunc.f32 v7;
	v8 =	vcvt.f32.s32 v8;
	[tilespmem:v16+s16+$0x0] =	vst.idx.add.s32.msk $0xffff, v4  }
0x2c9: {  	v6 =	vtrunc.f32 v6;
	v7 =	vcvt.f32.s32 v7;
	[tilespmem:v25+s16+$0x0] =	vst.idx.add.s32.msk $0xffff, v4  }
0x2ca: {  	s4 =	sadd.s32 $0x1, s4;
	v6 =	vcvt.f32.s32 v6;
	[tilespmem:v18+s16+$0x0] =	vst.idx.add.s32.msk $0xffff, v4  }
0x2cb: {  	p0 =	sne.s32 s4, $0x8;
	[tilespmem:v11+s16+$0x0] =	vst.idx.add.s32.msk $0xffff, v4  }
.Ltmp8:
0x2cc: {  	[tilespmem:v5+s16+$0x0] =	vst.idx.add.s32.msk $0xffff, v4;
	(pc) =	sbr.rel @p0 .LBB2_17-.Ltmp8, $4  }
0x2cd: {  	[tilespmem:v9+s16+$0x0] =	vst.idx.add.s32.msk $0xffff, v4  }
0x2ce: {  	[tilespmem:v8+s16+$0x0] =	vst.idx.add.s32.msk $0xffff, v4  }
0x2cf: {  	[tilespmem:v7+s16+$0x0] =	vst.idx.add.s32.msk $0xffff, v4  }
0x2d0: {  	s7 =	sadd.s32 $0x80, s7;
	[tilespmem:v6+s16+$0x0] =	vst.idx.add.s32.msk $0xffff, v4  }
0x2d1: {  	s1 =	sadd.s32 $0x1, s1  }
0x2d2: {  	p0 =	sne.s32 s1, $0x10  }
.Ltmp9:
0x2d3: {  	_ = 	snop;
	(pc) =	sbr.rel @p0 .LBB2_4-.Ltmp9, $3  }
0x2d4: {  	_ =	sdelay $0x1  }
0x2d5: {  	s4 =	sadd.s32 s2, s26  }
0x2d6: {  	[hbm4b:s4+s3] =	stream.linear.scatter [tilespmem:s18], [sflag:$0x8], $0x4000, $0x38;
	[tilespmem:$0x11100] =	vst v63  }
0x2d7: {  	_ =	swait.ge [sflag:s23], $0x4000  }
0x2d8: {  	[sflag:s23] =	ssyncset.done $0x0  }
0x2d9: {  	[sflag:s23] =	ssyncadd.s32 $0xFFFFC000  }
0x2da: {  	_ =	swait.ge [sflag:s24], $0x4000  }
0x2db: {  	s1 =	simm.s32 $0x0;
	[sflag:s24] =	ssyncset.done $0x0  }
0x2dc: {  	s1 =	sand.u32 $0xF0, s1;
	[sflag:s24] =	ssyncadd.s32 $0xFFFFC000  }
0x2dd: {  	s4 =	simm.s32 $0x10000;
	v5 =	vld [tilespmem:s1+$0x10100]  }
0x2de: {  	v6 =	vld [tilespmem:s4+$0x0]  }
0x2df: {  	v7 =	vld [tilespmem:s1+$0x10200]  }
0x2e0: {  	v8 =	vld [tilespmem:s1+$0x10300]  }
0x2e1: {  	v9 =	vld [tilespmem:s1+$0x10400]  }
0x2e2: {  	v10 =	vld [tilespmem:s1+$0x10500]  }
0x2e3: {  	v5 =	vadd.s32 v6, v5;
	v6 =	vld [tilespmem:s1+$0x10600]  }
0x2e4: {  	v5 =	vadd.s32 v7, v5;
	v7 =	vld [tilespmem:s1+$0x10700]  }
0x2e5: {  	v58 =	vld [tilespmem:s1+$0x10800];
	v5 =	vadd.s32 v8, v5  }
0x2e6: {  	v59 =	vld [tilespmem:s1+$0x10900];
	v5 =	vadd.s32 v9, v5  }
0x2e7: {  	v60 =	vld [tilespmem:s1+$0x10A00];
	v5 =	vadd.s32 v10, v5  }
0x2e8: {  	v5 =	vadd.s32 v6, v5;
	v6 =	vld [tilespmem:s1+$0x10B00]  }
0x2e9: {  	v5 =	vadd.s32 v7, v5;
	v7 =	vld [tilespmem:s1+$0x10C00]  }
0x2ea: {  	v61 =	vld [tilespmem:s1+$0x10D00];
	v5 =	vadd.s32 v58, v5  }
0x2eb: {  	v62 =	vld [tilespmem:s1+$0x10E00];
	v5 =	vadd.s32 v59, v5  }
0x2ec: {  	v63 =	vld [tilespmem:s1+$0x10F00];
	v5 =	vadd.s32 v60, v5  }
0x2ed: {  	v5 =	vadd.s32 v6, v5  }
0x2ee: {  	v5 =	vadd.s32 v7, v5  }
0x2ef: {  	v5 =	vadd.s32 v61, v5  }
0x2f0: {  	v5 =	vadd.s32 v62, v5  }
0x2f1: {  	s28 =	simm.s32 $0x10;
	s1 =	simm.s32 $0x11000;
	v5 =	vadd.s32 v63, v5  }
0x2f2: {  	s4 =	sand.u32 $0xF0, s28;
	[tilespmem:s1+$0x0] =	vst v5  }
0x2f3: {  	s7 =	simm.s32 $0x20;
	s6 =	simm.s32 $0x10010;
	v5 =	vld [tilespmem:s4+$0x10100]  }
.LBB2_22:
0x2f4: {  	p0 =	sne.s32 s7, $0xF0;
	v6 =	vld [tilespmem:s6+$0x0]  }
0x2f5: {  	v7 =	vld [tilespmem:s4+$0x10200]  }
0x2f6: {  	v8 =	vld [tilespmem:s4+$0x10300]  }
0x2f7: {  	v9 =	vld [tilespmem:s4+$0x10400]  }
0x2f8: {  	v10 =	vld [tilespmem:s4+$0x10500]  }
0x2f9: {  	v5 =	vadd.s32 v6, v5;
	v6 =	vld [tilespmem:s4+$0x10600]  }
0x2fa: {  	v5 =	vadd.s32 v7, v5;
	v7 =	vld [tilespmem:s4+$0x10700]  }
0x2fb: {  	v5 =	vadd.s32 v8, v5;
	v8 =	vld [tilespmem:s4+$0x10800]  }
0x2fc: {  	v5 =	vadd.s32 v9, v5;
	v9 =	vld [tilespmem:s4+$0x10900]  }
0x2fd: {  	v5 =	vadd.s32 v10, v5;
	v10 =	vld [tilespmem:s4+$0x10A00]  }
0x2fe: {  	v5 =	vadd.s32 v6, v5;
	v6 =	vld [tilespmem:s4+$0x10B00]  }
0x2ff: {  	v5 =	vadd.s32 v7, v5;
	v7 =	vld [tilespmem:s4+$0x10C00]  }
0x300: {  	v5 =	vadd.s32 v8, v5;
	v8 =	vld [tilespmem:s4+$0x10D00]  }
0x301: {  	v5 =	vadd.s32 v9, v5;
	v9 =	vld [tilespmem:s4+$0x10E00]  }
0x302: {  	v5 =	vadd.s32 v10, v5;
	v10 =	vld [tilespmem:s4+$0x10F00]  }
0x303: {  	v5 =	vadd.s32 v6, v5  }
0x304: {  	v5 =	vadd.s32 v7, v5  }
.Ltmp10:
0x305: {  	v5 =	vadd.s32 v8, v5;
	(pc) =	sbr.rel @p0 .LBB2_22-.Ltmp10, $4  }
0x306: {  	v5 =	vadd.s32 v9, v5  }
0x307: {  	s1 =	sadd.s32 $0x10, s1;
	v5 =	vadd.s32 v10, v5  }
0x308: {  	s4 =	sand.u32 $0xF0, s7;
	[tilespmem:s1+$0x0] =	vst v5  }
0x309: {  	s6 =	sadd.s32 $0x10, s6;
	s7 =	sadd.s32 $0x10, s7;
	v5 =	vld [tilespmem:s4+$0x10100]  }
0x30a: {  	v6 =	vld [tilespmem:s6+$0x0]  }
0x30b: {  	v7 =	vld [tilespmem:s4+$0x10200]  }
0x30c: {  	v8 =	vld [tilespmem:s4+$0x10300]  }
0x30d: {  	v9 =	vld [tilespmem:s4+$0x10400]  }
0x30e: {  	v10 =	vld [tilespmem:s4+$0x10500]  }
0x30f: {  	v5 =	vadd.s32 v6, v5;
	v6 =	vld [tilespmem:s4+$0x10600]  }
0x310: {  	v5 =	vadd.s32 v7, v5;
	v7 =	vld [tilespmem:s4+$0x10700]  }
0x311: {  	v58 =	vld [tilespmem:s4+$0x10800];
	v5 =	vadd.s32 v8, v5  }
0x312: {  	v59 =	vld [tilespmem:s4+$0x10900];
	v5 =	vadd.s32 v9, v5  }
0x313: {  	v60 =	vld [tilespmem:s4+$0x10A00];
	v5 =	vadd.s32 v10, v5  }
0x314: {  	v5 =	vadd.s32 v6, v5;
	v6 =	vld [tilespmem:s4+$0x10B00]  }
0x315: {  	v5 =	vadd.s32 v7, v5;
	v7 =	vld [tilespmem:s4+$0x10C00]  }
0x316: {  	v61 =	vld [tilespmem:s4+$0x10D00];
	v5 =	vadd.s32 v58, v5  }
0x317: {  	v62 =	vld [tilespmem:s4+$0x10E00];
	v5 =	vadd.s32 v59, v5  }
0x318: {  	v63 =	vld [tilespmem:s4+$0x10F00];
	v5 =	vadd.s32 v60, v5  }
0x319: {  	v5 =	vadd.s32 v6, v5  }
0x31a: {  	v5 =	vadd.s32 v7, v5  }
0x31b: {  	v5 =	vadd.s32 v61, v5  }
0x31c: {  	v5 =	vadd.s32 v62, v5  }
0x31d: {  	s1 =	sadd.s32 $0x10, s1;
	s12 =	rddreg [dreg:$0x6];
	v5 =	vadd.s32 v63, v5  }
0x31e: {  	s25 =	simm.s32 $0x80;
	s26 =	simm.s32 $0x400;
	s7 =	simm.s32 $0x11000;
	[tilespmem:s1+$0x0] =	vst v5  }
0x31f: {  	[hbm4b:s12+s25] =	stream.strided.scatter [tilespmem:s7], [sflag:$0x9], $0x100, s26, s25, $0x38;
	[tilespmem:$0x11100] =	vst v63  }
0x320: {  	_ =	swait.ge [sflag:s29], $0x100  }
0x321: {  	s30 =	sadd.s32 $0x1, s30;
	s28 =	rddreg [dreg:$0x7]  }
0x322: {  	p0 =	sne.s32 s30, s28  }
.Ltmp11:
0x323: {  	_ = 	snop;
	(pc) =	sbr.rel @p0 .LBB2_1-.Ltmp11, $3  }
0x324: {  	_ =	sdelay $0x1  }
0x325: {  	[sflag:s29] =	ssyncset.done $0x0  }
0x326: {  	[sflag:s29] =	ssyncadd.s32 $0xFFFFFF00  }
0x327: {  	_ =	sfence.sel $0x180000  }
0x328: {  	[bflag:$0x0] =	sbarrier.arrive $0xFFFF  }
0x329: {  	_ =	strace $0x90000047  }
0x32a: {  	s0 =	stileid.u32;
	[bflag:$0x2] =	sbarrier.arrive $0xFFFF  }
0x32b: {  	p0 =	sne.s32 s0, $0x0;
	s0 =	rddreg [dreg:$0x3]  }
0x32c: {  	s0 =	sadd.s32 @!p0 $0x100000, s0  }
0x32d: {  	[sflag:s0] =	ssyncadd.tile.s32 @!p0 $0x1;
	_ =	shalt  }
.Lfunc_end2:
_tile_overlayer_lowered:
.L_overlay_start_2:
0x32e: {  	(tag) =	ssettag $0x2  }
0x32f: {  	s0 =	rddreg [dreg:$0x0];
	s2 =	stileid.u32  }
0x330: {  	s1 =	rddreg [dreg:$0x1];
	p0 =	sne.s32 s2, $0x0  }
0x331: {  	s3 =	rddreg [dreg:$0x2];
	[bflag:$0x3] =	sbarrier.arrive $0xFFFF;
	s2 =	simm.s32 @!p0 $0x1C09  }
0x332: {  	[timem:s3], [sflag:s2] =	dma.local @!p0 [hbm:s0], s1  }
0x333: {  	s0 =	simm.s32 @!p0 $0x9  }
0x334: {  	_ =	swait.ge @!p0 [sflag:s0], s1  }
0x335: {  	s1 =	ssub.s32 @!p0 $0x0, s1;
	[sflag:s0] =	ssyncset.done @!p0 $0x0  }
0x336: {  	[sflag:s0] =	ssyncadd.s32 @!p0 s1  }
0x337: {  	[bflag:$0x3] =	sbarrier.arrive $0xFFFF  }
0x338: {  	_ =	shalt  }

</sc_bundles>
